<compile_context>
chip_gen: v7x
topology: tpu7x:2x2x1
jax: 0.10.2.dev20260603
libtpu: 0.0.44.dev20260713+nightly
codegen_flags: <defaults>
</compile_context>

<pallas_src>
import functools

import jax
import jax.numpy as jnp
from jax import lax
from jax.experimental import pallas as pl
from jax.experimental.pallas import tpu as pltpu
from jax.experimental.pallas import tpu_sc as plsc

N = 10000
F_IN = 128
HID = 128
C = 64
E = 320000

N_ACC = 10240
NTILES = 32
EPT = 10240
E_PAD = NTILES * EPT
CH = 128
NCH = EPT // CH
RPT = N_ACC // 16
DEG_W = 16
NB = 4
FAST_CID = 0
X_FAST = 152
X_SLOW = 8

_MESH = dict(core_axis_name="c", subcore_axis_name="s")
_SC_PARAMS = pltpu.CompilerParams(use_tc_tiling_on_sc=False)


def _deg_call(dst16):
  mesh = plsc.VectorSubcoreMesh(**_MESH)
  NV = EPT // 16
  NZ = N_ACC // 16

  @functools.partial(
      pl.kernel,
      mesh=mesh,
      out_type=jax.ShapeDtypeStruct((NTILES, N_ACC), jnp.float32),
      scratch_types=[
          pltpu.VMEM((NV, 16), jnp.int32),
          pltpu.VMEM((N_ACC,), jnp.float32),
      ],
      compiler_params=pltpu.CompilerParams(
          use_tc_tiling_on_sc=False, needs_layout_passes=False),
  )
  def k(dst_hbm, out_hbm, dst_a, deg_loc):
    cid = lax.axis_index("c")
    sid = lax.axis_index("s")
    wid = sid * 2 + cid
    zero_v = jnp.zeros((16,), jnp.float32)
    one_v = jnp.full((16,), 1.0, jnp.float32)

    def zbody(j, carry):
      deg_loc[pl.ds(j * 16, 16)] = zero_v
      return carry

    lax.fori_loop(0, NZ, zbody, 0)
    pltpu.sync_copy(dst_hbm.at[pl.ds(wid * NV, NV)], dst_a)

    def body(j, carry):
      plsc.addupdate_scatter(deg_loc, [dst_a[j]], one_v)
      return carry

    lax.fori_loop(0, NV, body, 0)
    pltpu.sync_copy(deg_loc, out_hbm.at[wid])

  return k(dst16)


def _seg_sum_call(F, stage):
  mesh = plsc.VectorSubcoreMesh(**_MESH)

  @functools.partial(
      pl.kernel,
      mesh=mesh,
      out_type=jax.ShapeDtypeStruct((2, N_ACC, F), jnp.float32),
      scratch_types=[
          pltpu.VMEM((X_FAST, CH), jnp.int32),
          pltpu.VMEM((X_FAST, CH), jnp.int32),
          [pltpu.VMEM((CH, F), jnp.float32)] * NB,
          [pltpu.SemaphoreType.DMA] * NB,
          [pltpu.SemaphoreType.DMA] * NB,
          pltpu.VMEM_SHARED((N_ACC, F), jnp.float32),
      ] + ([pltpu.VMEM_SHARED((N_ACC, F), jnp.float32)] if stage else []),
      compiler_params=_SC_PARAMS,
  )
  def k(y_hbm, src_hbm, dst_hbm, zeros_hbm, out_hbm, src_a, dst_a, rows, gsem, ssem, acc, *maybe_ysh):
    cid = lax.axis_index("c")
    sid = lax.axis_index("s")
    if stage:
      y_sh = maybe_ysh[0]
      pltpu.sync_copy(y_hbm.at[pl.ds(sid * RPT, RPT)], y_sh.at[pl.ds(sid * RPT, RPT)])
    else:
      y_sh = y_hbm
    pltpu.sync_copy(zeros_hbm, rows[0])
    for j in range(RPT // CH):
      pltpu.sync_copy(rows[0], acc.at[pl.ds(sid * RPT + j * CH, CH)])

    def run(base, xc):
      pltpu.sync_copy(src_hbm.at[pl.ds(base, xc)], src_a.at[pl.ds(0, xc)])
      pltpu.sync_copy(dst_hbm.at[pl.ds(base, xc)], dst_a.at[pl.ds(0, xc)])

      def body(i, carry):
        for kb in range(NB):
          @pl.when(i > 0)
          def _():
            pltpu.make_async_copy(rows[kb], acc.at[dst_a.at[0]], ssem[kb]).wait()
          pltpu.async_copy(y_sh.at[src_a.at[NB * i + kb]], rows[kb], gsem[kb])
        for kb in range(NB):
          pltpu.make_async_copy(y_hbm.at[pl.ds(0, CH)], rows[kb], gsem[kb]).wait()
          pltpu.async_copy(rows[kb], acc.at[dst_a.at[NB * i + kb]], ssem[kb], add=True)
        return carry

      lax.fori_loop(0, xc // NB, body, 0)
      for kb in range(NB):
        pltpu.make_async_copy(rows[kb], acc.at[dst_a.at[0]], ssem[kb]).wait()

    @pl.when(cid == FAST_CID)
    def _():
      run(sid * X_FAST, X_FAST)

    if X_SLOW > 0:
      @pl.when(cid == 1 - FAST_CID)
      def _():
        run(16 * X_FAST + sid * X_SLOW, X_SLOW)

    plsc.subcore_barrier()
    for j in range(RPT // CH):
      r = sid * RPT + j * CH
      pltpu.sync_copy(acc.at[pl.ds(r, CH)], rows[j % NB])
      pltpu.sync_copy(rows[j % NB], out_hbm.at[cid, pl.ds(r, CH)])

  return k


_seg_sum_64 = _seg_sum_call(C, stage=False)

RB = 256
GRID = N_ACC // RB


def _tc1_call(x_p, degp, W1):

  def body(x_ref, d_ref, w_ref, ya_ref, yb_ref, dinv_ref):
    d = jnp.sum(d_ref[...], axis=0).reshape(RB, 1) + 1.0
    dinv = lax.rsqrt(d)
    xw = jnp.dot(x_ref[...], w_ref[...], preferred_element_type=jnp.float32)
    y = xw * dinv
    ya_ref[...] = y[:, :C]
    yb_ref[...] = y[:, C:]
    dinv_ref[...] = dinv

  return pl.pallas_call(
      body,
      grid=(GRID,),
      in_specs=[
          pl.BlockSpec((RB, F_IN), lambda i: (i, 0)),
          pl.BlockSpec((NTILES, RB), lambda i: (0, i)),
          pl.BlockSpec((F_IN, HID), lambda i: (0, 0)),
      ],
      out_specs=[
          pl.BlockSpec((RB, C), lambda i: (i, 0)),
          pl.BlockSpec((RB, C), lambda i: (i, 0)),
          pl.BlockSpec((RB, 1), lambda i: (i, 0)),
      ],
      out_shape=[
          jax.ShapeDtypeStruct((N_ACC, C), jnp.float32),
          jax.ShapeDtypeStruct((N_ACC, C), jnp.float32),
          jax.ShapeDtypeStruct((N_ACC, 1), jnp.float32),
      ],
  )(x_p, degp, W1)


def _tc2_call(pa, pb, ya, yb, dinv, b, W):

  def body(pa_ref, pb_ref, ya_ref, yb_ref, dinv_ref, b_ref, w_ref, o_ref):
    dinv = dinv_ref[...]
    ta = dinv * (pa_ref[0] + pa_ref[1] + ya_ref[...]) + b_ref[:, :C]
    tb = dinv * (pb_ref[0] + pb_ref[1] + yb_ref[...]) + b_ref[:, C:]
    h = jnp.maximum(jnp.concatenate([ta, tb], axis=1), 0.0)
    o_ref[...] = jnp.dot(h, w_ref[...], preferred_element_type=jnp.float32) * dinv

  return pl.pallas_call(
      body,
      grid=(GRID,),
      in_specs=[
          pl.BlockSpec((2, RB, C), lambda i: (0, i, 0)),
          pl.BlockSpec((2, RB, C), lambda i: (0, i, 0)),
          pl.BlockSpec((RB, C), lambda i: (i, 0)),
          pl.BlockSpec((RB, C), lambda i: (i, 0)),
          pl.BlockSpec((RB, 1), lambda i: (i, 0)),
          pl.BlockSpec((1, HID), lambda i: (0, 0)),
          pl.BlockSpec((HID, C), lambda i: (0, 0)),
      ],
      out_specs=pl.BlockSpec((RB, C), lambda i: (i, 0)),
      out_shape=jax.ShapeDtypeStruct((N_ACC, C), jnp.float32),
  )(pa, pb, ya, yb, dinv, b, W)


def _tc_mid_call(p, y, dinv, b, W, F_in, F_out, act):

  def body(p_ref, y_ref, dinv_ref, b_ref, w_ref, o_ref):
    dinv = dinv_ref[...]
    t = dinv * (p_ref[0] + p_ref[1] + y_ref[...]) + b_ref[...]
    if act == "relu":
      h = jnp.maximum(t, 0.0)
    else:
      m = jnp.max(t, axis=1, keepdims=True)
      ex = jnp.exp(t - m)
      h = ex / jnp.sum(ex, axis=1, keepdims=True)
    o_ref[...] = jnp.dot(h, w_ref[...], preferred_element_type=jnp.float32) * dinv

  return pl.pallas_call(
      body,
      grid=(GRID,),
      in_specs=[
          pl.BlockSpec((2, RB, F_in), lambda i: (0, i, 0)),
          pl.BlockSpec((RB, F_in), lambda i: (i, 0)),
          pl.BlockSpec((RB, 1), lambda i: (i, 0)),
          pl.BlockSpec((1, F_in), lambda i: (0, 0)),
          pl.BlockSpec((F_in, F_out), lambda i: (0, 0)),
      ],
      out_specs=pl.BlockSpec((RB, F_out), lambda i: (i, 0)),
      out_shape=jax.ShapeDtypeStruct((N_ACC, F_out), jnp.float32),
  )(p, y, dinv, b, W)


def _tc_out_call(p, y, dinv, b):

  def body(p_ref, y_ref, dinv_ref, b_ref, o_ref):
    o_ref[...] = dinv_ref[...] * (p_ref[0] + p_ref[1] + y_ref[...]) + b_ref[...]

  return pl.pallas_call(
      body,
      grid=(GRID,),
      in_specs=[
          pl.BlockSpec((2, RB, C), lambda i: (0, i, 0)),
          pl.BlockSpec((RB, C), lambda i: (i, 0)),
          pl.BlockSpec((RB, 1), lambda i: (i, 0)),
          pl.BlockSpec((1, C), lambda i: (0, 0)),
      ],
      out_specs=pl.BlockSpec((RB, C), lambda i: (i, 0)),
      out_shape=jax.ShapeDtypeStruct((N_ACC, C), jnp.float32),
  )(p, y, dinv, b)


def kernel(x, edge_index, W1, b1, W2, b2, W3, b3):
  src = edge_index[0]
  dst = edge_index[1]
  pad_e = E_PAD - E
  padv = jnp.full((pad_e,), N, jnp.int32)
  src_p = jnp.concatenate([src, padv]).reshape(E_PAD // CH, CH)
  dst_p = jnp.concatenate([dst, padv]).reshape(E_PAD // CH, CH)
  x_p = jnp.pad(x, ((0, N_ACC - N), (0, 0)))

  zeros64 = jnp.zeros((CH, C), jnp.float32)

  degp = _deg_call(dst_p.reshape(E_PAD // 16, 16))
  y1a, y1b, dinv = _tc1_call(x_p, degp, W1)
  p1a = _seg_sum_64(y1a, src_p, dst_p, zeros64)
  p1b = _seg_sum_64(y1b, src_p, dst_p, zeros64)
  y2 = _tc2_call(p1a, p1b, y1a, y1b, dinv, b1.reshape(1, -1), W2)
  p2 = _seg_sum_64(y2, src_p, dst_p, zeros64)
  y3 = _tc_mid_call(p2, y2, dinv, b2.reshape(1, -1), W3, C, C, "softmax")
  p3 = _seg_sum_64(y3, src_p, dst_p, zeros64)
  out = _tc_out_call(p3, y3, dinv, b3.reshape(1, -1))
  return out[:N]

# --- scband reference (transcript-rebuilt; emitter-appended) ---
"""Pipeline reference for scband-adgcn-7232724927262 (READ-ONLY COPY).

The authoritative reference and input builder live on the scoring server;
editing this copy changes nothing except your own understanding.
"""

import jax, jax.numpy as jnp
import numpy as np

N = 10000
E = 320000
F_IN = 128
HID = 128
C = 64


def _gcn_conv(x, src, dst, W, b):
    n = x.shape[0]
    deg = jnp.zeros((n,), x.dtype).at[dst].add(1.0)
    dinv = jnp.where(deg > 0, jax.lax.rsqrt(deg), 0.0)
    norm = dinv[src] * dinv[dst]
    xw = x @ W
    msg = jnp.take(xw, src, axis=0) * norm[:, None]
    out = jnp.zeros((n, W.shape[1]), x.dtype).at[dst].add(msg)
    return out + b


def setup_inputs(seed: int = 0) -> dict:
    key = jax.random.key(seed)
    ks = jax.random.split(key, 8)
    x = jax.random.normal(ks[0], (N, F_IN), dtype=jnp.float32)
    edge_index = jax.random.randint(ks[1], (2, E), 0, N, dtype=jnp.int32)
    W1 = jax.random.normal(ks[2], (F_IN, HID), dtype=jnp.float32) * (1.0 / np.sqrt(F_IN))
    b1 = jnp.zeros((HID,), dtype=jnp.float32)
    W2 = jax.random.normal(ks[3], (HID, C), dtype=jnp.float32) * (1.0 / np.sqrt(HID))
    b2 = jnp.zeros((C,), dtype=jnp.float32)
    W3 = jax.random.normal(ks[4], (C, C), dtype=jnp.float32) * (1.0 / np.sqrt(C))
    b3 = jnp.zeros((C,), dtype=jnp.float32)
    return {"x": x, "edge_index": edge_index, "W1": W1, "b1": b1, "W2": W2, "b2": b2, "W3": W3, "b3": b3}


def reference(x, edge_index, W1, b1, W2, b2, W3, b3):
    # GCNConv with added self-loops and symmetric normalization (PyG semantics)
    src = edge_index[0]
    dst = edge_index[1]
    loop = jnp.arange(x.shape[0], dtype=src.dtype)
    src = jnp.concatenate([src, loop])
    dst = jnp.concatenate([dst, loop])
    # inner GCN (m1): conv1 -> relu -> dropout (identity at eval) -> conv2
    h = jax.nn.relu(_gcn_conv(x, src, dst, W1, b1))
    h = _gcn_conv(h, src, dst, W2, b2)
    # activate = softmax(dim=1)
    h = jax.nn.softmax(h, axis=1)
    # outer conv
    out = _gcn_conv(h, src, dst, W3, b3)
    return out

if __name__ == "__main__":
    import jax
    _d = setup_inputs()
    print(jax.jit(kernel)(*tuple(_d.values())))

</pallas_src>

<mosaic_0001>
#map = affine_map<(d0, d1) -> (0, 0)>
#map1 = affine_map<(d0, d1) -> (0, 0, 0)>
module attributes {stable_mosaic.version = 14 : i64} {
  func.func @k(%arg0: i32, %arg1: i32, %arg2: memref<10240x64xf32, #tpu.memory_space<hbm>>, %arg3: memref<2560x128xi32, #tpu.memory_space<hbm>>, %arg4: memref<2560x128xi32, #tpu.memory_space<hbm>>, %arg5: memref<128x64xf32, #tpu.memory_space<hbm>>, %arg6: memref<2x10240x64xf32, #tpu.memory_space<hbm>>, %arg7: memref<152x128xi32, #tpu.memory_space<vmem>>, %arg8: memref<152x128xi32, #tpu.memory_space<vmem>>, %arg9: memref<128x64xf32, #tpu.memory_space<vmem>>, %arg10: memref<128x64xf32, #tpu.memory_space<vmem>>, %arg11: memref<128x64xf32, #tpu.memory_space<vmem>>, %arg12: memref<128x64xf32, #tpu.memory_space<vmem>>, %arg13: memref<!tpu.dma_semaphore, #tpu.memory_space<semaphore_mem>>, %arg14: memref<!tpu.dma_semaphore, #tpu.memory_space<semaphore_mem>>, %arg15: memref<!tpu.dma_semaphore, #tpu.memory_space<semaphore_mem>>, %arg16: memref<!tpu.dma_semaphore, #tpu.memory_space<semaphore_mem>>, %arg17: memref<!tpu.dma_semaphore, #tpu.memory_space<semaphore_mem>>, %arg18: memref<!tpu.dma_semaphore, #tpu.memory_space<semaphore_mem>>, %arg19: memref<!tpu.dma_semaphore, #tpu.memory_space<semaphore_mem>>, %arg20: memref<!tpu.dma_semaphore, #tpu.memory_space<semaphore_mem>>, %arg21: memref<10240x64xf32, #tpu.memory_space<vmem_shared>>) attributes {dimension_semantics = [#tpu.dimension_semantics<core_parallel>, #tpu.dimension_semantics<subcore_parallel>], iteration_bounds = array<i64: 2, 16>, scalar_prefetch = 0 : i64, scratch_operands = 15 : i64, tpu.core_type = #tpu.core_type<sc_vector_subcore>, window_params = [{transform_indices = #map}, {transform_indices = #map}, {transform_indices = #map}, {transform_indices = #map}, {transform_indices = #map1}]} {
    "tpu.region"() ({
      %run_scoped3A = tpu.sem_alloc : memref<!tpu.dma_semaphore, #tpu.memory_space<semaphore_mem>>
      tpu.enqueue_dma source(%arg5 : memref<128x64xf32, #tpu.memory_space<hbm>>) target(%arg9 : memref<128x64xf32, #tpu.memory_space<vmem>>) target_semaphore(%run_scoped3A : memref<!tpu.dma_semaphore, #tpu.memory_space<semaphore_mem>>)
      tpu.wait_dma2 semaphore(%run_scoped3A : memref<!tpu.dma_semaphore, #tpu.memory_space<semaphore_mem>>) src(%arg5 : memref<128x64xf32, #tpu.memory_space<hbm>>) dst(%arg9 : memref<128x64xf32, #tpu.memory_space<vmem>>)
      tpu.yield
    }) : () -> ()
    %mul3A = arith.constant 640 : i32
    %mul3A_0 = arith.muli %arg1, %mul3A : i32
    %add3A = arith.constant 0 : i32
    %add3A_1 = arith.addi %mul3A_0, %add3A : i32
    "tpu.region"() ({
      %run_scoped3A = tpu.sem_alloc : memref<!tpu.dma_semaphore, #tpu.memory_space<semaphore_mem>>
      %dma_start3A = arith.constant 0 : i32
      %dma_start3A_45 = tpu.memref_slice %arg21[%add3A_1, %dma_start3A] : memref<10240x64xf32, #tpu.memory_space<vmem_shared>> -> memref<128x64xf32, #tpu.memory_space<vmem_shared>>
      %dma_start3A_46 = arith.constant 0 : i32
      %dma_start3A_47 = tpu.memref_slice %arg21[%add3A_1, %dma_start3A_46] : memref<10240x64xf32, #tpu.memory_space<vmem_shared>> -> memref<128x64xf32, #tpu.memory_space<vmem_shared>>
      tpu.enqueue_dma source(%arg9 : memref<128x64xf32, #tpu.memory_space<vmem>>) target(%dma_start3A_47 : memref<128x64xf32, #tpu.memory_space<vmem_shared>>) target_semaphore(%run_scoped3A : memref<!tpu.dma_semaphore, #tpu.memory_space<semaphore_mem>>)
      %dma_wait3A = arith.constant 0 : i32
      %dma_wait3A_48 = tpu.memref_slice %arg21[%add3A_1, %dma_wait3A] : memref<10240x64xf32, #tpu.memory_space<vmem_shared>> -> memref<128x64xf32, #tpu.memory_space<vmem_shared>>
      %dma_wait3A_49 = arith.constant 0 : i32
      %dma_wait3A_50 = tpu.memref_slice %arg21[%add3A_1, %dma_wait3A_49] : memref<10240x64xf32, #tpu.memory_space<vmem_shared>> -> memref<128x64xf32, #tpu.memory_space<vmem_shared>>
      tpu.wait_dma2 semaphore(%run_scoped3A : memref<!tpu.dma_semaphore, #tpu.memory_space<semaphore_mem>>) src(%arg9 : memref<128x64xf32, #tpu.memory_space<vmem>>) dst(%dma_wait3A_50 : memref<128x64xf32, #tpu.memory_space<vmem_shared>>)
      tpu.yield
    }) : () -> ()
    %mul3A_2 = arith.constant 640 : i32
    %mul3A_3 = arith.muli %arg1, %mul3A_2 : i32
    %add3A_4 = arith.constant 128 : i32
    %add3A_5 = arith.addi %mul3A_3, %add3A_4 : i32
    "tpu.region"() ({
      %run_scoped3A = tpu.sem_alloc : memref<!tpu.dma_semaphore, #tpu.memory_space<semaphore_mem>>
      %dma_start3A = arith.constant 0 : i32
      %dma_start3A_45 = tpu.memref_slice %arg21[%add3A_5, %dma_start3A] : memref<10240x64xf32, #tpu.memory_space<vmem_shared>> -> memref<128x64xf32, #tpu.memory_space<vmem_shared>>
      %dma_start3A_46 = arith.constant 0 : i32
      %dma_start3A_47 = tpu.memref_slice %arg21[%add3A_5, %dma_start3A_46] : memref<10240x64xf32, #tpu.memory_space<vmem_shared>> -> memref<128x64xf32, #tpu.memory_space<vmem_shared>>
      tpu.enqueue_dma source(%arg9 : memref<128x64xf32, #tpu.memory_space<vmem>>) target(%dma_start3A_47 : memref<128x64xf32, #tpu.memory_space<vmem_shared>>) target_semaphore(%run_scoped3A : memref<!tpu.dma_semaphore, #tpu.memory_space<semaphore_mem>>)
      %dma_wait3A = arith.constant 0 : i32
      %dma_wait3A_48 = tpu.memref_slice %arg21[%add3A_5, %dma_wait3A] : memref<10240x64xf32, #tpu.memory_space<vmem_shared>> -> memref<128x64xf32, #tpu.memory_space<vmem_shared>>
      %dma_wait3A_49 = arith.constant 0 : i32
      %dma_wait3A_50 = tpu.memref_slice %arg21[%add3A_5, %dma_wait3A_49] : memref<10240x64xf32, #tpu.memory_space<vmem_shared>> -> memref<128x64xf32, #tpu.memory_space<vmem_shared>>
      tpu.wait_dma2 semaphore(%run_scoped3A : memref<!tpu.dma_semaphore, #tpu.memory_space<semaphore_mem>>) src(%arg9 : memref<128x64xf32, #tpu.memory_space<vmem>>) dst(%dma_wait3A_50 : memref<128x64xf32, #tpu.memory_space<vmem_shared>>)
      tpu.yield
    }) : () -> ()
    %mul3A_6 = arith.constant 640 : i32
    %mul3A_7 = arith.muli %arg1, %mul3A_6 : i32
    %add3A_8 = arith.constant 256 : i32
    %add3A_9 = arith.addi %mul3A_7, %add3A_8 : i32
    "tpu.region"() ({
      %run_scoped3A = tpu.sem_alloc : memref<!tpu.dma_semaphore, #tpu.memory_space<semaphore_mem>>
      %dma_start3A = arith.constant 0 : i32
      %dma_start3A_45 = tpu.memref_slice %arg21[%add3A_9, %dma_start3A] : memref<10240x64xf32, #tpu.memory_space<vmem_shared>> -> memref<128x64xf32, #tpu.memory_space<vmem_shared>>
      %dma_start3A_46 = arith.constant 0 : i32
      %dma_start3A_47 = tpu.memref_slice %arg21[%add3A_9, %dma_start3A_46] : memref<10240x64xf32, #tpu.memory_space<vmem_shared>> -> memref<128x64xf32, #tpu.memory_space<vmem_shared>>
      tpu.enqueue_dma source(%arg9 : memref<128x64xf32, #tpu.memory_space<vmem>>) target(%dma_start3A_47 : memref<128x64xf32, #tpu.memory_space<vmem_shared>>) target_semaphore(%run_scoped3A : memref<!tpu.dma_semaphore, #tpu.memory_space<semaphore_mem>>)
      %dma_wait3A = arith.constant 0 : i32
      %dma_wait3A_48 = tpu.memref_slice %arg21[%add3A_9, %dma_wait3A] : memref<10240x64xf32, #tpu.memory_space<vmem_shared>> -> memref<128x64xf32, #tpu.memory_space<vmem_shared>>
      %dma_wait3A_49 = arith.constant 0 : i32
      %dma_wait3A_50 = tpu.memref_slice %arg21[%add3A_9, %dma_wait3A_49] : memref<10240x64xf32, #tpu.memory_space<vmem_shared>> -> memref<128x64xf32, #tpu.memory_space<vmem_shared>>
      tpu.wait_dma2 semaphore(%run_scoped3A : memref<!tpu.dma_semaphore, #tpu.memory_space<semaphore_mem>>) src(%arg9 : memref<128x64xf32, #tpu.memory_space<vmem>>) dst(%dma_wait3A_50 : memref<128x64xf32, #tpu.memory_space<vmem_shared>>)
      tpu.yield
    }) : () -> ()
    %mul3A_10 = arith.constant 640 : i32
    %mul3A_11 = arith.muli %arg1, %mul3A_10 : i32
    %add3A_12 = arith.constant 384 : i32
    %add3A_13 = arith.addi %mul3A_11, %add3A_12 : i32
    "tpu.region"() ({
      %run_scoped3A = tpu.sem_alloc : memref<!tpu.dma_semaphore, #tpu.memory_space<semaphore_mem>>
      %dma_start3A = arith.constant 0 : i32
      %dma_start3A_45 = tpu.memref_slice %arg21[%add3A_13, %dma_start3A] : memref<10240x64xf32, #tpu.memory_space<vmem_shared>> -> memref<128x64xf32, #tpu.memory_space<vmem_shared>>
      %dma_start3A_46 = arith.constant 0 : i32
      %dma_start3A_47 = tpu.memref_slice %arg21[%add3A_13, %dma_start3A_46] : memref<10240x64xf32, #tpu.memory_space<vmem_shared>> -> memref<128x64xf32, #tpu.memory_space<vmem_shared>>
      tpu.enqueue_dma source(%arg9 : memref<128x64xf32, #tpu.memory_space<vmem>>) target(%dma_start3A_47 : memref<128x64xf32, #tpu.memory_space<vmem_shared>>) target_semaphore(%run_scoped3A : memref<!tpu.dma_semaphore, #tpu.memory_space<semaphore_mem>>)
      %dma_wait3A = arith.constant 0 : i32
      %dma_wait3A_48 = tpu.memref_slice %arg21[%add3A_13, %dma_wait3A] : memref<10240x64xf32, #tpu.memory_space<vmem_shared>> -> memref<128x64xf32, #tpu.memory_space<vmem_shared>>
      %dma_wait3A_49 = arith.constant 0 : i32
      %dma_wait3A_50 = tpu.memref_slice %arg21[%add3A_13, %dma_wait3A_49] : memref<10240x64xf32, #tpu.memory_space<vmem_shared>> -> memref<128x64xf32, #tpu.memory_space<vmem_shared>>
      tpu.wait_dma2 semaphore(%run_scoped3A : memref<!tpu.dma_semaphore, #tpu.memory_space<semaphore_mem>>) src(%arg9 : memref<128x64xf32, #tpu.memory_space<vmem>>) dst(%dma_wait3A_50 : memref<128x64xf32, #tpu.memory_space<vmem_shared>>)
      tpu.yield
    }) : () -> ()
    %mul3A_14 = arith.constant 640 : i32
    %mul3A_15 = arith.muli %arg1, %mul3A_14 : i32
    %add3A_16 = arith.constant 512 : i32
    %add3A_17 = arith.addi %mul3A_15, %add3A_16 : i32
    "tpu.region"() ({
      %run_scoped3A = tpu.sem_alloc : memref<!tpu.dma_semaphore, #tpu.memory_space<semaphore_mem>>
      %dma_start3A = arith.constant 0 : i32
      %dma_start3A_45 = tpu.memref_slice %arg21[%add3A_17, %dma_start3A] : memref<10240x64xf32, #tpu.memory_space<vmem_shared>> -> memref<128x64xf32, #tpu.memory_space<vmem_shared>>
      %dma_start3A_46 = arith.constant 0 : i32
      %dma_start3A_47 = tpu.memref_slice %arg21[%add3A_17, %dma_start3A_46] : memref<10240x64xf32, #tpu.memory_space<vmem_shared>> -> memref<128x64xf32, #tpu.memory_space<vmem_shared>>
      tpu.enqueue_dma source(%arg9 : memref<128x64xf32, #tpu.memory_space<vmem>>) target(%dma_start3A_47 : memref<128x64xf32, #tpu.memory_space<vmem_shared>>) target_semaphore(%run_scoped3A : memref<!tpu.dma_semaphore, #tpu.memory_space<semaphore_mem>>)
      %dma_wait3A = arith.constant 0 : i32
      %dma_wait3A_48 = tpu.memref_slice %arg21[%add3A_17, %dma_wait3A] : memref<10240x64xf32, #tpu.memory_space<vmem_shared>> -> memref<128x64xf32, #tpu.memory_space<vmem_shared>>
      %dma_wait3A_49 = arith.constant 0 : i32
      %dma_wait3A_50 = tpu.memref_slice %arg21[%add3A_17, %dma_wait3A_49] : memref<10240x64xf32, #tpu.memory_space<vmem_shared>> -> memref<128x64xf32, #tpu.memory_space<vmem_shared>>
      tpu.wait_dma2 semaphore(%run_scoped3A : memref<!tpu.dma_semaphore, #tpu.memory_space<semaphore_mem>>) src(%arg9 : memref<128x64xf32, #tpu.memory_space<vmem>>) dst(%dma_wait3A_50 : memref<128x64xf32, #tpu.memory_space<vmem_shared>>)
      tpu.yield
    }) : () -> ()
    %eq3A = arith.constant 0 : i32
    %eq3A_18 = arith.cmpi eq, %arg0, %eq3A : i32
    %convert_element_type3A = arith.extui %eq3A_18 : i1 to i32
    %cond3A = arith.constant 0 : i32
    %cond3A_19 = arith.cmpi ne, %convert_element_type3A, %cond3A : i32
    scf.if %cond3A_19 {
      %mul3A_45 = arith.constant 152 : i32
      %mul3A_46 = arith.muli %arg1, %mul3A_45 : i32
      "tpu.region"() ({
        %run_scoped3A = tpu.sem_alloc : memref<!tpu.dma_semaphore, #tpu.memory_space<semaphore_mem>>
        %dma_start3A = arith.constant 0 : i32
        %dma_start3A_79 = arith.constant 0 : i32
        %dma_start3A_80 = tpu.memref_slice %arg7[%dma_start3A, %dma_start3A_79] : memref<152x128xi32, #tpu.memory_space<vmem>> -> memref<152x128xi32, #tpu.memory_space<vmem>>
        %dma_start3A_81 = arith.constant 0 : i32
        %dma_start3A_82 = tpu.memref_slice %arg3[%mul3A_46, %dma_start3A_81] : memref<2560x128xi32, #tpu.memory_space<hbm>> -> memref<152x128xi32, #tpu.memory_space<hbm>>
        %dma_start3A_83 = arith.constant 0 : i32
        %dma_start3A_84 = arith.constant 0 : i32
        %dma_start3A_85 = tpu.memref_slice %arg7[%dma_start3A_83, %dma_start3A_84] : memref<152x128xi32, #tpu.memory_space<vmem>> -> memref<152x128xi32, #tpu.memory_space<vmem>>
        %dma_start3A_86 = arith.constant 0 : i32
        %dma_start3A_87 = tpu.memref_slice %arg3[%mul3A_46, %dma_start3A_86] : memref<2560x128xi32, #tpu.memory_space<hbm>> -> memref<152x128xi32, #tpu.memory_space<hbm>>
        tpu.enqueue_dma source(%dma_start3A_87 : memref<152x128xi32, #tpu.memory_space<hbm>>) target(%dma_start3A_85 : memref<152x128xi32, #tpu.memory_space<vmem>>) target_semaphore(%run_scoped3A : memref<!tpu.dma_semaphore, #tpu.memory_space<semaphore_mem>>)
        %dma_wait3A_88 = arith.constant 0 : i32
        %dma_wait3A_89 = arith.constant 0 : i32
        %dma_wait3A_90 = tpu.memref_slice %arg7[%dma_wait3A_88, %dma_wait3A_89] : memref<152x128xi32, #tpu.memory_space<vmem>> -> memref<152x128xi32, #tpu.memory_space<vmem>>
        %dma_wait3A_91 = arith.constant 0 : i32
        %dma_wait3A_92 = tpu.memref_slice %arg3[%mul3A_46, %dma_wait3A_91] : memref<2560x128xi32, #tpu.memory_space<hbm>> -> memref<152x128xi32, #tpu.memory_space<hbm>>
        %dma_wait3A_93 = arith.constant 0 : i32
        %dma_wait3A_94 = arith.constant 0 : i32
        %dma_wait3A_95 = tpu.memref_slice %arg7[%dma_wait3A_93, %dma_wait3A_94] : memref<152x128xi32, #tpu.memory_space<vmem>> -> memref<152x128xi32, #tpu.memory_space<vmem>>
        %dma_wait3A_96 = arith.constant 0 : i32
        %dma_wait3A_97 = tpu.memref_slice %arg3[%mul3A_46, %dma_wait3A_96] : memref<2560x128xi32, #tpu.memory_space<hbm>> -> memref<152x128xi32, #tpu.memory_space<hbm>>
        tpu.wait_dma2 semaphore(%run_scoped3A : memref<!tpu.dma_semaphore, #tpu.memory_space<semaphore_mem>>) src(%dma_wait3A_97 : memref<152x128xi32, #tpu.memory_space<hbm>>) dst(%dma_wait3A_95 : memref<152x128xi32, #tpu.memory_space<vmem>>)
        tpu.yield
      }) : () -> ()
      "tpu.region"() ({
        %run_scoped3A = tpu.sem_alloc : memref<!tpu.dma_semaphore, #tpu.memory_space<semaphore_mem>>
        %dma_start3A = arith.constant 0 : i32
        %dma_start3A_79 = arith.constant 0 : i32
        %dma_start3A_80 = tpu.memref_slice %arg8[%dma_start3A, %dma_start3A_79] : memref<152x128xi32, #tpu.memory_space<vmem>> -> memref<152x128xi32, #tpu.memory_space<vmem>>
        %dma_start3A_81 = arith.constant 0 : i32
        %dma_start3A_82 = tpu.memref_slice %arg4[%mul3A_46, %dma_start3A_81] : memref<2560x128xi32, #tpu.memory_space<hbm>> -> memref<152x128xi32, #tpu.memory_space<hbm>>
        %dma_start3A_83 = arith.constant 0 : i32
        %dma_start3A_84 = arith.constant 0 : i32
        %dma_start3A_85 = tpu.memref_slice %arg8[%dma_start3A_83, %dma_start3A_84] : memref<152x128xi32, #tpu.memory_space<vmem>> -> memref<152x128xi32, #tpu.memory_space<vmem>>
        %dma_start3A_86 = arith.constant 0 : i32
        %dma_start3A_87 = tpu.memref_slice %arg4[%mul3A_46, %dma_start3A_86] : memref<2560x128xi32, #tpu.memory_space<hbm>> -> memref<152x128xi32, #tpu.memory_space<hbm>>
        tpu.enqueue_dma source(%dma_start3A_87 : memref<152x128xi32, #tpu.memory_space<hbm>>) target(%dma_start3A_85 : memref<152x128xi32, #tpu.memory_space<vmem>>) target_semaphore(%run_scoped3A : memref<!tpu.dma_semaphore, #tpu.memory_space<semaphore_mem>>)
        %dma_wait3A_88 = arith.constant 0 : i32
        %dma_wait3A_89 = arith.constant 0 : i32
        %dma_wait3A_90 = tpu.memref_slice %arg8[%dma_wait3A_88, %dma_wait3A_89] : memref<152x128xi32, #tpu.memory_space<vmem>> -> memref<152x128xi32, #tpu.memory_space<vmem>>
        %dma_wait3A_91 = arith.constant 0 : i32
        %dma_wait3A_92 = tpu.memref_slice %arg4[%mul3A_46, %dma_wait3A_91] : memref<2560x128xi32, #tpu.memory_space<hbm>> -> memref<152x128xi32, #tpu.memory_space<hbm>>
        %dma_wait3A_93 = arith.constant 0 : i32
        %dma_wait3A_94 = arith.constant 0 : i32
        %dma_wait3A_95 = tpu.memref_slice %arg8[%dma_wait3A_93, %dma_wait3A_94] : memref<152x128xi32, #tpu.memory_space<vmem>> -> memref<152x128xi32, #tpu.memory_space<vmem>>
        %dma_wait3A_96 = arith.constant 0 : i32
        %dma_wait3A_97 = tpu.memref_slice %arg4[%mul3A_46, %dma_wait3A_96] : memref<2560x128xi32, #tpu.memory_space<hbm>> -> memref<152x128xi32, #tpu.memory_space<hbm>>
        tpu.wait_dma2 semaphore(%run_scoped3A : memref<!tpu.dma_semaphore, #tpu.memory_space<semaphore_mem>>) src(%dma_wait3A_97 : memref<152x128xi32, #tpu.memory_space<hbm>>) dst(%dma_wait3A_95 : memref<152x128xi32, #tpu.memory_space<vmem>>)
        tpu.yield
      }) : () -> ()
      %scan3A = arith.constant 0 : i32
      %scan3A_47 = arith.constant 0 : i32
      %scan3A_48 = arith.constant 38 : i32
      %scan3A_49 = arith.addi %scan3A_47, %scan3A_48 : i32
      %scan3A_50 = arith.constant 1 : i32
      scf.for %scan3A_79 = %scan3A_47 to %scan3A_49 step %scan3A_50  : i32 {
        %gt3A = arith.constant 0 : i32
        %gt3A_80 = arith.cmpi sgt, %scan3A_79, %gt3A : i32
        %convert_element_type3A_81 = arith.extui %gt3A_80 : i1 to i32
        %cond3A_82 = arith.constant 0 : i32
        %cond3A_83 = arith.cmpi ne, %convert_element_type3A_81, %cond3A_82 : i32
        scf.if %cond3A_83 {
          %dma_wait3A_202 = arith.constant 0 : i32
          %dma_wait3A_203 = arith.constant 0 : i32
          %dma_wait3A_204 = tpu.memref_slice %arg8[%dma_wait3A_202, %dma_wait3A_203] : memref<152x128xi32, #tpu.memory_space<vmem>> -> memref<1x128xi32, #tpu.memory_space<vmem>>
          %dma_wait3A_205 = tpu.memref_squeeze %dma_wait3A_204 : memref<1x128xi32, #tpu.memory_space<vmem>> -> memref<128xi32, #tpu.memory_space<vmem>>
          %dma_wait3A_206 = arith.constant 0 : i32
          %dma_wait3A_207 = arith.constant 0 : i32
          %dma_wait3A_208 = tpu.memref_slice %arg21[%dma_wait3A_206, %dma_wait3A_207] : memref<10240x64xf32, #tpu.memory_space<vmem_shared>> -> memref<10240x64xf32, #tpu.memory_space<vmem_shared>>
          tpu.wait_indirect_dma semaphore(%arg17 : memref<!tpu.dma_semaphore, #tpu.memory_space<semaphore_mem>>) src(%arg9 : memref<128x64xf32, #tpu.memory_space<vmem>>) dst(%dma_wait3A_208 : memref<10240x64xf32, #tpu.memory_space<vmem_shared>>)
        } else {
        }
        %mul3A_84 = arith.constant 4 : i32
        %mul3A_85 = arith.muli %mul3A_84, %scan3A_79 : i32
        %add3A_86 = arith.constant 0 : i32
        %add3A_87 = arith.addi %mul3A_85, %add3A_86 : i32
        %dma_start3A = arith.constant 0 : i32
        %dma_start3A_88 = tpu.memref_slice %arg7[%add3A_87, %dma_start3A] : memref<152x128xi32, #tpu.memory_space<vmem>> -> memref<1x128xi32, #tpu.memory_space<vmem>>
        %dma_start3A_89 = tpu.memref_squeeze %dma_start3A_88 : memref<1x128xi32, #tpu.memory_space<vmem>> -> memref<128xi32, #tpu.memory_space<vmem>>
        %dma_start3A_90 = arith.constant 0 : i32
        %dma_start3A_91 = arith.constant 0 : i32
        %dma_start3A_92 = tpu.memref_slice %arg2[%dma_start3A_90, %dma_start3A_91] : memref<10240x64xf32, #tpu.memory_space<hbm>> -> memref<10240x64xf32, #tpu.memory_space<hbm>>
        tpu.enqueue_indirect_dma source(%dma_start3A_92 : memref<10240x64xf32, #tpu.memory_space<hbm>>) target(%arg9 : memref<128x64xf32, #tpu.memory_space<vmem>>) offsets(%dma_start3A_89 : memref<128xi32, #tpu.memory_space<vmem>>) semaphore(%arg13 : memref<!tpu.dma_semaphore, #tpu.memory_space<semaphore_mem>>)
        %gt3A_93 = arith.constant 0 : i32
        %gt3A_94 = arith.cmpi sgt, %scan3A_79, %gt3A_93 : i32
        %convert_element_type3A_95 = arith.extui %gt3A_94 : i1 to i32
        %cond3A_96 = arith.constant 0 : i32
        %cond3A_97 = arith.cmpi ne, %convert_element_type3A_95, %cond3A_96 : i32
        scf.if %cond3A_97 {
          %dma_wait3A_202 = arith.constant 0 : i32
          %dma_wait3A_203 = arith.constant 0 : i32
          %dma_wait3A_204 = tpu.memref_slice %arg8[%dma_wait3A_202, %dma_wait3A_203] : memref<152x128xi32, #tpu.memory_space<vmem>> -> memref<1x128xi32, #tpu.memory_space<vmem>>
          %dma_wait3A_205 = tpu.memref_squeeze %dma_wait3A_204 : memref<1x128xi32, #tpu.memory_space<vmem>> -> memref<128xi32, #tpu.memory_space<vmem>>
          %dma_wait3A_206 = arith.constant 0 : i32
          %dma_wait3A_207 = arith.constant 0 : i32
          %dma_wait3A_208 = tpu.memref_slice %arg21[%dma_wait3A_206, %dma_wait3A_207] : memref<10240x64xf32, #tpu.memory_space<vmem_shared>> -> memref<10240x64xf32, #tpu.memory_space<vmem_shared>>
          tpu.wait_indirect_dma semaphore(%arg18 : memref<!tpu.dma_semaphore, #tpu.memory_space<semaphore_mem>>) src(%arg10 : memref<128x64xf32, #tpu.memory_space<vmem>>) dst(%dma_wait3A_208 : memref<10240x64xf32, #tpu.memory_space<vmem_shared>>)
        } else {
        }
        %mul3A_98 = arith.constant 4 : i32
        %mul3A_99 = arith.muli %mul3A_98, %scan3A_79 : i32
        %add3A_100 = arith.constant 1 : i32
        %add3A_101 = arith.addi %mul3A_99, %add3A_100 : i32
        %dma_start3A_102 = arith.constant 0 : i32
        %dma_start3A_103 = tpu.memref_slice %arg7[%add3A_101, %dma_start3A_102] : memref<152x128xi32, #tpu.memory_space<vmem>> -> memref<1x128xi32, #tpu.memory_space<vmem>>
        %dma_start3A_104 = tpu.memref_squeeze %dma_start3A_103 : memref<1x128xi32, #tpu.memory_space<vmem>> -> memref<128xi32, #tpu.memory_space<vmem>>
        %dma_start3A_105 = arith.constant 0 : i32
        %dma_start3A_106 = arith.constant 0 : i32
        %dma_start3A_107 = tpu.memref_slice %arg2[%dma_start3A_105, %dma_start3A_106] : memref<10240x64xf32, #tpu.memory_space<hbm>> -> memref<10240x64xf32, #tpu.memory_space<hbm>>
        tpu.enqueue_indirect_dma source(%dma_start3A_107 : memref<10240x64xf32, #tpu.memory_space<hbm>>) target(%arg10 : memref<128x64xf32, #tpu.memory_space<vmem>>) offsets(%dma_start3A_104 : memref<128xi32, #tpu.memory_space<vmem>>) semaphore(%arg14 : memref<!tpu.dma_semaphore, #tpu.memory_space<semaphore_mem>>)
        %gt3A_108 = arith.constant 0 : i32
        %gt3A_109 = arith.cmpi sgt, %scan3A_79, %gt3A_108 : i32
        %convert_element_type3A_110 = arith.extui %gt3A_109 : i1 to i32
        %cond3A_111 = arith.constant 0 : i32
        %cond3A_112 = arith.cmpi ne, %convert_element_type3A_110, %cond3A_111 : i32
        scf.if %cond3A_112 {
          %dma_wait3A_202 = arith.constant 0 : i32
          %dma_wait3A_203 = arith.constant 0 : i32
          %dma_wait3A_204 = tpu.memref_slice %arg8[%dma_wait3A_202, %dma_wait3A_203] : memref<152x128xi32, #tpu.memory_space<vmem>> -> memref<1x128xi32, #tpu.memory_space<vmem>>
          %dma_wait3A_205 = tpu.memref_squeeze %dma_wait3A_204 : memref<1x128xi32, #tpu.memory_space<vmem>> -> memref<128xi32, #tpu.memory_space<vmem>>
          %dma_wait3A_206 = arith.constant 0 : i32
          %dma_wait3A_207 = arith.constant 0 : i32
          %dma_wait3A_208 = tpu.memref_slice %arg21[%dma_wait3A_206, %dma_wait3A_207] : memref<10240x64xf32, #tpu.memory_space<vmem_shared>> -> memref<10240x64xf32, #tpu.memory_space<vmem_shared>>
          tpu.wait_indirect_dma semaphore(%arg19 : memref<!tpu.dma_semaphore, #tpu.memory_space<semaphore_mem>>) src(%arg11 : memref<128x64xf32, #tpu.memory_space<vmem>>) dst(%dma_wait3A_208 : memref<10240x64xf32, #tpu.memory_space<vmem_shared>>)
        } else {
        }
        %mul3A_113 = arith.constant 4 : i32
        %mul3A_114 = arith.muli %mul3A_113, %scan3A_79 : i32
        %add3A_115 = arith.constant 2 : i32
        %add3A_116 = arith.addi %mul3A_114, %add3A_115 : i32
        %dma_start3A_117 = arith.constant 0 : i32
        %dma_start3A_118 = tpu.memref_slice %arg7[%add3A_116, %dma_start3A_117] : memref<152x128xi32, #tpu.memory_space<vmem>> -> memref<1x128xi32, #tpu.memory_space<vmem>>
        %dma_start3A_119 = tpu.memref_squeeze %dma_start3A_118 : memref<1x128xi32, #tpu.memory_space<vmem>> -> memref<128xi32, #tpu.memory_space<vmem>>
        %dma_start3A_120 = arith.constant 0 : i32
        %dma_start3A_121 = arith.constant 0 : i32
        %dma_start3A_122 = tpu.memref_slice %arg2[%dma_start3A_120, %dma_start3A_121] : memref<10240x64xf32, #tpu.memory_space<hbm>> -> memref<10240x64xf32, #tpu.memory_space<hbm>>
        tpu.enqueue_indirect_dma source(%dma_start3A_122 : memref<10240x64xf32, #tpu.memory_space<hbm>>) target(%arg11 : memref<128x64xf32, #tpu.memory_space<vmem>>) offsets(%dma_start3A_119 : memref<128xi32, #tpu.memory_space<vmem>>) semaphore(%arg15 : memref<!tpu.dma_semaphore, #tpu.memory_space<semaphore_mem>>)
        %gt3A_123 = arith.constant 0 : i32
        %gt3A_124 = arith.cmpi sgt, %scan3A_79, %gt3A_123 : i32
        %convert_element_type3A_125 = arith.extui %gt3A_124 : i1 to i32
        %cond3A_126 = arith.constant 0 : i32
        %cond3A_127 = arith.cmpi ne, %convert_element_type3A_125, %cond3A_126 : i32
        scf.if %cond3A_127 {
          %dma_wait3A_202 = arith.constant 0 : i32
          %dma_wait3A_203 = arith.constant 0 : i32
          %dma_wait3A_204 = tpu.memref_slice %arg8[%dma_wait3A_202, %dma_wait3A_203] : memref<152x128xi32, #tpu.memory_space<vmem>> -> memref<1x128xi32, #tpu.memory_space<vmem>>
          %dma_wait3A_205 = tpu.memref_squeeze %dma_wait3A_204 : memref<1x128xi32, #tpu.memory_space<vmem>> -> memref<128xi32, #tpu.memory_space<vmem>>
          %dma_wait3A_206 = arith.constant 0 : i32
          %dma_wait3A_207 = arith.constant 0 : i32
          %dma_wait3A_208 = tpu.memref_slice %arg21[%dma_wait3A_206, %dma_wait3A_207] : memref<10240x64xf32, #tpu.memory_space<vmem_shared>> -> memref<10240x64xf32, #tpu.memory_space<vmem_shared>>
          tpu.wait_indirect_dma semaphore(%arg20 : memref<!tpu.dma_semaphore, #tpu.memory_space<semaphore_mem>>) src(%arg12 : memref<128x64xf32, #tpu.memory_space<vmem>>) dst(%dma_wait3A_208 : memref<10240x64xf32, #tpu.memory_space<vmem_shared>>)
        } else {
        }
        %mul3A_128 = arith.constant 4 : i32
        %mul3A_129 = arith.muli %mul3A_128, %scan3A_79 : i32
        %add3A_130 = arith.constant 3 : i32
        %add3A_131 = arith.addi %mul3A_129, %add3A_130 : i32
        %dma_start3A_132 = arith.constant 0 : i32
        %dma_start3A_133 = tpu.memref_slice %arg7[%add3A_131, %dma_start3A_132] : memref<152x128xi32, #tpu.memory_space<vmem>> -> memref<1x128xi32, #tpu.memory_space<vmem>>
        %dma_start3A_134 = tpu.memref_squeeze %dma_start3A_133 : memref<1x128xi32, #tpu.memory_space<vmem>> -> memref<128xi32, #tpu.memory_space<vmem>>
        %dma_start3A_135 = arith.constant 0 : i32
        %dma_start3A_136 = arith.constant 0 : i32
        %dma_start3A_137 = tpu.memref_slice %arg2[%dma_start3A_135, %dma_start3A_136] : memref<10240x64xf32, #tpu.memory_space<hbm>> -> memref<10240x64xf32, #tpu.memory_space<hbm>>
        tpu.enqueue_indirect_dma source(%dma_start3A_137 : memref<10240x64xf32, #tpu.memory_space<hbm>>) target(%arg12 : memref<128x64xf32, #tpu.memory_space<vmem>>) offsets(%dma_start3A_134 : memref<128xi32, #tpu.memory_space<vmem>>) semaphore(%arg16 : memref<!tpu.dma_semaphore, #tpu.memory_space<semaphore_mem>>)
        %dma_wait3A_138 = arith.constant 0 : i32
        %dma_wait3A_139 = arith.constant 0 : i32
        %dma_wait3A_140 = tpu.memref_slice %arg2[%dma_wait3A_138, %dma_wait3A_139] : memref<10240x64xf32, #tpu.memory_space<hbm>> -> memref<128x64xf32, #tpu.memory_space<hbm>>
        %dma_wait3A_141 = arith.constant 0 : i32
        %dma_wait3A_142 = arith.constant 0 : i32
        %dma_wait3A_143 = tpu.memref_slice %arg2[%dma_wait3A_141, %dma_wait3A_142] : memref<10240x64xf32, #tpu.memory_space<hbm>> -> memref<128x64xf32, #tpu.memory_space<hbm>>
        tpu.wait_dma2 semaphore(%arg13 : memref<!tpu.dma_semaphore, #tpu.memory_space<semaphore_mem>>) src(%dma_wait3A_143 : memref<128x64xf32, #tpu.memory_space<hbm>>) dst(%arg9 : memref<128x64xf32, #tpu.memory_space<vmem>>)
        %mul3A_144 = arith.constant 4 : i32
        %mul3A_145 = arith.muli %mul3A_144, %scan3A_79 : i32
        %add3A_146 = arith.constant 0 : i32
        %add3A_147 = arith.addi %mul3A_145, %add3A_146 : i32
        %dma_start3A_148 = arith.constant 0 : i32
        %dma_start3A_149 = tpu.memref_slice %arg8[%add3A_147, %dma_start3A_148] : memref<152x128xi32, #tpu.memory_space<vmem>> -> memref<1x128xi32, #tpu.memory_space<vmem>>
        %dma_start3A_150 = tpu.memref_squeeze %dma_start3A_149 : memref<1x128xi32, #tpu.memory_space<vmem>> -> memref<128xi32, #tpu.memory_space<vmem>>
        %dma_start3A_151 = arith.constant 0 : i32
        %dma_start3A_152 = arith.constant 0 : i32
        %dma_start3A_153 = tpu.memref_slice %arg21[%dma_start3A_151, %dma_start3A_152] : memref<10240x64xf32, #tpu.memory_space<vmem_shared>> -> memref<10240x64xf32, #tpu.memory_space<vmem_shared>>
        tpu.enqueue_indirect_dma source(%arg9 : memref<128x64xf32, #tpu.memory_space<vmem>>) target(%dma_start3A_153 : memref<10240x64xf32, #tpu.memory_space<vmem_shared>>) offsets(%dma_start3A_150 : memref<128xi32, #tpu.memory_space<vmem>>) semaphore(%arg17 : memref<!tpu.dma_semaphore, #tpu.memory_space<semaphore_mem>>) {add = true}
        %dma_wait3A_154 = arith.constant 0 : i32
        %dma_wait3A_155 = arith.constant 0 : i32
        %dma_wait3A_156 = tpu.memref_slice %arg2[%dma_wait3A_154, %dma_wait3A_155] : memref<10240x64xf32, #tpu.memory_space<hbm>> -> memref<128x64xf32, #tpu.memory_space<hbm>>
        %dma_wait3A_157 = arith.constant 0 : i32
        %dma_wait3A_158 = arith.constant 0 : i32
        %dma_wait3A_159 = tpu.memref_slice %arg2[%dma_wait3A_157, %dma_wait3A_158] : memref<10240x64xf32, #tpu.memory_space<hbm>> -> memref<128x64xf32, #tpu.memory_space<hbm>>
        tpu.wait_dma2 semaphore(%arg14 : memref<!tpu.dma_semaphore, #tpu.memory_space<semaphore_mem>>) src(%dma_wait3A_159 : memref<128x64xf32, #tpu.memory_space<hbm>>) dst(%arg10 : memref<128x64xf32, #tpu.memory_space<vmem>>)
        %mul3A_160 = arith.constant 4 : i32
        %mul3A_161 = arith.muli %mul3A_160, %scan3A_79 : i32
        %add3A_162 = arith.constant 1 : i32
        %add3A_163 = arith.addi %mul3A_161, %add3A_162 : i32
        %dma_start3A_164 = arith.constant 0 : i32
        %dma_start3A_165 = tpu.memref_slice %arg8[%add3A_163, %dma_start3A_164] : memref<152x128xi32, #tpu.memory_space<vmem>> -> memref<1x128xi32, #tpu.memory_space<vmem>>
        %dma_start3A_166 = tpu.memref_squeeze %dma_start3A_165 : memref<1x128xi32, #tpu.memory_space<vmem>> -> memref<128xi32, #tpu.memory_space<vmem>>
        %dma_start3A_167 = arith.constant 0 : i32
        %dma_start3A_168 = arith.constant 0 : i32
        %dma_start3A_169 = tpu.memref_slice %arg21[%dma_start3A_167, %dma_start3A_168] : memref<10240x64xf32, #tpu.memory_space<vmem_shared>> -> memref<10240x64xf32, #tpu.memory_space<vmem_shared>>
        tpu.enqueue_indirect_dma source(%arg10 : memref<128x64xf32, #tpu.memory_space<vmem>>) target(%dma_start3A_169 : memref<10240x64xf32, #tpu.memory_space<vmem_shared>>) offsets(%dma_start3A_166 : memref<128xi32, #tpu.memory_space<vmem>>) semaphore(%arg18 : memref<!tpu.dma_semaphore, #tpu.memory_space<semaphore_mem>>) {add = true}
        %dma_wait3A_170 = arith.constant 0 : i32
        %dma_wait3A_171 = arith.constant 0 : i32
        %dma_wait3A_172 = tpu.memref_slice %arg2[%dma_wait3A_170, %dma_wait3A_171] : memref<10240x64xf32, #tpu.memory_space<hbm>> -> memref<128x64xf32, #tpu.memory_space<hbm>>
        %dma_wait3A_173 = arith.constant 0 : i32
        %dma_wait3A_174 = arith.constant 0 : i32
        %dma_wait3A_175 = tpu.memref_slice %arg2[%dma_wait3A_173, %dma_wait3A_174] : memref<10240x64xf32, #tpu.memory_space<hbm>> -> memref<128x64xf32, #tpu.memory_space<hbm>>
        tpu.wait_dma2 semaphore(%arg15 : memref<!tpu.dma_semaphore, #tpu.memory_space<semaphore_mem>>) src(%dma_wait3A_175 : memref<128x64xf32, #tpu.memory_space<hbm>>) dst(%arg11 : memref<128x64xf32, #tpu.memory_space<vmem>>)
        %mul3A_176 = arith.constant 4 : i32
        %mul3A_177 = arith.muli %mul3A_176, %scan3A_79 : i32
        %add3A_178 = arith.constant 2 : i32
        %add3A_179 = arith.addi %mul3A_177, %add3A_178 : i32
        %dma_start3A_180 = arith.constant 0 : i32
        %dma_start3A_181 = tpu.memref_slice %arg8[%add3A_179, %dma_start3A_180] : memref<152x128xi32, #tpu.memory_space<vmem>> -> memref<1x128xi32, #tpu.memory_space<vmem>>
        %dma_start3A_182 = tpu.memref_squeeze %dma_start3A_181 : memref<1x128xi32, #tpu.memory_space<vmem>> -> memref<128xi32, #tpu.memory_space<vmem>>
        %dma_start3A_183 = arith.constant 0 : i32
        %dma_start3A_184 = arith.constant 0 : i32
        %dma_start3A_185 = tpu.memref_slice %arg21[%dma_start3A_183, %dma_start3A_184] : memref<10240x64xf32, #tpu.memory_space<vmem_shared>> -> memref<10240x64xf32, #tpu.memory_space<vmem_shared>>
        tpu.enqueue_indirect_dma source(%arg11 : memref<128x64xf32, #tpu.memory_space<vmem>>) target(%dma_start3A_185 : memref<10240x64xf32, #tpu.memory_space<vmem_shared>>) offsets(%dma_start3A_182 : memref<128xi32, #tpu.memory_space<vmem>>) semaphore(%arg19 : memref<!tpu.dma_semaphore, #tpu.memory_space<semaphore_mem>>) {add = true}
        %dma_wait3A_186 = arith.constant 0 : i32
        %dma_wait3A_187 = arith.constant 0 : i32
        %dma_wait3A_188 = tpu.memref_slice %arg2[%dma_wait3A_186, %dma_wait3A_187] : memref<10240x64xf32, #tpu.memory_space<hbm>> -> memref<128x64xf32, #tpu.memory_space<hbm>>
        %dma_wait3A_189 = arith.constant 0 : i32
        %dma_wait3A_190 = arith.constant 0 : i32
        %dma_wait3A_191 = tpu.memref_slice %arg2[%dma_wait3A_189, %dma_wait3A_190] : memref<10240x64xf32, #tpu.memory_space<hbm>> -> memref<128x64xf32, #tpu.memory_space<hbm>>
        tpu.wait_dma2 semaphore(%arg16 : memref<!tpu.dma_semaphore, #tpu.memory_space<semaphore_mem>>) src(%dma_wait3A_191 : memref<128x64xf32, #tpu.memory_space<hbm>>) dst(%arg12 : memref<128x64xf32, #tpu.memory_space<vmem>>)
        %mul3A_192 = arith.constant 4 : i32
        %mul3A_193 = arith.muli %mul3A_192, %scan3A_79 : i32
        %add3A_194 = arith.constant 3 : i32
        %add3A_195 = arith.addi %mul3A_193, %add3A_194 : i32
        %dma_start3A_196 = arith.constant 0 : i32
        %dma_start3A_197 = tpu.memref_slice %arg8[%add3A_195, %dma_start3A_196] : memref<152x128xi32, #tpu.memory_space<vmem>> -> memref<1x128xi32, #tpu.memory_space<vmem>>
        %dma_start3A_198 = tpu.memref_squeeze %dma_start3A_197 : memref<1x128xi32, #tpu.memory_space<vmem>> -> memref<128xi32, #tpu.memory_space<vmem>>
        %dma_start3A_199 = arith.constant 0 : i32
        %dma_start3A_200 = arith.constant 0 : i32
        %dma_start3A_201 = tpu.memref_slice %arg21[%dma_start3A_199, %dma_start3A_200] : memref<10240x64xf32, #tpu.memory_space<vmem_shared>> -> memref<10240x64xf32, #tpu.memory_space<vmem_shared>>
        tpu.enqueue_indirect_dma source(%arg12 : memref<128x64xf32, #tpu.memory_space<vmem>>) target(%dma_start3A_201 : memref<10240x64xf32, #tpu.memory_space<vmem_shared>>) offsets(%dma_start3A_198 : memref<128xi32, #tpu.memory_space<vmem>>) semaphore(%arg20 : memref<!tpu.dma_semaphore, #tpu.memory_space<semaphore_mem>>) {add = true}
      }
      %scan3A_51 = arith.constant 38 : i32
      %dma_wait3A = arith.constant 0 : i32
      %dma_wait3A_52 = arith.constant 0 : i32
      %dma_wait3A_53 = tpu.memref_slice %arg8[%dma_wait3A, %dma_wait3A_52] : memref<152x128xi32, #tpu.memory_space<vmem>> -> memref<1x128xi32, #tpu.memory_space<vmem>>
      %dma_wait3A_54 = tpu.memref_squeeze %dma_wait3A_53 : memref<1x128xi32, #tpu.memory_space<vmem>> -> memref<128xi32, #tpu.memory_space<vmem>>
      %dma_wait3A_55 = arith.constant 0 : i32
      %dma_wait3A_56 = arith.constant 0 : i32
      %dma_wait3A_57 = tpu.memref_slice %arg21[%dma_wait3A_55, %dma_wait3A_56] : memref<10240x64xf32, #tpu.memory_space<vmem_shared>> -> memref<10240x64xf32, #tpu.memory_space<vmem_shared>>
      tpu.wait_indirect_dma semaphore(%arg17 : memref<!tpu.dma_semaphore, #tpu.memory_space<semaphore_mem>>) src(%arg9 : memref<128x64xf32, #tpu.memory_space<vmem>>) dst(%dma_wait3A_57 : memref<10240x64xf32, #tpu.memory_space<vmem_shared>>)
      %dma_wait3A_58 = arith.constant 0 : i32
      %dma_wait3A_59 = arith.constant 0 : i32
      %dma_wait3A_60 = tpu.memref_slice %arg8[%dma_wait3A_58, %dma_wait3A_59] : memref<152x128xi32, #tpu.memory_space<vmem>> -> memref<1x128xi32, #tpu.memory_space<vmem>>
      %dma_wait3A_61 = tpu.memref_squeeze %dma_wait3A_60 : memref<1x128xi32, #tpu.memory_space<vmem>> -> memref<128xi32, #tpu.memory_space<vmem>>
      %dma_wait3A_62 = arith.constant 0 : i32
      %dma_wait3A_63 = arith.constant 0 : i32
      %dma_wait3A_64 = tpu.memref_slice %arg21[%dma_wait3A_62, %dma_wait3A_63] : memref<10240x64xf32, #tpu.memory_space<vmem_shared>> -> memref<10240x64xf32, #tpu.memory_space<vmem_shared>>
      tpu.wait_indirect_dma semaphore(%arg18 : memref<!tpu.dma_semaphore, #tpu.memory_space<semaphore_mem>>) src(%arg10 : memref<128x64xf32, #tpu.memory_space<vmem>>) dst(%dma_wait3A_64 : memref<10240x64xf32, #tpu.memory_space<vmem_shared>>)
      %dma_wait3A_65 = arith.constant 0 : i32
      %dma_wait3A_66 = arith.constant 0 : i32
      %dma_wait3A_67 = tpu.memref_slice %arg8[%dma_wait3A_65, %dma_wait3A_66] : memref<152x128xi32, #tpu.memory_space<vmem>> -> memref<1x128xi32, #tpu.memory_space<vmem>>
      %dma_wait3A_68 = tpu.memref_squeeze %dma_wait3A_67 : memref<1x128xi32, #tpu.memory_space<vmem>> -> memref<128xi32, #tpu.memory_space<vmem>>
      %dma_wait3A_69 = arith.constant 0 : i32
      %dma_wait3A_70 = arith.constant 0 : i32
      %dma_wait3A_71 = tpu.memref_slice %arg21[%dma_wait3A_69, %dma_wait3A_70] : memref<10240x64xf32, #tpu.memory_space<vmem_shared>> -> memref<10240x64xf32, #tpu.memory_space<vmem_shared>>
      tpu.wait_indirect_dma semaphore(%arg19 : memref<!tpu.dma_semaphore, #tpu.memory_space<semaphore_mem>>) src(%arg11 : memref<128x64xf32, #tpu.memory_space<vmem>>) dst(%dma_wait3A_71 : memref<10240x64xf32, #tpu.memory_space<vmem_shared>>)
      %dma_wait3A_72 = arith.constant 0 : i32
      %dma_wait3A_73 = arith.constant 0 : i32
      %dma_wait3A_74 = tpu.memref_slice %arg8[%dma_wait3A_72, %dma_wait3A_73] : memref<152x128xi32, #tpu.memory_space<vmem>> -> memref<1x128xi32, #tpu.memory_space<vmem>>
      %dma_wait3A_75 = tpu.memref_squeeze %dma_wait3A_74 : memref<1x128xi32, #tpu.memory_space<vmem>> -> memref<128xi32, #tpu.memory_space<vmem>>
      %dma_wait3A_76 = arith.constant 0 : i32
      %dma_wait3A_77 = arith.constant 0 : i32
      %dma_wait3A_78 = tpu.memref_slice %arg21[%dma_wait3A_76, %dma_wait3A_77] : memref<10240x64xf32, #tpu.memory_space<vmem_shared>> -> memref<10240x64xf32, #tpu.memory_space<vmem_shared>>
      tpu.wait_indirect_dma semaphore(%arg20 : memref<!tpu.dma_semaphore, #tpu.memory_space<semaphore_mem>>) src(%arg12 : memref<128x64xf32, #tpu.memory_space<vmem>>) dst(%dma_wait3A_78 : memref<10240x64xf32, #tpu.memory_space<vmem_shared>>)
    } else {
    }
    %eq3A_20 = arith.constant 1 : i32
    %eq3A_21 = arith.cmpi eq, %arg0, %eq3A_20 : i32
    %convert_element_type3A_22 = arith.extui %eq3A_21 : i1 to i32
    %cond3A_23 = arith.constant 0 : i32
    %cond3A_24 = arith.cmpi ne, %convert_element_type3A_22, %cond3A_23 : i32
    scf.if %cond3A_24 {
      %mul3A_45 = arith.constant 8 : i32
      %mul3A_46 = arith.muli %arg1, %mul3A_45 : i32
      %add3A_47 = arith.constant 2432 : i32
      %add3A_48 = arith.addi %add3A_47, %mul3A_46 : i32
      "tpu.region"() ({
        %run_scoped3A = tpu.sem_alloc : memref<!tpu.dma_semaphore, #tpu.memory_space<semaphore_mem>>
        %dma_start3A = arith.constant 0 : i32
        %dma_start3A_81 = arith.constant 0 : i32
        %dma_start3A_82 = tpu.memref_slice %arg7[%dma_start3A, %dma_start3A_81] : memref<152x128xi32, #tpu.memory_space<vmem>> -> memref<8x128xi32, #tpu.memory_space<vmem>>
        %dma_start3A_83 = arith.constant 0 : i32
        %dma_start3A_84 = tpu.memref_slice %arg3[%add3A_48, %dma_start3A_83] : memref<2560x128xi32, #tpu.memory_space<hbm>> -> memref<8x128xi32, #tpu.memory_space<hbm>>
        %dma_start3A_85 = arith.constant 0 : i32
        %dma_start3A_86 = arith.constant 0 : i32
        %dma_start3A_87 = tpu.memref_slice %arg7[%dma_start3A_85, %dma_start3A_86] : memref<152x128xi32, #tpu.memory_space<vmem>> -> memref<8x128xi32, #tpu.memory_space<vmem>>
        %dma_start3A_88 = arith.constant 0 : i32
        %dma_start3A_89 = tpu.memref_slice %arg3[%add3A_48, %dma_start3A_88] : memref<2560x128xi32, #tpu.memory_space<hbm>> -> memref<8x128xi32, #tpu.memory_space<hbm>>
        tpu.enqueue_dma source(%dma_start3A_89 : memref<8x128xi32, #tpu.memory_space<hbm>>) target(%dma_start3A_87 : memref<8x128xi32, #tpu.memory_space<vmem>>) target_semaphore(%run_scoped3A : memref<!tpu.dma_semaphore, #tpu.memory_space<semaphore_mem>>)
        %dma_wait3A_90 = arith.constant 0 : i32
        %dma_wait3A_91 = arith.constant 0 : i32
        %dma_wait3A_92 = tpu.memref_slice %arg7[%dma_wait3A_90, %dma_wait3A_91] : memref<152x128xi32, #tpu.memory_space<vmem>> -> memref<8x128xi32, #tpu.memory_space<vmem>>
        %dma_wait3A_93 = arith.constant 0 : i32
        %dma_wait3A_94 = tpu.memref_slice %arg3[%add3A_48, %dma_wait3A_93] : memref<2560x128xi32, #tpu.memory_space<hbm>> -> memref<8x128xi32, #tpu.memory_space<hbm>>
        %dma_wait3A_95 = arith.constant 0 : i32
        %dma_wait3A_96 = arith.constant 0 : i32
        %dma_wait3A_97 = tpu.memref_slice %arg7[%dma_wait3A_95, %dma_wait3A_96] : memref<152x128xi32, #tpu.memory_space<vmem>> -> memref<8x128xi32, #tpu.memory_space<vmem>>
        %dma_wait3A_98 = arith.constant 0 : i32
        %dma_wait3A_99 = tpu.memref_slice %arg3[%add3A_48, %dma_wait3A_98] : memref<2560x128xi32, #tpu.memory_space<hbm>> -> memref<8x128xi32, #tpu.memory_space<hbm>>
        tpu.wait_dma2 semaphore(%run_scoped3A : memref<!tpu.dma_semaphore, #tpu.memory_space<semaphore_mem>>) src(%dma_wait3A_99 : memref<8x128xi32, #tpu.memory_space<hbm>>) dst(%dma_wait3A_97 : memref<8x128xi32, #tpu.memory_space<vmem>>)
        tpu.yield
      }) : () -> ()
      "tpu.region"() ({
        %run_scoped3A = tpu.sem_alloc : memref<!tpu.dma_semaphore, #tpu.memory_space<semaphore_mem>>
        %dma_start3A = arith.constant 0 : i32
        %dma_start3A_81 = arith.constant 0 : i32
        %dma_start3A_82 = tpu.memref_slice %arg8[%dma_start3A, %dma_start3A_81] : memref<152x128xi32, #tpu.memory_space<vmem>> -> memref<8x128xi32, #tpu.memory_space<vmem>>
        %dma_start3A_83 = arith.constant 0 : i32
        %dma_start3A_84 = tpu.memref_slice %arg4[%add3A_48, %dma_start3A_83] : memref<2560x128xi32, #tpu.memory_space<hbm>> -> memref<8x128xi32, #tpu.memory_space<hbm>>
        %dma_start3A_85 = arith.constant 0 : i32
        %dma_start3A_86 = arith.constant 0 : i32
        %dma_start3A_87 = tpu.memref_slice %arg8[%dma_start3A_85, %dma_start3A_86] : memref<152x128xi32, #tpu.memory_space<vmem>> -> memref<8x128xi32, #tpu.memory_space<vmem>>
        %dma_start3A_88 = arith.constant 0 : i32
        %dma_start3A_89 = tpu.memref_slice %arg4[%add3A_48, %dma_start3A_88] : memref<2560x128xi32, #tpu.memory_space<hbm>> -> memref<8x128xi32, #tpu.memory_space<hbm>>
        tpu.enqueue_dma source(%dma_start3A_89 : memref<8x128xi32, #tpu.memory_space<hbm>>) target(%dma_start3A_87 : memref<8x128xi32, #tpu.memory_space<vmem>>) target_semaphore(%run_scoped3A : memref<!tpu.dma_semaphore, #tpu.memory_space<semaphore_mem>>)
        %dma_wait3A_90 = arith.constant 0 : i32
        %dma_wait3A_91 = arith.constant 0 : i32
        %dma_wait3A_92 = tpu.memref_slice %arg8[%dma_wait3A_90, %dma_wait3A_91] : memref<152x128xi32, #tpu.memory_space<vmem>> -> memref<8x128xi32, #tpu.memory_space<vmem>>
        %dma_wait3A_93 = arith.constant 0 : i32
        %dma_wait3A_94 = tpu.memref_slice %arg4[%add3A_48, %dma_wait3A_93] : memref<2560x128xi32, #tpu.memory_space<hbm>> -> memref<8x128xi32, #tpu.memory_space<hbm>>
        %dma_wait3A_95 = arith.constant 0 : i32
        %dma_wait3A_96 = arith.constant 0 : i32
        %dma_wait3A_97 = tpu.memref_slice %arg8[%dma_wait3A_95, %dma_wait3A_96] : memref<152x128xi32, #tpu.memory_space<vmem>> -> memref<8x128xi32, #tpu.memory_space<vmem>>
        %dma_wait3A_98 = arith.constant 0 : i32
        %dma_wait3A_99 = tpu.memref_slice %arg4[%add3A_48, %dma_wait3A_98] : memref<2560x128xi32, #tpu.memory_space<hbm>> -> memref<8x128xi32, #tpu.memory_space<hbm>>
        tpu.wait_dma2 semaphore(%run_scoped3A : memref<!tpu.dma_semaphore, #tpu.memory_space<semaphore_mem>>) src(%dma_wait3A_99 : memref<8x128xi32, #tpu.memory_space<hbm>>) dst(%dma_wait3A_97 : memref<8x128xi32, #tpu.memory_space<vmem>>)
        tpu.yield
      }) : () -> ()
      %scan3A = arith.constant 0 : i32
      %scan3A_49 = arith.constant 0 : i32
      %scan3A_50 = arith.constant 2 : i32
      %scan3A_51 = arith.addi %scan3A_49, %scan3A_50 : i32
      %scan3A_52 = arith.constant 1 : i32
      scf.for %scan3A_81 = %scan3A_49 to %scan3A_51 step %scan3A_52  : i32 {
        %gt3A = arith.constant 0 : i32
        %gt3A_82 = arith.cmpi sgt, %scan3A_81, %gt3A : i32
        %convert_element_type3A_83 = arith.extui %gt3A_82 : i1 to i32
        %cond3A_84 = arith.constant 0 : i32
        %cond3A_85 = arith.cmpi ne, %convert_element_type3A_83, %cond3A_84 : i32
        scf.if %cond3A_85 {
          %dma_wait3A_204 = arith.constant 0 : i32
          %dma_wait3A_205 = arith.constant 0 : i32
          %dma_wait3A_206 = tpu.memref_slice %arg8[%dma_wait3A_204, %dma_wait3A_205] : memref<152x128xi32, #tpu.memory_space<vmem>> -> memref<1x128xi32, #tpu.memory_space<vmem>>
          %dma_wait3A_207 = tpu.memref_squeeze %dma_wait3A_206 : memref<1x128xi32, #tpu.memory_space<vmem>> -> memref<128xi32, #tpu.memory_space<vmem>>
          %dma_wait3A_208 = arith.constant 0 : i32
          %dma_wait3A_209 = arith.constant 0 : i32
          %dma_wait3A_210 = tpu.memref_slice %arg21[%dma_wait3A_208, %dma_wait3A_209] : memref<10240x64xf32, #tpu.memory_space<vmem_shared>> -> memref<10240x64xf32, #tpu.memory_space<vmem_shared>>
          tpu.wait_indirect_dma semaphore(%arg17 : memref<!tpu.dma_semaphore, #tpu.memory_space<semaphore_mem>>) src(%arg9 : memref<128x64xf32, #tpu.memory_space<vmem>>) dst(%dma_wait3A_210 : memref<10240x64xf32, #tpu.memory_space<vmem_shared>>)
        } else {
        }
        %mul3A_86 = arith.constant 4 : i32
        %mul3A_87 = arith.muli %mul3A_86, %scan3A_81 : i32
        %add3A_88 = arith.constant 0 : i32
        %add3A_89 = arith.addi %mul3A_87, %add3A_88 : i32
        %dma_start3A = arith.constant 0 : i32
        %dma_start3A_90 = tpu.memref_slice %arg7[%add3A_89, %dma_start3A] : memref<152x128xi32, #tpu.memory_space<vmem>> -> memref<1x128xi32, #tpu.memory_space<vmem>>
        %dma_start3A_91 = tpu.memref_squeeze %dma_start3A_90 : memref<1x128xi32, #tpu.memory_space<vmem>> -> memref<128xi32, #tpu.memory_space<vmem>>
        %dma_start3A_92 = arith.constant 0 : i32
        %dma_start3A_93 = arith.constant 0 : i32
        %dma_start3A_94 = tpu.memref_slice %arg2[%dma_start3A_92, %dma_start3A_93] : memref<10240x64xf32, #tpu.memory_space<hbm>> -> memref<10240x64xf32, #tpu.memory_space<hbm>>
        tpu.enqueue_indirect_dma source(%dma_start3A_94 : memref<10240x64xf32, #tpu.memory_space<hbm>>) target(%arg9 : memref<128x64xf32, #tpu.memory_space<vmem>>) offsets(%dma_start3A_91 : memref<128xi32, #tpu.memory_space<vmem>>) semaphore(%arg13 : memref<!tpu.dma_semaphore, #tpu.memory_space<semaphore_mem>>)
        %gt3A_95 = arith.constant 0 : i32
        %gt3A_96 = arith.cmpi sgt, %scan3A_81, %gt3A_95 : i32
        %convert_element_type3A_97 = arith.extui %gt3A_96 : i1 to i32
        %cond3A_98 = arith.constant 0 : i32
        %cond3A_99 = arith.cmpi ne, %convert_element_type3A_97, %cond3A_98 : i32
        scf.if %cond3A_99 {
          %dma_wait3A_204 = arith.constant 0 : i32
          %dma_wait3A_205 = arith.constant 0 : i32
          %dma_wait3A_206 = tpu.memref_slice %arg8[%dma_wait3A_204, %dma_wait3A_205] : memref<152x128xi32, #tpu.memory_space<vmem>> -> memref<1x128xi32, #tpu.memory_space<vmem>>
          %dma_wait3A_207 = tpu.memref_squeeze %dma_wait3A_206 : memref<1x128xi32, #tpu.memory_space<vmem>> -> memref<128xi32, #tpu.memory_space<vmem>>
          %dma_wait3A_208 = arith.constant 0 : i32
          %dma_wait3A_209 = arith.constant 0 : i32
          %dma_wait3A_210 = tpu.memref_slice %arg21[%dma_wait3A_208, %dma_wait3A_209] : memref<10240x64xf32, #tpu.memory_space<vmem_shared>> -> memref<10240x64xf32, #tpu.memory_space<vmem_shared>>
          tpu.wait_indirect_dma semaphore(%arg18 : memref<!tpu.dma_semaphore, #tpu.memory_space<semaphore_mem>>) src(%arg10 : memref<128x64xf32, #tpu.memory_space<vmem>>) dst(%dma_wait3A_210 : memref<10240x64xf32, #tpu.memory_space<vmem_shared>>)
        } else {
        }
        %mul3A_100 = arith.constant 4 : i32
        %mul3A_101 = arith.muli %mul3A_100, %scan3A_81 : i32
        %add3A_102 = arith.constant 1 : i32
        %add3A_103 = arith.addi %mul3A_101, %add3A_102 : i32
        %dma_start3A_104 = arith.constant 0 : i32
        %dma_start3A_105 = tpu.memref_slice %arg7[%add3A_103, %dma_start3A_104] : memref<152x128xi32, #tpu.memory_space<vmem>> -> memref<1x128xi32, #tpu.memory_space<vmem>>
        %dma_start3A_106 = tpu.memref_squeeze %dma_start3A_105 : memref<1x128xi32, #tpu.memory_space<vmem>> -> memref<128xi32, #tpu.memory_space<vmem>>
        %dma_start3A_107 = arith.constant 0 : i32
        %dma_start3A_108 = arith.constant 0 : i32
        %dma_start3A_109 = tpu.memref_slice %arg2[%dma_start3A_107, %dma_start3A_108] : memref<10240x64xf32, #tpu.memory_space<hbm>> -> memref<10240x64xf32, #tpu.memory_space<hbm>>
        tpu.enqueue_indirect_dma source(%dma_start3A_109 : memref<10240x64xf32, #tpu.memory_space<hbm>>) target(%arg10 : memref<128x64xf32, #tpu.memory_space<vmem>>) offsets(%dma_start3A_106 : memref<128xi32, #tpu.memory_space<vmem>>) semaphore(%arg14 : memref<!tpu.dma_semaphore, #tpu.memory_space<semaphore_mem>>)
        %gt3A_110 = arith.constant 0 : i32
        %gt3A_111 = arith.cmpi sgt, %scan3A_81, %gt3A_110 : i32
        %convert_element_type3A_112 = arith.extui %gt3A_111 : i1 to i32
        %cond3A_113 = arith.constant 0 : i32
        %cond3A_114 = arith.cmpi ne, %convert_element_type3A_112, %cond3A_113 : i32
        scf.if %cond3A_114 {
          %dma_wait3A_204 = arith.constant 0 : i32
          %dma_wait3A_205 = arith.constant 0 : i32
          %dma_wait3A_206 = tpu.memref_slice %arg8[%dma_wait3A_204, %dma_wait3A_205] : memref<152x128xi32, #tpu.memory_space<vmem>> -> memref<1x128xi32, #tpu.memory_space<vmem>>
          %dma_wait3A_207 = tpu.memref_squeeze %dma_wait3A_206 : memref<1x128xi32, #tpu.memory_space<vmem>> -> memref<128xi32, #tpu.memory_space<vmem>>
          %dma_wait3A_208 = arith.constant 0 : i32
          %dma_wait3A_209 = arith.constant 0 : i32
          %dma_wait3A_210 = tpu.memref_slice %arg21[%dma_wait3A_208, %dma_wait3A_209] : memref<10240x64xf32, #tpu.memory_space<vmem_shared>> -> memref<10240x64xf32, #tpu.memory_space<vmem_shared>>
          tpu.wait_indirect_dma semaphore(%arg19 : memref<!tpu.dma_semaphore, #tpu.memory_space<semaphore_mem>>) src(%arg11 : memref<128x64xf32, #tpu.memory_space<vmem>>) dst(%dma_wait3A_210 : memref<10240x64xf32, #tpu.memory_space<vmem_shared>>)
        } else {
        }
        %mul3A_115 = arith.constant 4 : i32
        %mul3A_116 = arith.muli %mul3A_115, %scan3A_81 : i32
        %add3A_117 = arith.constant 2 : i32
        %add3A_118 = arith.addi %mul3A_116, %add3A_117 : i32
        %dma_start3A_119 = arith.constant 0 : i32
        %dma_start3A_120 = tpu.memref_slice %arg7[%add3A_118, %dma_start3A_119] : memref<152x128xi32, #tpu.memory_space<vmem>> -> memref<1x128xi32, #tpu.memory_space<vmem>>
        %dma_start3A_121 = tpu.memref_squeeze %dma_start3A_120 : memref<1x128xi32, #tpu.memory_space<vmem>> -> memref<128xi32, #tpu.memory_space<vmem>>
        %dma_start3A_122 = arith.constant 0 : i32
        %dma_start3A_123 = arith.constant 0 : i32
        %dma_start3A_124 = tpu.memref_slice %arg2[%dma_start3A_122, %dma_start3A_123] : memref<10240x64xf32, #tpu.memory_space<hbm>> -> memref<10240x64xf32, #tpu.memory_space<hbm>>
        tpu.enqueue_indirect_dma source(%dma_start3A_124 : memref<10240x64xf32, #tpu.memory_space<hbm>>) target(%arg11 : memref<128x64xf32, #tpu.memory_space<vmem>>) offsets(%dma_start3A_121 : memref<128xi32, #tpu.memory_space<vmem>>) semaphore(%arg15 : memref<!tpu.dma_semaphore, #tpu.memory_space<semaphore_mem>>)
        %gt3A_125 = arith.constant 0 : i32
        %gt3A_126 = arith.cmpi sgt, %scan3A_81, %gt3A_125 : i32
        %convert_element_type3A_127 = arith.extui %gt3A_126 : i1 to i32
        %cond3A_128 = arith.constant 0 : i32
        %cond3A_129 = arith.cmpi ne, %convert_element_type3A_127, %cond3A_128 : i32
        scf.if %cond3A_129 {
          %dma_wait3A_204 = arith.constant 0 : i32
          %dma_wait3A_205 = arith.constant 0 : i32
          %dma_wait3A_206 = tpu.memref_slice %arg8[%dma_wait3A_204, %dma_wait3A_205] : memref<152x128xi32, #tpu.memory_space<vmem>> -> memref<1x128xi32, #tpu.memory_space<vmem>>
          %dma_wait3A_207 = tpu.memref_squeeze %dma_wait3A_206 : memref<1x128xi32, #tpu.memory_space<vmem>> -> memref<128xi32, #tpu.memory_space<vmem>>
          %dma_wait3A_208 = arith.constant 0 : i32
          %dma_wait3A_209 = arith.constant 0 : i32
          %dma_wait3A_210 = tpu.memref_slice %arg21[%dma_wait3A_208, %dma_wait3A_209] : memref<10240x64xf32, #tpu.memory_space<vmem_shared>> -> memref<10240x64xf32, #tpu.memory_space<vmem_shared>>
          tpu.wait_indirect_dma semaphore(%arg20 : memref<!tpu.dma_semaphore, #tpu.memory_space<semaphore_mem>>) src(%arg12 : memref<128x64xf32, #tpu.memory_space<vmem>>) dst(%dma_wait3A_210 : memref<10240x64xf32, #tpu.memory_space<vmem_shared>>)
        } else {
        }
        %mul3A_130 = arith.constant 4 : i32
        %mul3A_131 = arith.muli %mul3A_130, %scan3A_81 : i32
        %add3A_132 = arith.constant 3 : i32
        %add3A_133 = arith.addi %mul3A_131, %add3A_132 : i32
        %dma_start3A_134 = arith.constant 0 : i32
        %dma_start3A_135 = tpu.memref_slice %arg7[%add3A_133, %dma_start3A_134] : memref<152x128xi32, #tpu.memory_space<vmem>> -> memref<1x128xi32, #tpu.memory_space<vmem>>
        %dma_start3A_136 = tpu.memref_squeeze %dma_start3A_135 : memref<1x128xi32, #tpu.memory_space<vmem>> -> memref<128xi32, #tpu.memory_space<vmem>>
        %dma_start3A_137 = arith.constant 0 : i32
        %dma_start3A_138 = arith.constant 0 : i32
        %dma_start3A_139 = tpu.memref_slice %arg2[%dma_start3A_137, %dma_start3A_138] : memref<10240x64xf32, #tpu.memory_space<hbm>> -> memref<10240x64xf32, #tpu.memory_space<hbm>>
        tpu.enqueue_indirect_dma source(%dma_start3A_139 : memref<10240x64xf32, #tpu.memory_space<hbm>>) target(%arg12 : memref<128x64xf32, #tpu.memory_space<vmem>>) offsets(%dma_start3A_136 : memref<128xi32, #tpu.memory_space<vmem>>) semaphore(%arg16 : memref<!tpu.dma_semaphore, #tpu.memory_space<semaphore_mem>>)
        %dma_wait3A_140 = arith.constant 0 : i32
        %dma_wait3A_141 = arith.constant 0 : i32
        %dma_wait3A_142 = tpu.memref_slice %arg2[%dma_wait3A_140, %dma_wait3A_141] : memref<10240x64xf32, #tpu.memory_space<hbm>> -> memref<128x64xf32, #tpu.memory_space<hbm>>
        %dma_wait3A_143 = arith.constant 0 : i32
        %dma_wait3A_144 = arith.constant 0 : i32
        %dma_wait3A_145 = tpu.memref_slice %arg2[%dma_wait3A_143, %dma_wait3A_144] : memref<10240x64xf32, #tpu.memory_space<hbm>> -> memref<128x64xf32, #tpu.memory_space<hbm>>
        tpu.wait_dma2 semaphore(%arg13 : memref<!tpu.dma_semaphore, #tpu.memory_space<semaphore_mem>>) src(%dma_wait3A_145 : memref<128x64xf32, #tpu.memory_space<hbm>>) dst(%arg9 : memref<128x64xf32, #tpu.memory_space<vmem>>)
        %mul3A_146 = arith.constant 4 : i32
        %mul3A_147 = arith.muli %mul3A_146, %scan3A_81 : i32
        %add3A_148 = arith.constant 0 : i32
        %add3A_149 = arith.addi %mul3A_147, %add3A_148 : i32
        %dma_start3A_150 = arith.constant 0 : i32
        %dma_start3A_151 = tpu.memref_slice %arg8[%add3A_149, %dma_start3A_150] : memref<152x128xi32, #tpu.memory_space<vmem>> -> memref<1x128xi32, #tpu.memory_space<vmem>>
        %dma_start3A_152 = tpu.memref_squeeze %dma_start3A_151 : memref<1x128xi32, #tpu.memory_space<vmem>> -> memref<128xi32, #tpu.memory_space<vmem>>
        %dma_start3A_153 = arith.constant 0 : i32
        %dma_start3A_154 = arith.constant 0 : i32
        %dma_start3A_155 = tpu.memref_slice %arg21[%dma_start3A_153, %dma_start3A_154] : memref<10240x64xf32, #tpu.memory_space<vmem_shared>> -> memref<10240x64xf32, #tpu.memory_space<vmem_shared>>
        tpu.enqueue_indirect_dma source(%arg9 : memref<128x64xf32, #tpu.memory_space<vmem>>) target(%dma_start3A_155 : memref<10240x64xf32, #tpu.memory_space<vmem_shared>>) offsets(%dma_start3A_152 : memref<128xi32, #tpu.memory_space<vmem>>) semaphore(%arg17 : memref<!tpu.dma_semaphore, #tpu.memory_space<semaphore_mem>>) {add = true}
        %dma_wait3A_156 = arith.constant 0 : i32
        %dma_wait3A_157 = arith.constant 0 : i32
        %dma_wait3A_158 = tpu.memref_slice %arg2[%dma_wait3A_156, %dma_wait3A_157] : memref<10240x64xf32, #tpu.memory_space<hbm>> -> memref<128x64xf32, #tpu.memory_space<hbm>>
        %dma_wait3A_159 = arith.constant 0 : i32
        %dma_wait3A_160 = arith.constant 0 : i32
        %dma_wait3A_161 = tpu.memref_slice %arg2[%dma_wait3A_159, %dma_wait3A_160] : memref<10240x64xf32, #tpu.memory_space<hbm>> -> memref<128x64xf32, #tpu.memory_space<hbm>>
        tpu.wait_dma2 semaphore(%arg14 : memref<!tpu.dma_semaphore, #tpu.memory_space<semaphore_mem>>) src(%dma_wait3A_161 : memref<128x64xf32, #tpu.memory_space<hbm>>) dst(%arg10 : memref<128x64xf32, #tpu.memory_space<vmem>>)
        %mul3A_162 = arith.constant 4 : i32
        %mul3A_163 = arith.muli %mul3A_162, %scan3A_81 : i32
        %add3A_164 = arith.constant 1 : i32
        %add3A_165 = arith.addi %mul3A_163, %add3A_164 : i32
        %dma_start3A_166 = arith.constant 0 : i32
        %dma_start3A_167 = tpu.memref_slice %arg8[%add3A_165, %dma_start3A_166] : memref<152x128xi32, #tpu.memory_space<vmem>> -> memref<1x128xi32, #tpu.memory_space<vmem>>
        %dma_start3A_168 = tpu.memref_squeeze %dma_start3A_167 : memref<1x128xi32, #tpu.memory_space<vmem>> -> memref<128xi32, #tpu.memory_space<vmem>>
        %dma_start3A_169 = arith.constant 0 : i32
        %dma_start3A_170 = arith.constant 0 : i32
        %dma_start3A_171 = tpu.memref_slice %arg21[%dma_start3A_169, %dma_start3A_170] : memref<10240x64xf32, #tpu.memory_space<vmem_shared>> -> memref<10240x64xf32, #tpu.memory_space<vmem_shared>>
        tpu.enqueue_indirect_dma source(%arg10 : memref<128x64xf32, #tpu.memory_space<vmem>>) target(%dma_start3A_171 : memref<10240x64xf32, #tpu.memory_space<vmem_shared>>) offsets(%dma_start3A_168 : memref<128xi32, #tpu.memory_space<vmem>>) semaphore(%arg18 : memref<!tpu.dma_semaphore, #tpu.memory_space<semaphore_mem>>) {add = true}
        %dma_wait3A_172 = arith.constant 0 : i32
        %dma_wait3A_173 = arith.constant 0 : i32
        %dma_wait3A_174 = tpu.memref_slice %arg2[%dma_wait3A_172, %dma_wait3A_173] : memref<10240x64xf32, #tpu.memory_space<hbm>> -> memref<128x64xf32, #tpu.memory_space<hbm>>
        %dma_wait3A_175 = arith.constant 0 : i32
        %dma_wait3A_176 = arith.constant 0 : i32
        %dma_wait3A_177 = tpu.memref_slice %arg2[%dma_wait3A_175, %dma_wait3A_176] : memref<10240x64xf32, #tpu.memory_space<hbm>> -> memref<128x64xf32, #tpu.memory_space<hbm>>
        tpu.wait_dma2 semaphore(%arg15 : memref<!tpu.dma_semaphore, #tpu.memory_space<semaphore_mem>>) src(%dma_wait3A_177 : memref<128x64xf32, #tpu.memory_space<hbm>>) dst(%arg11 : memref<128x64xf32, #tpu.memory_space<vmem>>)
        %mul3A_178 = arith.constant 4 : i32
        %mul3A_179 = arith.muli %mul3A_178, %scan3A_81 : i32
        %add3A_180 = arith.constant 2 : i32
        %add3A_181 = arith.addi %mul3A_179, %add3A_180 : i32
        %dma_start3A_182 = arith.constant 0 : i32
        %dma_start3A_183 = tpu.memref_slice %arg8[%add3A_181, %dma_start3A_182] : memref<152x128xi32, #tpu.memory_space<vmem>> -> memref<1x128xi32, #tpu.memory_space<vmem>>
        %dma_start3A_184 = tpu.memref_squeeze %dma_start3A_183 : memref<1x128xi32, #tpu.memory_space<vmem>> -> memref<128xi32, #tpu.memory_space<vmem>>
        %dma_start3A_185 = arith.constant 0 : i32
        %dma_start3A_186 = arith.constant 0 : i32
        %dma_start3A_187 = tpu.memref_slice %arg21[%dma_start3A_185, %dma_start3A_186] : memref<10240x64xf32, #tpu.memory_space<vmem_shared>> -> memref<10240x64xf32, #tpu.memory_space<vmem_shared>>
        tpu.enqueue_indirect_dma source(%arg11 : memref<128x64xf32, #tpu.memory_space<vmem>>) target(%dma_start3A_187 : memref<10240x64xf32, #tpu.memory_space<vmem_shared>>) offsets(%dma_start3A_184 : memref<128xi32, #tpu.memory_space<vmem>>) semaphore(%arg19 : memref<!tpu.dma_semaphore, #tpu.memory_space<semaphore_mem>>) {add = true}
        %dma_wait3A_188 = arith.constant 0 : i32
        %dma_wait3A_189 = arith.constant 0 : i32
        %dma_wait3A_190 = tpu.memref_slice %arg2[%dma_wait3A_188, %dma_wait3A_189] : memref<10240x64xf32, #tpu.memory_space<hbm>> -> memref<128x64xf32, #tpu.memory_space<hbm>>
        %dma_wait3A_191 = arith.constant 0 : i32
        %dma_wait3A_192 = arith.constant 0 : i32
        %dma_wait3A_193 = tpu.memref_slice %arg2[%dma_wait3A_191, %dma_wait3A_192] : memref<10240x64xf32, #tpu.memory_space<hbm>> -> memref<128x64xf32, #tpu.memory_space<hbm>>
        tpu.wait_dma2 semaphore(%arg16 : memref<!tpu.dma_semaphore, #tpu.memory_space<semaphore_mem>>) src(%dma_wait3A_193 : memref<128x64xf32, #tpu.memory_space<hbm>>) dst(%arg12 : memref<128x64xf32, #tpu.memory_space<vmem>>)
        %mul3A_194 = arith.constant 4 : i32
        %mul3A_195 = arith.muli %mul3A_194, %scan3A_81 : i32
        %add3A_196 = arith.constant 3 : i32
        %add3A_197 = arith.addi %mul3A_195, %add3A_196 : i32
        %dma_start3A_198 = arith.constant 0 : i32
        %dma_start3A_199 = tpu.memref_slice %arg8[%add3A_197, %dma_start3A_198] : memref<152x128xi32, #tpu.memory_space<vmem>> -> memref<1x128xi32, #tpu.memory_space<vmem>>
        %dma_start3A_200 = tpu.memref_squeeze %dma_start3A_199 : memref<1x128xi32, #tpu.memory_space<vmem>> -> memref<128xi32, #tpu.memory_space<vmem>>
        %dma_start3A_201 = arith.constant 0 : i32
        %dma_start3A_202 = arith.constant 0 : i32
        %dma_start3A_203 = tpu.memref_slice %arg21[%dma_start3A_201, %dma_start3A_202] : memref<10240x64xf32, #tpu.memory_space<vmem_shared>> -> memref<10240x64xf32, #tpu.memory_space<vmem_shared>>
        tpu.enqueue_indirect_dma source(%arg12 : memref<128x64xf32, #tpu.memory_space<vmem>>) target(%dma_start3A_203 : memref<10240x64xf32, #tpu.memory_space<vmem_shared>>) offsets(%dma_start3A_200 : memref<128xi32, #tpu.memory_space<vmem>>) semaphore(%arg20 : memref<!tpu.dma_semaphore, #tpu.memory_space<semaphore_mem>>) {add = true}
      }
      %scan3A_53 = arith.constant 2 : i32
      %dma_wait3A = arith.constant 0 : i32
      %dma_wait3A_54 = arith.constant 0 : i32
      %dma_wait3A_55 = tpu.memref_slice %arg8[%dma_wait3A, %dma_wait3A_54] : memref<152x128xi32, #tpu.memory_space<vmem>> -> memref<1x128xi32, #tpu.memory_space<vmem>>
      %dma_wait3A_56 = tpu.memref_squeeze %dma_wait3A_55 : memref<1x128xi32, #tpu.memory_space<vmem>> -> memref<128xi32, #tpu.memory_space<vmem>>
      %dma_wait3A_57 = arith.constant 0 : i32
      %dma_wait3A_58 = arith.constant 0 : i32
      %dma_wait3A_59 = tpu.memref_slice %arg21[%dma_wait3A_57, %dma_wait3A_58] : memref<10240x64xf32, #tpu.memory_space<vmem_shared>> -> memref<10240x64xf32, #tpu.memory_space<vmem_shared>>
      tpu.wait_indirect_dma semaphore(%arg17 : memref<!tpu.dma_semaphore, #tpu.memory_space<semaphore_mem>>) src(%arg9 : memref<128x64xf32, #tpu.memory_space<vmem>>) dst(%dma_wait3A_59 : memref<10240x64xf32, #tpu.memory_space<vmem_shared>>)
      %dma_wait3A_60 = arith.constant 0 : i32
      %dma_wait3A_61 = arith.constant 0 : i32
      %dma_wait3A_62 = tpu.memref_slice %arg8[%dma_wait3A_60, %dma_wait3A_61] : memref<152x128xi32, #tpu.memory_space<vmem>> -> memref<1x128xi32, #tpu.memory_space<vmem>>
      %dma_wait3A_63 = tpu.memref_squeeze %dma_wait3A_62 : memref<1x128xi32, #tpu.memory_space<vmem>> -> memref<128xi32, #tpu.memory_space<vmem>>
      %dma_wait3A_64 = arith.constant 0 : i32
      %dma_wait3A_65 = arith.constant 0 : i32
      %dma_wait3A_66 = tpu.memref_slice %arg21[%dma_wait3A_64, %dma_wait3A_65] : memref<10240x64xf32, #tpu.memory_space<vmem_shared>> -> memref<10240x64xf32, #tpu.memory_space<vmem_shared>>
      tpu.wait_indirect_dma semaphore(%arg18 : memref<!tpu.dma_semaphore, #tpu.memory_space<semaphore_mem>>) src(%arg10 : memref<128x64xf32, #tpu.memory_space<vmem>>) dst(%dma_wait3A_66 : memref<10240x64xf32, #tpu.memory_space<vmem_shared>>)
      %dma_wait3A_67 = arith.constant 0 : i32
      %dma_wait3A_68 = arith.constant 0 : i32
      %dma_wait3A_69 = tpu.memref_slice %arg8[%dma_wait3A_67, %dma_wait3A_68] : memref<152x128xi32, #tpu.memory_space<vmem>> -> memref<1x128xi32, #tpu.memory_space<vmem>>
      %dma_wait3A_70 = tpu.memref_squeeze %dma_wait3A_69 : memref<1x128xi32, #tpu.memory_space<vmem>> -> memref<128xi32, #tpu.memory_space<vmem>>
      %dma_wait3A_71 = arith.constant 0 : i32
      %dma_wait3A_72 = arith.constant 0 : i32
      %dma_wait3A_73 = tpu.memref_slice %arg21[%dma_wait3A_71, %dma_wait3A_72] : memref<10240x64xf32, #tpu.memory_space<vmem_shared>> -> memref<10240x64xf32, #tpu.memory_space<vmem_shared>>
      tpu.wait_indirect_dma semaphore(%arg19 : memref<!tpu.dma_semaphore, #tpu.memory_space<semaphore_mem>>) src(%arg11 : memref<128x64xf32, #tpu.memory_space<vmem>>) dst(%dma_wait3A_73 : memref<10240x64xf32, #tpu.memory_space<vmem_shared>>)
      %dma_wait3A_74 = arith.constant 0 : i32
      %dma_wait3A_75 = arith.constant 0 : i32
      %dma_wait3A_76 = tpu.memref_slice %arg8[%dma_wait3A_74, %dma_wait3A_75] : memref<152x128xi32, #tpu.memory_space<vmem>> -> memref<1x128xi32, #tpu.memory_space<vmem>>
      %dma_wait3A_77 = tpu.memref_squeeze %dma_wait3A_76 : memref<1x128xi32, #tpu.memory_space<vmem>> -> memref<128xi32, #tpu.memory_space<vmem>>
      %dma_wait3A_78 = arith.constant 0 : i32
      %dma_wait3A_79 = arith.constant 0 : i32
      %dma_wait3A_80 = tpu.memref_slice %arg21[%dma_wait3A_78, %dma_wait3A_79] : memref<10240x64xf32, #tpu.memory_space<vmem_shared>> -> memref<10240x64xf32, #tpu.memory_space<vmem_shared>>
      tpu.wait_indirect_dma semaphore(%arg20 : memref<!tpu.dma_semaphore, #tpu.memory_space<semaphore_mem>>) src(%arg12 : memref<128x64xf32, #tpu.memory_space<vmem>>) dst(%dma_wait3A_80 : memref<10240x64xf32, #tpu.memory_space<vmem_shared>>)
    } else {
    }
    %barrier3A = arith.constant 0 : index
    tpu.barrier barrier_id(%barrier3A)
    %mul3A_25 = arith.constant 640 : i32
    %mul3A_26 = arith.muli %arg1, %mul3A_25 : i32
    %add3A_27 = arith.constant 0 : i32
    %add3A_28 = arith.addi %mul3A_26, %add3A_27 : i32
    "tpu.region"() ({
      %run_scoped3A = tpu.sem_alloc : memref<!tpu.dma_semaphore, #tpu.memory_space<semaphore_mem>>
      %dma_start3A = arith.constant 0 : i32
      %dma_start3A_45 = tpu.memref_slice %arg21[%add3A_28, %dma_start3A] : memref<10240x64xf32, #tpu.memory_space<vmem_shared>> -> memref<128x64xf32, #tpu.memory_space<vmem_shared>>
      %dma_start3A_46 = arith.constant 0 : i32
      %dma_start3A_47 = tpu.memref_slice %arg21[%add3A_28, %dma_start3A_46] : memref<10240x64xf32, #tpu.memory_space<vmem_shared>> -> memref<128x64xf32, #tpu.memory_space<vmem_shared>>
      tpu.enqueue_dma source(%dma_start3A_47 : memref<128x64xf32, #tpu.memory_space<vmem_shared>>) target(%arg9 : memref<128x64xf32, #tpu.memory_space<vmem>>) target_semaphore(%run_scoped3A : memref<!tpu.dma_semaphore, #tpu.memory_space<semaphore_mem>>)
      %dma_wait3A = arith.constant 0 : i32
      %dma_wait3A_48 = tpu.memref_slice %arg21[%add3A_28, %dma_wait3A] : memref<10240x64xf32, #tpu.memory_space<vmem_shared>> -> memref<128x64xf32, #tpu.memory_space<vmem_shared>>
      %dma_wait3A_49 = arith.constant 0 : i32
      %dma_wait3A_50 = tpu.memref_slice %arg21[%add3A_28, %dma_wait3A_49] : memref<10240x64xf32, #tpu.memory_space<vmem_shared>> -> memref<128x64xf32, #tpu.memory_space<vmem_shared>>
      tpu.wait_dma2 semaphore(%run_scoped3A : memref<!tpu.dma_semaphore, #tpu.memory_space<semaphore_mem>>) src(%dma_wait3A_50 : memref<128x64xf32, #tpu.memory_space<vmem_shared>>) dst(%arg9 : memref<128x64xf32, #tpu.memory_space<vmem>>)
      tpu.yield
    }) : () -> ()
    "tpu.region"() ({
      %run_scoped3A = tpu.sem_alloc : memref<!tpu.dma_semaphore, #tpu.memory_space<semaphore_mem>>
      %dma_start3A = arith.constant 0 : i32
      %dma_start3A_45 = tpu.memref_slice %arg6[%arg0, %add3A_28, %dma_start3A] : memref<2x10240x64xf32, #tpu.memory_space<hbm>> -> memref<1x128x64xf32, #tpu.memory_space<hbm>>
      %dma_start3A_46 = tpu.memref_squeeze %dma_start3A_45 : memref<1x128x64xf32, #tpu.memory_space<hbm>> -> memref<128x64xf32, #tpu.memory_space<hbm>>
      %dma_start3A_47 = arith.constant 0 : i32
      %dma_start3A_48 = tpu.memref_slice %arg6[%arg0, %add3A_28, %dma_start3A_47] : memref<2x10240x64xf32, #tpu.memory_space<hbm>> -> memref<1x128x64xf32, #tpu.memory_space<hbm>>
      %dma_start3A_49 = tpu.memref_squeeze %dma_start3A_48 : memref<1x128x64xf32, #tpu.memory_space<hbm>> -> memref<128x64xf32, #tpu.memory_space<hbm>>
      tpu.enqueue_dma source(%arg9 : memref<128x64xf32, #tpu.memory_space<vmem>>) target(%dma_start3A_49 : memref<128x64xf32, #tpu.memory_space<hbm>>) target_semaphore(%run_scoped3A : memref<!tpu.dma_semaphore, #tpu.memory_space<semaphore_mem>>)
      %dma_wait3A = arith.constant 0 : i32
      %dma_wait3A_50 = tpu.memref_slice %arg6[%arg0, %add3A_28, %dma_wait3A] : memref<2x10240x64xf32, #tpu.memory_space<hbm>> -> memref<1x128x64xf32, #tpu.memory_space<hbm>>
      %dma_wait3A_51 = tpu.memref_squeeze %dma_wait3A_50 : memref<1x128x64xf32, #tpu.memory_space<hbm>> -> memref<128x64xf32, #tpu.memory_space<hbm>>
      %dma_wait3A_52 = arith.constant 0 : i32
      %dma_wait3A_53 = tpu.memref_slice %arg6[%arg0, %add3A_28, %dma_wait3A_52] : memref<2x10240x64xf32, #tpu.memory_space<hbm>> -> memref<1x128x64xf32, #tpu.memory_space<hbm>>
      %dma_wait3A_54 = tpu.memref_squeeze %dma_wait3A_53 : memref<1x128x64xf32, #tpu.memory_space<hbm>> -> memref<128x64xf32, #tpu.memory_space<hbm>>
      tpu.wait_dma2 semaphore(%run_scoped3A : memref<!tpu.dma_semaphore, #tpu.memory_space<semaphore_mem>>) src(%arg9 : memref<128x64xf32, #tpu.memory_space<vmem>>) dst(%dma_wait3A_54 : memref<128x64xf32, #tpu.memory_space<hbm>>)
      tpu.yield
    }) : () -> ()
    %mul3A_29 = arith.constant 640 : i32
    %mul3A_30 = arith.muli %arg1, %mul3A_29 : i32
    %add3A_31 = arith.constant 128 : i32
    %add3A_32 = arith.addi %mul3A_30, %add3A_31 : i32
    "tpu.region"() ({
      %run_scoped3A = tpu.sem_alloc : memref<!tpu.dma_semaphore, #tpu.memory_space<semaphore_mem>>
      %dma_start3A = arith.constant 0 : i32
      %dma_start3A_45 = tpu.memref_slice %arg21[%add3A_32, %dma_start3A] : memref<10240x64xf32, #tpu.memory_space<vmem_shared>> -> memref<128x64xf32, #tpu.memory_space<vmem_shared>>
      %dma_start3A_46 = arith.constant 0 : i32
      %dma_start3A_47 = tpu.memref_slice %arg21[%add3A_32, %dma_start3A_46] : memref<10240x64xf32, #tpu.memory_space<vmem_shared>> -> memref<128x64xf32, #tpu.memory_space<vmem_shared>>
      tpu.enqueue_dma source(%dma_start3A_47 : memref<128x64xf32, #tpu.memory_space<vmem_shared>>) target(%arg10 : memref<128x64xf32, #tpu.memory_space<vmem>>) target_semaphore(%run_scoped3A : memref<!tpu.dma_semaphore, #tpu.memory_space<semaphore_mem>>)
      %dma_wait3A = arith.constant 0 : i32
      %dma_wait3A_48 = tpu.memref_slice %arg21[%add3A_32, %dma_wait3A] : memref<10240x64xf32, #tpu.memory_space<vmem_shared>> -> memref<128x64xf32, #tpu.memory_space<vmem_shared>>
      %dma_wait3A_49 = arith.constant 0 : i32
      %dma_wait3A_50 = tpu.memref_slice %arg21[%add3A_32, %dma_wait3A_49] : memref<10240x64xf32, #tpu.memory_space<vmem_shared>> -> memref<128x64xf32, #tpu.memory_space<vmem_shared>>
      tpu.wait_dma2 semaphore(%run_scoped3A : memref<!tpu.dma_semaphore, #tpu.memory_space<semaphore_mem>>) src(%dma_wait3A_50 : memref<128x64xf32, #tpu.memory_space<vmem_shared>>) dst(%arg10 : memref<128x64xf32, #tpu.memory_space<vmem>>)
      tpu.yield
    }) : () -> ()
    "tpu.region"() ({
      %run_scoped3A = tpu.sem_alloc : memref<!tpu.dma_semaphore, #tpu.memory_space<semaphore_mem>>
      %dma_start3A = arith.constant 0 : i32
      %dma_start3A_45 = tpu.memref_slice %arg6[%arg0, %add3A_32, %dma_start3A] : memref<2x10240x64xf32, #tpu.memory_space<hbm>> -> memref<1x128x64xf32, #tpu.memory_space<hbm>>
      %dma_start3A_46 = tpu.memref_squeeze %dma_start3A_45 : memref<1x128x64xf32, #tpu.memory_space<hbm>> -> memref<128x64xf32, #tpu.memory_space<hbm>>
      %dma_start3A_47 = arith.constant 0 : i32
      %dma_start3A_48 = tpu.memref_slice %arg6[%arg0, %add3A_32, %dma_start3A_47] : memref<2x10240x64xf32, #tpu.memory_space<hbm>> -> memref<1x128x64xf32, #tpu.memory_space<hbm>>
      %dma_start3A_49 = tpu.memref_squeeze %dma_start3A_48 : memref<1x128x64xf32, #tpu.memory_space<hbm>> -> memref<128x64xf32, #tpu.memory_space<hbm>>
      tpu.enqueue_dma source(%arg10 : memref<128x64xf32, #tpu.memory_space<vmem>>) target(%dma_start3A_49 : memref<128x64xf32, #tpu.memory_space<hbm>>) target_semaphore(%run_scoped3A : memref<!tpu.dma_semaphore, #tpu.memory_space<semaphore_mem>>)
      %dma_wait3A = arith.constant 0 : i32
      %dma_wait3A_50 = tpu.memref_slice %arg6[%arg0, %add3A_32, %dma_wait3A] : memref<2x10240x64xf32, #tpu.memory_space<hbm>> -> memref<1x128x64xf32, #tpu.memory_space<hbm>>
      %dma_wait3A_51 = tpu.memref_squeeze %dma_wait3A_50 : memref<1x128x64xf32, #tpu.memory_space<hbm>> -> memref<128x64xf32, #tpu.memory_space<hbm>>
      %dma_wait3A_52 = arith.constant 0 : i32
      %dma_wait3A_53 = tpu.memref_slice %arg6[%arg0, %add3A_32, %dma_wait3A_52] : memref<2x10240x64xf32, #tpu.memory_space<hbm>> -> memref<1x128x64xf32, #tpu.memory_space<hbm>>
      %dma_wait3A_54 = tpu.memref_squeeze %dma_wait3A_53 : memref<1x128x64xf32, #tpu.memory_space<hbm>> -> memref<128x64xf32, #tpu.memory_space<hbm>>
      tpu.wait_dma2 semaphore(%run_scoped3A : memref<!tpu.dma_semaphore, #tpu.memory_space<semaphore_mem>>) src(%arg10 : memref<128x64xf32, #tpu.memory_space<vmem>>) dst(%dma_wait3A_54 : memref<128x64xf32, #tpu.memory_space<hbm>>)
      tpu.yield
    }) : () -> ()
    %mul3A_33 = arith.constant 640 : i32
    %mul3A_34 = arith.muli %arg1, %mul3A_33 : i32
    %add3A_35 = arith.constant 256 : i32
    %add3A_36 = arith.addi %mul3A_34, %add3A_35 : i32
    "tpu.region"() ({
      %run_scoped3A = tpu.sem_alloc : memref<!tpu.dma_semaphore, #tpu.memory_space<semaphore_mem>>
      %dma_start3A = arith.constant 0 : i32
      %dma_start3A_45 = tpu.memref_slice %arg21[%add3A_36, %dma_start3A] : memref<10240x64xf32, #tpu.memory_space<vmem_shared>> -> memref<128x64xf32, #tpu.memory_space<vmem_shared>>
      %dma_start3A_46 = arith.constant 0 : i32
      %dma_start3A_47 = tpu.memref_slice %arg21[%add3A_36, %dma_start3A_46] : memref<10240x64xf32, #tpu.memory_space<vmem_shared>> -> memref<128x64xf32, #tpu.memory_space<vmem_shared>>
      tpu.enqueue_dma source(%dma_start3A_47 : memref<128x64xf32, #tpu.memory_space<vmem_shared>>) target(%arg11 : memref<128x64xf32, #tpu.memory_space<vmem>>) target_semaphore(%run_scoped3A : memref<!tpu.dma_semaphore, #tpu.memory_space<semaphore_mem>>)
      %dma_wait3A = arith.constant 0 : i32
      %dma_wait3A_48 = tpu.memref_slice %arg21[%add3A_36, %dma_wait3A] : memref<10240x64xf32, #tpu.memory_space<vmem_shared>> -> memref<128x64xf32, #tpu.memory_space<vmem_shared>>
      %dma_wait3A_49 = arith.constant 0 : i32
      %dma_wait3A_50 = tpu.memref_slice %arg21[%add3A_36, %dma_wait3A_49] : memref<10240x64xf32, #tpu.memory_space<vmem_shared>> -> memref<128x64xf32, #tpu.memory_space<vmem_shared>>
      tpu.wait_dma2 semaphore(%run_scoped3A : memref<!tpu.dma_semaphore, #tpu.memory_space<semaphore_mem>>) src(%dma_wait3A_50 : memref<128x64xf32, #tpu.memory_space<vmem_shared>>) dst(%arg11 : memref<128x64xf32, #tpu.memory_space<vmem>>)
      tpu.yield
    }) : () -> ()
    "tpu.region"() ({
      %run_scoped3A = tpu.sem_alloc : memref<!tpu.dma_semaphore, #tpu.memory_space<semaphore_mem>>
      %dma_start3A = arith.constant 0 : i32
      %dma_start3A_45 = tpu.memref_slice %arg6[%arg0, %add3A_36, %dma_start3A] : memref<2x10240x64xf32, #tpu.memory_space<hbm>> -> memref<1x128x64xf32, #tpu.memory_space<hbm>>
      %dma_start3A_46 = tpu.memref_squeeze %dma_start3A_45 : memref<1x128x64xf32, #tpu.memory_space<hbm>> -> memref<128x64xf32, #tpu.memory_space<hbm>>
      %dma_start3A_47 = arith.constant 0 : i32
      %dma_start3A_48 = tpu.memref_slice %arg6[%arg0, %add3A_36, %dma_start3A_47] : memref<2x10240x64xf32, #tpu.memory_space<hbm>> -> memref<1x128x64xf32, #tpu.memory_space<hbm>>
      %dma_start3A_49 = tpu.memref_squeeze %dma_start3A_48 : memref<1x128x64xf32, #tpu.memory_space<hbm>> -> memref<128x64xf32, #tpu.memory_space<hbm>>
      tpu.enqueue_dma source(%arg11 : memref<128x64xf32, #tpu.memory_space<vmem>>) target(%dma_start3A_49 : memref<128x64xf32, #tpu.memory_space<hbm>>) target_semaphore(%run_scoped3A : memref<!tpu.dma_semaphore, #tpu.memory_space<semaphore_mem>>)
      %dma_wait3A = arith.constant 0 : i32
      %dma_wait3A_50 = tpu.memref_slice %arg6[%arg0, %add3A_36, %dma_wait3A] : memref<2x10240x64xf32, #tpu.memory_space<hbm>> -> memref<1x128x64xf32, #tpu.memory_space<hbm>>
      %dma_wait3A_51 = tpu.memref_squeeze %dma_wait3A_50 : memref<1x128x64xf32, #tpu.memory_space<hbm>> -> memref<128x64xf32, #tpu.memory_space<hbm>>
      %dma_wait3A_52 = arith.constant 0 : i32
      %dma_wait3A_53 = tpu.memref_slice %arg6[%arg0, %add3A_36, %dma_wait3A_52] : memref<2x10240x64xf32, #tpu.memory_space<hbm>> -> memref<1x128x64xf32, #tpu.memory_space<hbm>>
      %dma_wait3A_54 = tpu.memref_squeeze %dma_wait3A_53 : memref<1x128x64xf32, #tpu.memory_space<hbm>> -> memref<128x64xf32, #tpu.memory_space<hbm>>
      tpu.wait_dma2 semaphore(%run_scoped3A : memref<!tpu.dma_semaphore, #tpu.memory_space<semaphore_mem>>) src(%arg11 : memref<128x64xf32, #tpu.memory_space<vmem>>) dst(%dma_wait3A_54 : memref<128x64xf32, #tpu.memory_space<hbm>>)
      tpu.yield
    }) : () -> ()
    %mul3A_37 = arith.constant 640 : i32
    %mul3A_38 = arith.muli %arg1, %mul3A_37 : i32
    %add3A_39 = arith.constant 384 : i32
    %add3A_40 = arith.addi %mul3A_38, %add3A_39 : i32
    "tpu.region"() ({
      %run_scoped3A = tpu.sem_alloc : memref<!tpu.dma_semaphore, #tpu.memory_space<semaphore_mem>>
      %dma_start3A = arith.constant 0 : i32
      %dma_start3A_45 = tpu.memref_slice %arg21[%add3A_40, %dma_start3A] : memref<10240x64xf32, #tpu.memory_space<vmem_shared>> -> memref<128x64xf32, #tpu.memory_space<vmem_shared>>
      %dma_start3A_46 = arith.constant 0 : i32
      %dma_start3A_47 = tpu.memref_slice %arg21[%add3A_40, %dma_start3A_46] : memref<10240x64xf32, #tpu.memory_space<vmem_shared>> -> memref<128x64xf32, #tpu.memory_space<vmem_shared>>
      tpu.enqueue_dma source(%dma_start3A_47 : memref<128x64xf32, #tpu.memory_space<vmem_shared>>) target(%arg12 : memref<128x64xf32, #tpu.memory_space<vmem>>) target_semaphore(%run_scoped3A : memref<!tpu.dma_semaphore, #tpu.memory_space<semaphore_mem>>)
      %dma_wait3A = arith.constant 0 : i32
      %dma_wait3A_48 = tpu.memref_slice %arg21[%add3A_40, %dma_wait3A] : memref<10240x64xf32, #tpu.memory_space<vmem_shared>> -> memref<128x64xf32, #tpu.memory_space<vmem_shared>>
      %dma_wait3A_49 = arith.constant 0 : i32
      %dma_wait3A_50 = tpu.memref_slice %arg21[%add3A_40, %dma_wait3A_49] : memref<10240x64xf32, #tpu.memory_space<vmem_shared>> -> memref<128x64xf32, #tpu.memory_space<vmem_shared>>
      tpu.wait_dma2 semaphore(%run_scoped3A : memref<!tpu.dma_semaphore, #tpu.memory_space<semaphore_mem>>) src(%dma_wait3A_50 : memref<128x64xf32, #tpu.memory_space<vmem_shared>>) dst(%arg12 : memref<128x64xf32, #tpu.memory_space<vmem>>)
      tpu.yield
    }) : () -> ()
    "tpu.region"() ({
      %run_scoped3A = tpu.sem_alloc : memref<!tpu.dma_semaphore, #tpu.memory_space<semaphore_mem>>
      %dma_start3A = arith.constant 0 : i32
      %dma_start3A_45 = tpu.memref_slice %arg6[%arg0, %add3A_40, %dma_start3A] : memref<2x10240x64xf32, #tpu.memory_space<hbm>> -> memref<1x128x64xf32, #tpu.memory_space<hbm>>
      %dma_start3A_46 = tpu.memref_squeeze %dma_start3A_45 : memref<1x128x64xf32, #tpu.memory_space<hbm>> -> memref<128x64xf32, #tpu.memory_space<hbm>>
      %dma_start3A_47 = arith.constant 0 : i32
      %dma_start3A_48 = tpu.memref_slice %arg6[%arg0, %add3A_40, %dma_start3A_47] : memref<2x10240x64xf32, #tpu.memory_space<hbm>> -> memref<1x128x64xf32, #tpu.memory_space<hbm>>
      %dma_start3A_49 = tpu.memref_squeeze %dma_start3A_48 : memref<1x128x64xf32, #tpu.memory_space<hbm>> -> memref<128x64xf32, #tpu.memory_space<hbm>>
      tpu.enqueue_dma source(%arg12 : memref<128x64xf32, #tpu.memory_space<vmem>>) target(%dma_start3A_49 : memref<128x64xf32, #tpu.memory_space<hbm>>) target_semaphore(%run_scoped3A : memref<!tpu.dma_semaphore, #tpu.memory_space<semaphore_mem>>)
      %dma_wait3A = arith.constant 0 : i32
      %dma_wait3A_50 = tpu.memref_slice %arg6[%arg0, %add3A_40, %dma_wait3A] : memref<2x10240x64xf32, #tpu.memory_space<hbm>> -> memref<1x128x64xf32, #tpu.memory_space<hbm>>
      %dma_wait3A_51 = tpu.memref_squeeze %dma_wait3A_50 : memref<1x128x64xf32, #tpu.memory_space<hbm>> -> memref<128x64xf32, #tpu.memory_space<hbm>>
      %dma_wait3A_52 = arith.constant 0 : i32
      %dma_wait3A_53 = tpu.memref_slice %arg6[%arg0, %add3A_40, %dma_wait3A_52] : memref<2x10240x64xf32, #tpu.memory_space<hbm>> -> memref<1x128x64xf32, #tpu.memory_space<hbm>>
      %dma_wait3A_54 = tpu.memref_squeeze %dma_wait3A_53 : memref<1x128x64xf32, #tpu.memory_space<hbm>> -> memref<128x64xf32, #tpu.memory_space<hbm>>
      tpu.wait_dma2 semaphore(%run_scoped3A : memref<!tpu.dma_semaphore, #tpu.memory_space<semaphore_mem>>) src(%arg12 : memref<128x64xf32, #tpu.memory_space<vmem>>) dst(%dma_wait3A_54 : memref<128x64xf32, #tpu.memory_space<hbm>>)
      tpu.yield
    }) : () -> ()
    %mul3A_41 = arith.constant 640 : i32
    %mul3A_42 = arith.muli %arg1, %mul3A_41 : i32
    %add3A_43 = arith.constant 512 : i32
    %add3A_44 = arith.addi %mul3A_42, %add3A_43 : i32
    "tpu.region"() ({
      %run_scoped3A = tpu.sem_alloc : memref<!tpu.dma_semaphore, #tpu.memory_space<semaphore_mem>>
      %dma_start3A = arith.constant 0 : i32
      %dma_start3A_45 = tpu.memref_slice %arg21[%add3A_44, %dma_start3A] : memref<10240x64xf32, #tpu.memory_space<vmem_shared>> -> memref<128x64xf32, #tpu.memory_space<vmem_shared>>
      %dma_start3A_46 = arith.constant 0 : i32
      %dma_start3A_47 = tpu.memref_slice %arg21[%add3A_44, %dma_start3A_46] : memref<10240x64xf32, #tpu.memory_space<vmem_shared>> -> memref<128x64xf32, #tpu.memory_space<vmem_shared>>
      tpu.enqueue_dma source(%dma_start3A_47 : memref<128x64xf32, #tpu.memory_space<vmem_shared>>) target(%arg9 : memref<128x64xf32, #tpu.memory_space<vmem>>) target_semaphore(%run_scoped3A : memref<!tpu.dma_semaphore, #tpu.memory_space<semaphore_mem>>)
      %dma_wait3A = arith.constant 0 : i32
      %dma_wait3A_48 = tpu.memref_slice %arg21[%add3A_44, %dma_wait3A] : memref<10240x64xf32, #tpu.memory_space<vmem_shared>> -> memref<128x64xf32, #tpu.memory_space<vmem_shared>>
      %dma_wait3A_49 = arith.constant 0 : i32
      %dma_wait3A_50 = tpu.memref_slice %arg21[%add3A_44, %dma_wait3A_49] : memref<10240x64xf32, #tpu.memory_space<vmem_shared>> -> memref<128x64xf32, #tpu.memory_space<vmem_shared>>
      tpu.wait_dma2 semaphore(%run_scoped3A : memref<!tpu.dma_semaphore, #tpu.memory_space<semaphore_mem>>) src(%dma_wait3A_50 : memref<128x64xf32, #tpu.memory_space<vmem_shared>>) dst(%arg9 : memref<128x64xf32, #tpu.memory_space<vmem>>)
      tpu.yield
    }) : () -> ()
    "tpu.region"() ({
      %run_scoped3A = tpu.sem_alloc : memref<!tpu.dma_semaphore, #tpu.memory_space<semaphore_mem>>
      %dma_start3A = arith.constant 0 : i32
      %dma_start3A_45 = tpu.memref_slice %arg6[%arg0, %add3A_44, %dma_start3A] : memref<2x10240x64xf32, #tpu.memory_space<hbm>> -> memref<1x128x64xf32, #tpu.memory_space<hbm>>
      %dma_start3A_46 = tpu.memref_squeeze %dma_start3A_45 : memref<1x128x64xf32, #tpu.memory_space<hbm>> -> memref<128x64xf32, #tpu.memory_space<hbm>>
      %dma_start3A_47 = arith.constant 0 : i32
      %dma_start3A_48 = tpu.memref_slice %arg6[%arg0, %add3A_44, %dma_start3A_47] : memref<2x10240x64xf32, #tpu.memory_space<hbm>> -> memref<1x128x64xf32, #tpu.memory_space<hbm>>
      %dma_start3A_49 = tpu.memref_squeeze %dma_start3A_48 : memref<1x128x64xf32, #tpu.memory_space<hbm>> -> memref<128x64xf32, #tpu.memory_space<hbm>>
      tpu.enqueue_dma source(%arg9 : memref<128x64xf32, #tpu.memory_space<vmem>>) target(%dma_start3A_49 : memref<128x64xf32, #tpu.memory_space<hbm>>) target_semaphore(%run_scoped3A : memref<!tpu.dma_semaphore, #tpu.memory_space<semaphore_mem>>)
      %dma_wait3A = arith.constant 0 : i32
      %dma_wait3A_50 = tpu.memref_slice %arg6[%arg0, %add3A_44, %dma_wait3A] : memref<2x10240x64xf32, #tpu.memory_space<hbm>> -> memref<1x128x64xf32, #tpu.memory_space<hbm>>
      %dma_wait3A_51 = tpu.memref_squeeze %dma_wait3A_50 : memref<1x128x64xf32, #tpu.memory_space<hbm>> -> memref<128x64xf32, #tpu.memory_space<hbm>>
      %dma_wait3A_52 = arith.constant 0 : i32
      %dma_wait3A_53 = tpu.memref_slice %arg6[%arg0, %add3A_44, %dma_wait3A_52] : memref<2x10240x64xf32, #tpu.memory_space<hbm>> -> memref<1x128x64xf32, #tpu.memory_space<hbm>>
      %dma_wait3A_54 = tpu.memref_squeeze %dma_wait3A_53 : memref<1x128x64xf32, #tpu.memory_space<hbm>> -> memref<128x64xf32, #tpu.memory_space<hbm>>
      tpu.wait_dma2 semaphore(%run_scoped3A : memref<!tpu.dma_semaphore, #tpu.memory_space<semaphore_mem>>) src(%arg9 : memref<128x64xf32, #tpu.memory_space<vmem>>) dst(%dma_wait3A_54 : memref<128x64xf32, #tpu.memory_space<hbm>>)
      tpu.yield
    }) : () -> ()
    return
  }
}

#map = affine_map<(d0, d1) -> (0, 0)>
module attributes {stable_mosaic.version = 14 : i64} {
  func.func @k(%arg0: i32, %arg1: i32, %arg2: memref<20480x16xi32, #tpu.memory_space<hbm>>, %arg3: memref<32x10240xf32, #tpu.memory_space<hbm>>, %arg4: memref<640x16xi32, #tpu.memory_space<vmem>>, %arg5: memref<10240xf32, #tpu.memory_space<vmem>>) attributes {dimension_semantics = [#tpu.dimension_semantics<core_parallel>, #tpu.dimension_semantics<subcore_parallel>], iteration_bounds = array<i64: 2, 16>, scalar_prefetch = 0 : i64, scratch_operands = 2 : i64, tpu.core_type = #tpu.core_type<sc_vector_subcore>, window_params = [{transform_indices = #map}, {transform_indices = #map}]} {
    %mul3A = arith.constant 2 : i32
    %mul3A_0 = arith.muli %arg1, %mul3A : i32
    %add3A = arith.addi %mul3A_0, %arg0 : i32
    %broadcast_in_dim3A = arith.constant 0.000000e+00 : f32
    %broadcast_in_dim3A_1 = vector.broadcast %broadcast_in_dim3A : f32 to vector<16xf32>
    %broadcast_in_dim3A_2 = arith.constant 1.000000e+00 : f32
    %broadcast_in_dim3A_3 = vector.broadcast %broadcast_in_dim3A_2 : f32 to vector<16xf32>
    %scan3A = arith.constant 0 : i32
    %scan3A_4 = arith.constant 0 : i32
    %scan3A_5 = arith.constant 640 : i32
    %scan3A_6 = arith.addi %scan3A_4, %scan3A_5 : i32
    %scan3A_7 = arith.constant 1 : i32
    scf.for %scan3A_17 = %scan3A_4 to %scan3A_6 step %scan3A_7  : i32 {
      %mul3A_18 = arith.constant 16 : i32
      %mul3A_19 = arith.muli %scan3A_17, %mul3A_18 : i32
      %swap3A = arith.index_cast %mul3A_19 : i32 to index
      %swap3A_20 = tpu.vector_load %arg5[%swap3A] {strides = array<i32>} : memref<10240xf32, #tpu.memory_space<vmem>>, vector<16xf32>,
      tpu.vector_store %arg5[%swap3A], %broadcast_in_dim3A_1 {strides = array<i32>} : memref<10240xf32, #tpu.memory_space<vmem>>, vector<16xf32>,
    }
    %scan3A_8 = arith.constant 640 : i32
    %mul3A_9 = arith.constant 640 : i32
    %mul3A_10 = arith.muli %add3A, %mul3A_9 : i32
    "tpu.region"() ({
      %run_scoped3A = tpu.sem_alloc : memref<!tpu.dma_semaphore, #tpu.memory_space<semaphore_mem>>
      %dma_start3A = arith.constant 0 : i32
      %dma_start3A_17 = tpu.memref_slice %arg2[%mul3A_10, %dma_start3A] : memref<20480x16xi32, #tpu.memory_space<hbm>> -> memref<640x16xi32, #tpu.memory_space<hbm>>
      %dma_start3A_18 = arith.constant 0 : i32
      %dma_start3A_19 = tpu.memref_slice %arg2[%mul3A_10, %dma_start3A_18] : memref<20480x16xi32, #tpu.memory_space<hbm>> -> memref<640x16xi32, #tpu.memory_space<hbm>>
      tpu.enqueue_dma source(%dma_start3A_19 : memref<640x16xi32, #tpu.memory_space<hbm>>) target(%arg4 : memref<640x16xi32, #tpu.memory_space<vmem>>) target_semaphore(%run_scoped3A : memref<!tpu.dma_semaphore, #tpu.memory_space<semaphore_mem>>)
      %dma_wait3A = arith.constant 0 : i32
      %dma_wait3A_20 = tpu.memref_slice %arg2[%mul3A_10, %dma_wait3A] : memref<20480x16xi32, #tpu.memory_space<hbm>> -> memref<640x16xi32, #tpu.memory_space<hbm>>
      %dma_wait3A_21 = arith.constant 0 : i32
      %dma_wait3A_22 = tpu.memref_slice %arg2[%mul3A_10, %dma_wait3A_21] : memref<20480x16xi32, #tpu.memory_space<hbm>> -> memref<640x16xi32, #tpu.memory_space<hbm>>
      tpu.wait_dma2 semaphore(%run_scoped3A : memref<!tpu.dma_semaphore, #tpu.memory_space<semaphore_mem>>) src(%dma_wait3A_22 : memref<640x16xi32, #tpu.memory_space<hbm>>) dst(%arg4 : memref<640x16xi32, #tpu.memory_space<vmem>>)
      tpu.yield
    }) : () -> ()
    %scan3A_11 = arith.constant 0 : i32
    %scan3A_12 = arith.constant 0 : i32
    %scan3A_13 = arith.constant 640 : i32
    %scan3A_14 = arith.addi %scan3A_12, %scan3A_13 : i32
    %scan3A_15 = arith.constant 1 : i32
    scf.for %scan3A_17 = %scan3A_12 to %scan3A_14 step %scan3A_15  : i32 {
      %get3A = arith.index_cast %scan3A_17 : i32 to index
      %get3A_18 = arith.constant 0 : index
      %get3A_19 = tpu.vector_load %arg4[%get3A, %get3A_18] {strides = array<i32>} : memref<640x16xi32, #tpu.memory_space<vmem>>, vector<16xi32>,
      tpu.vector_store_idx %arg5[%get3A_19], %broadcast_in_dim3A_3 {add = true} : memref<10240xf32, #tpu.memory_space<vmem>>[vector<16xi32>], vector<16xf32>,
    }
    %scan3A_16 = arith.constant 640 : i32
    "tpu.region"() ({
      %run_scoped3A = tpu.sem_alloc : memref<!tpu.dma_semaphore, #tpu.memory_space<semaphore_mem>>
      %dma_start3A = arith.constant 0 : i32
      %dma_start3A_17 = tpu.memref_slice %arg3[%add3A, %dma_start3A] : memref<32x10240xf32, #tpu.memory_space<hbm>> -> memref<1x10240xf32, #tpu.memory_space<hbm>>
      %dma_start3A_18 = tpu.memref_squeeze %dma_start3A_17 : memref<1x10240xf32, #tpu.memory_space<hbm>> -> memref<10240xf32, #tpu.memory_space<hbm>>
      %dma_start3A_19 = arith.constant 0 : i32
      %dma_start3A_20 = tpu.memref_slice %arg3[%add3A, %dma_start3A_19] : memref<32x10240xf32, #tpu.memory_space<hbm>> -> memref<1x10240xf32, #tpu.memory_space<hbm>>
      %dma_start3A_21 = tpu.memref_squeeze %dma_start3A_20 : memref<1x10240xf32, #tpu.memory_space<hbm>> -> memref<10240xf32, #tpu.memory_space<hbm>>
      tpu.enqueue_dma source(%arg5 : memref<10240xf32, #tpu.memory_space<vmem>>) target(%dma_start3A_21 : memref<10240xf32, #tpu.memory_space<hbm>>) target_semaphore(%run_scoped3A : memref<!tpu.dma_semaphore, #tpu.memory_space<semaphore_mem>>)
      %dma_wait3A = arith.constant 0 : i32
      %dma_wait3A_22 = tpu.memref_slice %arg3[%add3A, %dma_wait3A] : memref<32x10240xf32, #tpu.memory_space<hbm>> -> memref<1x10240xf32, #tpu.memory_space<hbm>>
      %dma_wait3A_23 = tpu.memref_squeeze %dma_wait3A_22 : memref<1x10240xf32, #tpu.memory_space<hbm>> -> memref<10240xf32, #tpu.memory_space<hbm>>
      %dma_wait3A_24 = arith.constant 0 : i32
      %dma_wait3A_25 = tpu.memref_slice %arg3[%add3A, %dma_wait3A_24] : memref<32x10240xf32, #tpu.memory_space<hbm>> -> memref<1x10240xf32, #tpu.memory_space<hbm>>
      %dma_wait3A_26 = tpu.memref_squeeze %dma_wait3A_25 : memref<1x10240xf32, #tpu.memory_space<hbm>> -> memref<10240xf32, #tpu.memory_space<hbm>>
      tpu.wait_dma2 semaphore(%run_scoped3A : memref<!tpu.dma_semaphore, #tpu.memory_space<semaphore_mem>>) src(%arg5 : memref<10240xf32, #tpu.memory_space<vmem>>) dst(%dma_wait3A_26 : memref<10240xf32, #tpu.memory_space<hbm>>)
      tpu.yield
    }) : () -> ()
    return
  }
}

#map = affine_map<(d0, d1) -> (0, 0)>
#map1 = affine_map<(d0, d1) -> (0, 0, 0)>
module attributes {stable_mosaic.version = 14 : i64} {
  func.func @k(%arg0: i32, %arg1: i32, %arg2: memref<10240x64xf32, #tpu.memory_space<hbm>>, %arg3: memref<2560x128xi32, #tpu.memory_space<hbm>>, %arg4: memref<2560x128xi32, #tpu.memory_space<hbm>>, %arg5: memref<128x64xf32, #tpu.memory_space<hbm>>, %arg6: memref<2x10240x64xf32, #tpu.memory_space<hbm>>, %arg7: memref<152x128xi32, #tpu.memory_space<vmem>>, %arg8: memref<152x128xi32, #tpu.memory_space<vmem>>, %arg9: memref<128x64xf32, #tpu.memory_space<vmem>>, %arg10: memref<128x64xf32, #tpu.memory_space<vmem>>, %arg11: memref<128x64xf32, #tpu.memory_space<vmem>>, %arg12: memref<128x64xf32, #tpu.memory_space<vmem>>, %arg13: memref<!tpu.dma_semaphore, #tpu.memory_space<semaphore_mem>>, %arg14: memref<!tpu.dma_semaphore, #tpu.memory_space<semaphore_mem>>, %arg15: memref<!tpu.dma_semaphore, #tpu.memory_space<semaphore_mem>>, %arg16: memref<!tpu.dma_semaphore, #tpu.memory_space<semaphore_mem>>, %arg17: memref<!tpu.dma_semaphore, #tpu.memory_space<semaphore_mem>>, %arg18: memref<!tpu.dma_semaphore, #tpu.memory_space<semaphore_mem>>, %arg19: memref<!tpu.dma_semaphore, #tpu.memory_space<semaphore_mem>>, %arg20: memref<!tpu.dma_semaphore, #tpu.memory_space<semaphore_mem>>, %arg21: memref<10240x64xf32, #tpu.memory_space<vmem_shared>>) attributes {dimension_semantics = [#tpu.dimension_semantics<core_parallel>, #tpu.dimension_semantics<subcore_parallel>], iteration_bounds = array<i64: 2, 16>, scalar_prefetch = 0 : i64, scratch_operands = 15 : i64, tpu.core_type = #tpu.core_type<sc_vector_subcore>, window_params = [{transform_indices = #map}, {transform_indices = #map}, {transform_indices = #map}, {transform_indices = #map}, {transform_indices = #map1}]} {
    "tpu.region"() ({
      %run_scoped3A = tpu.sem_alloc : memref<!tpu.dma_semaphore, #tpu.memory_space<semaphore_mem>>
      tpu.enqueue_dma source(%arg5 : memref<128x64xf32, #tpu.memory_space<hbm>>) target(%arg9 : memref<128x64xf32, #tpu.memory_space<vmem>>) target_semaphore(%run_scoped3A : memref<!tpu.dma_semaphore, #tpu.memory_space<semaphore_mem>>)
      tpu.wait_dma2 semaphore(%run_scoped3A : memref<!tpu.dma_semaphore, #tpu.memory_space<semaphore_mem>>) src(%arg5 : memref<128x64xf32, #tpu.memory_space<hbm>>) dst(%arg9 : memref<128x64xf32, #tpu.memory_space<vmem>>)
      tpu.yield
    }) : () -> ()
    %mul3A = arith.constant 640 : i32
    %mul3A_0 = arith.muli %arg1, %mul3A : i32
    %add3A = arith.constant 0 : i32
    %add3A_1 = arith.addi %mul3A_0, %add3A : i32
    "tpu.region"() ({
      %run_scoped3A = tpu.sem_alloc : memref<!tpu.dma_semaphore, #tpu.memory_space<semaphore_mem>>
      %dma_start3A = arith.constant 0 : i32
      %dma_start3A_45 = tpu.memref_slice %arg21[%add3A_1, %dma_start3A] : memref<10240x64xf32, #tpu.memory_space<vmem_shared>> -> memref<128x64xf32, #tpu.memory_space<vmem_shared>>
      %dma_start3A_46 = arith.constant 0 : i32
      %dma_start3A_47 = tpu.memref_slice %arg21[%add3A_1, %dma_start3A_46] : memref<10240x64xf32, #tpu.memory_space<vmem_shared>> -> memref<128x64xf32, #tpu.memory_space<vmem_shared>>
      tpu.enqueue_dma source(%arg9 : memref<128x64xf32, #tpu.memory_space<vmem>>) target(%dma_start3A_47 : memref<128x64xf32, #tpu.memory_space<vmem_shared>>) target_semaphore(%run_scoped3A : memref<!tpu.dma_semaphore, #tpu.memory_space<semaphore_mem>>)
      %dma_wait3A = arith.constant 0 : i32
      %dma_wait3A_48 = tpu.memref_slice %arg21[%add3A_1, %dma_wait3A] : memref<10240x64xf32, #tpu.memory_space<vmem_shared>> -> memref<128x64xf32, #tpu.memory_space<vmem_shared>>
      %dma_wait3A_49 = arith.constant 0 : i32
      %dma_wait3A_50 = tpu.memref_slice %arg21[%add3A_1, %dma_wait3A_49] : memref<10240x64xf32, #tpu.memory_space<vmem_shared>> -> memref<128x64xf32, #tpu.memory_space<vmem_shared>>
      tpu.wait_dma2 semaphore(%run_scoped3A : memref<!tpu.dma_semaphore, #tpu.memory_space<semaphore_mem>>) src(%arg9 : memref<128x64xf32, #tpu.memory_space<vmem>>) dst(%dma_wait3A_50 : memref<128x64xf32, #tpu.memory_space<vmem_shared>>)
      tpu.yield
    }) : () -> ()
    %mul3A_2 = arith.constant 640 : i32
    %mul3A_3 = arith.muli %arg1, %mul3A_2 : i32
    %add3A_4 = arith.constant 128 : i32
    %add3A_5 = arith.addi %mul3A_3, %add3A_4 : i32
    "tpu.region"() ({
      %run_scoped3A = tpu.sem_alloc : memref<!tpu.dma_semaphore, #tpu.memory_space<semaphore_mem>>
      %dma_start3A = arith.constant 0 : i32
      %dma_start3A_45 = tpu.memref_slice %arg21[%add3A_5, %dma_start3A] : memref<10240x64xf32, #tpu.memory_space<vmem_shared>> -> memref<128x64xf32, #tpu.memory_space<vmem_shared>>
      %dma_start3A_46 = arith.constant 0 : i32
      %dma_start3A_47 = tpu.memref_slice %arg21[%add3A_5, %dma_start3A_46] : memref<10240x64xf32, #tpu.memory_space<vmem_shared>> -> memref<128x64xf32, #tpu.memory_space<vmem_shared>>
      tpu.enqueue_dma source(%arg9 : memref<128x64xf32, #tpu.memory_space<vmem>>) target(%dma_start3A_47 : memref<128x64xf32, #tpu.memory_space<vmem_shared>>) target_semaphore(%run_scoped3A : memref<!tpu.dma_semaphore, #tpu.memory_space<semaphore_mem>>)
      %dma_wait3A = arith.constant 0 : i32
      %dma_wait3A_48 = tpu.memref_slice %arg21[%add3A_5, %dma_wait3A] : memref<10240x64xf32, #tpu.memory_space<vmem_shared>> -> memref<128x64xf32, #tpu.memory_space<vmem_shared>>
      %dma_wait3A_49 = arith.constant 0 : i32
      %dma_wait3A_50 = tpu.memref_slice %arg21[%add3A_5, %dma_wait3A_49] : memref<10240x64xf32, #tpu.memory_space<vmem_shared>> -> memref<128x64xf32, #tpu.memory_space<vmem_shared>>
      tpu.wait_dma2 semaphore(%run_scoped3A : memref<!tpu.dma_semaphore, #tpu.memory_space<semaphore_mem>>) src(%arg9 : memref<128x64xf32, #tpu.memory_space<vmem>>) dst(%dma_wait3A_50 : memref<128x64xf32, #tpu.memory_space<vmem_shared>>)
      tpu.yield
    }) : () -> ()
    %mul3A_6 = arith.constant 640 : i32
    %mul3A_7 = arith.muli %arg1, %mul3A_6 : i32
    %add3A_8 = arith.constant 256 : i32
    %add3A_9 = arith.addi %mul3A_7, %add3A_8 : i32
    "tpu.region"() ({
      %run_scoped3A = tpu.sem_alloc : memref<!tpu.dma_semaphore, #tpu.memory_space<semaphore_mem>>
      %dma_start3A = arith.constant 0 : i32
      %dma_start3A_45 = tpu.memref_slice %arg21[%add3A_9, %dma_start3A] : memref<10240x64xf32, #tpu.memory_space<vmem_shared>> -> memref<128x64xf32, #tpu.memory_space<vmem_shared>>
      %dma_start3A_46 = arith.constant 0 : i32
      %dma_start3A_47 = tpu.memref_slice %arg21[%add3A_9, %dma_start3A_46] : memref<10240x64xf32, #tpu.memory_space<vmem_shared>> -> memref<128x64xf32, #tpu.memory_space<vmem_shared>>
      tpu.enqueue_dma source(%arg9 : memref<128x64xf32, #tpu.memory_space<vmem>>) target(%dma_start3A_47 : memref<128x64xf32, #tpu.memory_space<vmem_shared>>) target_semaphore(%run_scoped3A : memref<!tpu.dma_semaphore, #tpu.memory_space<semaphore_mem>>)
      %dma_wait3A = arith.constant 0 : i32
      %dma_wait3A_48 = tpu.memref_slice %arg21[%add3A_9, %dma_wait3A] : memref<10240x64xf32, #tpu.memory_space<vmem_shared>> -> memref<128x64xf32, #tpu.memory_space<vmem_shared>>
      %dma_wait3A_49 = arith.constant 0 : i32
      %dma_wait3A_50 = tpu.memref_slice %arg21[%add3A_9, %dma_wait3A_49] : memref<10240x64xf32, #tpu.memory_space<vmem_shared>> -> memref<128x64xf32, #tpu.memory_space<vmem_shared>>
      tpu.wait_dma2 semaphore(%run_scoped3A : memref<!tpu.dma_semaphore, #tpu.memory_space<semaphore_mem>>) src(%arg9 : memref<128x64xf32, #tpu.memory_space<vmem>>) dst(%dma_wait3A_50 : memref<128x64xf32, #tpu.memory_space<vmem_shared>>)
      tpu.yield
    }) : () -> ()
    %mul3A_10 = arith.constant 640 : i32
    %mul3A_11 = arith.muli %arg1, %mul3A_10 : i32
    %add3A_12 = arith.constant 384 : i32
    %add3A_13 = arith.addi %mul3A_11, %add3A_12 : i32
    "tpu.region"() ({
      %run_scoped3A = tpu.sem_alloc : memref<!tpu.dma_semaphore, #tpu.memory_space<semaphore_mem>>
      %dma_start3A = arith.constant 0 : i32
      %dma_start3A_45 = tpu.memref_slice %arg21[%add3A_13, %dma_start3A] : memref<10240x64xf32, #tpu.memory_space<vmem_shared>> -> memref<128x64xf32, #tpu.memory_space<vmem_shared>>
      %dma_start3A_46 = arith.constant 0 : i32
      %dma_start3A_47 = tpu.memref_slice %arg21[%add3A_13, %dma_start3A_46] : memref<10240x64xf32, #tpu.memory_space<vmem_shared>> -> memref<128x64xf32, #tpu.memory_space<vmem_shared>>
      tpu.enqueue_dma source(%arg9 : memref<128x64xf32, #tpu.memory_space<vmem>>) target(%dma_start3A_47 : memref<128x64xf32, #tpu.memory_space<vmem_shared>>) target_semaphore(%run_scoped3A : memref<!tpu.dma_semaphore, #tpu.memory_space<semaphore_mem>>)
      %dma_wait3A = arith.constant 0 : i32
      %dma_wait3A_48 = tpu.memref_slice %arg21[%add3A_13, %dma_wait3A] : memref<10240x64xf32, #tpu.memory_space<vmem_shared>> -> memref<128x64xf32, #tpu.memory_space<vmem_shared>>
      %dma_wait3A_49 = arith.constant 0 : i32
      %dma_wait3A_50 = tpu.memref_slice %arg21[%add3A_13, %dma_wait3A_49] : memref<10240x64xf32, #tpu.memory_space<vmem_shared>> -> memref<128x64xf32, #tpu.memory_space<vmem_shared>>
      tpu.wait_dma2 semaphore(%run_scoped3A : memref<!tpu.dma_semaphore, #tpu.memory_space<semaphore_mem>>) src(%arg9 : memref<128x64xf32, #tpu.memory_space<vmem>>) dst(%dma_wait3A_50 : memref<128x64xf32, #tpu.memory_space<vmem_shared>>)
      tpu.yield
    }) : () -> ()
    %mul3A_14 = arith.constant 640 : i32
    %mul3A_15 = arith.muli %arg1, %mul3A_14 : i32
    %add3A_16 = arith.constant 512 : i32
    %add3A_17 = arith.addi %mul3A_15, %add3A_16 : i32
    "tpu.region"() ({
      %run_scoped3A = tpu.sem_alloc : memref<!tpu.dma_semaphore, #tpu.memory_space<semaphore_mem>>
      %dma_start3A = arith.constant 0 : i32
      %dma_start3A_45 = tpu.memref_slice %arg21[%add3A_17, %dma_start3A] : memref<10240x64xf32, #tpu.memory_space<vmem_shared>> -> memref<128x64xf32, #tpu.memory_space<vmem_shared>>
      %dma_start3A_46 = arith.constant 0 : i32
      %dma_start3A_47 = tpu.memref_slice %arg21[%add3A_17, %dma_start3A_46] : memref<10240x64xf32, #tpu.memory_space<vmem_shared>> -> memref<128x64xf32, #tpu.memory_space<vmem_shared>>
      tpu.enqueue_dma source(%arg9 : memref<128x64xf32, #tpu.memory_space<vmem>>) target(%dma_start3A_47 : memref<128x64xf32, #tpu.memory_space<vmem_shared>>) target_semaphore(%run_scoped3A : memref<!tpu.dma_semaphore, #tpu.memory_space<semaphore_mem>>)
      %dma_wait3A = arith.constant 0 : i32
      %dma_wait3A_48 = tpu.memref_slice %arg21[%add3A_17, %dma_wait3A] : memref<10240x64xf32, #tpu.memory_space<vmem_shared>> -> memref<128x64xf32, #tpu.memory_space<vmem_shared>>
      %dma_wait3A_49 = arith.constant 0 : i32
      %dma_wait3A_50 = tpu.memref_slice %arg21[%add3A_17, %dma_wait3A_49] : memref<10240x64xf32, #tpu.memory_space<vmem_shared>> -> memref<128x64xf32, #tpu.memory_space<vmem_shared>>
      tpu.wait_dma2 semaphore(%run_scoped3A : memref<!tpu.dma_semaphore, #tpu.memory_space<semaphore_mem>>) src(%arg9 : memref<128x64xf32, #tpu.memory_space<vmem>>) dst(%dma_wait3A_50 : memref<128x64xf32, #tpu.memory_space<vmem_shared>>)
      tpu.yield
    }) : () -> ()
    %eq3A = arith.constant 0 : i32
    %eq3A_18 = arith.cmpi eq, %arg0, %eq3A : i32
    %convert_element_type3A = arith.extui %eq3A_18 : i1 to i32
    %cond3A = arith.constant 0 : i32
    %cond3A_19 = arith.cmpi ne, %convert_element_type3A, %cond3A : i32
    scf.if %cond3A_19 {
      %mul3A_45 = arith.constant 152 : i32
      %mul3A_46 = arith.muli %arg1, %mul3A_45 : i32
      "tpu.region"() ({
        %run_scoped3A = tpu.sem_alloc : memref<!tpu.dma_semaphore, #tpu.memory_space<semaphore_mem>>
        %dma_start3A = arith.constant 0 : i32
        %dma_start3A_79 = arith.constant 0 : i32
        %dma_start3A_80 = tpu.memref_slice %arg7[%dma_start3A, %dma_start3A_79] : memref<152x128xi32, #tpu.memory_space<vmem>> -> memref<152x128xi32, #tpu.memory_space<vmem>>
        %dma_start3A_81 = arith.constant 0 : i32
        %dma_start3A_82 = tpu.memref_slice %arg3[%mul3A_46, %dma_start3A_81] : memref<2560x128xi32, #tpu.memory_space<hbm>> -> memref<152x128xi32, #tpu.memory_space<hbm>>
        %dma_start3A_83 = arith.constant 0 : i32
        %dma_start3A_84 = arith.constant 0 : i32
        %dma_start3A_85 = tpu.memref_slice %arg7[%dma_start3A_83, %dma_start3A_84] : memref<152x128xi32, #tpu.memory_space<vmem>> -> memref<152x128xi32, #tpu.memory_space<vmem>>
        %dma_start3A_86 = arith.constant 0 : i32
        %dma_start3A_87 = tpu.memref_slice %arg3[%mul3A_46, %dma_start3A_86] : memref<2560x128xi32, #tpu.memory_space<hbm>> -> memref<152x128xi32, #tpu.memory_space<hbm>>
        tpu.enqueue_dma source(%dma_start3A_87 : memref<152x128xi32, #tpu.memory_space<hbm>>) target(%dma_start3A_85 : memref<152x128xi32, #tpu.memory_space<vmem>>) target_semaphore(%run_scoped3A : memref<!tpu.dma_semaphore, #tpu.memory_space<semaphore_mem>>)
        %dma_wait3A_88 = arith.constant 0 : i32
        %dma_wait3A_89 = arith.constant 0 : i32
        %dma_wait3A_90 = tpu.memref_slice %arg7[%dma_wait3A_88, %dma_wait3A_89] : memref<152x128xi32, #tpu.memory_space<vmem>> -> memref<152x128xi32, #tpu.memory_space<vmem>>
        %dma_wait3A_91 = arith.constant 0 : i32
        %dma_wait3A_92 = tpu.memref_slice %arg3[%mul3A_46, %dma_wait3A_91] : memref<2560x128xi32, #tpu.memory_space<hbm>> -> memref<152x128xi32, #tpu.memory_space<hbm>>
        %dma_wait3A_93 = arith.constant 0 : i32
        %dma_wait3A_94 = arith.constant 0 : i32
        %dma_wait3A_95 = tpu.memref_slice %arg7[%dma_wait3A_93, %dma_wait3A_94] : memref<152x128xi32, #tpu.memory_space<vmem>> -> memref<152x128xi32, #tpu.memory_space<vmem>>
        %dma_wait3A_96 = arith.constant 0 : i32
        %dma_wait3A_97 = tpu.memref_slice %arg3[%mul3A_46, %dma_wait3A_96] : memref<2560x128xi32, #tpu.memory_space<hbm>> -> memref<152x128xi32, #tpu.memory_space<hbm>>
        tpu.wait_dma2 semaphore(%run_scoped3A : memref<!tpu.dma_semaphore, #tpu.memory_space<semaphore_mem>>) src(%dma_wait3A_97 : memref<152x128xi32, #tpu.memory_space<hbm>>) dst(%dma_wait3A_95 : memref<152x128xi32, #tpu.memory_space<vmem>>)
        tpu.yield
      }) : () -> ()
      "tpu.region"() ({
        %run_scoped3A = tpu.sem_alloc : memref<!tpu.dma_semaphore, #tpu.memory_space<semaphore_mem>>
        %dma_start3A = arith.constant 0 : i32
        %dma_start3A_79 = arith.constant 0 : i32
        %dma_start3A_80 = tpu.memref_slice %arg8[%dma_start3A, %dma_start3A_79] : memref<152x128xi32, #tpu.memory_space<vmem>> -> memref<152x128xi32, #tpu.memory_space<vmem>>
        %dma_start3A_81 = arith.constant 0 : i32
        %dma_start3A_82 = tpu.memref_slice %arg4[%mul3A_46, %dma_start3A_81] : memref<2560x128xi32, #tpu.memory_space<hbm>> -> memref<152x128xi32, #tpu.memory_space<hbm>>
        %dma_start3A_83 = arith.constant 0 : i32
        %dma_start3A_84 = arith.constant 0 : i32
        %dma_start3A_85 = tpu.memref_slice %arg8[%dma_start3A_83, %dma_start3A_84] : memref<152x128xi32, #tpu.memory_space<vmem>> -> memref<152x128xi32, #tpu.memory_space<vmem>>
        %dma_start3A_86 = arith.constant 0 : i32
        %dma_start3A_87 = tpu.memref_slice %arg4[%mul3A_46, %dma_start3A_86] : memref<2560x128xi32, #tpu.memory_space<hbm>> -> memref<152x128xi32, #tpu.memory_space<hbm>>
        tpu.enqueue_dma source(%dma_start3A_87 : memref<152x128xi32, #tpu.memory_space<hbm>>) target(%dma_start3A_85 : memref<152x128xi32, #tpu.memory_space<vmem>>) target_semaphore(%run_scoped3A : memref<!tpu.dma_semaphore, #tpu.memory_space<semaphore_mem>>)
        %dma_wait3A_88 = arith.constant 0 : i32
        %dma_wait3A_89 = arith.constant 0 : i32
        %dma_wait3A_90 = tpu.memref_slice %arg8[%dma_wait3A_88, %dma_wait3A_89] : memref<152x128xi32, #tpu.memory_space<vmem>> -> memref<152x128xi32, #tpu.memory_space<vmem>>
        %dma_wait3A_91 = arith.constant 0 : i32
        %dma_wait3A_92 = tpu.memref_slice %arg4[%mul3A_46, %dma_wait3A_91] : memref<2560x128xi32, #tpu.memory_space<hbm>> -> memref<152x128xi32, #tpu.memory_space<hbm>>
        %dma_wait3A_93 = arith.constant 0 : i32
        %dma_wait3A_94 = arith.constant 0 : i32
        %dma_wait3A_95 = tpu.memref_slice %arg8[%dma_wait3A_93, %dma_wait3A_94] : memref<152x128xi32, #tpu.memory_space<vmem>> -> memref<152x128xi32, #tpu.memory_space<vmem>>
        %dma_wait3A_96 = arith.constant 0 : i32
        %dma_wait3A_97 = tpu.memref_slice %arg4[%mul3A_46, %dma_wait3A_96] : memref<2560x128xi32, #tpu.memory_space<hbm>> -> memref<152x128xi32, #tpu.memory_space<hbm>>
        tpu.wait_dma2 semaphore(%run_scoped3A : memref<!tpu.dma_semaphore, #tpu.memory_space<semaphore_mem>>) src(%dma_wait3A_97 : memref<152x128xi32, #tpu.memory_space<hbm>>) dst(%dma_wait3A_95 : memref<152x128xi32, #tpu.memory_space<vmem>>)
        tpu.yield
      }) : () -> ()
      %scan3A = arith.constant 0 : i32
      %scan3A_47 = arith.constant 0 : i32
      %scan3A_48 = arith.constant 38 : i32
      %scan3A_49 = arith.addi %scan3A_47, %scan3A_48 : i32
      %scan3A_50 = arith.constant 1 : i32
      scf.for %scan3A_79 = %scan3A_47 to %scan3A_49 step %scan3A_50  : i32 {
        %gt3A = arith.constant 0 : i32
        %gt3A_80 = arith.cmpi sgt, %scan3A_79, %gt3A : i32
        %convert_element_type3A_81 = arith.extui %gt3A_80 : i1 to i32
        %cond3A_82 = arith.constant 0 : i32
        %cond3A_83 = arith.cmpi ne, %convert_element_type3A_81, %cond3A_82 : i32
        scf.if %cond3A_83 {
          %dma_wait3A_202 = arith.constant 0 : i32
          %dma_wait3A_203 = arith.constant 0 : i32
          %dma_wait3A_204 = tpu.memref_slice %arg8[%dma_wait3A_202, %dma_wait3A_203] : memref<152x128xi32, #tpu.memory_space<vmem>> -> memref<1x128xi32, #tpu.memory_space<vmem>>
          %dma_wait3A_205 = tpu.memref_squeeze %dma_wait3A_204 : memref<1x128xi32, #tpu.memory_space<vmem>> -> memref<128xi32, #tpu.memory_space<vmem>>
          %dma_wait3A_206 = arith.constant 0 : i32
          %dma_wait3A_207 = arith.constant 0 : i32
          %dma_wait3A_208 = tpu.memref_slice %arg21[%dma_wait3A_206, %dma_wait3A_207] : memref<10240x64xf32, #tpu.memory_space<vmem_shared>> -> memref<10240x64xf32, #tpu.memory_space<vmem_shared>>
          tpu.wait_indirect_dma semaphore(%arg17 : memref<!tpu.dma_semaphore, #tpu.memory_space<semaphore_mem>>) src(%arg9 : memref<128x64xf32, #tpu.memory_space<vmem>>) dst(%dma_wait3A_208 : memref<10240x64xf32, #tpu.memory_space<vmem_shared>>)
        } else {
        }
        %mul3A_84 = arith.constant 4 : i32
        %mul3A_85 = arith.muli %mul3A_84, %scan3A_79 : i32
        %add3A_86 = arith.constant 0 : i32
        %add3A_87 = arith.addi %mul3A_85, %add3A_86 : i32
        %dma_start3A = arith.constant 0 : i32
        %dma_start3A_88 = tpu.memref_slice %arg7[%add3A_87, %dma_start3A] : memref<152x128xi32, #tpu.memory_space<vmem>> -> memref<1x128xi32, #tpu.memory_space<vmem>>
        %dma_start3A_89 = tpu.memref_squeeze %dma_start3A_88 : memref<1x128xi32, #tpu.memory_space<vmem>> -> memref<128xi32, #tpu.memory_space<vmem>>
        %dma_start3A_90 = arith.constant 0 : i32
        %dma_start3A_91 = arith.constant 0 : i32
        %dma_start3A_92 = tpu.memref_slice %arg2[%dma_start3A_90, %dma_start3A_91] : memref<10240x64xf32, #tpu.memory_space<hbm>> -> memref<10240x64xf32, #tpu.memory_space<hbm>>
        tpu.enqueue_indirect_dma source(%dma_start3A_92 : memref<10240x64xf32, #tpu.memory_space<hbm>>) target(%arg9 : memref<128x64xf32, #tpu.memory_space<vmem>>) offsets(%dma_start3A_89 : memref<128xi32, #tpu.memory_space<vmem>>) semaphore(%arg13 : memref<!tpu.dma_semaphore, #tpu.memory_space<semaphore_mem>>)
        %gt3A_93 = arith.constant 0 : i32
        %gt3A_94 = arith.cmpi sgt, %scan3A_79, %gt3A_93 : i32
        %convert_element_type3A_95 = arith.extui %gt3A_94 : i1 to i32
        %cond3A_96 = arith.constant 0 : i32
        %cond3A_97 = arith.cmpi ne, %convert_element_type3A_95, %cond3A_96 : i32
        scf.if %cond3A_97 {
          %dma_wait3A_202 = arith.constant 0 : i32
          %dma_wait3A_203 = arith.constant 0 : i32
          %dma_wait3A_204 = tpu.memref_slice %arg8[%dma_wait3A_202, %dma_wait3A_203] : memref<152x128xi32, #tpu.memory_space<vmem>> -> memref<1x128xi32, #tpu.memory_space<vmem>>
          %dma_wait3A_205 = tpu.memref_squeeze %dma_wait3A_204 : memref<1x128xi32, #tpu.memory_space<vmem>> -> memref<128xi32, #tpu.memory_space<vmem>>
          %dma_wait3A_206 = arith.constant 0 : i32
          %dma_wait3A_207 = arith.constant 0 : i32
          %dma_wait3A_208 = tpu.memref_slice %arg21[%dma_wait3A_206, %dma_wait3A_207] : memref<10240x64xf32, #tpu.memory_space<vmem_shared>> -> memref<10240x64xf32, #tpu.memory_space<vmem_shared>>
          tpu.wait_indirect_dma semaphore(%arg18 : memref<!tpu.dma_semaphore, #tpu.memory_space<semaphore_mem>>) src(%arg10 : memref<128x64xf32, #tpu.memory_space<vmem>>) dst(%dma_wait3A_208 : memref<10240x64xf32, #tpu.memory_space<vmem_shared>>)
        } else {
        }
        %mul3A_98 = arith.constant 4 : i32
        %mul3A_99 = arith.muli %mul3A_98, %scan3A_79 : i32
        %add3A_100 = arith.constant 1 : i32
        %add3A_101 = arith.addi %mul3A_99, %add3A_100 : i32
        %dma_start3A_102 = arith.constant 0 : i32
        %dma_start3A_103 = tpu.memref_slice %arg7[%add3A_101, %dma_start3A_102] : memref<152x128xi32, #tpu.memory_space<vmem>> -> memref<1x128xi32, #tpu.memory_space<vmem>>
        %dma_start3A_104 = tpu.memref_squeeze %dma_start3A_103 : memref<1x128xi32, #tpu.memory_space<vmem>> -> memref<128xi32, #tpu.memory_space<vmem>>
        %dma_start3A_105 = arith.constant 0 : i32
        %dma_start3A_106 = arith.constant 0 : i32
        %dma_start3A_107 = tpu.memref_slice %arg2[%dma_start3A_105, %dma_start3A_106] : memref<10240x64xf32, #tpu.memory_space<hbm>> -> memref<10240x64xf32, #tpu.memory_space<hbm>>
        tpu.enqueue_indirect_dma source(%dma_start3A_107 : memref<10240x64xf32, #tpu.memory_space<hbm>>) target(%arg10 : memref<128x64xf32, #tpu.memory_space<vmem>>) offsets(%dma_start3A_104 : memref<128xi32, #tpu.memory_space<vmem>>) semaphore(%arg14 : memref<!tpu.dma_semaphore, #tpu.memory_space<semaphore_mem>>)
        %gt3A_108 = arith.constant 0 : i32
        %gt3A_109 = arith.cmpi sgt, %scan3A_79, %gt3A_108 : i32
        %convert_element_type3A_110 = arith.extui %gt3A_109 : i1 to i32
        %cond3A_111 = arith.constant 0 : i32
        %cond3A_112 = arith.cmpi ne, %convert_element_type3A_110, %cond3A_111 : i32
        scf.if %cond3A_112 {
          %dma_wait3A_202 = arith.constant 0 : i32
          %dma_wait3A_203 = arith.constant 0 : i32
          %dma_wait3A_204 = tpu.memref_slice %arg8[%dma_wait3A_202, %dma_wait3A_203] : memref<152x128xi32, #tpu.memory_space<vmem>> -> memref<1x128xi32, #tpu.memory_space<vmem>>
          %dma_wait3A_205 = tpu.memref_squeeze %dma_wait3A_204 : memref<1x128xi32, #tpu.memory_space<vmem>> -> memref<128xi32, #tpu.memory_space<vmem>>
          %dma_wait3A_206 = arith.constant 0 : i32
          %dma_wait3A_207 = arith.constant 0 : i32
          %dma_wait3A_208 = tpu.memref_slice %arg21[%dma_wait3A_206, %dma_wait3A_207] : memref<10240x64xf32, #tpu.memory_space<vmem_shared>> -> memref<10240x64xf32, #tpu.memory_space<vmem_shared>>
          tpu.wait_indirect_dma semaphore(%arg19 : memref<!tpu.dma_semaphore, #tpu.memory_space<semaphore_mem>>) src(%arg11 : memref<128x64xf32, #tpu.memory_space<vmem>>) dst(%dma_wait3A_208 : memref<10240x64xf32, #tpu.memory_space<vmem_shared>>)
        } else {
        }
        %mul3A_113 = arith.constant 4 : i32
        %mul3A_114 = arith.muli %mul3A_113, %scan3A_79 : i32
        %add3A_115 = arith.constant 2 : i32
        %add3A_116 = arith.addi %mul3A_114, %add3A_115 : i32
        %dma_start3A_117 = arith.constant 0 : i32
        %dma_start3A_118 = tpu.memref_slice %arg7[%add3A_116, %dma_start3A_117] : memref<152x128xi32, #tpu.memory_space<vmem>> -> memref<1x128xi32, #tpu.memory_space<vmem>>
        %dma_start3A_119 = tpu.memref_squeeze %dma_start3A_118 : memref<1x128xi32, #tpu.memory_space<vmem>> -> memref<128xi32, #tpu.memory_space<vmem>>
        %dma_start3A_120 = arith.constant 0 : i32
        %dma_start3A_121 = arith.constant 0 : i32
        %dma_start3A_122 = tpu.memref_slice %arg2[%dma_start3A_120, %dma_start3A_121] : memref<10240x64xf32, #tpu.memory_space<hbm>> -> memref<10240x64xf32, #tpu.memory_space<hbm>>
        tpu.enqueue_indirect_dma source(%dma_start3A_122 : memref<10240x64xf32, #tpu.memory_space<hbm>>) target(%arg11 : memref<128x64xf32, #tpu.memory_space<vmem>>) offsets(%dma_start3A_119 : memref<128xi32, #tpu.memory_space<vmem>>) semaphore(%arg15 : memref<!tpu.dma_semaphore, #tpu.memory_space<semaphore_mem>>)
        %gt3A_123 = arith.constant 0 : i32
        %gt3A_124 = arith.cmpi sgt, %scan3A_79, %gt3A_123 : i32
        %convert_element_type3A_125 = arith.extui %gt3A_124 : i1 to i32
        %cond3A_126 = arith.constant 0 : i32
        %cond3A_127 = arith.cmpi ne, %convert_element_type3A_125, %cond3A_126 : i32
        scf.if %cond3A_127 {
          %dma_wait3A_202 = arith.constant 0 : i32
          %dma_wait3A_203 = arith.constant 0 : i32
          %dma_wait3A_204 = tpu.memref_slice %arg8[%dma_wait3A_202, %dma_wait3A_203] : memref<152x128xi32, #tpu.memory_space<vmem>> -> memref<1x128xi32, #tpu.memory_space<vmem>>
          %dma_wait3A_205 = tpu.memref_squeeze %dma_wait3A_204 : memref<1x128xi32, #tpu.memory_space<vmem>> -> memref<128xi32, #tpu.memory_space<vmem>>
          %dma_wait3A_206 = arith.constant 0 : i32
          %dma_wait3A_207 = arith.constant 0 : i32
          %dma_wait3A_208 = tpu.memref_slice %arg21[%dma_wait3A_206, %dma_wait3A_207] : memref<10240x64xf32, #tpu.memory_space<vmem_shared>> -> memref<10240x64xf32, #tpu.memory_space<vmem_shared>>
          tpu.wait_indirect_dma semaphore(%arg20 : memref<!tpu.dma_semaphore, #tpu.memory_space<semaphore_mem>>) src(%arg12 : memref<128x64xf32, #tpu.memory_space<vmem>>) dst(%dma_wait3A_208 : memref<10240x64xf32, #tpu.memory_space<vmem_shared>>)
        } else {
        }
        %mul3A_128 = arith.constant 4 : i32
        %mul3A_129 = arith.muli %mul3A_128, %scan3A_79 : i32
        %add3A_130 = arith.constant 3 : i32
        %add3A_131 = arith.addi %mul3A_129, %add3A_130 : i32
        %dma_start3A_132 = arith.constant 0 : i32
        %dma_start3A_133 = tpu.memref_slice %arg7[%add3A_131, %dma_start3A_132] : memref<152x128xi32, #tpu.memory_space<vmem>> -> memref<1x128xi32, #tpu.memory_space<vmem>>
        %dma_start3A_134 = tpu.memref_squeeze %dma_start3A_133 : memref<1x128xi32, #tpu.memory_space<vmem>> -> memref<128xi32, #tpu.memory_space<vmem>>
        %dma_start3A_135 = arith.constant 0 : i32
        %dma_start3A_136 = arith.constant 0 : i32
        %dma_start3A_137 = tpu.memref_slice %arg2[%dma_start3A_135, %dma_start3A_136] : memref<10240x64xf32, #tpu.memory_space<hbm>> -> memref<10240x64xf32, #tpu.memory_space<hbm>>
        tpu.enqueue_indirect_dma source(%dma_start3A_137 : memref<10240x64xf32, #tpu.memory_space<hbm>>) target(%arg12 : memref<128x64xf32, #tpu.memory_space<vmem>>) offsets(%dma_start3A_134 : memref<128xi32, #tpu.memory_space<vmem>>) semaphore(%arg16 : memref<!tpu.dma_semaphore, #tpu.memory_space<semaphore_mem>>)
        %dma_wait3A_138 = arith.constant 0 : i32
        %dma_wait3A_139 = arith.constant 0 : i32
        %dma_wait3A_140 = tpu.memref_slice %arg2[%dma_wait3A_138, %dma_wait3A_139] : memref<10240x64xf32, #tpu.memory_space<hbm>> -> memref<128x64xf32, #tpu.memory_space<hbm>>
        %dma_wait3A_141 = arith.constant 0 : i32
        %dma_wait3A_142 = arith.constant 0 : i32
        %dma_wait3A_143 = tpu.memref_slice %arg2[%dma_wait3A_141, %dma_wait3A_142] : memref<10240x64xf32, #tpu.memory_space<hbm>> -> memref<128x64xf32, #tpu.memory_space<hbm>>
        tpu.wait_dma2 semaphore(%arg13 : memref<!tpu.dma_semaphore, #tpu.memory_space<semaphore_mem>>) src(%dma_wait3A_143 : memref<128x64xf32, #tpu.memory_space<hbm>>) dst(%arg9 : memref<128x64xf32, #tpu.memory_space<vmem>>)
        %mul3A_144 = arith.constant 4 : i32
        %mul3A_145 = arith.muli %mul3A_144, %scan3A_79 : i32
        %add3A_146 = arith.constant 0 : i32
        %add3A_147 = arith.addi %mul3A_145, %add3A_146 : i32
        %dma_start3A_148 = arith.constant 0 : i32
        %dma_start3A_149 = tpu.memref_slice %arg8[%add3A_147, %dma_start3A_148] : memref<152x128xi32, #tpu.memory_space<vmem>> -> memref<1x128xi32, #tpu.memory_space<vmem>>
        %dma_start3A_150 = tpu.memref_squeeze %dma_start3A_149 : memref<1x128xi32, #tpu.memory_space<vmem>> -> memref<128xi32, #tpu.memory_space<vmem>>
        %dma_start3A_151 = arith.constant 0 : i32
        %dma_start3A_152 = arith.constant 0 : i32
        %dma_start3A_153 = tpu.memref_slice %arg21[%dma_start3A_151, %dma_start3A_152] : memref<10240x64xf32, #tpu.memory_space<vmem_shared>> -> memref<10240x64xf32, #tpu.memory_space<vmem_shared>>
        tpu.enqueue_indirect_dma source(%arg9 : memref<128x64xf32, #tpu.memory_space<vmem>>) target(%dma_start3A_153 : memref<10240x64xf32, #tpu.memory_space<vmem_shared>>) offsets(%dma_start3A_150 : memref<128xi32, #tpu.memory_space<vmem>>) semaphore(%arg17 : memref<!tpu.dma_semaphore, #tpu.memory_space<semaphore_mem>>) {add = true}
        %dma_wait3A_154 = arith.constant 0 : i32
        %dma_wait3A_155 = arith.constant 0 : i32
        %dma_wait3A_156 = tpu.memref_slice %arg2[%dma_wait3A_154, %dma_wait3A_155] : memref<10240x64xf32, #tpu.memory_space<hbm>> -> memref<128x64xf32, #tpu.memory_space<hbm>>
        %dma_wait3A_157 = arith.constant 0 : i32
        %dma_wait3A_158 = arith.constant 0 : i32
        %dma_wait3A_159 = tpu.memref_slice %arg2[%dma_wait3A_157, %dma_wait3A_158] : memref<10240x64xf32, #tpu.memory_space<hbm>> -> memref<128x64xf32, #tpu.memory_space<hbm>>
        tpu.wait_dma2 semaphore(%arg14 : memref<!tpu.dma_semaphore, #tpu.memory_space<semaphore_mem>>) src(%dma_wait3A_159 : memref<128x64xf32, #tpu.memory_space<hbm>>) dst(%arg10 : memref<128x64xf32, #tpu.memory_space<vmem>>)
        %mul3A_160 = arith.constant 4 : i32
        %mul3A_161 = arith.muli %mul3A_160, %scan3A_79 : i32
        %add3A_162 = arith.constant 1 : i32
        %add3A_163 = arith.addi %mul3A_161, %add3A_162 : i32
        %dma_start3A_164 = arith.constant 0 : i32
        %dma_start3A_165 = tpu.memref_slice %arg8[%add3A_163, %dma_start3A_164] : memref<152x128xi32, #tpu.memory_space<vmem>> -> memref<1x128xi32, #tpu.memory_space<vmem>>
        %dma_start3A_166 = tpu.memref_squeeze %dma_start3A_165 : memref<1x128xi32, #tpu.memory_space<vmem>> -> memref<128xi32, #tpu.memory_space<vmem>>
        %dma_start3A_167 = arith.constant 0 : i32
        %dma_start3A_168 = arith.constant 0 : i32
        %dma_start3A_169 = tpu.memref_slice %arg21[%dma_start3A_167, %dma_start3A_168] : memref<10240x64xf32, #tpu.memory_space<vmem_shared>> -> memref<10240x64xf32, #tpu.memory_space<vmem_shared>>
        tpu.enqueue_indirect_dma source(%arg10 : memref<128x64xf32, #tpu.memory_space<vmem>>) target(%dma_start3A_169 : memref<10240x64xf32, #tpu.memory_space<vmem_shared>>) offsets(%dma_start3A_166 : memref<128xi32, #tpu.memory_space<vmem>>) semaphore(%arg18 : memref<!tpu.dma_semaphore, #tpu.memory_space<semaphore_mem>>) {add = true}
        %dma_wait3A_170 = arith.constant 0 : i32
        %dma_wait3A_171 = arith.constant 0 : i32
        %dma_wait3A_172 = tpu.memref_slice %arg2[%dma_wait3A_170, %dma_wait3A_171] : memref<10240x64xf32, #tpu.memory_space<hbm>> -> memref<128x64xf32, #tpu.memory_space<hbm>>
        %dma_wait3A_173 = arith.constant 0 : i32
        %dma_wait3A_174 = arith.constant 0 : i32
        %dma_wait3A_175 = tpu.memref_slice %arg2[%dma_wait3A_173, %dma_wait3A_174] : memref<10240x64xf32, #tpu.memory_space<hbm>> -> memref<128x64xf32, #tpu.memory_space<hbm>>
        tpu.wait_dma2 semaphore(%arg15 : memref<!tpu.dma_semaphore, #tpu.memory_space<semaphore_mem>>) src(%dma_wait3A_175 : memref<128x64xf32, #tpu.memory_space<hbm>>) dst(%arg11 : memref<128x64xf32, #tpu.memory_space<vmem>>)
        %mul3A_176 = arith.constant 4 : i32
        %mul3A_177 = arith.muli %mul3A_176, %scan3A_79 : i32
        %add3A_178 = arith.constant 2 : i32
        %add3A_179 = arith.addi %mul3A_177, %add3A_178 : i32
        %dma_start3A_180 = arith.constant 0 : i32
        %dma_start3A_181 = tpu.memref_slice %arg8[%add3A_179, %dma_start3A_180] : memref<152x128xi32, #tpu.memory_space<vmem>> -> memref<1x128xi32, #tpu.memory_space<vmem>>
        %dma_start3A_182 = tpu.memref_squeeze %dma_start3A_181 : memref<1x128xi32, #tpu.memory_space<vmem>> -> memref<128xi32, #tpu.memory_space<vmem>>
        %dma_start3A_183 = arith.constant 0 : i32
        %dma_start3A_184 = arith.constant 0 : i32
        %dma_start3A_185 = tpu.memref_slice %arg21[%dma_start3A_183, %dma_start3A_184] : memref<10240x64xf32, #tpu.memory_space<vmem_shared>> -> memref<10240x64xf32, #tpu.memory_space<vmem_shared>>
        tpu.enqueue_indirect_dma source(%arg11 : memref<128x64xf32, #tpu.memory_space<vmem>>) target(%dma_start3A_185 : memref<10240x64xf32, #tpu.memory_space<vmem_shared>>) offsets(%dma_start3A_182 : memref<128xi32, #tpu.memory_space<vmem>>) semaphore(%arg19 : memref<!tpu.dma_semaphore, #tpu.memory_space<semaphore_mem>>) {add = true}
        %dma_wait3A_186 = arith.constant 0 : i32
        %dma_wait3A_187 = arith.constant 0 : i32
        %dma_wait3A_188 = tpu.memref_slice %arg2[%dma_wait3A_186, %dma_wait3A_187] : memref<10240x64xf32, #tpu.memory_space<hbm>> -> memref<128x64xf32, #tpu.memory_space<hbm>>
        %dma_wait3A_189 = arith.constant 0 : i32
        %dma_wait3A_190 = arith.constant 0 : i32
        %dma_wait3A_191 = tpu.memref_slice %arg2[%dma_wait3A_189, %dma_wait3A_190] : memref<10240x64xf32, #tpu.memory_space<hbm>> -> memref<128x64xf32, #tpu.memory_space<hbm>>
        tpu.wait_dma2 semaphore(%arg16 : memref<!tpu.dma_semaphore, #tpu.memory_space<semaphore_mem>>) src(%dma_wait3A_191 : memref<128x64xf32, #tpu.memory_space<hbm>>) dst(%arg12 : memref<128x64xf32, #tpu.memory_space<vmem>>)
        %mul3A_192 = arith.constant 4 : i32
        %mul3A_193 = arith.muli %mul3A_192, %scan3A_79 : i32
        %add3A_194 = arith.constant 3 : i32
        %add3A_195 = arith.addi %mul3A_193, %add3A_194 : i32
        %dma_start3A_196 = arith.constant 0 : i32
        %dma_start3A_197 = tpu.memref_slice %arg8[%add3A_195, %dma_start3A_196] : memref<152x128xi32, #tpu.memory_space<vmem>> -> memref<1x128xi32, #tpu.memory_space<vmem>>
        %dma_start3A_198 = tpu.memref_squeeze %dma_start3A_197 : memref<1x128xi32, #tpu.memory_space<vmem>> -> memref<128xi32, #tpu.memory_space<vmem>>
        %dma_start3A_199 = arith.constant 0 : i32
        %dma_start3A_200 = arith.constant 0 : i32
        %dma_start3A_201 = tpu.memref_slice %arg21[%dma_start3A_199, %dma_start3A_200] : memref<10240x64xf32, #tpu.memory_space<vmem_shared>> -> memref<10240x64xf32, #tpu.memory_space<vmem_shared>>
        tpu.enqueue_indirect_dma source(%arg12 : memref<128x64xf32, #tpu.memory_space<vmem>>) target(%dma_start3A_201 : memref<10240x64xf32, #tpu.memory_space<vmem_shared>>) offsets(%dma_start3A_198 : memref<128xi32, #tpu.memory_space<vmem>>) semaphore(%arg20 : memref<!tpu.dma_semaphore, #tpu.memory_space<semaphore_mem>>) {add = true}
      }
      %scan3A_51 = arith.constant 38 : i32
      %dma_wait3A = arith.constant 0 : i32
      %dma_wait3A_52 = arith.constant 0 : i32
      %dma_wait3A_53 = tpu.memref_slice %arg8[%dma_wait3A, %dma_wait3A_52] : memref<152x128xi32, #tpu.memory_space<vmem>> -> memref<1x128xi32, #tpu.memory_space<vmem>>
      %dma_wait3A_54 = tpu.memref_squeeze %dma_wait3A_53 : memref<1x128xi32, #tpu.memory_space<vmem>> -> memref<128xi32, #tpu.memory_space<vmem>>
      %dma_wait3A_55 = arith.constant 0 : i32
      %dma_wait3A_56 = arith.constant 0 : i32
      %dma_wait3A_57 = tpu.memref_slice %arg21[%dma_wait3A_55, %dma_wait3A_56] : memref<10240x64xf32, #tpu.memory_space<vmem_shared>> -> memref<10240x64xf32, #tpu.memory_space<vmem_shared>>
      tpu.wait_indirect_dma semaphore(%arg17 : memref<!tpu.dma_semaphore, #tpu.memory_space<semaphore_mem>>) src(%arg9 : memref<128x64xf32, #tpu.memory_space<vmem>>) dst(%dma_wait3A_57 : memref<10240x64xf32, #tpu.memory_space<vmem_shared>>)
      %dma_wait3A_58 = arith.constant 0 : i32
      %dma_wait3A_59 = arith.constant 0 : i32
      %dma_wait3A_60 = tpu.memref_slice %arg8[%dma_wait3A_58, %dma_wait3A_59] : memref<152x128xi32, #tpu.memory_space<vmem>> -> memref<1x128xi32, #tpu.memory_space<vmem>>
      %dma_wait3A_61 = tpu.memref_squeeze %dma_wait3A_60 : memref<1x128xi32, #tpu.memory_space<vmem>> -> memref<128xi32, #tpu.memory_space<vmem>>
      %dma_wait3A_62 = arith.constant 0 : i32
      %dma_wait3A_63 = arith.constant 0 : i32
      %dma_wait3A_64 = tpu.memref_slice %arg21[%dma_wait3A_62, %dma_wait3A_63] : memref<10240x64xf32, #tpu.memory_space<vmem_shared>> -> memref<10240x64xf32, #tpu.memory_space<vmem_shared>>
      tpu.wait_indirect_dma semaphore(%arg18 : memref<!tpu.dma_semaphore, #tpu.memory_space<semaphore_mem>>) src(%arg10 : memref<128x64xf32, #tpu.memory_space<vmem>>) dst(%dma_wait3A_64 : memref<10240x64xf32, #tpu.memory_space<vmem_shared>>)
      %dma_wait3A_65 = arith.constant 0 : i32
      %dma_wait3A_66 = arith.constant 0 : i32
      %dma_wait3A_67 = tpu.memref_slice %arg8[%dma_wait3A_65, %dma_wait3A_66] : memref<152x128xi32, #tpu.memory_space<vmem>> -> memref<1x128xi32, #tpu.memory_space<vmem>>
      %dma_wait3A_68 = tpu.memref_squeeze %dma_wait3A_67 : memref<1x128xi32, #tpu.memory_space<vmem>> -> memref<128xi32, #tpu.memory_space<vmem>>
      %dma_wait3A_69 = arith.constant 0 : i32
      %dma_wait3A_70 = arith.constant 0 : i32
      %dma_wait3A_71 = tpu.memref_slice %arg21[%dma_wait3A_69, %dma_wait3A_70] : memref<10240x64xf32, #tpu.memory_space<vmem_shared>> -> memref<10240x64xf32, #tpu.memory_space<vmem_shared>>
      tpu.wait_indirect_dma semaphore(%arg19 : memref<!tpu.dma_semaphore, #tpu.memory_space<semaphore_mem>>) src(%arg11 : memref<128x64xf32, #tpu.memory_space<vmem>>) dst(%dma_wait3A_71 : memref<10240x64xf32, #tpu.memory_space<vmem_shared>>)
      %dma_wait3A_72 = arith.constant 0 : i32
      %dma_wait3A_73 = arith.constant 0 : i32
      %dma_wait3A_74 = tpu.memref_slice %arg8[%dma_wait3A_72, %dma_wait3A_73] : memref<152x128xi32, #tpu.memory_space<vmem>> -> memref<1x128xi32, #tpu.memory_space<vmem>>
      %dma_wait3A_75 = tpu.memref_squeeze %dma_wait3A_74 : memref<1x128xi32, #tpu.memory_space<vmem>> -> memref<128xi32, #tpu.memory_space<vmem>>
      %dma_wait3A_76 = arith.constant 0 : i32
      %dma_wait3A_77 = arith.constant 0 : i32
      %dma_wait3A_78 = tpu.memref_slice %arg21[%dma_wait3A_76, %dma_wait3A_77] : memref<10240x64xf32, #tpu.memory_space<vmem_shared>> -> memref<10240x64xf32, #tpu.memory_space<vmem_shared>>
      tpu.wait_indirect_dma semaphore(%arg20 : memref<!tpu.dma_semaphore, #tpu.memory_space<semaphore_mem>>) src(%arg12 : memref<128x64xf32, #tpu.memory_space<vmem>>) dst(%dma_wait3A_78 : memref<10240x64xf32, #tpu.memory_space<vmem_shared>>)
    } else {
    }
    %eq3A_20 = arith.constant 1 : i32
    %eq3A_21 = arith.cmpi eq, %arg0, %eq3A_20 : i32
    %convert_element_type3A_22 = arith.extui %eq3A_21 : i1 to i32
    %cond3A_23 = arith.constant 0 : i32
    %cond3A_24 = arith.cmpi ne, %convert_element_type3A_22, %cond3A_23 : i32
    scf.if %cond3A_24 {
      %mul3A_45 = arith.constant 8 : i32
      %mul3A_46 = arith.muli %arg1, %mul3A_45 : i32
      %add3A_47 = arith.constant 2432 : i32
      %add3A_48 = arith.addi %add3A_47, %mul3A_46 : i32
      "tpu.region"() ({
        %run_scoped3A = tpu.sem_alloc : memref<!tpu.dma_semaphore, #tpu.memory_space<semaphore_mem>>
        %dma_start3A = arith.constant 0 : i32
        %dma_start3A_81 = arith.constant 0 : i32
        %dma_start3A_82 = tpu.memref_slice %arg7[%dma_start3A, %dma_start3A_81] : memref<152x128xi32, #tpu.memory_space<vmem>> -> memref<8x128xi32, #tpu.memory_space<vmem>>
        %dma_start3A_83 = arith.constant 0 : i32
        %dma_start3A_84 = tpu.memref_slice %arg3[%add3A_48, %dma_start3A_83] : memref<2560x128xi32, #tpu.memory_space<hbm>> -> memref<8x128xi32, #tpu.memory_space<hbm>>
        %dma_start3A_85 = arith.constant 0 : i32
        %dma_start3A_86 = arith.constant 0 : i32
        %dma_start3A_87 = tpu.memref_slice %arg7[%dma_start3A_85, %dma_start3A_86] : memref<152x128xi32, #tpu.memory_space<vmem>> -> memref<8x128xi32, #tpu.memory_space<vmem>>
        %dma_start3A_88 = arith.constant 0 : i32
        %dma_start3A_89 = tpu.memref_slice %arg3[%add3A_48, %dma_start3A_88] : memref<2560x128xi32, #tpu.memory_space<hbm>> -> memref<8x128xi32, #tpu.memory_space<hbm>>
        tpu.enqueue_dma source(%dma_start3A_89 : memref<8x128xi32, #tpu.memory_space<hbm>>) target(%dma_start3A_87 : memref<8x128xi32, #tpu.memory_space<vmem>>) target_semaphore(%run_scoped3A : memref<!tpu.dma_semaphore, #tpu.memory_space<semaphore_mem>>)
        %dma_wait3A_90 = arith.constant 0 : i32
        %dma_wait3A_91 = arith.constant 0 : i32
        %dma_wait3A_92 = tpu.memref_slice %arg7[%dma_wait3A_90, %dma_wait3A_91] : memref<152x128xi32, #tpu.memory_space<vmem>> -> memref<8x128xi32, #tpu.memory_space<vmem>>
        %dma_wait3A_93 = arith.constant 0 : i32
        %dma_wait3A_94 = tpu.memref_slice %arg3[%add3A_48, %dma_wait3A_93] : memref<2560x128xi32, #tpu.memory_space<hbm>> -> memref<8x128xi32, #tpu.memory_space<hbm>>
        %dma_wait3A_95 = arith.constant 0 : i32
        %dma_wait3A_96 = arith.constant 0 : i32
        %dma_wait3A_97 = tpu.memref_slice %arg7[%dma_wait3A_95, %dma_wait3A_96] : memref<152x128xi32, #tpu.memory_space<vmem>> -> memref<8x128xi32, #tpu.memory_space<vmem>>
        %dma_wait3A_98 = arith.constant 0 : i32
        %dma_wait3A_99 = tpu.memref_slice %arg3[%add3A_48, %dma_wait3A_98] : memref<2560x128xi32, #tpu.memory_space<hbm>> -> memref<8x128xi32, #tpu.memory_space<hbm>>
        tpu.wait_dma2 semaphore(%run_scoped3A : memref<!tpu.dma_semaphore, #tpu.memory_space<semaphore_mem>>) src(%dma_wait3A_99 : memref<8x128xi32, #tpu.memory_space<hbm>>) dst(%dma_wait3A_97 : memref<8x128xi32, #tpu.memory_space<vmem>>)
        tpu.yield
      }) : () -> ()
      "tpu.region"() ({
        %run_scoped3A = tpu.sem_alloc : memref<!tpu.dma_semaphore, #tpu.memory_space<semaphore_mem>>
        %dma_start3A = arith.constant 0 : i32
        %dma_start3A_81 = arith.constant 0 : i32
        %dma_start3A_82 = tpu.memref_slice %arg8[%dma_start3A, %dma_start3A_81] : memref<152x128xi32, #tpu.memory_space<vmem>> -> memref<8x128xi32, #tpu.memory_space<vmem>>
        %dma_start3A_83 = arith.constant 0 : i32
        %dma_start3A_84 = tpu.memref_slice %arg4[%add3A_48, %dma_start3A_83] : memref<2560x128xi32, #tpu.memory_space<hbm>> -> memref<8x128xi32, #tpu.memory_space<hbm>>
        %dma_start3A_85 = arith.constant 0 : i32
        %dma_start3A_86 = arith.constant 0 : i32
        %dma_start3A_87 = tpu.memref_slice %arg8[%dma_start3A_85, %dma_start3A_86] : memref<152x128xi32, #tpu.memory_space<vmem>> -> memref<8x128xi32, #tpu.memory_space<vmem>>
        %dma_start3A_88 = arith.constant 0 : i32
        %dma_start3A_89 = tpu.memref_slice %arg4[%add3A_48, %dma_start3A_88] : memref<2560x128xi32, #tpu.memory_space<hbm>> -> memref<8x128xi32, #tpu.memory_space<hbm>>
        tpu.enqueue_dma source(%dma_start3A_89 : memref<8x128xi32, #tpu.memory_space<hbm>>) target(%dma_start3A_87 : memref<8x128xi32, #tpu.memory_space<vmem>>) target_semaphore(%run_scoped3A : memref<!tpu.dma_semaphore, #tpu.memory_space<semaphore_mem>>)
        %dma_wait3A_90 = arith.constant 0 : i32
        %dma_wait3A_91 = arith.constant 0 : i32
        %dma_wait3A_92 = tpu.memref_slice %arg8[%dma_wait3A_90, %dma_wait3A_91] : memref<152x128xi32, #tpu.memory_space<vmem>> -> memref<8x128xi32, #tpu.memory_space<vmem>>
        %dma_wait3A_93 = arith.constant 0 : i32
        %dma_wait3A_94 = tpu.memref_slice %arg4[%add3A_48, %dma_wait3A_93] : memref<2560x128xi32, #tpu.memory_space<hbm>> -> memref<8x128xi32, #tpu.memory_space<hbm>>
        %dma_wait3A_95 = arith.constant 0 : i32
        %dma_wait3A_96 = arith.constant 0 : i32
        %dma_wait3A_97 = tpu.memref_slice %arg8[%dma_wait3A_95, %dma_wait3A_96] : memref<152x128xi32, #tpu.memory_space<vmem>> -> memref<8x128xi32, #tpu.memory_space<vmem>>
        %dma_wait3A_98 = arith.constant 0 : i32
        %dma_wait3A_99 = tpu.memref_slice %arg4[%add3A_48, %dma_wait3A_98] : memref<2560x128xi32, #tpu.memory_space<hbm>> -> memref<8x128xi32, #tpu.memory_space<hbm>>
        tpu.wait_dma2 semaphore(%run_scoped3A : memref<!tpu.dma_semaphore, #tpu.memory_space<semaphore_mem>>) src(%dma_wait3A_99 : memref<8x128xi32, #tpu.memory_space<hbm>>) dst(%dma_wait3A_97 : memref<8x128xi32, #tpu.memory_space<vmem>>)
        tpu.yield
      }) : () -> ()
      %scan3A = arith.constant 0 : i32
      %scan3A_49 = arith.constant 0 : i32
      %scan3A_50 = arith.constant 2 : i32
      %scan3A_51 = arith.addi %scan3A_49, %scan3A_50 : i32
      %scan3A_52 = arith.constant 1 : i32
      scf.for %scan3A_81 = %scan3A_49 to %scan3A_51 step %scan3A_52  : i32 {
        %gt3A = arith.constant 0 : i32
        %gt3A_82 = arith.cmpi sgt, %scan3A_81, %gt3A : i32
        %convert_element_type3A_83 = arith.extui %gt3A_82 : i1 to i32
        %cond3A_84 = arith.constant 0 : i32
        %cond3A_85 = arith.cmpi ne, %convert_element_type3A_83, %cond3A_84 : i32
        scf.if %cond3A_85 {
          %dma_wait3A_204 = arith.constant 0 : i32
          %dma_wait3A_205 = arith.constant 0 : i32
          %dma_wait3A_206 = tpu.memref_slice %arg8[%dma_wait3A_204, %dma_wait3A_205] : memref<152x128xi32, #tpu.memory_space<vmem>> -> memref<1x128xi32, #tpu.memory_space<vmem>>
          %dma_wait3A_207 = tpu.memref_squeeze %dma_wait3A_206 : memref<1x128xi32, #tpu.memory_space<vmem>> -> memref<128xi32, #tpu.memory_space<vmem>>
          %dma_wait3A_208 = arith.constant 0 : i32
          %dma_wait3A_209 = arith.constant 0 : i32
          %dma_wait3A_210 = tpu.memref_slice %arg21[%dma_wait3A_208, %dma_wait3A_209] : memref<10240x64xf32, #tpu.memory_space<vmem_shared>> -> memref<10240x64xf32, #tpu.memory_space<vmem_shared>>
          tpu.wait_indirect_dma semaphore(%arg17 : memref<!tpu.dma_semaphore, #tpu.memory_space<semaphore_mem>>) src(%arg9 : memref<128x64xf32, #tpu.memory_space<vmem>>) dst(%dma_wait3A_210 : memref<10240x64xf32, #tpu.memory_space<vmem_shared>>)
        } else {
        }
        %mul3A_86 = arith.constant 4 : i32
        %mul3A_87 = arith.muli %mul3A_86, %scan3A_81 : i32
        %add3A_88 = arith.constant 0 : i32
        %add3A_89 = arith.addi %mul3A_87, %add3A_88 : i32
        %dma_start3A = arith.constant 0 : i32
        %dma_start3A_90 = tpu.memref_slice %arg7[%add3A_89, %dma_start3A] : memref<152x128xi32, #tpu.memory_space<vmem>> -> memref<1x128xi32, #tpu.memory_space<vmem>>
        %dma_start3A_91 = tpu.memref_squeeze %dma_start3A_90 : memref<1x128xi32, #tpu.memory_space<vmem>> -> memref<128xi32, #tpu.memory_space<vmem>>
        %dma_start3A_92 = arith.constant 0 : i32
        %dma_start3A_93 = arith.constant 0 : i32
        %dma_start3A_94 = tpu.memref_slice %arg2[%dma_start3A_92, %dma_start3A_93] : memref<10240x64xf32, #tpu.memory_space<hbm>> -> memref<10240x64xf32, #tpu.memory_space<hbm>>
        tpu.enqueue_indirect_dma source(%dma_start3A_94 : memref<10240x64xf32, #tpu.memory_space<hbm>>) target(%arg9 : memref<128x64xf32, #tpu.memory_space<vmem>>) offsets(%dma_start3A_91 : memref<128xi32, #tpu.memory_space<vmem>>) semaphore(%arg13 : memref<!tpu.dma_semaphore, #tpu.memory_space<semaphore_mem>>)
        %gt3A_95 = arith.constant 0 : i32
        %gt3A_96 = arith.cmpi sgt, %scan3A_81, %gt3A_95 : i32
        %convert_element_type3A_97 = arith.extui %gt3A_96 : i1 to i32
        %cond3A_98 = arith.constant 0 : i32
        %cond3A_99 = arith.cmpi ne, %convert_element_type3A_97, %cond3A_98 : i32
        scf.if %cond3A_99 {
          %dma_wait3A_204 = arith.constant 0 : i32
          %dma_wait3A_205 = arith.constant 0 : i32
          %dma_wait3A_206 = tpu.memref_slice %arg8[%dma_wait3A_204, %dma_wait3A_205] : memref<152x128xi32, #tpu.memory_space<vmem>> -> memref<1x128xi32, #tpu.memory_space<vmem>>
          %dma_wait3A_207 = tpu.memref_squeeze %dma_wait3A_206 : memref<1x128xi32, #tpu.memory_space<vmem>> -> memref<128xi32, #tpu.memory_space<vmem>>
          %dma_wait3A_208 = arith.constant 0 : i32
          %dma_wait3A_209 = arith.constant 0 : i32
          %dma_wait3A_210 = tpu.memref_slice %arg21[%dma_wait3A_208, %dma_wait3A_209] : memref<10240x64xf32, #tpu.memory_space<vmem_shared>> -> memref<10240x64xf32, #tpu.memory_space<vmem_shared>>
          tpu.wait_indirect_dma semaphore(%arg18 : memref<!tpu.dma_semaphore, #tpu.memory_space<semaphore_mem>>) src(%arg10 : memref<128x64xf32, #tpu.memory_space<vmem>>) dst(%dma_wait3A_210 : memref<10240x64xf32, #tpu.memory_space<vmem_shared>>)
        } else {
        }
        %mul3A_100 = arith.constant 4 : i32
        %mul3A_101 = arith.muli %mul3A_100, %scan3A_81 : i32
        %add3A_102 = arith.constant 1 : i32
        %add3A_103 = arith.addi %mul3A_101, %add3A_102 : i32
        %dma_start3A_104 = arith.constant 0 : i32
        %dma_start3A_105 = tpu.memref_slice %arg7[%add3A_103, %dma_start3A_104] : memref<152x128xi32, #tpu.memory_space<vmem>> -> memref<1x128xi32, #tpu.memory_space<vmem>>
        %dma_start3A_106 = tpu.memref_squeeze %dma_start3A_105 : memref<1x128xi32, #tpu.memory_space<vmem>> -> memref<128xi32, #tpu.memory_space<vmem>>
        %dma_start3A_107 = arith.constant 0 : i32
        %dma_start3A_108 = arith.constant 0 : i32
        %dma_start3A_109 = tpu.memref_slice %arg2[%dma_start3A_107, %dma_start3A_108] : memref<10240x64xf32, #tpu.memory_space<hbm>> -> memref<10240x64xf32, #tpu.memory_space<hbm>>
        tpu.enqueue_indirect_dma source(%dma_start3A_109 : memref<10240x64xf32, #tpu.memory_space<hbm>>) target(%arg10 : memref<128x64xf32, #tpu.memory_space<vmem>>) offsets(%dma_start3A_106 : memref<128xi32, #tpu.memory_space<vmem>>) semaphore(%arg14 : memref<!tpu.dma_semaphore, #tpu.memory_space<semaphore_mem>>)
        %gt3A_110 = arith.constant 0 : i32
        %gt3A_111 = arith.cmpi sgt, %scan3A_81, %gt3A_110 : i32
        %convert_element_type3A_112 = arith.extui %gt3A_111 : i1 to i32
        %cond3A_113 = arith.constant 0 : i32
        %cond3A_114 = arith.cmpi ne, %convert_element_type3A_112, %cond3A_113 : i32
        scf.if %cond3A_114 {
          %dma_wait3A_204 = arith.constant 0 : i32
          %dma_wait3A_205 = arith.constant 0 : i32
          %dma_wait3A_206 = tpu.memref_slice %arg8[%dma_wait3A_204, %dma_wait3A_205] : memref<152x128xi32, #tpu.memory_space<vmem>> -> memref<1x128xi32, #tpu.memory_space<vmem>>
          %dma_wait3A_207 = tpu.memref_squeeze %dma_wait3A_206 : memref<1x128xi32, #tpu.memory_space<vmem>> -> memref<128xi32, #tpu.memory_space<vmem>>
          %dma_wait3A_208 = arith.constant 0 : i32
          %dma_wait3A_209 = arith.constant 0 : i32
          %dma_wait3A_210 = tpu.memref_slice %arg21[%dma_wait3A_208, %dma_wait3A_209] : memref<10240x64xf32, #tpu.memory_space<vmem_shared>> -> memref<10240x64xf32, #tpu.memory_space<vmem_shared>>
          tpu.wait_indirect_dma semaphore(%arg19 : memref<!tpu.dma_semaphore, #tpu.memory_space<semaphore_mem>>) src(%arg11 : memref<128x64xf32, #tpu.memory_space<vmem>>) dst(%dma_wait3A_210 : memref<10240x64xf32, #tpu.memory_space<vmem_shared>>)
        } else {
        }
        %mul3A_115 = arith.constant 4 : i32
        %mul3A_116 = arith.muli %mul3A_115, %scan3A_81 : i32
        %add3A_117 = arith.constant 2 : i32
        %add3A_118 = arith.addi %mul3A_116, %add3A_117 : i32
        %dma_start3A_119 = arith.constant 0 : i32
        %dma_start3A_120 = tpu.memref_slice %arg7[%add3A_118, %dma_start3A_119] : memref<152x128xi32, #tpu.memory_space<vmem>> -> memref<1x128xi32, #tpu.memory_space<vmem>>
        %dma_start3A_121 = tpu.memref_squeeze %dma_start3A_120 : memref<1x128xi32, #tpu.memory_space<vmem>> -> memref<128xi32, #tpu.memory_space<vmem>>
        %dma_start3A_122 = arith.constant 0 : i32
        %dma_start3A_123 = arith.constant 0 : i32
        %dma_start3A_124 = tpu.memref_slice %arg2[%dma_start3A_122, %dma_start3A_123] : memref<10240x64xf32, #tpu.memory_space<hbm>> -> memref<10240x64xf32, #tpu.memory_space<hbm>>
        tpu.enqueue_indirect_dma source(%dma_start3A_124 : memref<10240x64xf32, #tpu.memory_space<hbm>>) target(%arg11 : memref<128x64xf32, #tpu.memory_space<vmem>>) offsets(%dma_start3A_121 : memref<128xi32, #tpu.memory_space<vmem>>) semaphore(%arg15 : memref<!tpu.dma_semaphore, #tpu.memory_space<semaphore_mem>>)
        %gt3A_125 = arith.constant 0 : i32
        %gt3A_126 = arith.cmpi sgt, %scan3A_81, %gt3A_125 : i32
        %convert_element_type3A_127 = arith.extui %gt3A_126 : i1 to i32
        %cond3A_128 = arith.constant 0 : i32
        %cond3A_129 = arith.cmpi ne, %convert_element_type3A_127, %cond3A_128 : i32
        scf.if %cond3A_129 {
          %dma_wait3A_204 = arith.constant 0 : i32
          %dma_wait3A_205 = arith.constant 0 : i32
          %dma_wait3A_206 = tpu.memref_slice %arg8[%dma_wait3A_204, %dma_wait3A_205] : memref<152x128xi32, #tpu.memory_space<vmem>> -> memref<1x128xi32, #tpu.memory_space<vmem>>
          %dma_wait3A_207 = tpu.memref_squeeze %dma_wait3A_206 : memref<1x128xi32, #tpu.memory_space<vmem>> -> memref<128xi32, #tpu.memory_space<vmem>>
          %dma_wait3A_208 = arith.constant 0 : i32
          %dma_wait3A_209 = arith.constant 0 : i32
          %dma_wait3A_210 = tpu.memref_slice %arg21[%dma_wait3A_208, %dma_wait3A_209] : memref<10240x64xf32, #tpu.memory_space<vmem_shared>> -> memref<10240x64xf32, #tpu.memory_space<vmem_shared>>
          tpu.wait_indirect_dma semaphore(%arg20 : memref<!tpu.dma_semaphore, #tpu.memory_space<semaphore_mem>>) src(%arg12 : memref<128x64xf32, #tpu.memory_space<vmem>>) dst(%dma_wait3A_210 : memref<10240x64xf32, #tpu.memory_space<vmem_shared>>)
        } else {
        }
        %mul3A_130 = arith.constant 4 : i32
        %mul3A_131 = arith.muli %mul3A_130, %scan3A_81 : i32
        %add3A_132 = arith.constant 3 : i32
        %add3A_133 = arith.addi %mul3A_131, %add3A_132 : i32
        %dma_start3A_134 = arith.constant 0 : i32
        %dma_start3A_135 = tpu.memref_slice %arg7[%add3A_133, %dma_start3A_134] : memref<152x128xi32, #tpu.memory_space<vmem>> -> memref<1x128xi32, #tpu.memory_space<vmem>>
        %dma_start3A_136 = tpu.memref_squeeze %dma_start3A_135 : memref<1x128xi32, #tpu.memory_space<vmem>> -> memref<128xi32, #tpu.memory_space<vmem>>
        %dma_start3A_137 = arith.constant 0 : i32
        %dma_start3A_138 = arith.constant 0 : i32
        %dma_start3A_139 = tpu.memref_slice %arg2[%dma_start3A_137, %dma_start3A_138] : memref<10240x64xf32, #tpu.memory_space<hbm>> -> memref<10240x64xf32, #tpu.memory_space<hbm>>
        tpu.enqueue_indirect_dma source(%dma_start3A_139 : memref<10240x64xf32, #tpu.memory_space<hbm>>) target(%arg12 : memref<128x64xf32, #tpu.memory_space<vmem>>) offsets(%dma_start3A_136 : memref<128xi32, #tpu.memory_space<vmem>>) semaphore(%arg16 : memref<!tpu.dma_semaphore, #tpu.memory_space<semaphore_mem>>)
        %dma_wait3A_140 = arith.constant 0 : i32
        %dma_wait3A_141 = arith.constant 0 : i32
        %dma_wait3A_142 = tpu.memref_slice %arg2[%dma_wait3A_140, %dma_wait3A_141] : memref<10240x64xf32, #tpu.memory_space<hbm>> -> memref<128x64xf32, #tpu.memory_space<hbm>>
        %dma_wait3A_143 = arith.constant 0 : i32
        %dma_wait3A_144 = arith.constant 0 : i32
        %dma_wait3A_145 = tpu.memref_slice %arg2[%dma_wait3A_143, %dma_wait3A_144] : memref<10240x64xf32, #tpu.memory_space<hbm>> -> memref<128x64xf32, #tpu.memory_space<hbm>>
        tpu.wait_dma2 semaphore(%arg13 : memref<!tpu.dma_semaphore, #tpu.memory_space<semaphore_mem>>) src(%dma_wait3A_145 : memref<128x64xf32, #tpu.memory_space<hbm>>) dst(%arg9 : memref<128x64xf32, #tpu.memory_space<vmem>>)
        %mul3A_146 = arith.constant 4 : i32
        %mul3A_147 = arith.muli %mul3A_146, %scan3A_81 : i32
        %add3A_148 = arith.constant 0 : i32
        %add3A_149 = arith.addi %mul3A_147, %add3A_148 : i32
        %dma_start3A_150 = arith.constant 0 : i32
        %dma_start3A_151 = tpu.memref_slice %arg8[%add3A_149, %dma_start3A_150] : memref<152x128xi32, #tpu.memory_space<vmem>> -> memref<1x128xi32, #tpu.memory_space<vmem>>
        %dma_start3A_152 = tpu.memref_squeeze %dma_start3A_151 : memref<1x128xi32, #tpu.memory_space<vmem>> -> memref<128xi32, #tpu.memory_space<vmem>>
        %dma_start3A_153 = arith.constant 0 : i32
        %dma_start3A_154 = arith.constant 0 : i32
        %dma_start3A_155 = tpu.memref_slice %arg21[%dma_start3A_153, %dma_start3A_154] : memref<10240x64xf32, #tpu.memory_space<vmem_shared>> -> memref<10240x64xf32, #tpu.memory_space<vmem_shared>>
        tpu.enqueue_indirect_dma source(%arg9 : memref<128x64xf32, #tpu.memory_space<vmem>>) target(%dma_start3A_155 : memref<10240x64xf32, #tpu.memory_space<vmem_shared>>) offsets(%dma_start3A_152 : memref<128xi32, #tpu.memory_space<vmem>>) semaphore(%arg17 : memref<!tpu.dma_semaphore, #tpu.memory_space<semaphore_mem>>) {add = true}
        %dma_wait3A_156 = arith.constant 0 : i32
        %dma_wait3A_157 = arith.constant 0 : i32
        %dma_wait3A_158 = tpu.memref_slice %arg2[%dma_wait3A_156, %dma_wait3A_157] : memref<10240x64xf32, #tpu.memory_space<hbm>> -> memref<128x64xf32, #tpu.memory_space<hbm>>
        %dma_wait3A_159 = arith.constant 0 : i32
        %dma_wait3A_160 = arith.constant 0 : i32
        %dma_wait3A_161 = tpu.memref_slice %arg2[%dma_wait3A_159, %dma_wait3A_160] : memref<10240x64xf32, #tpu.memory_space<hbm>> -> memref<128x64xf32, #tpu.memory_space<hbm>>
        tpu.wait_dma2 semaphore(%arg14 : memref<!tpu.dma_semaphore, #tpu.memory_space<semaphore_mem>>) src(%dma_wait3A_161 : memref<128x64xf32, #tpu.memory_space<hbm>>) dst(%arg10 : memref<128x64xf32, #tpu.memory_space<vmem>>)
        %mul3A_162 = arith.constant 4 : i32
        %mul3A_163 = arith.muli %mul3A_162, %scan3A_81 : i32
        %add3A_164 = arith.constant 1 : i32
        %add3A_165 = arith.addi %mul3A_163, %add3A_164 : i32
        %dma_start3A_166 = arith.constant 0 : i32
        %dma_start3A_167 = tpu.memref_slice %arg8[%add3A_165, %dma_start3A_166] : memref<152x128xi32, #tpu.memory_space<vmem>> -> memref<1x128xi32, #tpu.memory_space<vmem>>
        %dma_start3A_168 = tpu.memref_squeeze %dma_start3A_167 : memref<1x128xi32, #tpu.memory_space<vmem>> -> memref<128xi32, #tpu.memory_space<vmem>>
        %dma_start3A_169 = arith.constant 0 : i32
        %dma_start3A_170 = arith.constant 0 : i32
        %dma_start3A_171 = tpu.memref_slice %arg21[%dma_start3A_169, %dma_start3A_170] : memref<10240x64xf32, #tpu.memory_space<vmem_shared>> -> memref<10240x64xf32, #tpu.memory_space<vmem_shared>>
        tpu.enqueue_indirect_dma source(%arg10 : memref<128x64xf32, #tpu.memory_space<vmem>>) target(%dma_start3A_171 : memref<10240x64xf32, #tpu.memory_space<vmem_shared>>) offsets(%dma_start3A_168 : memref<128xi32, #tpu.memory_space<vmem>>) semaphore(%arg18 : memref<!tpu.dma_semaphore, #tpu.memory_space<semaphore_mem>>) {add = true}
        %dma_wait3A_172 = arith.constant 0 : i32
        %dma_wait3A_173 = arith.constant 0 : i32
        %dma_wait3A_174 = tpu.memref_slice %arg2[%dma_wait3A_172, %dma_wait3A_173] : memref<10240x64xf32, #tpu.memory_space<hbm>> -> memref<128x64xf32, #tpu.memory_space<hbm>>
        %dma_wait3A_175 = arith.constant 0 : i32
        %dma_wait3A_176 = arith.constant 0 : i32
        %dma_wait3A_177 = tpu.memref_slice %arg2[%dma_wait3A_175, %dma_wait3A_176] : memref<10240x64xf32, #tpu.memory_space<hbm>> -> memref<128x64xf32, #tpu.memory_space<hbm>>
        tpu.wait_dma2 semaphore(%arg15 : memref<!tpu.dma_semaphore, #tpu.memory_space<semaphore_mem>>) src(%dma_wait3A_177 : memref<128x64xf32, #tpu.memory_space<hbm>>) dst(%arg11 : memref<128x64xf32, #tpu.memory_space<vmem>>)
        %mul3A_178 = arith.constant 4 : i32
        %mul3A_179 = arith.muli %mul3A_178, %scan3A_81 : i32
        %add3A_180 = arith.constant 2 : i32
        %add3A_181 = arith.addi %mul3A_179, %add3A_180 : i32
        %dma_start3A_182 = arith.constant 0 : i32
        %dma_start3A_183 = tpu.memref_slice %arg8[%add3A_181, %dma_start3A_182] : memref<152x128xi32, #tpu.memory_space<vmem>> -> memref<1x128xi32, #tpu.memory_space<vmem>>
        %dma_start3A_184 = tpu.memref_squeeze %dma_start3A_183 : memref<1x128xi32, #tpu.memory_space<vmem>> -> memref<128xi32, #tpu.memory_space<vmem>>
        %dma_start3A_185 = arith.constant 0 : i32
        %dma_start3A_186 = arith.constant 0 : i32
        %dma_start3A_187 = tpu.memref_slice %arg21[%dma_start3A_185, %dma_start3A_186] : memref<10240x64xf32, #tpu.memory_space<vmem_shared>> -> memref<10240x64xf32, #tpu.memory_space<vmem_shared>>
        tpu.enqueue_indirect_dma source(%arg11 : memref<128x64xf32, #tpu.memory_space<vmem>>) target(%dma_start3A_187 : memref<10240x64xf32, #tpu.memory_space<vmem_shared>>) offsets(%dma_start3A_184 : memref<128xi32, #tpu.memory_space<vmem>>) semaphore(%arg19 : memref<!tpu.dma_semaphore, #tpu.memory_space<semaphore_mem>>) {add = true}
        %dma_wait3A_188 = arith.constant 0 : i32
        %dma_wait3A_189 = arith.constant 0 : i32
        %dma_wait3A_190 = tpu.memref_slice %arg2[%dma_wait3A_188, %dma_wait3A_189] : memref<10240x64xf32, #tpu.memory_space<hbm>> -> memref<128x64xf32, #tpu.memory_space<hbm>>
        %dma_wait3A_191 = arith.constant 0 : i32
        %dma_wait3A_192 = arith.constant 0 : i32
        %dma_wait3A_193 = tpu.memref_slice %arg2[%dma_wait3A_191, %dma_wait3A_192] : memref<10240x64xf32, #tpu.memory_space<hbm>> -> memref<128x64xf32, #tpu.memory_space<hbm>>
        tpu.wait_dma2 semaphore(%arg16 : memref<!tpu.dma_semaphore, #tpu.memory_space<semaphore_mem>>) src(%dma_wait3A_193 : memref<128x64xf32, #tpu.memory_space<hbm>>) dst(%arg12 : memref<128x64xf32, #tpu.memory_space<vmem>>)
        %mul3A_194 = arith.constant 4 : i32
        %mul3A_195 = arith.muli %mul3A_194, %scan3A_81 : i32
        %add3A_196 = arith.constant 3 : i32
        %add3A_197 = arith.addi %mul3A_195, %add3A_196 : i32
        %dma_start3A_198 = arith.constant 0 : i32
        %dma_start3A_199 = tpu.memref_slice %arg8[%add3A_197, %dma_start3A_198] : memref<152x128xi32, #tpu.memory_space<vmem>> -> memref<1x128xi32, #tpu.memory_space<vmem>>
        %dma_start3A_200 = tpu.memref_squeeze %dma_start3A_199 : memref<1x128xi32, #tpu.memory_space<vmem>> -> memref<128xi32, #tpu.memory_space<vmem>>
        %dma_start3A_201 = arith.constant 0 : i32
        %dma_start3A_202 = arith.constant 0 : i32
        %dma_start3A_203 = tpu.memref_slice %arg21[%dma_start3A_201, %dma_start3A_202] : memref<10240x64xf32, #tpu.memory_space<vmem_shared>> -> memref<10240x64xf32, #tpu.memory_space<vmem_shared>>
        tpu.enqueue_indirect_dma source(%arg12 : memref<128x64xf32, #tpu.memory_space<vmem>>) target(%dma_start3A_203 : memref<10240x64xf32, #tpu.memory_space<vmem_shared>>) offsets(%dma_start3A_200 : memref<128xi32, #tpu.memory_space<vmem>>) semaphore(%arg20 : memref<!tpu.dma_semaphore, #tpu.memory_space<semaphore_mem>>) {add = true}
      }
      %scan3A_53 = arith.constant 2 : i32
      %dma_wait3A = arith.constant 0 : i32
      %dma_wait3A_54 = arith.constant 0 : i32
      %dma_wait3A_55 = tpu.memref_slice %arg8[%dma_wait3A, %dma_wait3A_54] : memref<152x128xi32, #tpu.memory_space<vmem>> -> memref<1x128xi32, #tpu.memory_space<vmem>>
      %dma_wait3A_56 = tpu.memref_squeeze %dma_wait3A_55 : memref<1x128xi32, #tpu.memory_space<vmem>> -> memref<128xi32, #tpu.memory_space<vmem>>
      %dma_wait3A_57 = arith.constant 0 : i32
      %dma_wait3A_58 = arith.constant 0 : i32
      %dma_wait3A_59 = tpu.memref_slice %arg21[%dma_wait3A_57, %dma_wait3A_58] : memref<10240x64xf32, #tpu.memory_space<vmem_shared>> -> memref<10240x64xf32, #tpu.memory_space<vmem_shared>>
      tpu.wait_indirect_dma semaphore(%arg17 : memref<!tpu.dma_semaphore, #tpu.memory_space<semaphore_mem>>) src(%arg9 : memref<128x64xf32, #tpu.memory_space<vmem>>) dst(%dma_wait3A_59 : memref<10240x64xf32, #tpu.memory_space<vmem_shared>>)
      %dma_wait3A_60 = arith.constant 0 : i32
      %dma_wait3A_61 = arith.constant 0 : i32
      %dma_wait3A_62 = tpu.memref_slice %arg8[%dma_wait3A_60, %dma_wait3A_61] : memref<152x128xi32, #tpu.memory_space<vmem>> -> memref<1x128xi32, #tpu.memory_space<vmem>>
      %dma_wait3A_63 = tpu.memref_squeeze %dma_wait3A_62 : memref<1x128xi32, #tpu.memory_space<vmem>> -> memref<128xi32, #tpu.memory_space<vmem>>
      %dma_wait3A_64 = arith.constant 0 : i32
      %dma_wait3A_65 = arith.constant 0 : i32
      %dma_wait3A_66 = tpu.memref_slice %arg21[%dma_wait3A_64, %dma_wait3A_65] : memref<10240x64xf32, #tpu.memory_space<vmem_shared>> -> memref<10240x64xf32, #tpu.memory_space<vmem_shared>>
      tpu.wait_indirect_dma semaphore(%arg18 : memref<!tpu.dma_semaphore, #tpu.memory_space<semaphore_mem>>) src(%arg10 : memref<128x64xf32, #tpu.memory_space<vmem>>) dst(%dma_wait3A_66 : memref<10240x64xf32, #tpu.memory_space<vmem_shared>>)
      %dma_wait3A_67 = arith.constant 0 : i32
      %dma_wait3A_68 = arith.constant 0 : i32
      %dma_wait3A_69 = tpu.memref_slice %arg8[%dma_wait3A_67, %dma_wait3A_68] : memref<152x128xi32, #tpu.memory_space<vmem>> -> memref<1x128xi32, #tpu.memory_space<vmem>>
      %dma_wait3A_70 = tpu.memref_squeeze %dma_wait3A_69 : memref<1x128xi32, #tpu.memory_space<vmem>> -> memref<128xi32, #tpu.memory_space<vmem>>
      %dma_wait3A_71 = arith.constant 0 : i32
      %dma_wait3A_72 = arith.constant 0 : i32
      %dma_wait3A_73 = tpu.memref_slice %arg21[%dma_wait3A_71, %dma_wait3A_72] : memref<10240x64xf32, #tpu.memory_space<vmem_shared>> -> memref<10240x64xf32, #tpu.memory_space<vmem_shared>>
      tpu.wait_indirect_dma semaphore(%arg19 : memref<!tpu.dma_semaphore, #tpu.memory_space<semaphore_mem>>) src(%arg11 : memref<128x64xf32, #tpu.memory_space<vmem>>) dst(%dma_wait3A_73 : memref<10240x64xf32, #tpu.memory_space<vmem_shared>>)
      %dma_wait3A_74 = arith.constant 0 : i32
      %dma_wait3A_75 = arith.constant 0 : i32
      %dma_wait3A_76 = tpu.memref_slice %arg8[%dma_wait3A_74, %dma_wait3A_75] : memref<152x128xi32, #tpu.memory_space<vmem>> -> memref<1x128xi32, #tpu.memory_space<vmem>>
      %dma_wait3A_77 = tpu.memref_squeeze %dma_wait3A_76 : memref<1x128xi32, #tpu.memory_space<vmem>> -> memref<128xi32, #tpu.memory_space<vmem>>
      %dma_wait3A_78 = arith.constant 0 : i32
      %dma_wait3A_79 = arith.constant 0 : i32
      %dma_wait3A_80 = tpu.memref_slice %arg21[%dma_wait3A_78, %dma_wait3A_79] : memref<10240x64xf32, #tpu.memory_space<vmem_shared>> -> memref<10240x64xf32, #tpu.memory_space<vmem_shared>>
      tpu.wait_indirect_dma semaphore(%arg20 : memref<!tpu.dma_semaphore, #tpu.memory_space<semaphore_mem>>) src(%arg12 : memref<128x64xf32, #tpu.memory_space<vmem>>) dst(%dma_wait3A_80 : memref<10240x64xf32, #tpu.memory_space<vmem_shared>>)
    } else {
    }
    %barrier3A = arith.constant 0 : index
    tpu.barrier barrier_id(%barrier3A)
    %mul3A_25 = arith.constant 640 : i32
    %mul3A_26 = arith.muli %arg1, %mul3A_25 : i32
    %add3A_27 = arith.constant 0 : i32
    %add3A_28 = arith.addi %mul3A_26, %add3A_27 : i32
    "tpu.region"() ({
      %run_scoped3A = tpu.sem_alloc : memref<!tpu.dma_semaphore, #tpu.memory_space<semaphore_mem>>
      %dma_start3A = arith.constant 0 : i32
      %dma_start3A_45 = tpu.memref_slice %arg21[%add3A_28, %dma_start3A] : memref<10240x64xf32, #tpu.memory_space<vmem_shared>> -> memref<128x64xf32, #tpu.memory_space<vmem_shared>>
      %dma_start3A_46 = arith.constant 0 : i32
      %dma_start3A_47 = tpu.memref_slice %arg21[%add3A_28, %dma_start3A_46] : memref<10240x64xf32, #tpu.memory_space<vmem_shared>> -> memref<128x64xf32, #tpu.memory_space<vmem_shared>>
      tpu.enqueue_dma source(%dma_start3A_47 : memref<128x64xf32, #tpu.memory_space<vmem_shared>>) target(%arg9 : memref<128x64xf32, #tpu.memory_space<vmem>>) target_semaphore(%run_scoped3A : memref<!tpu.dma_semaphore, #tpu.memory_space<semaphore_mem>>)
      %dma_wait3A = arith.constant 0 : i32
      %dma_wait3A_48 = tpu.memref_slice %arg21[%add3A_28, %dma_wait3A] : memref<10240x64xf32, #tpu.memory_space<vmem_shared>> -> memref<128x64xf32, #tpu.memory_space<vmem_shared>>
      %dma_wait3A_49 = arith.constant 0 : i32
      %dma_wait3A_50 = tpu.memref_slice %arg21[%add3A_28, %dma_wait3A_49] : memref<10240x64xf32, #tpu.memory_space<vmem_shared>> -> memref<128x64xf32, #tpu.memory_space<vmem_shared>>
      tpu.wait_dma2 semaphore(%run_scoped3A : memref<!tpu.dma_semaphore, #tpu.memory_space<semaphore_mem>>) src(%dma_wait3A_50 : memref<128x64xf32, #tpu.memory_space<vmem_shared>>) dst(%arg9 : memref<128x64xf32, #tpu.memory_space<vmem>>)
      tpu.yield
    }) : () -> ()
    "tpu.region"() ({
      %run_scoped3A = tpu.sem_alloc : memref<!tpu.dma_semaphore, #tpu.memory_space<semaphore_mem>>
      %dma_start3A = arith.constant 0 : i32
      %dma_start3A_45 = tpu.memref_slice %arg6[%arg0, %add3A_28, %dma_start3A] : memref<2x10240x64xf32, #tpu.memory_space<hbm>> -> memref<1x128x64xf32, #tpu.memory_space<hbm>>
      %dma_start3A_46 = tpu.memref_squeeze %dma_start3A_45 : memref<1x128x64xf32, #tpu.memory_space<hbm>> -> memref<128x64xf32, #tpu.memory_space<hbm>>
      %dma_start3A_47 = arith.constant 0 : i32
      %dma_start3A_48 = tpu.memref_slice %arg6[%arg0, %add3A_28, %dma_start3A_47] : memref<2x10240x64xf32, #tpu.memory_space<hbm>> -> memref<1x128x64xf32, #tpu.memory_space<hbm>>
      %dma_start3A_49 = tpu.memref_squeeze %dma_start3A_48 : memref<1x128x64xf32, #tpu.memory_space<hbm>> -> memref<128x64xf32, #tpu.memory_space<hbm>>
      tpu.enqueue_dma source(%arg9 : memref<128x64xf32, #tpu.memory_space<vmem>>) target(%dma_start3A_49 : memref<128x64xf32, #tpu.memory_space<hbm>>) target_semaphore(%run_scoped3A : memref<!tpu.dma_semaphore, #tpu.memory_space<semaphore_mem>>)
      %dma_wait3A = arith.constant 0 : i32
      %dma_wait3A_50 = tpu.memref_slice %arg6[%arg0, %add3A_28, %dma_wait3A] : memref<2x10240x64xf32, #tpu.memory_space<hbm>> -> memref<1x128x64xf32, #tpu.memory_space<hbm>>
      %dma_wait3A_51 = tpu.memref_squeeze %dma_wait3A_50 : memref<1x128x64xf32, #tpu.memory_space<hbm>> -> memref<128x64xf32, #tpu.memory_space<hbm>>
      %dma_wait3A_52 = arith.constant 0 : i32
      %dma_wait3A_53 = tpu.memref_slice %arg6[%arg0, %add3A_28, %dma_wait3A_52] : memref<2x10240x64xf32, #tpu.memory_space<hbm>> -> memref<1x128x64xf32, #tpu.memory_space<hbm>>
      %dma_wait3A_54 = tpu.memref_squeeze %dma_wait3A_53 : memref<1x128x64xf32, #tpu.memory_space<hbm>> -> memref<128x64xf32, #tpu.memory_space<hbm>>
      tpu.wait_dma2 semaphore(%run_scoped3A : memref<!tpu.dma_semaphore, #tpu.memory_space<semaphore_mem>>) src(%arg9 : memref<128x64xf32, #tpu.memory_space<vmem>>) dst(%dma_wait3A_54 : memref<128x64xf32, #tpu.memory_space<hbm>>)
      tpu.yield
    }) : () -> ()
    %mul3A_29 = arith.constant 640 : i32
    %mul3A_30 = arith.muli %arg1, %mul3A_29 : i32
    %add3A_31 = arith.constant 128 : i32
    %add3A_32 = arith.addi %mul3A_30, %add3A_31 : i32
    "tpu.region"() ({
      %run_scoped3A = tpu.sem_alloc : memref<!tpu.dma_semaphore, #tpu.memory_space<semaphore_mem>>
      %dma_start3A = arith.constant 0 : i32
      %dma_start3A_45 = tpu.memref_slice %arg21[%add3A_32, %dma_start3A] : memref<10240x64xf32, #tpu.memory_space<vmem_shared>> -> memref<128x64xf32, #tpu.memory_space<vmem_shared>>
      %dma_start3A_46 = arith.constant 0 : i32
      %dma_start3A_47 = tpu.memref_slice %arg21[%add3A_32, %dma_start3A_46] : memref<10240x64xf32, #tpu.memory_space<vmem_shared>> -> memref<128x64xf32, #tpu.memory_space<vmem_shared>>
      tpu.enqueue_dma source(%dma_start3A_47 : memref<128x64xf32, #tpu.memory_space<vmem_shared>>) target(%arg10 : memref<128x64xf32, #tpu.memory_space<vmem>>) target_semaphore(%run_scoped3A : memref<!tpu.dma_semaphore, #tpu.memory_space<semaphore_mem>>)
      %dma_wait3A = arith.constant 0 : i32
      %dma_wait3A_48 = tpu.memref_slice %arg21[%add3A_32, %dma_wait3A] : memref<10240x64xf32, #tpu.memory_space<vmem_shared>> -> memref<128x64xf32, #tpu.memory_space<vmem_shared>>
      %dma_wait3A_49 = arith.constant 0 : i32
      %dma_wait3A_50 = tpu.memref_slice %arg21[%add3A_32, %dma_wait3A_49] : memref<10240x64xf32, #tpu.memory_space<vmem_shared>> -> memref<128x64xf32, #tpu.memory_space<vmem_shared>>
      tpu.wait_dma2 semaphore(%run_scoped3A : memref<!tpu.dma_semaphore, #tpu.memory_space<semaphore_mem>>) src(%dma_wait3A_50 : memref<128x64xf32, #tpu.memory_space<vmem_shared>>) dst(%arg10 : memref<128x64xf32, #tpu.memory_space<vmem>>)
      tpu.yield
    }) : () -> ()
    "tpu.region"() ({
      %run_scoped3A = tpu.sem_alloc : memref<!tpu.dma_semaphore, #tpu.memory_space<semaphore_mem>>
      %dma_start3A = arith.constant 0 : i32
      %dma_start3A_45 = tpu.memref_slice %arg6[%arg0, %add3A_32, %dma_start3A] : memref<2x10240x64xf32, #tpu.memory_space<hbm>> -> memref<1x128x64xf32, #tpu.memory_space<hbm>>
      %dma_start3A_46 = tpu.memref_squeeze %dma_start3A_45 : memref<1x128x64xf32, #tpu.memory_space<hbm>> -> memref<128x64xf32, #tpu.memory_space<hbm>>
      %dma_start3A_47 = arith.constant 0 : i32
      %dma_start3A_48 = tpu.memref_slice %arg6[%arg0, %add3A_32, %dma_start3A_47] : memref<2x10240x64xf32, #tpu.memory_space<hbm>> -> memref<1x128x64xf32, #tpu.memory_space<hbm>>
      %dma_start3A_49 = tpu.memref_squeeze %dma_start3A_48 : memref<1x128x64xf32, #tpu.memory_space<hbm>> -> memref<128x64xf32, #tpu.memory_space<hbm>>
      tpu.enqueue_dma source(%arg10 : memref<128x64xf32, #tpu.memory_space<vmem>>) target(%dma_start3A_49 : memref<128x64xf32, #tpu.memory_space<hbm>>) target_semaphore(%run_scoped3A : memref<!tpu.dma_semaphore, #tpu.memory_space<semaphore_mem>>)
      %dma_wait3A = arith.constant 0 : i32
      %dma_wait3A_50 = tpu.memref_slice %arg6[%arg0, %add3A_32, %dma_wait3A] : memref<2x10240x64xf32, #tpu.memory_space<hbm>> -> memref<1x128x64xf32, #tpu.memory_space<hbm>>
      %dma_wait3A_51 = tpu.memref_squeeze %dma_wait3A_50 : memref<1x128x64xf32, #tpu.memory_space<hbm>> -> memref<128x64xf32, #tpu.memory_space<hbm>>
      %dma_wait3A_52 = arith.constant 0 : i32
      %dma_wait3A_53 = tpu.memref_slice %arg6[%arg0, %add3A_32, %dma_wait3A_52] : memref<2x10240x64xf32, #tpu.memory_space<hbm>> -> memref<1x128x64xf32, #tpu.memory_space<hbm>>
      %dma_wait3A_54 = tpu.memref_squeeze %dma_wait3A_53 : memref<1x128x64xf32, #tpu.memory_space<hbm>> -> memref<128x64xf32, #tpu.memory_space<hbm>>
      tpu.wait_dma2 semaphore(%run_scoped3A : memref<!tpu.dma_semaphore, #tpu.memory_space<semaphore_mem>>) src(%arg10 : memref<128x64xf32, #tpu.memory_space<vmem>>) dst(%dma_wait3A_54 : memref<128x64xf32, #tpu.memory_space<hbm>>)
      tpu.yield
    }) : () -> ()
    %mul3A_33 = arith.constant 640 : i32
    %mul3A_34 = arith.muli %arg1, %mul3A_33 : i32
    %add3A_35 = arith.constant 256 : i32
    %add3A_36 = arith.addi %mul3A_34, %add3A_35 : i32
    "tpu.region"() ({
      %run_scoped3A = tpu.sem_alloc : memref<!tpu.dma_semaphore, #tpu.memory_space<semaphore_mem>>
      %dma_start3A = arith.constant 0 : i32
      %dma_start3A_45 = tpu.memref_slice %arg21[%add3A_36, %dma_start3A] : memref<10240x64xf32, #tpu.memory_space<vmem_shared>> -> memref<128x64xf32, #tpu.memory_space<vmem_shared>>
      %dma_start3A_46 = arith.constant 0 : i32
      %dma_start3A_47 = tpu.memref_slice %arg21[%add3A_36, %dma_start3A_46] : memref<10240x64xf32, #tpu.memory_space<vmem_shared>> -> memref<128x64xf32, #tpu.memory_space<vmem_shared>>
      tpu.enqueue_dma source(%dma_start3A_47 : memref<128x64xf32, #tpu.memory_space<vmem_shared>>) target(%arg11 : memref<128x64xf32, #tpu.memory_space<vmem>>) target_semaphore(%run_scoped3A : memref<!tpu.dma_semaphore, #tpu.memory_space<semaphore_mem>>)
      %dma_wait3A = arith.constant 0 : i32
      %dma_wait3A_48 = tpu.memref_slice %arg21[%add3A_36, %dma_wait3A] : memref<10240x64xf32, #tpu.memory_space<vmem_shared>> -> memref<128x64xf32, #tpu.memory_space<vmem_shared>>
      %dma_wait3A_49 = arith.constant 0 : i32
      %dma_wait3A_50 = tpu.memref_slice %arg21[%add3A_36, %dma_wait3A_49] : memref<10240x64xf32, #tpu.memory_space<vmem_shared>> -> memref<128x64xf32, #tpu.memory_space<vmem_shared>>
      tpu.wait_dma2 semaphore(%run_scoped3A : memref<!tpu.dma_semaphore, #tpu.memory_space<semaphore_mem>>) src(%dma_wait3A_50 : memref<128x64xf32, #tpu.memory_space<vmem_shared>>) dst(%arg11 : memref<128x64xf32, #tpu.memory_space<vmem>>)
      tpu.yield
    }) : () -> ()
    "tpu.region"() ({
      %run_scoped3A = tpu.sem_alloc : memref<!tpu.dma_semaphore, #tpu.memory_space<semaphore_mem>>
      %dma_start3A = arith.constant 0 : i32
      %dma_start3A_45 = tpu.memref_slice %arg6[%arg0, %add3A_36, %dma_start3A] : memref<2x10240x64xf32, #tpu.memory_space<hbm>> -> memref<1x128x64xf32, #tpu.memory_space<hbm>>
      %dma_start3A_46 = tpu.memref_squeeze %dma_start3A_45 : memref<1x128x64xf32, #tpu.memory_space<hbm>> -> memref<128x64xf32, #tpu.memory_space<hbm>>
      %dma_start3A_47 = arith.constant 0 : i32
      %dma_start3A_48 = tpu.memref_slice %arg6[%arg0, %add3A_36, %dma_start3A_47] : memref<2x10240x64xf32, #tpu.memory_space<hbm>> -> memref<1x128x64xf32, #tpu.memory_space<hbm>>
      %dma_start3A_49 = tpu.memref_squeeze %dma_start3A_48 : memref<1x128x64xf32, #tpu.memory_space<hbm>> -> memref<128x64xf32, #tpu.memory_space<hbm>>
      tpu.enqueue_dma source(%arg11 : memref<128x64xf32, #tpu.memory_space<vmem>>) target(%dma_start3A_49 : memref<128x64xf32, #tpu.memory_space<hbm>>) target_semaphore(%run_scoped3A : memref<!tpu.dma_semaphore, #tpu.memory_space<semaphore_mem>>)
      %dma_wait3A = arith.constant 0 : i32
      %dma_wait3A_50 = tpu.memref_slice %arg6[%arg0, %add3A_36, %dma_wait3A] : memref<2x10240x64xf32, #tpu.memory_space<hbm>> -> memref<1x128x64xf32, #tpu.memory_space<hbm>>
      %dma_wait3A_51 = tpu.memref_squeeze %dma_wait3A_50 : memref<1x128x64xf32, #tpu.memory_space<hbm>> -> memref<128x64xf32, #tpu.memory_space<hbm>>
      %dma_wait3A_52 = arith.constant 0 : i32
      %dma_wait3A_53 = tpu.memref_slice %arg6[%arg0, %add3A_36, %dma_wait3A_52] : memref<2x10240x64xf32, #tpu.memory_space<hbm>> -> memref<1x128x64xf32, #tpu.memory_space<hbm>>
      %dma_wait3A_54 = tpu.memref_squeeze %dma_wait3A_53 : memref<1x128x64xf32, #tpu.memory_space<hbm>> -> memref<128x64xf32, #tpu.memory_space<hbm>>
      tpu.wait_dma2 semaphore(%run_scoped3A : memref<!tpu.dma_semaphore, #tpu.memory_space<semaphore_mem>>) src(%arg11 : memref<128x64xf32, #tpu.memory_space<vmem>>) dst(%dma_wait3A_54 : memref<128x64xf32, #tpu.memory_space<hbm>>)
      tpu.yield
    }) : () -> ()
    %mul3A_37 = arith.constant 640 : i32
    %mul3A_38 = arith.muli %arg1, %mul3A_37 : i32
    %add3A_39 = arith.constant 384 : i32
    %add3A_40 = arith.addi %mul3A_38, %add3A_39 : i32
    "tpu.region"() ({
      %run_scoped3A = tpu.sem_alloc : memref<!tpu.dma_semaphore, #tpu.memory_space<semaphore_mem>>
      %dma_start3A = arith.constant 0 : i32
      %dma_start3A_45 = tpu.memref_slice %arg21[%add3A_40, %dma_start3A] : memref<10240x64xf32, #tpu.memory_space<vmem_shared>> -> memref<128x64xf32, #tpu.memory_space<vmem_shared>>
      %dma_start3A_46 = arith.constant 0 : i32
      %dma_start3A_47 = tpu.memref_slice %arg21[%add3A_40, %dma_start3A_46] : memref<10240x64xf32, #tpu.memory_space<vmem_shared>> -> memref<128x64xf32, #tpu.memory_space<vmem_shared>>
      tpu.enqueue_dma source(%dma_start3A_47 : memref<128x64xf32, #tpu.memory_space<vmem_shared>>) target(%arg12 : memref<128x64xf32, #tpu.memory_space<vmem>>) target_semaphore(%run_scoped3A : memref<!tpu.dma_semaphore, #tpu.memory_space<semaphore_mem>>)
      %dma_wait3A = arith.constant 0 : i32
      %dma_wait3A_48 = tpu.memref_slice %arg21[%add3A_40, %dma_wait3A] : memref<10240x64xf32, #tpu.memory_space<vmem_shared>> -> memref<128x64xf32, #tpu.memory_space<vmem_shared>>
      %dma_wait3A_49 = arith.constant 0 : i32
      %dma_wait3A_50 = tpu.memref_slice %arg21[%add3A_40, %dma_wait3A_49] : memref<10240x64xf32, #tpu.memory_space<vmem_shared>> -> memref<128x64xf32, #tpu.memory_space<vmem_shared>>
      tpu.wait_dma2 semaphore(%run_scoped3A : memref<!tpu.dma_semaphore, #tpu.memory_space<semaphore_mem>>) src(%dma_wait3A_50 : memref<128x64xf32, #tpu.memory_space<vmem_shared>>) dst(%arg12 : memref<128x64xf32, #tpu.memory_space<vmem>>)
      tpu.yield
    }) : () -> ()
    "tpu.region"() ({
      %run_scoped3A = tpu.sem_alloc : memref<!tpu.dma_semaphore, #tpu.memory_space<semaphore_mem>>
      %dma_start3A = arith.constant 0 : i32
      %dma_start3A_45 = tpu.memref_slice %arg6[%arg0, %add3A_40, %dma_start3A] : memref<2x10240x64xf32, #tpu.memory_space<hbm>> -> memref<1x128x64xf32, #tpu.memory_space<hbm>>
      %dma_start3A_46 = tpu.memref_squeeze %dma_start3A_45 : memref<1x128x64xf32, #tpu.memory_space<hbm>> -> memref<128x64xf32, #tpu.memory_space<hbm>>
      %dma_start3A_47 = arith.constant 0 : i32
      %dma_start3A_48 = tpu.memref_slice %arg6[%arg0, %add3A_40, %dma_start3A_47] : memref<2x10240x64xf32, #tpu.memory_space<hbm>> -> memref<1x128x64xf32, #tpu.memory_space<hbm>>
      %dma_start3A_49 = tpu.memref_squeeze %dma_start3A_48 : memref<1x128x64xf32, #tpu.memory_space<hbm>> -> memref<128x64xf32, #tpu.memory_space<hbm>>
      tpu.enqueue_dma source(%arg12 : memref<128x64xf32, #tpu.memory_space<vmem>>) target(%dma_start3A_49 : memref<128x64xf32, #tpu.memory_space<hbm>>) target_semaphore(%run_scoped3A : memref<!tpu.dma_semaphore, #tpu.memory_space<semaphore_mem>>)
      %dma_wait3A = arith.constant 0 : i32
      %dma_wait3A_50 = tpu.memref_slice %arg6[%arg0, %add3A_40, %dma_wait3A] : memref<2x10240x64xf32, #tpu.memory_space<hbm>> -> memref<1x128x64xf32, #tpu.memory_space<hbm>>
      %dma_wait3A_51 = tpu.memref_squeeze %dma_wait3A_50 : memref<1x128x64xf32, #tpu.memory_space<hbm>> -> memref<128x64xf32, #tpu.memory_space<hbm>>
      %dma_wait3A_52 = arith.constant 0 : i32
      %dma_wait3A_53 = tpu.memref_slice %arg6[%arg0, %add3A_40, %dma_wait3A_52] : memref<2x10240x64xf32, #tpu.memory_space<hbm>> -> memref<1x128x64xf32, #tpu.memory_space<hbm>>
      %dma_wait3A_54 = tpu.memref_squeeze %dma_wait3A_53 : memref<1x128x64xf32, #tpu.memory_space<hbm>> -> memref<128x64xf32, #tpu.memory_space<hbm>>
      tpu.wait_dma2 semaphore(%run_scoped3A : memref<!tpu.dma_semaphore, #tpu.memory_space<semaphore_mem>>) src(%arg12 : memref<128x64xf32, #tpu.memory_space<vmem>>) dst(%dma_wait3A_54 : memref<128x64xf32, #tpu.memory_space<hbm>>)
      tpu.yield
    }) : () -> ()
    %mul3A_41 = arith.constant 640 : i32
    %mul3A_42 = arith.muli %arg1, %mul3A_41 : i32
    %add3A_43 = arith.constant 512 : i32
    %add3A_44 = arith.addi %mul3A_42, %add3A_43 : i32
    "tpu.region"() ({
      %run_scoped3A = tpu.sem_alloc : memref<!tpu.dma_semaphore, #tpu.memory_space<semaphore_mem>>
      %dma_start3A = arith.constant 0 : i32
      %dma_start3A_45 = tpu.memref_slice %arg21[%add3A_44, %dma_start3A] : memref<10240x64xf32, #tpu.memory_space<vmem_shared>> -> memref<128x64xf32, #tpu.memory_space<vmem_shared>>
      %dma_start3A_46 = arith.constant 0 : i32
      %dma_start3A_47 = tpu.memref_slice %arg21[%add3A_44, %dma_start3A_46] : memref<10240x64xf32, #tpu.memory_space<vmem_shared>> -> memref<128x64xf32, #tpu.memory_space<vmem_shared>>
      tpu.enqueue_dma source(%dma_start3A_47 : memref<128x64xf32, #tpu.memory_space<vmem_shared>>) target(%arg9 : memref<128x64xf32, #tpu.memory_space<vmem>>) target_semaphore(%run_scoped3A : memref<!tpu.dma_semaphore, #tpu.memory_space<semaphore_mem>>)
      %dma_wait3A = arith.constant 0 : i32
      %dma_wait3A_48 = tpu.memref_slice %arg21[%add3A_44, %dma_wait3A] : memref<10240x64xf32, #tpu.memory_space<vmem_shared>> -> memref<128x64xf32, #tpu.memory_space<vmem_shared>>
      %dma_wait3A_49 = arith.constant 0 : i32
      %dma_wait3A_50 = tpu.memref_slice %arg21[%add3A_44, %dma_wait3A_49] : memref<10240x64xf32, #tpu.memory_space<vmem_shared>> -> memref<128x64xf32, #tpu.memory_space<vmem_shared>>
      tpu.wait_dma2 semaphore(%run_scoped3A : memref<!tpu.dma_semaphore, #tpu.memory_space<semaphore_mem>>) src(%dma_wait3A_50 : memref<128x64xf32, #tpu.memory_space<vmem_shared>>) dst(%arg9 : memref<128x64xf32, #tpu.memory_space<vmem>>)
      tpu.yield
    }) : () -> ()
    "tpu.region"() ({
      %run_scoped3A = tpu.sem_alloc : memref<!tpu.dma_semaphore, #tpu.memory_space<semaphore_mem>>
      %dma_start3A = arith.constant 0 : i32
      %dma_start3A_45 = tpu.memref_slice %arg6[%arg0, %add3A_44, %dma_start3A] : memref<2x10240x64xf32, #tpu.memory_space<hbm>> -> memref<1x128x64xf32, #tpu.memory_space<hbm>>
      %dma_start3A_46 = tpu.memref_squeeze %dma_start3A_45 : memref<1x128x64xf32, #tpu.memory_space<hbm>> -> memref<128x64xf32, #tpu.memory_space<hbm>>
      %dma_start3A_47 = arith.constant 0 : i32
      %dma_start3A_48 = tpu.memref_slice %arg6[%arg0, %add3A_44, %dma_start3A_47] : memref<2x10240x64xf32, #tpu.memory_space<hbm>> -> memref<1x128x64xf32, #tpu.memory_space<hbm>>
      %dma_start3A_49 = tpu.memref_squeeze %dma_start3A_48 : memref<1x128x64xf32, #tpu.memory_space<hbm>> -> memref<128x64xf32, #tpu.memory_space<hbm>>
      tpu.enqueue_dma source(%arg9 : memref<128x64xf32, #tpu.memory_space<vmem>>) target(%dma_start3A_49 : memref<128x64xf32, #tpu.memory_space<hbm>>) target_semaphore(%run_scoped3A : memref<!tpu.dma_semaphore, #tpu.memory_space<semaphore_mem>>)
      %dma_wait3A = arith.constant 0 : i32
      %dma_wait3A_50 = tpu.memref_slice %arg6[%arg0, %add3A_44, %dma_wait3A] : memref<2x10240x64xf32, #tpu.memory_space<hbm>> -> memref<1x128x64xf32, #tpu.memory_space<hbm>>
      %dma_wait3A_51 = tpu.memref_squeeze %dma_wait3A_50 : memref<1x128x64xf32, #tpu.memory_space<hbm>> -> memref<128x64xf32, #tpu.memory_space<hbm>>
      %dma_wait3A_52 = arith.constant 0 : i32
      %dma_wait3A_53 = tpu.memref_slice %arg6[%arg0, %add3A_44, %dma_wait3A_52] : memref<2x10240x64xf32, #tpu.memory_space<hbm>> -> memref<1x128x64xf32, #tpu.memory_space<hbm>>
      %dma_wait3A_54 = tpu.memref_squeeze %dma_wait3A_53 : memref<1x128x64xf32, #tpu.memory_space<hbm>> -> memref<128x64xf32, #tpu.memory_space<hbm>>
      tpu.wait_dma2 semaphore(%run_scoped3A : memref<!tpu.dma_semaphore, #tpu.memory_space<semaphore_mem>>) src(%arg9 : memref<128x64xf32, #tpu.memory_space<vmem>>) dst(%dma_wait3A_54 : memref<128x64xf32, #tpu.memory_space<hbm>>)
      tpu.yield
    }) : () -> ()
    return
  }
}

#map = affine_map<(d0, d1) -> (0, 0)>
#map1 = affine_map<(d0, d1) -> (0, 0, 0)>
module attributes {stable_mosaic.version = 14 : i64} {
  func.func @k(%arg0: i32, %arg1: i32, %arg2: memref<10240x64xf32, #tpu.memory_space<hbm>>, %arg3: memref<2560x128xi32, #tpu.memory_space<hbm>>, %arg4: memref<2560x128xi32, #tpu.memory_space<hbm>>, %arg5: memref<128x64xf32, #tpu.memory_space<hbm>>, %arg6: memref<2x10240x64xf32, #tpu.memory_space<hbm>>, %arg7: memref<152x128xi32, #tpu.memory_space<vmem>>, %arg8: memref<152x128xi32, #tpu.memory_space<vmem>>, %arg9: memref<128x64xf32, #tpu.memory_space<vmem>>, %arg10: memref<128x64xf32, #tpu.memory_space<vmem>>, %arg11: memref<128x64xf32, #tpu.memory_space<vmem>>, %arg12: memref<128x64xf32, #tpu.memory_space<vmem>>, %arg13: memref<!tpu.dma_semaphore, #tpu.memory_space<semaphore_mem>>, %arg14: memref<!tpu.dma_semaphore, #tpu.memory_space<semaphore_mem>>, %arg15: memref<!tpu.dma_semaphore, #tpu.memory_space<semaphore_mem>>, %arg16: memref<!tpu.dma_semaphore, #tpu.memory_space<semaphore_mem>>, %arg17: memref<!tpu.dma_semaphore, #tpu.memory_space<semaphore_mem>>, %arg18: memref<!tpu.dma_semaphore, #tpu.memory_space<semaphore_mem>>, %arg19: memref<!tpu.dma_semaphore, #tpu.memory_space<semaphore_mem>>, %arg20: memref<!tpu.dma_semaphore, #tpu.memory_space<semaphore_mem>>, %arg21: memref<10240x64xf32, #tpu.memory_space<vmem_shared>>) attributes {dimension_semantics = [#tpu.dimension_semantics<core_parallel>, #tpu.dimension_semantics<subcore_parallel>], iteration_bounds = array<i64: 2, 16>, scalar_prefetch = 0 : i64, scratch_operands = 15 : i64, tpu.core_type = #tpu.core_type<sc_vector_subcore>, window_params = [{transform_indices = #map}, {transform_indices = #map}, {transform_indices = #map}, {transform_indices = #map}, {transform_indices = #map1}]} {
    "tpu.region"() ({
      %run_scoped3A = tpu.sem_alloc : memref<!tpu.dma_semaphore, #tpu.memory_space<semaphore_mem>>
      tpu.enqueue_dma source(%arg5 : memref<128x64xf32, #tpu.memory_space<hbm>>) target(%arg9 : memref<128x64xf32, #tpu.memory_space<vmem>>) target_semaphore(%run_scoped3A : memref<!tpu.dma_semaphore, #tpu.memory_space<semaphore_mem>>)
      tpu.wait_dma2 semaphore(%run_scoped3A : memref<!tpu.dma_semaphore, #tpu.memory_space<semaphore_mem>>) src(%arg5 : memref<128x64xf32, #tpu.memory_space<hbm>>) dst(%arg9 : memref<128x64xf32, #tpu.memory_space<vmem>>)
      tpu.yield
    }) : () -> ()
    %mul3A = arith.constant 640 : i32
    %mul3A_0 = arith.muli %arg1, %mul3A : i32
    %add3A = arith.constant 0 : i32
    %add3A_1 = arith.addi %mul3A_0, %add3A : i32
    "tpu.region"() ({
      %run_scoped3A = tpu.sem_alloc : memref<!tpu.dma_semaphore, #tpu.memory_space<semaphore_mem>>
      %dma_start3A = arith.constant 0 : i32
      %dma_start3A_45 = tpu.memref_slice %arg21[%add3A_1, %dma_start3A] : memref<10240x64xf32, #tpu.memory_space<vmem_shared>> -> memref<128x64xf32, #tpu.memory_space<vmem_shared>>
      %dma_start3A_46 = arith.constant 0 : i32
      %dma_start3A_47 = tpu.memref_slice %arg21[%add3A_1, %dma_start3A_46] : memref<10240x64xf32, #tpu.memory_space<vmem_shared>> -> memref<128x64xf32, #tpu.memory_space<vmem_shared>>
      tpu.enqueue_dma source(%arg9 : memref<128x64xf32, #tpu.memory_space<vmem>>) target(%dma_start3A_47 : memref<128x64xf32, #tpu.memory_space<vmem_shared>>) target_semaphore(%run_scoped3A : memref<!tpu.dma_semaphore, #tpu.memory_space<semaphore_mem>>)
      %dma_wait3A = arith.constant 0 : i32
      %dma_wait3A_48 = tpu.memref_slice %arg21[%add3A_1, %dma_wait3A] : memref<10240x64xf32, #tpu.memory_space<vmem_shared>> -> memref<128x64xf32, #tpu.memory_space<vmem_shared>>
      %dma_wait3A_49 = arith.constant 0 : i32
      %dma_wait3A_50 = tpu.memref_slice %arg21[%add3A_1, %dma_wait3A_49] : memref<10240x64xf32, #tpu.memory_space<vmem_shared>> -> memref<128x64xf32, #tpu.memory_space<vmem_shared>>
      tpu.wait_dma2 semaphore(%run_scoped3A : memref<!tpu.dma_semaphore, #tpu.memory_space<semaphore_mem>>) src(%arg9 : memref<128x64xf32, #tpu.memory_space<vmem>>) dst(%dma_wait3A_50 : memref<128x64xf32, #tpu.memory_space<vmem_shared>>)
      tpu.yield
    }) : () -> ()
    %mul3A_2 = arith.constant 640 : i32
    %mul3A_3 = arith.muli %arg1, %mul3A_2 : i32
    %add3A_4 = arith.constant 128 : i32
    %add3A_5 = arith.addi %mul3A_3, %add3A_4 : i32
    "tpu.region"() ({
      %run_scoped3A = tpu.sem_alloc : memref<!tpu.dma_semaphore, #tpu.memory_space<semaphore_mem>>
      %dma_start3A = arith.constant 0 : i32
      %dma_start3A_45 = tpu.memref_slice %arg21[%add3A_5, %dma_start3A] : memref<10240x64xf32, #tpu.memory_space<vmem_shared>> -> memref<128x64xf32, #tpu.memory_space<vmem_shared>>
      %dma_start3A_46 = arith.constant 0 : i32
      %dma_start3A_47 = tpu.memref_slice %arg21[%add3A_5, %dma_start3A_46] : memref<10240x64xf32, #tpu.memory_space<vmem_shared>> -> memref<128x64xf32, #tpu.memory_space<vmem_shared>>
      tpu.enqueue_dma source(%arg9 : memref<128x64xf32, #tpu.memory_space<vmem>>) target(%dma_start3A_47 : memref<128x64xf32, #tpu.memory_space<vmem_shared>>) target_semaphore(%run_scoped3A : memref<!tpu.dma_semaphore, #tpu.memory_space<semaphore_mem>>)
      %dma_wait3A = arith.constant 0 : i32
      %dma_wait3A_48 = tpu.memref_slice %arg21[%add3A_5, %dma_wait3A] : memref<10240x64xf32, #tpu.memory_space<vmem_shared>> -> memref<128x64xf32, #tpu.memory_space<vmem_shared>>
      %dma_wait3A_49 = arith.constant 0 : i32
      %dma_wait3A_50 = tpu.memref_slice %arg21[%add3A_5, %dma_wait3A_49] : memref<10240x64xf32, #tpu.memory_space<vmem_shared>> -> memref<128x64xf32, #tpu.memory_space<vmem_shared>>
      tpu.wait_dma2 semaphore(%run_scoped3A : memref<!tpu.dma_semaphore, #tpu.memory_space<semaphore_mem>>) src(%arg9 : memref<128x64xf32, #tpu.memory_space<vmem>>) dst(%dma_wait3A_50 : memref<128x64xf32, #tpu.memory_space<vmem_shared>>)
      tpu.yield
    }) : () -> ()
    %mul3A_6 = arith.constant 640 : i32
    %mul3A_7 = arith.muli %arg1, %mul3A_6 : i32
    %add3A_8 = arith.constant 256 : i32
    %add3A_9 = arith.addi %mul3A_7, %add3A_8 : i32
    "tpu.region"() ({
      %run_scoped3A = tpu.sem_alloc : memref<!tpu.dma_semaphore, #tpu.memory_space<semaphore_mem>>
      %dma_start3A = arith.constant 0 : i32
      %dma_start3A_45 = tpu.memref_slice %arg21[%add3A_9, %dma_start3A] : memref<10240x64xf32, #tpu.memory_space<vmem_shared>> -> memref<128x64xf32, #tpu.memory_space<vmem_shared>>
      %dma_start3A_46 = arith.constant 0 : i32
      %dma_start3A_47 = tpu.memref_slice %arg21[%add3A_9, %dma_start3A_46] : memref<10240x64xf32, #tpu.memory_space<vmem_shared>> -> memref<128x64xf32, #tpu.memory_space<vmem_shared>>
      tpu.enqueue_dma source(%arg9 : memref<128x64xf32, #tpu.memory_space<vmem>>) target(%dma_start3A_47 : memref<128x64xf32, #tpu.memory_space<vmem_shared>>) target_semaphore(%run_scoped3A : memref<!tpu.dma_semaphore, #tpu.memory_space<semaphore_mem>>)
      %dma_wait3A = arith.constant 0 : i32
      %dma_wait3A_48 = tpu.memref_slice %arg21[%add3A_9, %dma_wait3A] : memref<10240x64xf32, #tpu.memory_space<vmem_shared>> -> memref<128x64xf32, #tpu.memory_space<vmem_shared>>
      %dma_wait3A_49 = arith.constant 0 : i32
      %dma_wait3A_50 = tpu.memref_slice %arg21[%add3A_9, %dma_wait3A_49] : memref<10240x64xf32, #tpu.memory_space<vmem_shared>> -> memref<128x64xf32, #tpu.memory_space<vmem_shared>>
      tpu.wait_dma2 semaphore(%run_scoped3A : memref<!tpu.dma_semaphore, #tpu.memory_space<semaphore_mem>>) src(%arg9 : memref<128x64xf32, #tpu.memory_space<vmem>>) dst(%dma_wait3A_50 : memref<128x64xf32, #tpu.memory_space<vmem_shared>>)
      tpu.yield
    }) : () -> ()
    %mul3A_10 = arith.constant 640 : i32
    %mul3A_11 = arith.muli %arg1, %mul3A_10 : i32
    %add3A_12 = arith.constant 384 : i32
    %add3A_13 = arith.addi %mul3A_11, %add3A_12 : i32
    "tpu.region"() ({
      %run_scoped3A = tpu.sem_alloc : memref<!tpu.dma_semaphore, #tpu.memory_space<semaphore_mem>>
      %dma_start3A = arith.constant 0 : i32
      %dma_start3A_45 = tpu.memref_slice %arg21[%add3A_13, %dma_start3A] : memref<10240x64xf32, #tpu.memory_space<vmem_shared>> -> memref<128x64xf32, #tpu.memory_space<vmem_shared>>
      %dma_start3A_46 = arith.constant 0 : i32
      %dma_start3A_47 = tpu.memref_slice %arg21[%add3A_13, %dma_start3A_46] : memref<10240x64xf32, #tpu.memory_space<vmem_shared>> -> memref<128x64xf32, #tpu.memory_space<vmem_shared>>
      tpu.enqueue_dma source(%arg9 : memref<128x64xf32, #tpu.memory_space<vmem>>) target(%dma_start3A_47 : memref<128x64xf32, #tpu.memory_space<vmem_shared>>) target_semaphore(%run_scoped3A : memref<!tpu.dma_semaphore, #tpu.memory_space<semaphore_mem>>)
      %dma_wait3A = arith.constant 0 : i32
      %dma_wait3A_48 = tpu.memref_slice %arg21[%add3A_13, %dma_wait3A] : memref<10240x64xf32, #tpu.memory_space<vmem_shared>> -> memref<128x64xf32, #tpu.memory_space<vmem_shared>>
      %dma_wait3A_49 = arith.constant 0 : i32
      %dma_wait3A_50 = tpu.memref_slice %arg21[%add3A_13, %dma_wait3A_49] : memref<10240x64xf32, #tpu.memory_space<vmem_shared>> -> memref<128x64xf32, #tpu.memory_space<vmem_shared>>
      tpu.wait_dma2 semaphore(%run_scoped3A : memref<!tpu.dma_semaphore, #tpu.memory_space<semaphore_mem>>) src(%arg9 : memref<128x64xf32, #tpu.memory_space<vmem>>) dst(%dma_wait3A_50 : memref<128x64xf32, #tpu.memory_space<vmem_shared>>)
      tpu.yield
    }) : () -> ()
    %mul3A_14 = arith.constant 640 : i32
    %mul3A_15 = arith.muli %arg1, %mul3A_14 : i32
    %add3A_16 = arith.constant 512 : i32
    %add3A_17 = arith.addi %mul3A_15, %add3A_16 : i32
    "tpu.region"() ({
      %run_scoped3A = tpu.sem_alloc : memref<!tpu.dma_semaphore, #tpu.memory_space<semaphore_mem>>
      %dma_start3A = arith.constant 0 : i32
      %dma_start3A_45 = tpu.memref_slice %arg21[%add3A_17, %dma_start3A] : memref<10240x64xf32, #tpu.memory_space<vmem_shared>> -> memref<128x64xf32, #tpu.memory_space<vmem_shared>>
      %dma_start3A_46 = arith.constant 0 : i32
      %dma_start3A_47 = tpu.memref_slice %arg21[%add3A_17, %dma_start3A_46] : memref<10240x64xf32, #tpu.memory_space<vmem_shared>> -> memref<128x64xf32, #tpu.memory_space<vmem_shared>>
      tpu.enqueue_dma source(%arg9 : memref<128x64xf32, #tpu.memory_space<vmem>>) target(%dma_start3A_47 : memref<128x64xf32, #tpu.memory_space<vmem_shared>>) target_semaphore(%run_scoped3A : memref<!tpu.dma_semaphore, #tpu.memory_space<semaphore_mem>>)
      %dma_wait3A = arith.constant 0 : i32
      %dma_wait3A_48 = tpu.memref_slice %arg21[%add3A_17, %dma_wait3A] : memref<10240x64xf32, #tpu.memory_space<vmem_shared>> -> memref<128x64xf32, #tpu.memory_space<vmem_shared>>
      %dma_wait3A_49 = arith.constant 0 : i32
      %dma_wait3A_50 = tpu.memref_slice %arg21[%add3A_17, %dma_wait3A_49] : memref<10240x64xf32, #tpu.memory_space<vmem_shared>> -> memref<128x64xf32, #tpu.memory_space<vmem_shared>>
      tpu.wait_dma2 semaphore(%run_scoped3A : memref<!tpu.dma_semaphore, #tpu.memory_space<semaphore_mem>>) src(%arg9 : memref<128x64xf32, #tpu.memory_space<vmem>>) dst(%dma_wait3A_50 : memref<128x64xf32, #tpu.memory_space<vmem_shared>>)
      tpu.yield
    }) : () -> ()
    %eq3A = arith.constant 0 : i32
    %eq3A_18 = arith.cmpi eq, %arg0, %eq3A : i32
    %convert_element_type3A = arith.extui %eq3A_18 : i1 to i32
    %cond3A = arith.constant 0 : i32
    %cond3A_19 = arith.cmpi ne, %convert_element_type3A, %cond3A : i32
    scf.if %cond3A_19 {
      %mul3A_45 = arith.constant 152 : i32
      %mul3A_46 = arith.muli %arg1, %mul3A_45 : i32
      "tpu.region"() ({
        %run_scoped3A = tpu.sem_alloc : memref<!tpu.dma_semaphore, #tpu.memory_space<semaphore_mem>>
        %dma_start3A = arith.constant 0 : i32
        %dma_start3A_79 = arith.constant 0 : i32
        %dma_start3A_80 = tpu.memref_slice %arg7[%dma_start3A, %dma_start3A_79] : memref<152x128xi32, #tpu.memory_space<vmem>> -> memref<152x128xi32, #tpu.memory_space<vmem>>
        %dma_start3A_81 = arith.constant 0 : i32
        %dma_start3A_82 = tpu.memref_slice %arg3[%mul3A_46, %dma_start3A_81] : memref<2560x128xi32, #tpu.memory_space<hbm>> -> memref<152x128xi32, #tpu.memory_space<hbm>>
        %dma_start3A_83 = arith.constant 0 : i32
        %dma_start3A_84 = arith.constant 0 : i32
        %dma_start3A_85 = tpu.memref_slice %arg7[%dma_start3A_83, %dma_start3A_84] : memref<152x128xi32, #tpu.memory_space<vmem>> -> memref<152x128xi32, #tpu.memory_space<vmem>>
        %dma_start3A_86 = arith.constant 0 : i32
        %dma_start3A_87 = tpu.memref_slice %arg3[%mul3A_46, %dma_start3A_86] : memref<2560x128xi32, #tpu.memory_space<hbm>> -> memref<152x128xi32, #tpu.memory_space<hbm>>
        tpu.enqueue_dma source(%dma_start3A_87 : memref<152x128xi32, #tpu.memory_space<hbm>>) target(%dma_start3A_85 : memref<152x128xi32, #tpu.memory_space<vmem>>) target_semaphore(%run_scoped3A : memref<!tpu.dma_semaphore, #tpu.memory_space<semaphore_mem>>)
        %dma_wait3A_88 = arith.constant 0 : i32
        %dma_wait3A_89 = arith.constant 0 : i32
        %dma_wait3A_90 = tpu.memref_slice %arg7[%dma_wait3A_88, %dma_wait3A_89] : memref<152x128xi32, #tpu.memory_space<vmem>> -> memref<152x128xi32, #tpu.memory_space<vmem>>
        %dma_wait3A_91 = arith.constant 0 : i32
        %dma_wait3A_92 = tpu.memref_slice %arg3[%mul3A_46, %dma_wait3A_91] : memref<2560x128xi32, #tpu.memory_space<hbm>> -> memref<152x128xi32, #tpu.memory_space<hbm>>
        %dma_wait3A_93 = arith.constant 0 : i32
        %dma_wait3A_94 = arith.constant 0 : i32
        %dma_wait3A_95 = tpu.memref_slice %arg7[%dma_wait3A_93, %dma_wait3A_94] : memref<152x128xi32, #tpu.memory_space<vmem>> -> memref<152x128xi32, #tpu.memory_space<vmem>>
        %dma_wait3A_96 = arith.constant 0 : i32
        %dma_wait3A_97 = tpu.memref_slice %arg3[%mul3A_46, %dma_wait3A_96] : memref<2560x128xi32, #tpu.memory_space<hbm>> -> memref<152x128xi32, #tpu.memory_space<hbm>>
        tpu.wait_dma2 semaphore(%run_scoped3A : memref<!tpu.dma_semaphore, #tpu.memory_space<semaphore_mem>>) src(%dma_wait3A_97 : memref<152x128xi32, #tpu.memory_space<hbm>>) dst(%dma_wait3A_95 : memref<152x128xi32, #tpu.memory_space<vmem>>)
        tpu.yield
      }) : () -> ()
      "tpu.region"() ({
        %run_scoped3A = tpu.sem_alloc : memref<!tpu.dma_semaphore, #tpu.memory_space<semaphore_mem>>
        %dma_start3A = arith.constant 0 : i32
        %dma_start3A_79 = arith.constant 0 : i32
        %dma_start3A_80 = tpu.memref_slice %arg8[%dma_start3A, %dma_start3A_79] : memref<152x128xi32, #tpu.memory_space<vmem>> -> memref<152x128xi32, #tpu.memory_space<vmem>>
        %dma_start3A_81 = arith.constant 0 : i32
        %dma_start3A_82 = tpu.memref_slice %arg4[%mul3A_46, %dma_start3A_81] : memref<2560x128xi32, #tpu.memory_space<hbm>> -> memref<152x128xi32, #tpu.memory_space<hbm>>
        %dma_start3A_83 = arith.constant 0 : i32
        %dma_start3A_84 = arith.constant 0 : i32
        %dma_start3A_85 = tpu.memref_slice %arg8[%dma_start3A_83, %dma_start3A_84] : memref<152x128xi32, #tpu.memory_space<vmem>> -> memref<152x128xi32, #tpu.memory_space<vmem>>
        %dma_start3A_86 = arith.constant 0 : i32
        %dma_start3A_87 = tpu.memref_slice %arg4[%mul3A_46, %dma_start3A_86] : memref<2560x128xi32, #tpu.memory_space<hbm>> -> memref<152x128xi32, #tpu.memory_space<hbm>>
        tpu.enqueue_dma source(%dma_start3A_87 : memref<152x128xi32, #tpu.memory_space<hbm>>) target(%dma_start3A_85 : memref<152x128xi32, #tpu.memory_space<vmem>>) target_semaphore(%run_scoped3A : memref<!tpu.dma_semaphore, #tpu.memory_space<semaphore_mem>>)
        %dma_wait3A_88 = arith.constant 0 : i32
        %dma_wait3A_89 = arith.constant 0 : i32
        %dma_wait3A_90 = tpu.memref_slice %arg8[%dma_wait3A_88, %dma_wait3A_89] : memref<152x128xi32, #tpu.memory_space<vmem>> -> memref<152x128xi32, #tpu.memory_space<vmem>>
        %dma_wait3A_91 = arith.constant 0 : i32
        %dma_wait3A_92 = tpu.memref_slice %arg4[%mul3A_46, %dma_wait3A_91] : memref<2560x128xi32, #tpu.memory_space<hbm>> -> memref<152x128xi32, #tpu.memory_space<hbm>>
        %dma_wait3A_93 = arith.constant 0 : i32
        %dma_wait3A_94 = arith.constant 0 : i32
        %dma_wait3A_95 = tpu.memref_slice %arg8[%dma_wait3A_93, %dma_wait3A_94] : memref<152x128xi32, #tpu.memory_space<vmem>> -> memref<152x128xi32, #tpu.memory_space<vmem>>
        %dma_wait3A_96 = arith.constant 0 : i32
        %dma_wait3A_97 = tpu.memref_slice %arg4[%mul3A_46, %dma_wait3A_96] : memref<2560x128xi32, #tpu.memory_space<hbm>> -> memref<152x128xi32, #tpu.memory_space<hbm>>
        tpu.wait_dma2 semaphore(%run_scoped3A : memref<!tpu.dma_semaphore, #tpu.memory_space<semaphore_mem>>) src(%dma_wait3A_97 : memref<152x128xi32, #tpu.memory_space<hbm>>) dst(%dma_wait3A_95 : memref<152x128xi32, #tpu.memory_space<vmem>>)
        tpu.yield
      }) : () -> ()
      %scan3A = arith.constant 0 : i32
      %scan3A_47 = arith.constant 0 : i32
      %scan3A_48 = arith.constant 38 : i32
      %scan3A_49 = arith.addi %scan3A_47, %scan3A_48 : i32
      %scan3A_50 = arith.constant 1 : i32
      scf.for %scan3A_79 = %scan3A_47 to %scan3A_49 step %scan3A_50  : i32 {
        %gt3A = arith.constant 0 : i32
        %gt3A_80 = arith.cmpi sgt, %scan3A_79, %gt3A : i32
        %convert_element_type3A_81 = arith.extui %gt3A_80 : i1 to i32
        %cond3A_82 = arith.constant 0 : i32
        %cond3A_83 = arith.cmpi ne, %convert_element_type3A_81, %cond3A_82 : i32
        scf.if %cond3A_83 {
          %dma_wait3A_202 = arith.constant 0 : i32
          %dma_wait3A_203 = arith.constant 0 : i32
          %dma_wait3A_204 = tpu.memref_slice %arg8[%dma_wait3A_202, %dma_wait3A_203] : memref<152x128xi32, #tpu.memory_space<vmem>> -> memref<1x128xi32, #tpu.memory_space<vmem>>
          %dma_wait3A_205 = tpu.memref_squeeze %dma_wait3A_204 : memref<1x128xi32, #tpu.memory_space<vmem>> -> memref<128xi32, #tpu.memory_space<vmem>>
          %dma_wait3A_206 = arith.constant 0 : i32
          %dma_wait3A_207 = arith.constant 0 : i32
          %dma_wait3A_208 = tpu.memref_slice %arg21[%dma_wait3A_206, %dma_wait3A_207] : memref<10240x64xf32, #tpu.memory_space<vmem_shared>> -> memref<10240x64xf32, #tpu.memory_space<vmem_shared>>
          tpu.wait_indirect_dma semaphore(%arg17 : memref<!tpu.dma_semaphore, #tpu.memory_space<semaphore_mem>>) src(%arg9 : memref<128x64xf32, #tpu.memory_space<vmem>>) dst(%dma_wait3A_208 : memref<10240x64xf32, #tpu.memory_space<vmem_shared>>)
        } else {
        }
        %mul3A_84 = arith.constant 4 : i32
        %mul3A_85 = arith.muli %mul3A_84, %scan3A_79 : i32
        %add3A_86 = arith.constant 0 : i32
        %add3A_87 = arith.addi %mul3A_85, %add3A_86 : i32
        %dma_start3A = arith.constant 0 : i32
        %dma_start3A_88 = tpu.memref_slice %arg7[%add3A_87, %dma_start3A] : memref<152x128xi32, #tpu.memory_space<vmem>> -> memref<1x128xi32, #tpu.memory_space<vmem>>
        %dma_start3A_89 = tpu.memref_squeeze %dma_start3A_88 : memref<1x128xi32, #tpu.memory_space<vmem>> -> memref<128xi32, #tpu.memory_space<vmem>>
        %dma_start3A_90 = arith.constant 0 : i32
        %dma_start3A_91 = arith.constant 0 : i32
        %dma_start3A_92 = tpu.memref_slice %arg2[%dma_start3A_90, %dma_start3A_91] : memref<10240x64xf32, #tpu.memory_space<hbm>> -> memref<10240x64xf32, #tpu.memory_space<hbm>>
        tpu.enqueue_indirect_dma source(%dma_start3A_92 : memref<10240x64xf32, #tpu.memory_space<hbm>>) target(%arg9 : memref<128x64xf32, #tpu.memory_space<vmem>>) offsets(%dma_start3A_89 : memref<128xi32, #tpu.memory_space<vmem>>) semaphore(%arg13 : memref<!tpu.dma_semaphore, #tpu.memory_space<semaphore_mem>>)
        %gt3A_93 = arith.constant 0 : i32
        %gt3A_94 = arith.cmpi sgt, %scan3A_79, %gt3A_93 : i32
        %convert_element_type3A_95 = arith.extui %gt3A_94 : i1 to i32
        %cond3A_96 = arith.constant 0 : i32
        %cond3A_97 = arith.cmpi ne, %convert_element_type3A_95, %cond3A_96 : i32
        scf.if %cond3A_97 {
          %dma_wait3A_202 = arith.constant 0 : i32
          %dma_wait3A_203 = arith.constant 0 : i32
          %dma_wait3A_204 = tpu.memref_slice %arg8[%dma_wait3A_202, %dma_wait3A_203] : memref<152x128xi32, #tpu.memory_space<vmem>> -> memref<1x128xi32, #tpu.memory_space<vmem>>
          %dma_wait3A_205 = tpu.memref_squeeze %dma_wait3A_204 : memref<1x128xi32, #tpu.memory_space<vmem>> -> memref<128xi32, #tpu.memory_space<vmem>>
          %dma_wait3A_206 = arith.constant 0 : i32
          %dma_wait3A_207 = arith.constant 0 : i32
          %dma_wait3A_208 = tpu.memref_slice %arg21[%dma_wait3A_206, %dma_wait3A_207] : memref<10240x64xf32, #tpu.memory_space<vmem_shared>> -> memref<10240x64xf32, #tpu.memory_space<vmem_shared>>
          tpu.wait_indirect_dma semaphore(%arg18 : memref<!tpu.dma_semaphore, #tpu.memory_space<semaphore_mem>>) src(%arg10 : memref<128x64xf32, #tpu.memory_space<vmem>>) dst(%dma_wait3A_208 : memref<10240x64xf32, #tpu.memory_space<vmem_shared>>)
        } else {
        }
        %mul3A_98 = arith.constant 4 : i32
        %mul3A_99 = arith.muli %mul3A_98, %scan3A_79 : i32
        %add3A_100 = arith.constant 1 : i32
        %add3A_101 = arith.addi %mul3A_99, %add3A_100 : i32
        %dma_start3A_102 = arith.constant 0 : i32
        %dma_start3A_103 = tpu.memref_slice %arg7[%add3A_101, %dma_start3A_102] : memref<152x128xi32, #tpu.memory_space<vmem>> -> memref<1x128xi32, #tpu.memory_space<vmem>>
        %dma_start3A_104 = tpu.memref_squeeze %dma_start3A_103 : memref<1x128xi32, #tpu.memory_space<vmem>> -> memref<128xi32, #tpu.memory_space<vmem>>
        %dma_start3A_105 = arith.constant 0 : i32
        %dma_start3A_106 = arith.constant 0 : i32
        %dma_start3A_107 = tpu.memref_slice %arg2[%dma_start3A_105, %dma_start3A_106] : memref<10240x64xf32, #tpu.memory_space<hbm>> -> memref<10240x64xf32, #tpu.memory_space<hbm>>
        tpu.enqueue_indirect_dma source(%dma_start3A_107 : memref<10240x64xf32, #tpu.memory_space<hbm>>) target(%arg10 : memref<128x64xf32, #tpu.memory_space<vmem>>) offsets(%dma_start3A_104 : memref<128xi32, #tpu.memory_space<vmem>>) semaphore(%arg14 : memref<!tpu.dma_semaphore, #tpu.memory_space<semaphore_mem>>)
        %gt3A_108 = arith.constant 0 : i32
        %gt3A_109 = arith.cmpi sgt, %scan3A_79, %gt3A_108 : i32
        %convert_element_type3A_110 = arith.extui %gt3A_109 : i1 to i32
        %cond3A_111 = arith.constant 0 : i32
        %cond3A_112 = arith.cmpi ne, %convert_element_type3A_110, %cond3A_111 : i32
        scf.if %cond3A_112 {
          %dma_wait3A_202 = arith.constant 0 : i32
          %dma_wait3A_203 = arith.constant 0 : i32
          %dma_wait3A_204 = tpu.memref_slice %arg8[%dma_wait3A_202, %dma_wait3A_203] : memref<152x128xi32, #tpu.memory_space<vmem>> -> memref<1x128xi32, #tpu.memory_space<vmem>>
          %dma_wait3A_205 = tpu.memref_squeeze %dma_wait3A_204 : memref<1x128xi32, #tpu.memory_space<vmem>> -> memref<128xi32, #tpu.memory_space<vmem>>
          %dma_wait3A_206 = arith.constant 0 : i32
          %dma_wait3A_207 = arith.constant 0 : i32
          %dma_wait3A_208 = tpu.memref_slice %arg21[%dma_wait3A_206, %dma_wait3A_207] : memref<10240x64xf32, #tpu.memory_space<vmem_shared>> -> memref<10240x64xf32, #tpu.memory_space<vmem_shared>>
          tpu.wait_indirect_dma semaphore(%arg19 : memref<!tpu.dma_semaphore, #tpu.memory_space<semaphore_mem>>) src(%arg11 : memref<128x64xf32, #tpu.memory_space<vmem>>) dst(%dma_wait3A_208 : memref<10240x64xf32, #tpu.memory_space<vmem_shared>>)
        } else {
        }
        %mul3A_113 = arith.constant 4 : i32
        %mul3A_114 = arith.muli %mul3A_113, %scan3A_79 : i32
        %add3A_115 = arith.constant 2 : i32
        %add3A_116 = arith.addi %mul3A_114, %add3A_115 : i32
        %dma_start3A_117 = arith.constant 0 : i32
        %dma_start3A_118 = tpu.memref_slice %arg7[%add3A_116, %dma_start3A_117] : memref<152x128xi32, #tpu.memory_space<vmem>> -> memref<1x128xi32, #tpu.memory_space<vmem>>
        %dma_start3A_119 = tpu.memref_squeeze %dma_start3A_118 : memref<1x128xi32, #tpu.memory_space<vmem>> -> memref<128xi32, #tpu.memory_space<vmem>>
        %dma_start3A_120 = arith.constant 0 : i32
        %dma_start3A_121 = arith.constant 0 : i32
        %dma_start3A_122 = tpu.memref_slice %arg2[%dma_start3A_120, %dma_start3A_121] : memref<10240x64xf32, #tpu.memory_space<hbm>> -> memref<10240x64xf32, #tpu.memory_space<hbm>>
        tpu.enqueue_indirect_dma source(%dma_start3A_122 : memref<10240x64xf32, #tpu.memory_space<hbm>>) target(%arg11 : memref<128x64xf32, #tpu.memory_space<vmem>>) offsets(%dma_start3A_119 : memref<128xi32, #tpu.memory_space<vmem>>) semaphore(%arg15 : memref<!tpu.dma_semaphore, #tpu.memory_space<semaphore_mem>>)
        %gt3A_123 = arith.constant 0 : i32
        %gt3A_124 = arith.cmpi sgt, %scan3A_79, %gt3A_123 : i32
        %convert_element_type3A_125 = arith.extui %gt3A_124 : i1 to i32
        %cond3A_126 = arith.constant 0 : i32
        %cond3A_127 = arith.cmpi ne, %convert_element_type3A_125, %cond3A_126 : i32
        scf.if %cond3A_127 {
          %dma_wait3A_202 = arith.constant 0 : i32
          %dma_wait3A_203 = arith.constant 0 : i32
          %dma_wait3A_204 = tpu.memref_slice %arg8[%dma_wait3A_202, %dma_wait3A_203] : memref<152x128xi32, #tpu.memory_space<vmem>> -> memref<1x128xi32, #tpu.memory_space<vmem>>
          %dma_wait3A_205 = tpu.memref_squeeze %dma_wait3A_204 : memref<1x128xi32, #tpu.memory_space<vmem>> -> memref<128xi32, #tpu.memory_space<vmem>>
          %dma_wait3A_206 = arith.constant 0 : i32
          %dma_wait3A_207 = arith.constant 0 : i32
          %dma_wait3A_208 = tpu.memref_slice %arg21[%dma_wait3A_206, %dma_wait3A_207] : memref<10240x64xf32, #tpu.memory_space<vmem_shared>> -> memref<10240x64xf32, #tpu.memory_space<vmem_shared>>
          tpu.wait_indirect_dma semaphore(%arg20 : memref<!tpu.dma_semaphore, #tpu.memory_space<semaphore_mem>>) src(%arg12 : memref<128x64xf32, #tpu.memory_space<vmem>>) dst(%dma_wait3A_208 : memref<10240x64xf32, #tpu.memory_space<vmem_shared>>)
        } else {
        }
        %mul3A_128 = arith.constant 4 : i32
        %mul3A_129 = arith.muli %mul3A_128, %scan3A_79 : i32
        %add3A_130 = arith.constant 3 : i32
        %add3A_131 = arith.addi %mul3A_129, %add3A_130 : i32
        %dma_start3A_132 = arith.constant 0 : i32
        %dma_start3A_133 = tpu.memref_slice %arg7[%add3A_131, %dma_start3A_132] : memref<152x128xi32, #tpu.memory_space<vmem>> -> memref<1x128xi32, #tpu.memory_space<vmem>>
        %dma_start3A_134 = tpu.memref_squeeze %dma_start3A_133 : memref<1x128xi32, #tpu.memory_space<vmem>> -> memref<128xi32, #tpu.memory_space<vmem>>
        %dma_start3A_135 = arith.constant 0 : i32
        %dma_start3A_136 = arith.constant 0 : i32
        %dma_start3A_137 = tpu.memref_slice %arg2[%dma_start3A_135, %dma_start3A_136] : memref<10240x64xf32, #tpu.memory_space<hbm>> -> memref<10240x64xf32, #tpu.memory_space<hbm>>
        tpu.enqueue_indirect_dma source(%dma_start3A_137 : memref<10240x64xf32, #tpu.memory_space<hbm>>) target(%arg12 : memref<128x64xf32, #tpu.memory_space<vmem>>) offsets(%dma_start3A_134 : memref<128xi32, #tpu.memory_space<vmem>>) semaphore(%arg16 : memref<!tpu.dma_semaphore, #tpu.memory_space<semaphore_mem>>)
        %dma_wait3A_138 = arith.constant 0 : i32
        %dma_wait3A_139 = arith.constant 0 : i32
        %dma_wait3A_140 = tpu.memref_slice %arg2[%dma_wait3A_138, %dma_wait3A_139] : memref<10240x64xf32, #tpu.memory_space<hbm>> -> memref<128x64xf32, #tpu.memory_space<hbm>>
        %dma_wait3A_141 = arith.constant 0 : i32
        %dma_wait3A_142 = arith.constant 0 : i32
        %dma_wait3A_143 = tpu.memref_slice %arg2[%dma_wait3A_141, %dma_wait3A_142] : memref<10240x64xf32, #tpu.memory_space<hbm>> -> memref<128x64xf32, #tpu.memory_space<hbm>>
        tpu.wait_dma2 semaphore(%arg13 : memref<!tpu.dma_semaphore, #tpu.memory_space<semaphore_mem>>) src(%dma_wait3A_143 : memref<128x64xf32, #tpu.memory_space<hbm>>) dst(%arg9 : memref<128x64xf32, #tpu.memory_space<vmem>>)
        %mul3A_144 = arith.constant 4 : i32
        %mul3A_145 = arith.muli %mul3A_144, %scan3A_79 : i32
        %add3A_146 = arith.constant 0 : i32
        %add3A_147 = arith.addi %mul3A_145, %add3A_146 : i32
        %dma_start3A_148 = arith.constant 0 : i32
        %dma_start3A_149 = tpu.memref_slice %arg8[%add3A_147, %dma_start3A_148] : memref<152x128xi32, #tpu.memory_space<vmem>> -> memref<1x128xi32, #tpu.memory_space<vmem>>
        %dma_start3A_150 = tpu.memref_squeeze %dma_start3A_149 : memref<1x128xi32, #tpu.memory_space<vmem>> -> memref<128xi32, #tpu.memory_space<vmem>>
        %dma_start3A_151 = arith.constant 0 : i32
        %dma_start3A_152 = arith.constant 0 : i32
        %dma_start3A_153 = tpu.memref_slice %arg21[%dma_start3A_151, %dma_start3A_152] : memref<10240x64xf32, #tpu.memory_space<vmem_shared>> -> memref<10240x64xf32, #tpu.memory_space<vmem_shared>>
        tpu.enqueue_indirect_dma source(%arg9 : memref<128x64xf32, #tpu.memory_space<vmem>>) target(%dma_start3A_153 : memref<10240x64xf32, #tpu.memory_space<vmem_shared>>) offsets(%dma_start3A_150 : memref<128xi32, #tpu.memory_space<vmem>>) semaphore(%arg17 : memref<!tpu.dma_semaphore, #tpu.memory_space<semaphore_mem>>) {add = true}
        %dma_wait3A_154 = arith.constant 0 : i32
        %dma_wait3A_155 = arith.constant 0 : i32
        %dma_wait3A_156 = tpu.memref_slice %arg2[%dma_wait3A_154, %dma_wait3A_155] : memref<10240x64xf32, #tpu.memory_space<hbm>> -> memref<128x64xf32, #tpu.memory_space<hbm>>
        %dma_wait3A_157 = arith.constant 0 : i32
        %dma_wait3A_158 = arith.constant 0 : i32
        %dma_wait3A_159 = tpu.memref_slice %arg2[%dma_wait3A_157, %dma_wait3A_158] : memref<10240x64xf32, #tpu.memory_space<hbm>> -> memref<128x64xf32, #tpu.memory_space<hbm>>
        tpu.wait_dma2 semaphore(%arg14 : memref<!tpu.dma_semaphore, #tpu.memory_space<semaphore_mem>>) src(%dma_wait3A_159 : memref<128x64xf32, #tpu.memory_space<hbm>>) dst(%arg10 : memref<128x64xf32, #tpu.memory_space<vmem>>)
        %mul3A_160 = arith.constant 4 : i32
        %mul3A_161 = arith.muli %mul3A_160, %scan3A_79 : i32
        %add3A_162 = arith.constant 1 : i32
        %add3A_163 = arith.addi %mul3A_161, %add3A_162 : i32
        %dma_start3A_164 = arith.constant 0 : i32
        %dma_start3A_165 = tpu.memref_slice %arg8[%add3A_163, %dma_start3A_164] : memref<152x128xi32, #tpu.memory_space<vmem>> -> memref<1x128xi32, #tpu.memory_space<vmem>>
        %dma_start3A_166 = tpu.memref_squeeze %dma_start3A_165 : memref<1x128xi32, #tpu.memory_space<vmem>> -> memref<128xi32, #tpu.memory_space<vmem>>
        %dma_start3A_167 = arith.constant 0 : i32
        %dma_start3A_168 = arith.constant 0 : i32
        %dma_start3A_169 = tpu.memref_slice %arg21[%dma_start3A_167, %dma_start3A_168] : memref<10240x64xf32, #tpu.memory_space<vmem_shared>> -> memref<10240x64xf32, #tpu.memory_space<vmem_shared>>
        tpu.enqueue_indirect_dma source(%arg10 : memref<128x64xf32, #tpu.memory_space<vmem>>) target(%dma_start3A_169 : memref<10240x64xf32, #tpu.memory_space<vmem_shared>>) offsets(%dma_start3A_166 : memref<128xi32, #tpu.memory_space<vmem>>) semaphore(%arg18 : memref<!tpu.dma_semaphore, #tpu.memory_space<semaphore_mem>>) {add = true}
        %dma_wait3A_170 = arith.constant 0 : i32
        %dma_wait3A_171 = arith.constant 0 : i32
        %dma_wait3A_172 = tpu.memref_slice %arg2[%dma_wait3A_170, %dma_wait3A_171] : memref<10240x64xf32, #tpu.memory_space<hbm>> -> memref<128x64xf32, #tpu.memory_space<hbm>>
        %dma_wait3A_173 = arith.constant 0 : i32
        %dma_wait3A_174 = arith.constant 0 : i32
        %dma_wait3A_175 = tpu.memref_slice %arg2[%dma_wait3A_173, %dma_wait3A_174] : memref<10240x64xf32, #tpu.memory_space<hbm>> -> memref<128x64xf32, #tpu.memory_space<hbm>>
        tpu.wait_dma2 semaphore(%arg15 : memref<!tpu.dma_semaphore, #tpu.memory_space<semaphore_mem>>) src(%dma_wait3A_175 : memref<128x64xf32, #tpu.memory_space<hbm>>) dst(%arg11 : memref<128x64xf32, #tpu.memory_space<vmem>>)
        %mul3A_176 = arith.constant 4 : i32
        %mul3A_177 = arith.muli %mul3A_176, %scan3A_79 : i32
        %add3A_178 = arith.constant 2 : i32
        %add3A_179 = arith.addi %mul3A_177, %add3A_178 : i32
        %dma_start3A_180 = arith.constant 0 : i32
        %dma_start3A_181 = tpu.memref_slice %arg8[%add3A_179, %dma_start3A_180] : memref<152x128xi32, #tpu.memory_space<vmem>> -> memref<1x128xi32, #tpu.memory_space<vmem>>
        %dma_start3A_182 = tpu.memref_squeeze %dma_start3A_181 : memref<1x128xi32, #tpu.memory_space<vmem>> -> memref<128xi32, #tpu.memory_space<vmem>>
        %dma_start3A_183 = arith.constant 0 : i32
        %dma_start3A_184 = arith.constant 0 : i32
        %dma_start3A_185 = tpu.memref_slice %arg21[%dma_start3A_183, %dma_start3A_184] : memref<10240x64xf32, #tpu.memory_space<vmem_shared>> -> memref<10240x64xf32, #tpu.memory_space<vmem_shared>>
        tpu.enqueue_indirect_dma source(%arg11 : memref<128x64xf32, #tpu.memory_space<vmem>>) target(%dma_start3A_185 : memref<10240x64xf32, #tpu.memory_space<vmem_shared>>) offsets(%dma_start3A_182 : memref<128xi32, #tpu.memory_space<vmem>>) semaphore(%arg19 : memref<!tpu.dma_semaphore, #tpu.memory_space<semaphore_mem>>) {add = true}
        %dma_wait3A_186 = arith.constant 0 : i32
        %dma_wait3A_187 = arith.constant 0 : i32
        %dma_wait3A_188 = tpu.memref_slice %arg2[%dma_wait3A_186, %dma_wait3A_187] : memref<10240x64xf32, #tpu.memory_space<hbm>> -> memref<128x64xf32, #tpu.memory_space<hbm>>
        %dma_wait3A_189 = arith.constant 0 : i32
        %dma_wait3A_190 = arith.constant 0 : i32
        %dma_wait3A_191 = tpu.memref_slice %arg2[%dma_wait3A_189, %dma_wait3A_190] : memref<10240x64xf32, #tpu.memory_space<hbm>> -> memref<128x64xf32, #tpu.memory_space<hbm>>
        tpu.wait_dma2 semaphore(%arg16 : memref<!tpu.dma_semaphore, #tpu.memory_space<semaphore_mem>>) src(%dma_wait3A_191 : memref<128x64xf32, #tpu.memory_space<hbm>>) dst(%arg12 : memref<128x64xf32, #tpu.memory_space<vmem>>)
        %mul3A_192 = arith.constant 4 : i32
        %mul3A_193 = arith.muli %mul3A_192, %scan3A_79 : i32
        %add3A_194 = arith.constant 3 : i32
        %add3A_195 = arith.addi %mul3A_193, %add3A_194 : i32
        %dma_start3A_196 = arith.constant 0 : i32
        %dma_start3A_197 = tpu.memref_slice %arg8[%add3A_195, %dma_start3A_196] : memref<152x128xi32, #tpu.memory_space<vmem>> -> memref<1x128xi32, #tpu.memory_space<vmem>>
        %dma_start3A_198 = tpu.memref_squeeze %dma_start3A_197 : memref<1x128xi32, #tpu.memory_space<vmem>> -> memref<128xi32, #tpu.memory_space<vmem>>
        %dma_start3A_199 = arith.constant 0 : i32
        %dma_start3A_200 = arith.constant 0 : i32
        %dma_start3A_201 = tpu.memref_slice %arg21[%dma_start3A_199, %dma_start3A_200] : memref<10240x64xf32, #tpu.memory_space<vmem_shared>> -> memref<10240x64xf32, #tpu.memory_space<vmem_shared>>
        tpu.enqueue_indirect_dma source(%arg12 : memref<128x64xf32, #tpu.memory_space<vmem>>) target(%dma_start3A_201 : memref<10240x64xf32, #tpu.memory_space<vmem_shared>>) offsets(%dma_start3A_198 : memref<128xi32, #tpu.memory_space<vmem>>) semaphore(%arg20 : memref<!tpu.dma_semaphore, #tpu.memory_space<semaphore_mem>>) {add = true}
      }
      %scan3A_51 = arith.constant 38 : i32
      %dma_wait3A = arith.constant 0 : i32
      %dma_wait3A_52 = arith.constant 0 : i32
      %dma_wait3A_53 = tpu.memref_slice %arg8[%dma_wait3A, %dma_wait3A_52] : memref<152x128xi32, #tpu.memory_space<vmem>> -> memref<1x128xi32, #tpu.memory_space<vmem>>
      %dma_wait3A_54 = tpu.memref_squeeze %dma_wait3A_53 : memref<1x128xi32, #tpu.memory_space<vmem>> -> memref<128xi32, #tpu.memory_space<vmem>>
      %dma_wait3A_55 = arith.constant 0 : i32
      %dma_wait3A_56 = arith.constant 0 : i32
      %dma_wait3A_57 = tpu.memref_slice %arg21[%dma_wait3A_55, %dma_wait3A_56] : memref<10240x64xf32, #tpu.memory_space<vmem_shared>> -> memref<10240x64xf32, #tpu.memory_space<vmem_shared>>
      tpu.wait_indirect_dma semaphore(%arg17 : memref<!tpu.dma_semaphore, #tpu.memory_space<semaphore_mem>>) src(%arg9 : memref<128x64xf32, #tpu.memory_space<vmem>>) dst(%dma_wait3A_57 : memref<10240x64xf32, #tpu.memory_space<vmem_shared>>)
      %dma_wait3A_58 = arith.constant 0 : i32
      %dma_wait3A_59 = arith.constant 0 : i32
      %dma_wait3A_60 = tpu.memref_slice %arg8[%dma_wait3A_58, %dma_wait3A_59] : memref<152x128xi32, #tpu.memory_space<vmem>> -> memref<1x128xi32, #tpu.memory_space<vmem>>
      %dma_wait3A_61 = tpu.memref_squeeze %dma_wait3A_60 : memref<1x128xi32, #tpu.memory_space<vmem>> -> memref<128xi32, #tpu.memory_space<vmem>>
      %dma_wait3A_62 = arith.constant 0 : i32
      %dma_wait3A_63 = arith.constant 0 : i32
      %dma_wait3A_64 = tpu.memref_slice %arg21[%dma_wait3A_62, %dma_wait3A_63] : memref<10240x64xf32, #tpu.memory_space<vmem_shared>> -> memref<10240x64xf32, #tpu.memory_space<vmem_shared>>
      tpu.wait_indirect_dma semaphore(%arg18 : memref<!tpu.dma_semaphore, #tpu.memory_space<semaphore_mem>>) src(%arg10 : memref<128x64xf32, #tpu.memory_space<vmem>>) dst(%dma_wait3A_64 : memref<10240x64xf32, #tpu.memory_space<vmem_shared>>)
      %dma_wait3A_65 = arith.constant 0 : i32
      %dma_wait3A_66 = arith.constant 0 : i32
      %dma_wait3A_67 = tpu.memref_slice %arg8[%dma_wait3A_65, %dma_wait3A_66] : memref<152x128xi32, #tpu.memory_space<vmem>> -> memref<1x128xi32, #tpu.memory_space<vmem>>
      %dma_wait3A_68 = tpu.memref_squeeze %dma_wait3A_67 : memref<1x128xi32, #tpu.memory_space<vmem>> -> memref<128xi32, #tpu.memory_space<vmem>>
      %dma_wait3A_69 = arith.constant 0 : i32
      %dma_wait3A_70 = arith.constant 0 : i32
      %dma_wait3A_71 = tpu.memref_slice %arg21[%dma_wait3A_69, %dma_wait3A_70] : memref<10240x64xf32, #tpu.memory_space<vmem_shared>> -> memref<10240x64xf32, #tpu.memory_space<vmem_shared>>
      tpu.wait_indirect_dma semaphore(%arg19 : memref<!tpu.dma_semaphore, #tpu.memory_space<semaphore_mem>>) src(%arg11 : memref<128x64xf32, #tpu.memory_space<vmem>>) dst(%dma_wait3A_71 : memref<10240x64xf32, #tpu.memory_space<vmem_shared>>)
      %dma_wait3A_72 = arith.constant 0 : i32
      %dma_wait3A_73 = arith.constant 0 : i32
      %dma_wait3A_74 = tpu.memref_slice %arg8[%dma_wait3A_72, %dma_wait3A_73] : memref<152x128xi32, #tpu.memory_space<vmem>> -> memref<1x128xi32, #tpu.memory_space<vmem>>
      %dma_wait3A_75 = tpu.memref_squeeze %dma_wait3A_74 : memref<1x128xi32, #tpu.memory_space<vmem>> -> memref<128xi32, #tpu.memory_space<vmem>>
      %dma_wait3A_76 = arith.constant 0 : i32
      %dma_wait3A_77 = arith.constant 0 : i32
      %dma_wait3A_78 = tpu.memref_slice %arg21[%dma_wait3A_76, %dma_wait3A_77] : memref<10240x64xf32, #tpu.memory_space<vmem_shared>> -> memref<10240x64xf32, #tpu.memory_space<vmem_shared>>
      tpu.wait_indirect_dma semaphore(%arg20 : memref<!tpu.dma_semaphore, #tpu.memory_space<semaphore_mem>>) src(%arg12 : memref<128x64xf32, #tpu.memory_space<vmem>>) dst(%dma_wait3A_78 : memref<10240x64xf32, #tpu.memory_space<vmem_shared>>)
    } else {
    }
    %eq3A_20 = arith.constant 1 : i32
    %eq3A_21 = arith.cmpi eq, %arg0, %eq3A_20 : i32
    %convert_element_type3A_22 = arith.extui %eq3A_21 : i1 to i32
    %cond3A_23 = arith.constant 0 : i32
    %cond3A_24 = arith.cmpi ne, %convert_element_type3A_22, %cond3A_23 : i32
    scf.if %cond3A_24 {
      %mul3A_45 = arith.constant 8 : i32
      %mul3A_46 = arith.muli %arg1, %mul3A_45 : i32
      %add3A_47 = arith.constant 2432 : i32
      %add3A_48 = arith.addi %add3A_47, %mul3A_46 : i32
      "tpu.region"() ({
        %run_scoped3A = tpu.sem_alloc : memref<!tpu.dma_semaphore, #tpu.memory_space<semaphore_mem>>
        %dma_start3A = arith.constant 0 : i32
        %dma_start3A_81 = arith.constant 0 : i32
        %dma_start3A_82 = tpu.memref_slice %arg7[%dma_start3A, %dma_start3A_81] : memref<152x128xi32, #tpu.memory_space<vmem>> -> memref<8x128xi32, #tpu.memory_space<vmem>>
        %dma_start3A_83 = arith.constant 0 : i32
        %dma_start3A_84 = tpu.memref_slice %arg3[%add3A_48, %dma_start3A_83] : memref<2560x128xi32, #tpu.memory_space<hbm>> -> memref<8x128xi32, #tpu.memory_space<hbm>>
        %dma_start3A_85 = arith.constant 0 : i32
        %dma_start3A_86 = arith.constant 0 : i32
        %dma_start3A_87 = tpu.memref_slice %arg7[%dma_start3A_85, %dma_start3A_86] : memref<152x128xi32, #tpu.memory_space<vmem>> -> memref<8x128xi32, #tpu.memory_space<vmem>>
        %dma_start3A_88 = arith.constant 0 : i32
        %dma_start3A_89 = tpu.memref_slice %arg3[%add3A_48, %dma_start3A_88] : memref<2560x128xi32, #tpu.memory_space<hbm>> -> memref<8x128xi32, #tpu.memory_space<hbm>>
        tpu.enqueue_dma source(%dma_start3A_89 : memref<8x128xi32, #tpu.memory_space<hbm>>) target(%dma_start3A_87 : memref<8x128xi32, #tpu.memory_space<vmem>>) target_semaphore(%run_scoped3A : memref<!tpu.dma_semaphore, #tpu.memory_space<semaphore_mem>>)
        %dma_wait3A_90 = arith.constant 0 : i32
        %dma_wait3A_91 = arith.constant 0 : i32
        %dma_wait3A_92 = tpu.memref_slice %arg7[%dma_wait3A_90, %dma_wait3A_91] : memref<152x128xi32, #tpu.memory_space<vmem>> -> memref<8x128xi32, #tpu.memory_space<vmem>>
        %dma_wait3A_93 = arith.constant 0 : i32
        %dma_wait3A_94 = tpu.memref_slice %arg3[%add3A_48, %dma_wait3A_93] : memref<2560x128xi32, #tpu.memory_space<hbm>> -> memref<8x128xi32, #tpu.memory_space<hbm>>
        %dma_wait3A_95 = arith.constant 0 : i32
        %dma_wait3A_96 = arith.constant 0 : i32
        %dma_wait3A_97 = tpu.memref_slice %arg7[%dma_wait3A_95, %dma_wait3A_96] : memref<152x128xi32, #tpu.memory_space<vmem>> -> memref<8x128xi32, #tpu.memory_space<vmem>>
        %dma_wait3A_98 = arith.constant 0 : i32
        %dma_wait3A_99 = tpu.memref_slice %arg3[%add3A_48, %dma_wait3A_98] : memref<2560x128xi32, #tpu.memory_space<hbm>> -> memref<8x128xi32, #tpu.memory_space<hbm>>
        tpu.wait_dma2 semaphore(%run_scoped3A : memref<!tpu.dma_semaphore, #tpu.memory_space<semaphore_mem>>) src(%dma_wait3A_99 : memref<8x128xi32, #tpu.memory_space<hbm>>) dst(%dma_wait3A_97 : memref<8x128xi32, #tpu.memory_space<vmem>>)
        tpu.yield
      }) : () -> ()
      "tpu.region"() ({
        %run_scoped3A = tpu.sem_alloc : memref<!tpu.dma_semaphore, #tpu.memory_space<semaphore_mem>>
        %dma_start3A = arith.constant 0 : i32
        %dma_start3A_81 = arith.constant 0 : i32
        %dma_start3A_82 = tpu.memref_slice %arg8[%dma_start3A, %dma_start3A_81] : memref<152x128xi32, #tpu.memory_space<vmem>> -> memref<8x128xi32, #tpu.memory_space<vmem>>
        %dma_start3A_83 = arith.constant 0 : i32
        %dma_start3A_84 = tpu.memref_slice %arg4[%add3A_48, %dma_start3A_83] : memref<2560x128xi32, #tpu.memory_space<hbm>> -> memref<8x128xi32, #tpu.memory_space<hbm>>
        %dma_start3A_85 = arith.constant 0 : i32
        %dma_start3A_86 = arith.constant 0 : i32
        %dma_start3A_87 = tpu.memref_slice %arg8[%dma_start3A_85, %dma_start3A_86] : memref<152x128xi32, #tpu.memory_space<vmem>> -> memref<8x128xi32, #tpu.memory_space<vmem>>
        %dma_start3A_88 = arith.constant 0 : i32
        %dma_start3A_89 = tpu.memref_slice %arg4[%add3A_48, %dma_start3A_88] : memref<2560x128xi32, #tpu.memory_space<hbm>> -> memref<8x128xi32, #tpu.memory_space<hbm>>
        tpu.enqueue_dma source(%dma_start3A_89 : memref<8x128xi32, #tpu.memory_space<hbm>>) target(%dma_start3A_87 : memref<8x128xi32, #tpu.memory_space<vmem>>) target_semaphore(%run_scoped3A : memref<!tpu.dma_semaphore, #tpu.memory_space<semaphore_mem>>)
        %dma_wait3A_90 = arith.constant 0 : i32
        %dma_wait3A_91 = arith.constant 0 : i32
        %dma_wait3A_92 = tpu.memref_slice %arg8[%dma_wait3A_90, %dma_wait3A_91] : memref<152x128xi32, #tpu.memory_space<vmem>> -> memref<8x128xi32, #tpu.memory_space<vmem>>
        %dma_wait3A_93 = arith.constant 0 : i32
        %dma_wait3A_94 = tpu.memref_slice %arg4[%add3A_48, %dma_wait3A_93] : memref<2560x128xi32, #tpu.memory_space<hbm>> -> memref<8x128xi32, #tpu.memory_space<hbm>>
        %dma_wait3A_95 = arith.constant 0 : i32
        %dma_wait3A_96 = arith.constant 0 : i32
        %dma_wait3A_97 = tpu.memref_slice %arg8[%dma_wait3A_95, %dma_wait3A_96] : memref<152x128xi32, #tpu.memory_space<vmem>> -> memref<8x128xi32, #tpu.memory_space<vmem>>
        %dma_wait3A_98 = arith.constant 0 : i32
        %dma_wait3A_99 = tpu.memref_slice %arg4[%add3A_48, %dma_wait3A_98] : memref<2560x128xi32, #tpu.memory_space<hbm>> -> memref<8x128xi32, #tpu.memory_space<hbm>>
        tpu.wait_dma2 semaphore(%run_scoped3A : memref<!tpu.dma_semaphore, #tpu.memory_space<semaphore_mem>>) src(%dma_wait3A_99 : memref<8x128xi32, #tpu.memory_space<hbm>>) dst(%dma_wait3A_97 : memref<8x128xi32, #tpu.memory_space<vmem>>)
        tpu.yield
      }) : () -> ()
      %scan3A = arith.constant 0 : i32
      %scan3A_49 = arith.constant 0 : i32
      %scan3A_50 = arith.constant 2 : i32
      %scan3A_51 = arith.addi %scan3A_49, %scan3A_50 : i32
      %scan3A_52 = arith.constant 1 : i32
      scf.for %scan3A_81 = %scan3A_49 to %scan3A_51 step %scan3A_52  : i32 {
        %gt3A = arith.constant 0 : i32
        %gt3A_82 = arith.cmpi sgt, %scan3A_81, %gt3A : i32
        %convert_element_type3A_83 = arith.extui %gt3A_82 : i1 to i32
        %cond3A_84 = arith.constant 0 : i32
        %cond3A_85 = arith.cmpi ne, %convert_element_type3A_83, %cond3A_84 : i32
        scf.if %cond3A_85 {
          %dma_wait3A_204 = arith.constant 0 : i32
          %dma_wait3A_205 = arith.constant 0 : i32
          %dma_wait3A_206 = tpu.memref_slice %arg8[%dma_wait3A_204, %dma_wait3A_205] : memref<152x128xi32, #tpu.memory_space<vmem>> -> memref<1x128xi32, #tpu.memory_space<vmem>>
          %dma_wait3A_207 = tpu.memref_squeeze %dma_wait3A_206 : memref<1x128xi32, #tpu.memory_space<vmem>> -> memref<128xi32, #tpu.memory_space<vmem>>
          %dma_wait3A_208 = arith.constant 0 : i32
          %dma_wait3A_209 = arith.constant 0 : i32
          %dma_wait3A_210 = tpu.memref_slice %arg21[%dma_wait3A_208, %dma_wait3A_209] : memref<10240x64xf32, #tpu.memory_space<vmem_shared>> -> memref<10240x64xf32, #tpu.memory_space<vmem_shared>>
          tpu.wait_indirect_dma semaphore(%arg17 : memref<!tpu.dma_semaphore, #tpu.memory_space<semaphore_mem>>) src(%arg9 : memref<128x64xf32, #tpu.memory_space<vmem>>) dst(%dma_wait3A_210 : memref<10240x64xf32, #tpu.memory_space<vmem_shared>>)
        } else {
        }
        %mul3A_86 = arith.constant 4 : i32
        %mul3A_87 = arith.muli %mul3A_86, %scan3A_81 : i32
        %add3A_88 = arith.constant 0 : i32
        %add3A_89 = arith.addi %mul3A_87, %add3A_88 : i32
        %dma_start3A = arith.constant 0 : i32
        %dma_start3A_90 = tpu.memref_slice %arg7[%add3A_89, %dma_start3A] : memref<152x128xi32, #tpu.memory_space<vmem>> -> memref<1x128xi32, #tpu.memory_space<vmem>>
        %dma_start3A_91 = tpu.memref_squeeze %dma_start3A_90 : memref<1x128xi32, #tpu.memory_space<vmem>> -> memref<128xi32, #tpu.memory_space<vmem>>
        %dma_start3A_92 = arith.constant 0 : i32
        %dma_start3A_93 = arith.constant 0 : i32
        %dma_start3A_94 = tpu.memref_slice %arg2[%dma_start3A_92, %dma_start3A_93] : memref<10240x64xf32, #tpu.memory_space<hbm>> -> memref<10240x64xf32, #tpu.memory_space<hbm>>
        tpu.enqueue_indirect_dma source(%dma_start3A_94 : memref<10240x64xf32, #tpu.memory_space<hbm>>) target(%arg9 : memref<128x64xf32, #tpu.memory_space<vmem>>) offsets(%dma_start3A_91 : memref<128xi32, #tpu.memory_space<vmem>>) semaphore(%arg13 : memref<!tpu.dma_semaphore, #tpu.memory_space<semaphore_mem>>)
        %gt3A_95 = arith.constant 0 : i32
        %gt3A_96 = arith.cmpi sgt, %scan3A_81, %gt3A_95 : i32
        %convert_element_type3A_97 = arith.extui %gt3A_96 : i1 to i32
        %cond3A_98 = arith.constant 0 : i32
        %cond3A_99 = arith.cmpi ne, %convert_element_type3A_97, %cond3A_98 : i32
        scf.if %cond3A_99 {
          %dma_wait3A_204 = arith.constant 0 : i32
          %dma_wait3A_205 = arith.constant 0 : i32
          %dma_wait3A_206 = tpu.memref_slice %arg8[%dma_wait3A_204, %dma_wait3A_205] : memref<152x128xi32, #tpu.memory_space<vmem>> -> memref<1x128xi32, #tpu.memory_space<vmem>>
          %dma_wait3A_207 = tpu.memref_squeeze %dma_wait3A_206 : memref<1x128xi32, #tpu.memory_space<vmem>> -> memref<128xi32, #tpu.memory_space<vmem>>
          %dma_wait3A_208 = arith.constant 0 : i32
          %dma_wait3A_209 = arith.constant 0 : i32
          %dma_wait3A_210 = tpu.memref_slice %arg21[%dma_wait3A_208, %dma_wait3A_209] : memref<10240x64xf32, #tpu.memory_space<vmem_shared>> -> memref<10240x64xf32, #tpu.memory_space<vmem_shared>>
          tpu.wait_indirect_dma semaphore(%arg18 : memref<!tpu.dma_semaphore, #tpu.memory_space<semaphore_mem>>) src(%arg10 : memref<128x64xf32, #tpu.memory_space<vmem>>) dst(%dma_wait3A_210 : memref<10240x64xf32, #tpu.memory_space<vmem_shared>>)
        } else {
        }
        %mul3A_100 = arith.constant 4 : i32
        %mul3A_101 = arith.muli %mul3A_100, %scan3A_81 : i32
        %add3A_102 = arith.constant 1 : i32
        %add3A_103 = arith.addi %mul3A_101, %add3A_102 : i32
        %dma_start3A_104 = arith.constant 0 : i32
        %dma_start3A_105 = tpu.memref_slice %arg7[%add3A_103, %dma_start3A_104] : memref<152x128xi32, #tpu.memory_space<vmem>> -> memref<1x128xi32, #tpu.memory_space<vmem>>
        %dma_start3A_106 = tpu.memref_squeeze %dma_start3A_105 : memref<1x128xi32, #tpu.memory_space<vmem>> -> memref<128xi32, #tpu.memory_space<vmem>>
        %dma_start3A_107 = arith.constant 0 : i32
        %dma_start3A_108 = arith.constant 0 : i32
        %dma_start3A_109 = tpu.memref_slice %arg2[%dma_start3A_107, %dma_start3A_108] : memref<10240x64xf32, #tpu.memory_space<hbm>> -> memref<10240x64xf32, #tpu.memory_space<hbm>>
        tpu.enqueue_indirect_dma source(%dma_start3A_109 : memref<10240x64xf32, #tpu.memory_space<hbm>>) target(%arg10 : memref<128x64xf32, #tpu.memory_space<vmem>>) offsets(%dma_start3A_106 : memref<128xi32, #tpu.memory_space<vmem>>) semaphore(%arg14 : memref<!tpu.dma_semaphore, #tpu.memory_space<semaphore_mem>>)
        %gt3A_110 = arith.constant 0 : i32
        %gt3A_111 = arith.cmpi sgt, %scan3A_81, %gt3A_110 : i32
        %convert_element_type3A_112 = arith.extui %gt3A_111 : i1 to i32
        %cond3A_113 = arith.constant 0 : i32
        %cond3A_114 = arith.cmpi ne, %convert_element_type3A_112, %cond3A_113 : i32
        scf.if %cond3A_114 {
          %dma_wait3A_204 = arith.constant 0 : i32
          %dma_wait3A_205 = arith.constant 0 : i32
          %dma_wait3A_206 = tpu.memref_slice %arg8[%dma_wait3A_204, %dma_wait3A_205] : memref<152x128xi32, #tpu.memory_space<vmem>> -> memref<1x128xi32, #tpu.memory_space<vmem>>
          %dma_wait3A_207 = tpu.memref_squeeze %dma_wait3A_206 : memref<1x128xi32, #tpu.memory_space<vmem>> -> memref<128xi32, #tpu.memory_space<vmem>>
          %dma_wait3A_208 = arith.constant 0 : i32
          %dma_wait3A_209 = arith.constant 0 : i32
          %dma_wait3A_210 = tpu.memref_slice %arg21[%dma_wait3A_208, %dma_wait3A_209] : memref<10240x64xf32, #tpu.memory_space<vmem_shared>> -> memref<10240x64xf32, #tpu.memory_space<vmem_shared>>
          tpu.wait_indirect_dma semaphore(%arg19 : memref<!tpu.dma_semaphore, #tpu.memory_space<semaphore_mem>>) src(%arg11 : memref<128x64xf32, #tpu.memory_space<vmem>>) dst(%dma_wait3A_210 : memref<10240x64xf32, #tpu.memory_space<vmem_shared>>)
        } else {
        }
        %mul3A_115 = arith.constant 4 : i32
        %mul3A_116 = arith.muli %mul3A_115, %scan3A_81 : i32
        %add3A_117 = arith.constant 2 : i32
        %add3A_118 = arith.addi %mul3A_116, %add3A_117 : i32
        %dma_start3A_119 = arith.constant 0 : i32
        %dma_start3A_120 = tpu.memref_slice %arg7[%add3A_118, %dma_start3A_119] : memref<152x128xi32, #tpu.memory_space<vmem>> -> memref<1x128xi32, #tpu.memory_space<vmem>>
        %dma_start3A_121 = tpu.memref_squeeze %dma_start3A_120 : memref<1x128xi32, #tpu.memory_space<vmem>> -> memref<128xi32, #tpu.memory_space<vmem>>
        %dma_start3A_122 = arith.constant 0 : i32
        %dma_start3A_123 = arith.constant 0 : i32
        %dma_start3A_124 = tpu.memref_slice %arg2[%dma_start3A_122, %dma_start3A_123] : memref<10240x64xf32, #tpu.memory_space<hbm>> -> memref<10240x64xf32, #tpu.memory_space<hbm>>
        tpu.enqueue_indirect_dma source(%dma_start3A_124 : memref<10240x64xf32, #tpu.memory_space<hbm>>) target(%arg11 : memref<128x64xf32, #tpu.memory_space<vmem>>) offsets(%dma_start3A_121 : memref<128xi32, #tpu.memory_space<vmem>>) semaphore(%arg15 : memref<!tpu.dma_semaphore, #tpu.memory_space<semaphore_mem>>)
        %gt3A_125 = arith.constant 0 : i32
        %gt3A_126 = arith.cmpi sgt, %scan3A_81, %gt3A_125 : i32
        %convert_element_type3A_127 = arith.extui %gt3A_126 : i1 to i32
        %cond3A_128 = arith.constant 0 : i32
        %cond3A_129 = arith.cmpi ne, %convert_element_type3A_127, %cond3A_128 : i32
        scf.if %cond3A_129 {
          %dma_wait3A_204 = arith.constant 0 : i32
          %dma_wait3A_205 = arith.constant 0 : i32
          %dma_wait3A_206 = tpu.memref_slice %arg8[%dma_wait3A_204, %dma_wait3A_205] : memref<152x128xi32, #tpu.memory_space<vmem>> -> memref<1x128xi32, #tpu.memory_space<vmem>>
          %dma_wait3A_207 = tpu.memref_squeeze %dma_wait3A_206 : memref<1x128xi32, #tpu.memory_space<vmem>> -> memref<128xi32, #tpu.memory_space<vmem>>
          %dma_wait3A_208 = arith.constant 0 : i32
          %dma_wait3A_209 = arith.constant 0 : i32
          %dma_wait3A_210 = tpu.memref_slice %arg21[%dma_wait3A_208, %dma_wait3A_209] : memref<10240x64xf32, #tpu.memory_space<vmem_shared>> -> memref<10240x64xf32, #tpu.memory_space<vmem_shared>>
          tpu.wait_indirect_dma semaphore(%arg20 : memref<!tpu.dma_semaphore, #tpu.memory_space<semaphore_mem>>) src(%arg12 : memref<128x64xf32, #tpu.memory_space<vmem>>) dst(%dma_wait3A_210 : memref<10240x64xf32, #tpu.memory_space<vmem_shared>>)
        } else {
        }
        %mul3A_130 = arith.constant 4 : i32
        %mul3A_131 = arith.muli %mul3A_130, %scan3A_81 : i32
        %add3A_132 = arith.constant 3 : i32
        %add3A_133 = arith.addi %mul3A_131, %add3A_132 : i32
        %dma_start3A_134 = arith.constant 0 : i32
        %dma_start3A_135 = tpu.memref_slice %arg7[%add3A_133, %dma_start3A_134] : memref<152x128xi32, #tpu.memory_space<vmem>> -> memref<1x128xi32, #tpu.memory_space<vmem>>
        %dma_start3A_136 = tpu.memref_squeeze %dma_start3A_135 : memref<1x128xi32, #tpu.memory_space<vmem>> -> memref<128xi32, #tpu.memory_space<vmem>>
        %dma_start3A_137 = arith.constant 0 : i32
        %dma_start3A_138 = arith.constant 0 : i32
        %dma_start3A_139 = tpu.memref_slice %arg2[%dma_start3A_137, %dma_start3A_138] : memref<10240x64xf32, #tpu.memory_space<hbm>> -> memref<10240x64xf32, #tpu.memory_space<hbm>>
        tpu.enqueue_indirect_dma source(%dma_start3A_139 : memref<10240x64xf32, #tpu.memory_space<hbm>>) target(%arg12 : memref<128x64xf32, #tpu.memory_space<vmem>>) offsets(%dma_start3A_136 : memref<128xi32, #tpu.memory_space<vmem>>) semaphore(%arg16 : memref<!tpu.dma_semaphore, #tpu.memory_space<semaphore_mem>>)
        %dma_wait3A_140 = arith.constant 0 : i32
        %dma_wait3A_141 = arith.constant 0 : i32
        %dma_wait3A_142 = tpu.memref_slice %arg2[%dma_wait3A_140, %dma_wait3A_141] : memref<10240x64xf32, #tpu.memory_space<hbm>> -> memref<128x64xf32, #tpu.memory_space<hbm>>
        %dma_wait3A_143 = arith.constant 0 : i32
        %dma_wait3A_144 = arith.constant 0 : i32
        %dma_wait3A_145 = tpu.memref_slice %arg2[%dma_wait3A_143, %dma_wait3A_144] : memref<10240x64xf32, #tpu.memory_space<hbm>> -> memref<128x64xf32, #tpu.memory_space<hbm>>
        tpu.wait_dma2 semaphore(%arg13 : memref<!tpu.dma_semaphore, #tpu.memory_space<semaphore_mem>>) src(%dma_wait3A_145 : memref<128x64xf32, #tpu.memory_space<hbm>>) dst(%arg9 : memref<128x64xf32, #tpu.memory_space<vmem>>)
        %mul3A_146 = arith.constant 4 : i32
        %mul3A_147 = arith.muli %mul3A_146, %scan3A_81 : i32
        %add3A_148 = arith.constant 0 : i32
        %add3A_149 = arith.addi %mul3A_147, %add3A_148 : i32
        %dma_start3A_150 = arith.constant 0 : i32
        %dma_start3A_151 = tpu.memref_slice %arg8[%add3A_149, %dma_start3A_150] : memref<152x128xi32, #tpu.memory_space<vmem>> -> memref<1x128xi32, #tpu.memory_space<vmem>>
        %dma_start3A_152 = tpu.memref_squeeze %dma_start3A_151 : memref<1x128xi32, #tpu.memory_space<vmem>> -> memref<128xi32, #tpu.memory_space<vmem>>
        %dma_start3A_153 = arith.constant 0 : i32
        %dma_start3A_154 = arith.constant 0 : i32
        %dma_start3A_155 = tpu.memref_slice %arg21[%dma_start3A_153, %dma_start3A_154] : memref<10240x64xf32, #tpu.memory_space<vmem_shared>> -> memref<10240x64xf32, #tpu.memory_space<vmem_shared>>
        tpu.enqueue_indirect_dma source(%arg9 : memref<128x64xf32, #tpu.memory_space<vmem>>) target(%dma_start3A_155 : memref<10240x64xf32, #tpu.memory_space<vmem_shared>>) offsets(%dma_start3A_152 : memref<128xi32, #tpu.memory_space<vmem>>) semaphore(%arg17 : memref<!tpu.dma_semaphore, #tpu.memory_space<semaphore_mem>>) {add = true}
        %dma_wait3A_156 = arith.constant 0 : i32
        %dma_wait3A_157 = arith.constant 0 : i32
        %dma_wait3A_158 = tpu.memref_slice %arg2[%dma_wait3A_156, %dma_wait3A_157] : memref<10240x64xf32, #tpu.memory_space<hbm>> -> memref<128x64xf32, #tpu.memory_space<hbm>>
        %dma_wait3A_159 = arith.constant 0 : i32
        %dma_wait3A_160 = arith.constant 0 : i32
        %dma_wait3A_161 = tpu.memref_slice %arg2[%dma_wait3A_159, %dma_wait3A_160] : memref<10240x64xf32, #tpu.memory_space<hbm>> -> memref<128x64xf32, #tpu.memory_space<hbm>>
        tpu.wait_dma2 semaphore(%arg14 : memref<!tpu.dma_semaphore, #tpu.memory_space<semaphore_mem>>) src(%dma_wait3A_161 : memref<128x64xf32, #tpu.memory_space<hbm>>) dst(%arg10 : memref<128x64xf32, #tpu.memory_space<vmem>>)
        %mul3A_162 = arith.constant 4 : i32
        %mul3A_163 = arith.muli %mul3A_162, %scan3A_81 : i32
        %add3A_164 = arith.constant 1 : i32
        %add3A_165 = arith.addi %mul3A_163, %add3A_164 : i32
        %dma_start3A_166 = arith.constant 0 : i32
        %dma_start3A_167 = tpu.memref_slice %arg8[%add3A_165, %dma_start3A_166] : memref<152x128xi32, #tpu.memory_space<vmem>> -> memref<1x128xi32, #tpu.memory_space<vmem>>
        %dma_start3A_168 = tpu.memref_squeeze %dma_start3A_167 : memref<1x128xi32, #tpu.memory_space<vmem>> -> memref<128xi32, #tpu.memory_space<vmem>>
        %dma_start3A_169 = arith.constant 0 : i32
        %dma_start3A_170 = arith.constant 0 : i32
        %dma_start3A_171 = tpu.memref_slice %arg21[%dma_start3A_169, %dma_start3A_170] : memref<10240x64xf32, #tpu.memory_space<vmem_shared>> -> memref<10240x64xf32, #tpu.memory_space<vmem_shared>>
        tpu.enqueue_indirect_dma source(%arg10 : memref<128x64xf32, #tpu.memory_space<vmem>>) target(%dma_start3A_171 : memref<10240x64xf32, #tpu.memory_space<vmem_shared>>) offsets(%dma_start3A_168 : memref<128xi32, #tpu.memory_space<vmem>>) semaphore(%arg18 : memref<!tpu.dma_semaphore, #tpu.memory_space<semaphore_mem>>) {add = true}
        %dma_wait3A_172 = arith.constant 0 : i32
        %dma_wait3A_173 = arith.constant 0 : i32
        %dma_wait3A_174 = tpu.memref_slice %arg2[%dma_wait3A_172, %dma_wait3A_173] : memref<10240x64xf32, #tpu.memory_space<hbm>> -> memref<128x64xf32, #tpu.memory_space<hbm>>
        %dma_wait3A_175 = arith.constant 0 : i32
        %dma_wait3A_176 = arith.constant 0 : i32
        %dma_wait3A_177 = tpu.memref_slice %arg2[%dma_wait3A_175, %dma_wait3A_176] : memref<10240x64xf32, #tpu.memory_space<hbm>> -> memref<128x64xf32, #tpu.memory_space<hbm>>
        tpu.wait_dma2 semaphore(%arg15 : memref<!tpu.dma_semaphore, #tpu.memory_space<semaphore_mem>>) src(%dma_wait3A_177 : memref<128x64xf32, #tpu.memory_space<hbm>>) dst(%arg11 : memref<128x64xf32, #tpu.memory_space<vmem>>)
        %mul3A_178 = arith.constant 4 : i32
        %mul3A_179 = arith.muli %mul3A_178, %scan3A_81 : i32
        %add3A_180 = arith.constant 2 : i32
        %add3A_181 = arith.addi %mul3A_179, %add3A_180 : i32
        %dma_start3A_182 = arith.constant 0 : i32
        %dma_start3A_183 = tpu.memref_slice %arg8[%add3A_181, %dma_start3A_182] : memref<152x128xi32, #tpu.memory_space<vmem>> -> memref<1x128xi32, #tpu.memory_space<vmem>>
        %dma_start3A_184 = tpu.memref_squeeze %dma_start3A_183 : memref<1x128xi32, #tpu.memory_space<vmem>> -> memref<128xi32, #tpu.memory_space<vmem>>
        %dma_start3A_185 = arith.constant 0 : i32
        %dma_start3A_186 = arith.constant 0 : i32
        %dma_start3A_187 = tpu.memref_slice %arg21[%dma_start3A_185, %dma_start3A_186] : memref<10240x64xf32, #tpu.memory_space<vmem_shared>> -> memref<10240x64xf32, #tpu.memory_space<vmem_shared>>
        tpu.enqueue_indirect_dma source(%arg11 : memref<128x64xf32, #tpu.memory_space<vmem>>) target(%dma_start3A_187 : memref<10240x64xf32, #tpu.memory_space<vmem_shared>>) offsets(%dma_start3A_184 : memref<128xi32, #tpu.memory_space<vmem>>) semaphore(%arg19 : memref<!tpu.dma_semaphore, #tpu.memory_space<semaphore_mem>>) {add = true}
        %dma_wait3A_188 = arith.constant 0 : i32
        %dma_wait3A_189 = arith.constant 0 : i32
        %dma_wait3A_190 = tpu.memref_slice %arg2[%dma_wait3A_188, %dma_wait3A_189] : memref<10240x64xf32, #tpu.memory_space<hbm>> -> memref<128x64xf32, #tpu.memory_space<hbm>>
        %dma_wait3A_191 = arith.constant 0 : i32
        %dma_wait3A_192 = arith.constant 0 : i32
        %dma_wait3A_193 = tpu.memref_slice %arg2[%dma_wait3A_191, %dma_wait3A_192] : memref<10240x64xf32, #tpu.memory_space<hbm>> -> memref<128x64xf32, #tpu.memory_space<hbm>>
        tpu.wait_dma2 semaphore(%arg16 : memref<!tpu.dma_semaphore, #tpu.memory_space<semaphore_mem>>) src(%dma_wait3A_193 : memref<128x64xf32, #tpu.memory_space<hbm>>) dst(%arg12 : memref<128x64xf32, #tpu.memory_space<vmem>>)
        %mul3A_194 = arith.constant 4 : i32
        %mul3A_195 = arith.muli %mul3A_194, %scan3A_81 : i32
        %add3A_196 = arith.constant 3 : i32
        %add3A_197 = arith.addi %mul3A_195, %add3A_196 : i32
        %dma_start3A_198 = arith.constant 0 : i32
        %dma_start3A_199 = tpu.memref_slice %arg8[%add3A_197, %dma_start3A_198] : memref<152x128xi32, #tpu.memory_space<vmem>> -> memref<1x128xi32, #tpu.memory_space<vmem>>
        %dma_start3A_200 = tpu.memref_squeeze %dma_start3A_199 : memref<1x128xi32, #tpu.memory_space<vmem>> -> memref<128xi32, #tpu.memory_space<vmem>>
        %dma_start3A_201 = arith.constant 0 : i32
        %dma_start3A_202 = arith.constant 0 : i32
        %dma_start3A_203 = tpu.memref_slice %arg21[%dma_start3A_201, %dma_start3A_202] : memref<10240x64xf32, #tpu.memory_space<vmem_shared>> -> memref<10240x64xf32, #tpu.memory_space<vmem_shared>>
        tpu.enqueue_indirect_dma source(%arg12 : memref<128x64xf32, #tpu.memory_space<vmem>>) target(%dma_start3A_203 : memref<10240x64xf32, #tpu.memory_space<vmem_shared>>) offsets(%dma_start3A_200 : memref<128xi32, #tpu.memory_space<vmem>>) semaphore(%arg20 : memref<!tpu.dma_semaphore, #tpu.memory_space<semaphore_mem>>) {add = true}
      }
      %scan3A_53 = arith.constant 2 : i32
      %dma_wait3A = arith.constant 0 : i32
      %dma_wait3A_54 = arith.constant 0 : i32
      %dma_wait3A_55 = tpu.memref_slice %arg8[%dma_wait3A, %dma_wait3A_54] : memref<152x128xi32, #tpu.memory_space<vmem>> -> memref<1x128xi32, #tpu.memory_space<vmem>>
      %dma_wait3A_56 = tpu.memref_squeeze %dma_wait3A_55 : memref<1x128xi32, #tpu.memory_space<vmem>> -> memref<128xi32, #tpu.memory_space<vmem>>
      %dma_wait3A_57 = arith.constant 0 : i32
      %dma_wait3A_58 = arith.constant 0 : i32
      %dma_wait3A_59 = tpu.memref_slice %arg21[%dma_wait3A_57, %dma_wait3A_58] : memref<10240x64xf32, #tpu.memory_space<vmem_shared>> -> memref<10240x64xf32, #tpu.memory_space<vmem_shared>>
      tpu.wait_indirect_dma semaphore(%arg17 : memref<!tpu.dma_semaphore, #tpu.memory_space<semaphore_mem>>) src(%arg9 : memref<128x64xf32, #tpu.memory_space<vmem>>) dst(%dma_wait3A_59 : memref<10240x64xf32, #tpu.memory_space<vmem_shared>>)
      %dma_wait3A_60 = arith.constant 0 : i32
      %dma_wait3A_61 = arith.constant 0 : i32
      %dma_wait3A_62 = tpu.memref_slice %arg8[%dma_wait3A_60, %dma_wait3A_61] : memref<152x128xi32, #tpu.memory_space<vmem>> -> memref<1x128xi32, #tpu.memory_space<vmem>>
      %dma_wait3A_63 = tpu.memref_squeeze %dma_wait3A_62 : memref<1x128xi32, #tpu.memory_space<vmem>> -> memref<128xi32, #tpu.memory_space<vmem>>
      %dma_wait3A_64 = arith.constant 0 : i32
      %dma_wait3A_65 = arith.constant 0 : i32
      %dma_wait3A_66 = tpu.memref_slice %arg21[%dma_wait3A_64, %dma_wait3A_65] : memref<10240x64xf32, #tpu.memory_space<vmem_shared>> -> memref<10240x64xf32, #tpu.memory_space<vmem_shared>>
      tpu.wait_indirect_dma semaphore(%arg18 : memref<!tpu.dma_semaphore, #tpu.memory_space<semaphore_mem>>) src(%arg10 : memref<128x64xf32, #tpu.memory_space<vmem>>) dst(%dma_wait3A_66 : memref<10240x64xf32, #tpu.memory_space<vmem_shared>>)
      %dma_wait3A_67 = arith.constant 0 : i32
      %dma_wait3A_68 = arith.constant 0 : i32
      %dma_wait3A_69 = tpu.memref_slice %arg8[%dma_wait3A_67, %dma_wait3A_68] : memref<152x128xi32, #tpu.memory_space<vmem>> -> memref<1x128xi32, #tpu.memory_space<vmem>>
      %dma_wait3A_70 = tpu.memref_squeeze %dma_wait3A_69 : memref<1x128xi32, #tpu.memory_space<vmem>> -> memref<128xi32, #tpu.memory_space<vmem>>
      %dma_wait3A_71 = arith.constant 0 : i32
      %dma_wait3A_72 = arith.constant 0 : i32
      %dma_wait3A_73 = tpu.memref_slice %arg21[%dma_wait3A_71, %dma_wait3A_72] : memref<10240x64xf32, #tpu.memory_space<vmem_shared>> -> memref<10240x64xf32, #tpu.memory_space<vmem_shared>>
      tpu.wait_indirect_dma semaphore(%arg19 : memref<!tpu.dma_semaphore, #tpu.memory_space<semaphore_mem>>) src(%arg11 : memref<128x64xf32, #tpu.memory_space<vmem>>) dst(%dma_wait3A_73 : memref<10240x64xf32, #tpu.memory_space<vmem_shared>>)
      %dma_wait3A_74 = arith.constant 0 : i32
      %dma_wait3A_75 = arith.constant 0 : i32
      %dma_wait3A_76 = tpu.memref_slice %arg8[%dma_wait3A_74, %dma_wait3A_75] : memref<152x128xi32, #tpu.memory_space<vmem>> -> memref<1x128xi32, #tpu.memory_space<vmem>>
      %dma_wait3A_77 = tpu.memref_squeeze %dma_wait3A_76 : memref<1x128xi32, #tpu.memory_space<vmem>> -> memref<128xi32, #tpu.memory_space<vmem>>
      %dma_wait3A_78 = arith.constant 0 : i32
      %dma_wait3A_79 = arith.constant 0 : i32
      %dma_wait3A_80 = tpu.memref_slice %arg21[%dma_wait3A_78, %dma_wait3A_79] : memref<10240x64xf32, #tpu.memory_space<vmem_shared>> -> memref<10240x64xf32, #tpu.memory_space<vmem_shared>>
      tpu.wait_indirect_dma semaphore(%arg20 : memref<!tpu.dma_semaphore, #tpu.memory_space<semaphore_mem>>) src(%arg12 : memref<128x64xf32, #tpu.memory_space<vmem>>) dst(%dma_wait3A_80 : memref<10240x64xf32, #tpu.memory_space<vmem_shared>>)
    } else {
    }
    %barrier3A = arith.constant 0 : index
    tpu.barrier barrier_id(%barrier3A)
    %mul3A_25 = arith.constant 640 : i32
    %mul3A_26 = arith.muli %arg1, %mul3A_25 : i32
    %add3A_27 = arith.constant 0 : i32
    %add3A_28 = arith.addi %mul3A_26, %add3A_27 : i32
    "tpu.region"() ({
      %run_scoped3A = tpu.sem_alloc : memref<!tpu.dma_semaphore, #tpu.memory_space<semaphore_mem>>
      %dma_start3A = arith.constant 0 : i32
      %dma_start3A_45 = tpu.memref_slice %arg21[%add3A_28, %dma_start3A] : memref<10240x64xf32, #tpu.memory_space<vmem_shared>> -> memref<128x64xf32, #tpu.memory_space<vmem_shared>>
      %dma_start3A_46 = arith.constant 0 : i32
      %dma_start3A_47 = tpu.memref_slice %arg21[%add3A_28, %dma_start3A_46] : memref<10240x64xf32, #tpu.memory_space<vmem_shared>> -> memref<128x64xf32, #tpu.memory_space<vmem_shared>>
      tpu.enqueue_dma source(%dma_start3A_47 : memref<128x64xf32, #tpu.memory_space<vmem_shared>>) target(%arg9 : memref<128x64xf32, #tpu.memory_space<vmem>>) target_semaphore(%run_scoped3A : memref<!tpu.dma_semaphore, #tpu.memory_space<semaphore_mem>>)
      %dma_wait3A = arith.constant 0 : i32
      %dma_wait3A_48 = tpu.memref_slice %arg21[%add3A_28, %dma_wait3A] : memref<10240x64xf32, #tpu.memory_space<vmem_shared>> -> memref<128x64xf32, #tpu.memory_space<vmem_shared>>
      %dma_wait3A_49 = arith.constant 0 : i32
      %dma_wait3A_50 = tpu.memref_slice %arg21[%add3A_28, %dma_wait3A_49] : memref<10240x64xf32, #tpu.memory_space<vmem_shared>> -> memref<128x64xf32, #tpu.memory_space<vmem_shared>>
      tpu.wait_dma2 semaphore(%run_scoped3A : memref<!tpu.dma_semaphore, #tpu.memory_space<semaphore_mem>>) src(%dma_wait3A_50 : memref<128x64xf32, #tpu.memory_space<vmem_shared>>) dst(%arg9 : memref<128x64xf32, #tpu.memory_space<vmem>>)
      tpu.yield
    }) : () -> ()
    "tpu.region"() ({
      %run_scoped3A = tpu.sem_alloc : memref<!tpu.dma_semaphore, #tpu.memory_space<semaphore_mem>>
      %dma_start3A = arith.constant 0 : i32
      %dma_start3A_45 = tpu.memref_slice %arg6[%arg0, %add3A_28, %dma_start3A] : memref<2x10240x64xf32, #tpu.memory_space<hbm>> -> memref<1x128x64xf32, #tpu.memory_space<hbm>>
      %dma_start3A_46 = tpu.memref_squeeze %dma_start3A_45 : memref<1x128x64xf32, #tpu.memory_space<hbm>> -> memref<128x64xf32, #tpu.memory_space<hbm>>
      %dma_start3A_47 = arith.constant 0 : i32
      %dma_start3A_48 = tpu.memref_slice %arg6[%arg0, %add3A_28, %dma_start3A_47] : memref<2x10240x64xf32, #tpu.memory_space<hbm>> -> memref<1x128x64xf32, #tpu.memory_space<hbm>>
      %dma_start3A_49 = tpu.memref_squeeze %dma_start3A_48 : memref<1x128x64xf32, #tpu.memory_space<hbm>> -> memref<128x64xf32, #tpu.memory_space<hbm>>
      tpu.enqueue_dma source(%arg9 : memref<128x64xf32, #tpu.memory_space<vmem>>) target(%dma_start3A_49 : memref<128x64xf32, #tpu.memory_space<hbm>>) target_semaphore(%run_scoped3A : memref<!tpu.dma_semaphore, #tpu.memory_space<semaphore_mem>>)
      %dma_wait3A = arith.constant 0 : i32
      %dma_wait3A_50 = tpu.memref_slice %arg6[%arg0, %add3A_28, %dma_wait3A] : memref<2x10240x64xf32, #tpu.memory_space<hbm>> -> memref<1x128x64xf32, #tpu.memory_space<hbm>>
      %dma_wait3A_51 = tpu.memref_squeeze %dma_wait3A_50 : memref<1x128x64xf32, #tpu.memory_space<hbm>> -> memref<128x64xf32, #tpu.memory_space<hbm>>
      %dma_wait3A_52 = arith.constant 0 : i32
      %dma_wait3A_53 = tpu.memref_slice %arg6[%arg0, %add3A_28, %dma_wait3A_52] : memref<2x10240x64xf32, #tpu.memory_space<hbm>> -> memref<1x128x64xf32, #tpu.memory_space<hbm>>
      %dma_wait3A_54 = tpu.memref_squeeze %dma_wait3A_53 : memref<1x128x64xf32, #tpu.memory_space<hbm>> -> memref<128x64xf32, #tpu.memory_space<hbm>>
      tpu.wait_dma2 semaphore(%run_scoped3A : memref<!tpu.dma_semaphore, #tpu.memory_space<semaphore_mem>>) src(%arg9 : memref<128x64xf32, #tpu.memory_space<vmem>>) dst(%dma_wait3A_54 : memref<128x64xf32, #tpu.memory_space<hbm>>)
      tpu.yield
    }) : () -> ()
    %mul3A_29 = arith.constant 640 : i32
    %mul3A_30 = arith.muli %arg1, %mul3A_29 : i32
    %add3A_31 = arith.constant 128 : i32
    %add3A_32 = arith.addi %mul3A_30, %add3A_31 : i32
    "tpu.region"() ({
      %run_scoped3A = tpu.sem_alloc : memref<!tpu.dma_semaphore, #tpu.memory_space<semaphore_mem>>
      %dma_start3A = arith.constant 0 : i32
      %dma_start3A_45 = tpu.memref_slice %arg21[%add3A_32, %dma_start3A] : memref<10240x64xf32, #tpu.memory_space<vmem_shared>> -> memref<128x64xf32, #tpu.memory_space<vmem_shared>>
      %dma_start3A_46 = arith.constant 0 : i32
      %dma_start3A_47 = tpu.memref_slice %arg21[%add3A_32, %dma_start3A_46] : memref<10240x64xf32, #tpu.memory_space<vmem_shared>> -> memref<128x64xf32, #tpu.memory_space<vmem_shared>>
      tpu.enqueue_dma source(%dma_start3A_47 : memref<128x64xf32, #tpu.memory_space<vmem_shared>>) target(%arg10 : memref<128x64xf32, #tpu.memory_space<vmem>>) target_semaphore(%run_scoped3A : memref<!tpu.dma_semaphore, #tpu.memory_space<semaphore_mem>>)
      %dma_wait3A = arith.constant 0 : i32
      %dma_wait3A_48 = tpu.memref_slice %arg21[%add3A_32, %dma_wait3A] : memref<10240x64xf32, #tpu.memory_space<vmem_shared>> -> memref<128x64xf32, #tpu.memory_space<vmem_shared>>
      %dma_wait3A_49 = arith.constant 0 : i32
      %dma_wait3A_50 = tpu.memref_slice %arg21[%add3A_32, %dma_wait3A_49] : memref<10240x64xf32, #tpu.memory_space<vmem_shared>> -> memref<128x64xf32, #tpu.memory_space<vmem_shared>>
      tpu.wait_dma2 semaphore(%run_scoped3A : memref<!tpu.dma_semaphore, #tpu.memory_space<semaphore_mem>>) src(%dma_wait3A_50 : memref<128x64xf32, #tpu.memory_space<vmem_shared>>) dst(%arg10 : memref<128x64xf32, #tpu.memory_space<vmem>>)
      tpu.yield
    }) : () -> ()
    "tpu.region"() ({
      %run_scoped3A = tpu.sem_alloc : memref<!tpu.dma_semaphore, #tpu.memory_space<semaphore_mem>>
      %dma_start3A = arith.constant 0 : i32
      %dma_start3A_45 = tpu.memref_slice %arg6[%arg0, %add3A_32, %dma_start3A] : memref<2x10240x64xf32, #tpu.memory_space<hbm>> -> memref<1x128x64xf32, #tpu.memory_space<hbm>>
      %dma_start3A_46 = tpu.memref_squeeze %dma_start3A_45 : memref<1x128x64xf32, #tpu.memory_space<hbm>> -> memref<128x64xf32, #tpu.memory_space<hbm>>
      %dma_start3A_47 = arith.constant 0 : i32
      %dma_start3A_48 = tpu.memref_slice %arg6[%arg0, %add3A_32, %dma_start3A_47] : memref<2x10240x64xf32, #tpu.memory_space<hbm>> -> memref<1x128x64xf32, #tpu.memory_space<hbm>>
      %dma_start3A_49 = tpu.memref_squeeze %dma_start3A_48 : memref<1x128x64xf32, #tpu.memory_space<hbm>> -> memref<128x64xf32, #tpu.memory_space<hbm>>
      tpu.enqueue_dma source(%arg10 : memref<128x64xf32, #tpu.memory_space<vmem>>) target(%dma_start3A_49 : memref<128x64xf32, #tpu.memory_space<hbm>>) target_semaphore(%run_scoped3A : memref<!tpu.dma_semaphore, #tpu.memory_space<semaphore_mem>>)
      %dma_wait3A = arith.constant 0 : i32
      %dma_wait3A_50 = tpu.memref_slice %arg6[%arg0, %add3A_32, %dma_wait3A] : memref<2x10240x64xf32, #tpu.memory_space<hbm>> -> memref<1x128x64xf32, #tpu.memory_space<hbm>>
      %dma_wait3A_51 = tpu.memref_squeeze %dma_wait3A_50 : memref<1x128x64xf32, #tpu.memory_space<hbm>> -> memref<128x64xf32, #tpu.memory_space<hbm>>
      %dma_wait3A_52 = arith.constant 0 : i32
      %dma_wait3A_53 = tpu.memref_slice %arg6[%arg0, %add3A_32, %dma_wait3A_52] : memref<2x10240x64xf32, #tpu.memory_space<hbm>> -> memref<1x128x64xf32, #tpu.memory_space<hbm>>
      %dma_wait3A_54 = tpu.memref_squeeze %dma_wait3A_53 : memref<1x128x64xf32, #tpu.memory_space<hbm>> -> memref<128x64xf32, #tpu.memory_space<hbm>>
      tpu.wait_dma2 semaphore(%run_scoped3A : memref<!tpu.dma_semaphore, #tpu.memory_space<semaphore_mem>>) src(%arg10 : memref<128x64xf32, #tpu.memory_space<vmem>>) dst(%dma_wait3A_54 : memref<128x64xf32, #tpu.memory_space<hbm>>)
      tpu.yield
    }) : () -> ()
    %mul3A_33 = arith.constant 640 : i32
    %mul3A_34 = arith.muli %arg1, %mul3A_33 : i32
    %add3A_35 = arith.constant 256 : i32
    %add3A_36 = arith.addi %mul3A_34, %add3A_35 : i32
    "tpu.region"() ({
      %run_scoped3A = tpu.sem_alloc : memref<!tpu.dma_semaphore, #tpu.memory_space<semaphore_mem>>
      %dma_start3A = arith.constant 0 : i32
      %dma_start3A_45 = tpu.memref_slice %arg21[%add3A_36, %dma_start3A] : memref<10240x64xf32, #tpu.memory_space<vmem_shared>> -> memref<128x64xf32, #tpu.memory_space<vmem_shared>>
      %dma_start3A_46 = arith.constant 0 : i32
      %dma_start3A_47 = tpu.memref_slice %arg21[%add3A_36, %dma_start3A_46] : memref<10240x64xf32, #tpu.memory_space<vmem_shared>> -> memref<128x64xf32, #tpu.memory_space<vmem_shared>>
      tpu.enqueue_dma source(%dma_start3A_47 : memref<128x64xf32, #tpu.memory_space<vmem_shared>>) target(%arg11 : memref<128x64xf32, #tpu.memory_space<vmem>>) target_semaphore(%run_scoped3A : memref<!tpu.dma_semaphore, #tpu.memory_space<semaphore_mem>>)
      %dma_wait3A = arith.constant 0 : i32
      %dma_wait3A_48 = tpu.memref_slice %arg21[%add3A_36, %dma_wait3A] : memref<10240x64xf32, #tpu.memory_space<vmem_shared>> -> memref<128x64xf32, #tpu.memory_space<vmem_shared>>
      %dma_wait3A_49 = arith.constant 0 : i32
      %dma_wait3A_50 = tpu.memref_slice %arg21[%add3A_36, %dma_wait3A_49] : memref<10240x64xf32, #tpu.memory_space<vmem_shared>> -> memref<128x64xf32, #tpu.memory_space<vmem_shared>>
      tpu.wait_dma2 semaphore(%run_scoped3A : memref<!tpu.dma_semaphore, #tpu.memory_space<semaphore_mem>>) src(%dma_wait3A_50 : memref<128x64xf32, #tpu.memory_space<vmem_shared>>) dst(%arg11 : memref<128x64xf32, #tpu.memory_space<vmem>>)
      tpu.yield
    }) : () -> ()
    "tpu.region"() ({
      %run_scoped3A = tpu.sem_alloc : memref<!tpu.dma_semaphore, #tpu.memory_space<semaphore_mem>>
      %dma_start3A = arith.constant 0 : i32
      %dma_start3A_45 = tpu.memref_slice %arg6[%arg0, %add3A_36, %dma_start3A] : memref<2x10240x64xf32, #tpu.memory_space<hbm>> -> memref<1x128x64xf32, #tpu.memory_space<hbm>>
      %dma_start3A_46 = tpu.memref_squeeze %dma_start3A_45 : memref<1x128x64xf32, #tpu.memory_space<hbm>> -> memref<128x64xf32, #tpu.memory_space<hbm>>
      %dma_start3A_47 = arith.constant 0 : i32
      %dma_start3A_48 = tpu.memref_slice %arg6[%arg0, %add3A_36, %dma_start3A_47] : memref<2x10240x64xf32, #tpu.memory_space<hbm>> -> memref<1x128x64xf32, #tpu.memory_space<hbm>>
      %dma_start3A_49 = tpu.memref_squeeze %dma_start3A_48 : memref<1x128x64xf32, #tpu.memory_space<hbm>> -> memref<128x64xf32, #tpu.memory_space<hbm>>
      tpu.enqueue_dma source(%arg11 : memref<128x64xf32, #tpu.memory_space<vmem>>) target(%dma_start3A_49 : memref<128x64xf32, #tpu.memory_space<hbm>>) target_semaphore(%run_scoped3A : memref<!tpu.dma_semaphore, #tpu.memory_space<semaphore_mem>>)
      %dma_wait3A = arith.constant 0 : i32
      %dma_wait3A_50 = tpu.memref_slice %arg6[%arg0, %add3A_36, %dma_wait3A] : memref<2x10240x64xf32, #tpu.memory_space<hbm>> -> memref<1x128x64xf32, #tpu.memory_space<hbm>>
      %dma_wait3A_51 = tpu.memref_squeeze %dma_wait3A_50 : memref<1x128x64xf32, #tpu.memory_space<hbm>> -> memref<128x64xf32, #tpu.memory_space<hbm>>
      %dma_wait3A_52 = arith.constant 0 : i32
      %dma_wait3A_53 = tpu.memref_slice %arg6[%arg0, %add3A_36, %dma_wait3A_52] : memref<2x10240x64xf32, #tpu.memory_space<hbm>> -> memref<1x128x64xf32, #tpu.memory_space<hbm>>
      %dma_wait3A_54 = tpu.memref_squeeze %dma_wait3A_53 : memref<1x128x64xf32, #tpu.memory_space<hbm>> -> memref<128x64xf32, #tpu.memory_space<hbm>>
      tpu.wait_dma2 semaphore(%run_scoped3A : memref<!tpu.dma_semaphore, #tpu.memory_space<semaphore_mem>>) src(%arg11 : memref<128x64xf32, #tpu.memory_space<vmem>>) dst(%dma_wait3A_54 : memref<128x64xf32, #tpu.memory_space<hbm>>)
      tpu.yield
    }) : () -> ()
    %mul3A_37 = arith.constant 640 : i32
    %mul3A_38 = arith.muli %arg1, %mul3A_37 : i32
    %add3A_39 = arith.constant 384 : i32
    %add3A_40 = arith.addi %mul3A_38, %add3A_39 : i32
    "tpu.region"() ({
      %run_scoped3A = tpu.sem_alloc : memref<!tpu.dma_semaphore, #tpu.memory_space<semaphore_mem>>
      %dma_start3A = arith.constant 0 : i32
      %dma_start3A_45 = tpu.memref_slice %arg21[%add3A_40, %dma_start3A] : memref<10240x64xf32, #tpu.memory_space<vmem_shared>> -> memref<128x64xf32, #tpu.memory_space<vmem_shared>>
      %dma_start3A_46 = arith.constant 0 : i32
      %dma_start3A_47 = tpu.memref_slice %arg21[%add3A_40, %dma_start3A_46] : memref<10240x64xf32, #tpu.memory_space<vmem_shared>> -> memref<128x64xf32, #tpu.memory_space<vmem_shared>>
      tpu.enqueue_dma source(%dma_start3A_47 : memref<128x64xf32, #tpu.memory_space<vmem_shared>>) target(%arg12 : memref<128x64xf32, #tpu.memory_space<vmem>>) target_semaphore(%run_scoped3A : memref<!tpu.dma_semaphore, #tpu.memory_space<semaphore_mem>>)
      %dma_wait3A = arith.constant 0 : i32
      %dma_wait3A_48 = tpu.memref_slice %arg21[%add3A_40, %dma_wait3A] : memref<10240x64xf32, #tpu.memory_space<vmem_shared>> -> memref<128x64xf32, #tpu.memory_space<vmem_shared>>
      %dma_wait3A_49 = arith.constant 0 : i32
      %dma_wait3A_50 = tpu.memref_slice %arg21[%add3A_40, %dma_wait3A_49] : memref<10240x64xf32, #tpu.memory_space<vmem_shared>> -> memref<128x64xf32, #tpu.memory_space<vmem_shared>>
      tpu.wait_dma2 semaphore(%run_scoped3A : memref<!tpu.dma_semaphore, #tpu.memory_space<semaphore_mem>>) src(%dma_wait3A_50 : memref<128x64xf32, #tpu.memory_space<vmem_shared>>) dst(%arg12 : memref<128x64xf32, #tpu.memory_space<vmem>>)
      tpu.yield
    }) : () -> ()
    "tpu.region"() ({
      %run_scoped3A = tpu.sem_alloc : memref<!tpu.dma_semaphore, #tpu.memory_space<semaphore_mem>>
      %dma_start3A = arith.constant 0 : i32
      %dma_start3A_45 = tpu.memref_slice %arg6[%arg0, %add3A_40, %dma_start3A] : memref<2x10240x64xf32, #tpu.memory_space<hbm>> -> memref<1x128x64xf32, #tpu.memory_space<hbm>>
      %dma_start3A_46 = tpu.memref_squeeze %dma_start3A_45 : memref<1x128x64xf32, #tpu.memory_space<hbm>> -> memref<128x64xf32, #tpu.memory_space<hbm>>
      %dma_start3A_47 = arith.constant 0 : i32
      %dma_start3A_48 = tpu.memref_slice %arg6[%arg0, %add3A_40, %dma_start3A_47] : memref<2x10240x64xf32, #tpu.memory_space<hbm>> -> memref<1x128x64xf32, #tpu.memory_space<hbm>>
      %dma_start3A_49 = tpu.memref_squeeze %dma_start3A_48 : memref<1x128x64xf32, #tpu.memory_space<hbm>> -> memref<128x64xf32, #tpu.memory_space<hbm>>
      tpu.enqueue_dma source(%arg12 : memref<128x64xf32, #tpu.memory_space<vmem>>) target(%dma_start3A_49 : memref<128x64xf32, #tpu.memory_space<hbm>>) target_semaphore(%run_scoped3A : memref<!tpu.dma_semaphore, #tpu.memory_space<semaphore_mem>>)
      %dma_wait3A = arith.constant 0 : i32
      %dma_wait3A_50 = tpu.memref_slice %arg6[%arg0, %add3A_40, %dma_wait3A] : memref<2x10240x64xf32, #tpu.memory_space<hbm>> -> memref<1x128x64xf32, #tpu.memory_space<hbm>>
      %dma_wait3A_51 = tpu.memref_squeeze %dma_wait3A_50 : memref<1x128x64xf32, #tpu.memory_space<hbm>> -> memref<128x64xf32, #tpu.memory_space<hbm>>
      %dma_wait3A_52 = arith.constant 0 : i32
      %dma_wait3A_53 = tpu.memref_slice %arg6[%arg0, %add3A_40, %dma_wait3A_52] : memref<2x10240x64xf32, #tpu.memory_space<hbm>> -> memref<1x128x64xf32, #tpu.memory_space<hbm>>
      %dma_wait3A_54 = tpu.memref_squeeze %dma_wait3A_53 : memref<1x128x64xf32, #tpu.memory_space<hbm>> -> memref<128x64xf32, #tpu.memory_space<hbm>>
      tpu.wait_dma2 semaphore(%run_scoped3A : memref<!tpu.dma_semaphore, #tpu.memory_space<semaphore_mem>>) src(%arg12 : memref<128x64xf32, #tpu.memory_space<vmem>>) dst(%dma_wait3A_54 : memref<128x64xf32, #tpu.memory_space<hbm>>)
      tpu.yield
    }) : () -> ()
    %mul3A_41 = arith.constant 640 : i32
    %mul3A_42 = arith.muli %arg1, %mul3A_41 : i32
    %add3A_43 = arith.constant 512 : i32
    %add3A_44 = arith.addi %mul3A_42, %add3A_43 : i32
    "tpu.region"() ({
      %run_scoped3A = tpu.sem_alloc : memref<!tpu.dma_semaphore, #tpu.memory_space<semaphore_mem>>
      %dma_start3A = arith.constant 0 : i32
      %dma_start3A_45 = tpu.memref_slice %arg21[%add3A_44, %dma_start3A] : memref<10240x64xf32, #tpu.memory_space<vmem_shared>> -> memref<128x64xf32, #tpu.memory_space<vmem_shared>>
      %dma_start3A_46 = arith.constant 0 : i32
      %dma_start3A_47 = tpu.memref_slice %arg21[%add3A_44, %dma_start3A_46] : memref<10240x64xf32, #tpu.memory_space<vmem_shared>> -> memref<128x64xf32, #tpu.memory_space<vmem_shared>>
      tpu.enqueue_dma source(%dma_start3A_47 : memref<128x64xf32, #tpu.memory_space<vmem_shared>>) target(%arg9 : memref<128x64xf32, #tpu.memory_space<vmem>>) target_semaphore(%run_scoped3A : memref<!tpu.dma_semaphore, #tpu.memory_space<semaphore_mem>>)
      %dma_wait3A = arith.constant 0 : i32
      %dma_wait3A_48 = tpu.memref_slice %arg21[%add3A_44, %dma_wait3A] : memref<10240x64xf32, #tpu.memory_space<vmem_shared>> -> memref<128x64xf32, #tpu.memory_space<vmem_shared>>
      %dma_wait3A_49 = arith.constant 0 : i32
      %dma_wait3A_50 = tpu.memref_slice %arg21[%add3A_44, %dma_wait3A_49] : memref<10240x64xf32, #tpu.memory_space<vmem_shared>> -> memref<128x64xf32, #tpu.memory_space<vmem_shared>>
      tpu.wait_dma2 semaphore(%run_scoped3A : memref<!tpu.dma_semaphore, #tpu.memory_space<semaphore_mem>>) src(%dma_wait3A_50 : memref<128x64xf32, #tpu.memory_space<vmem_shared>>) dst(%arg9 : memref<128x64xf32, #tpu.memory_space<vmem>>)
      tpu.yield
    }) : () -> ()
    "tpu.region"() ({
      %run_scoped3A = tpu.sem_alloc : memref<!tpu.dma_semaphore, #tpu.memory_space<semaphore_mem>>
      %dma_start3A = arith.constant 0 : i32
      %dma_start3A_45 = tpu.memref_slice %arg6[%arg0, %add3A_44, %dma_start3A] : memref<2x10240x64xf32, #tpu.memory_space<hbm>> -> memref<1x128x64xf32, #tpu.memory_space<hbm>>
      %dma_start3A_46 = tpu.memref_squeeze %dma_start3A_45 : memref<1x128x64xf32, #tpu.memory_space<hbm>> -> memref<128x64xf32, #tpu.memory_space<hbm>>
      %dma_start3A_47 = arith.constant 0 : i32
      %dma_start3A_48 = tpu.memref_slice %arg6[%arg0, %add3A_44, %dma_start3A_47] : memref<2x10240x64xf32, #tpu.memory_space<hbm>> -> memref<1x128x64xf32, #tpu.memory_space<hbm>>
      %dma_start3A_49 = tpu.memref_squeeze %dma_start3A_48 : memref<1x128x64xf32, #tpu.memory_space<hbm>> -> memref<128x64xf32, #tpu.memory_space<hbm>>
      tpu.enqueue_dma source(%arg9 : memref<128x64xf32, #tpu.memory_space<vmem>>) target(%dma_start3A_49 : memref<128x64xf32, #tpu.memory_space<hbm>>) target_semaphore(%run_scoped3A : memref<!tpu.dma_semaphore, #tpu.memory_space<semaphore_mem>>)
      %dma_wait3A = arith.constant 0 : i32
      %dma_wait3A_50 = tpu.memref_slice %arg6[%arg0, %add3A_44, %dma_wait3A] : memref<2x10240x64xf32, #tpu.memory_space<hbm>> -> memref<1x128x64xf32, #tpu.memory_space<hbm>>
      %dma_wait3A_51 = tpu.memref_squeeze %dma_wait3A_50 : memref<1x128x64xf32, #tpu.memory_space<hbm>> -> memref<128x64xf32, #tpu.memory_space<hbm>>
      %dma_wait3A_52 = arith.constant 0 : i32
      %dma_wait3A_53 = tpu.memref_slice %arg6[%arg0, %add3A_44, %dma_wait3A_52] : memref<2x10240x64xf32, #tpu.memory_space<hbm>> -> memref<1x128x64xf32, #tpu.memory_space<hbm>>
      %dma_wait3A_54 = tpu.memref_squeeze %dma_wait3A_53 : memref<1x128x64xf32, #tpu.memory_space<hbm>> -> memref<128x64xf32, #tpu.memory_space<hbm>>
      tpu.wait_dma2 semaphore(%run_scoped3A : memref<!tpu.dma_semaphore, #tpu.memory_space<semaphore_mem>>) src(%arg9 : memref<128x64xf32, #tpu.memory_space<vmem>>) dst(%dma_wait3A_54 : memref<128x64xf32, #tpu.memory_space<hbm>>)
      tpu.yield
    }) : () -> ()
    return
  }
}

#map = affine_map<(d0, d1) -> (0, 0)>
#map1 = affine_map<(d0, d1) -> (0, 0, 0)>
module attributes {stable_mosaic.version = 14 : i64} {
  func.func @k(%arg0: i32, %arg1: i32, %arg2: memref<10240x64xf32, #tpu.memory_space<hbm>>, %arg3: memref<2560x128xi32, #tpu.memory_space<hbm>>, %arg4: memref<2560x128xi32, #tpu.memory_space<hbm>>, %arg5: memref<128x64xf32, #tpu.memory_space<hbm>>, %arg6: memref<2x10240x64xf32, #tpu.memory_space<hbm>>, %arg7: memref<152x128xi32, #tpu.memory_space<vmem>>, %arg8: memref<152x128xi32, #tpu.memory_space<vmem>>, %arg9: memref<128x64xf32, #tpu.memory_space<vmem>>, %arg10: memref<128x64xf32, #tpu.memory_space<vmem>>, %arg11: memref<128x64xf32, #tpu.memory_space<vmem>>, %arg12: memref<128x64xf32, #tpu.memory_space<vmem>>, %arg13: memref<!tpu.dma_semaphore, #tpu.memory_space<semaphore_mem>>, %arg14: memref<!tpu.dma_semaphore, #tpu.memory_space<semaphore_mem>>, %arg15: memref<!tpu.dma_semaphore, #tpu.memory_space<semaphore_mem>>, %arg16: memref<!tpu.dma_semaphore, #tpu.memory_space<semaphore_mem>>, %arg17: memref<!tpu.dma_semaphore, #tpu.memory_space<semaphore_mem>>, %arg18: memref<!tpu.dma_semaphore, #tpu.memory_space<semaphore_mem>>, %arg19: memref<!tpu.dma_semaphore, #tpu.memory_space<semaphore_mem>>, %arg20: memref<!tpu.dma_semaphore, #tpu.memory_space<semaphore_mem>>, %arg21: memref<10240x64xf32, #tpu.memory_space<vmem_shared>>) attributes {dimension_semantics = [#tpu.dimension_semantics<core_parallel>, #tpu.dimension_semantics<subcore_parallel>], iteration_bounds = array<i64: 2, 16>, scalar_prefetch = 0 : i64, scratch_operands = 15 : i64, tpu.core_type = #tpu.core_type<sc_vector_subcore>, window_params = [{transform_indices = #map}, {transform_indices = #map}, {transform_indices = #map}, {transform_indices = #map}, {transform_indices = #map1}]} {
    "tpu.region"() ({
      %run_scoped3A = tpu.sem_alloc : memref<!tpu.dma_semaphore, #tpu.memory_space<semaphore_mem>>
      tpu.enqueue_dma source(%arg5 : memref<128x64xf32, #tpu.memory_space<hbm>>) target(%arg9 : memref<128x64xf32, #tpu.memory_space<vmem>>) target_semaphore(%run_scoped3A : memref<!tpu.dma_semaphore, #tpu.memory_space<semaphore_mem>>)
      tpu.wait_dma2 semaphore(%run_scoped3A : memref<!tpu.dma_semaphore, #tpu.memory_space<semaphore_mem>>) src(%arg5 : memref<128x64xf32, #tpu.memory_space<hbm>>) dst(%arg9 : memref<128x64xf32, #tpu.memory_space<vmem>>)
      tpu.yield
    }) : () -> ()
    %mul3A = arith.constant 640 : i32
    %mul3A_0 = arith.muli %arg1, %mul3A : i32
    %add3A = arith.constant 0 : i32
    %add3A_1 = arith.addi %mul3A_0, %add3A : i32
    "tpu.region"() ({
      %run_scoped3A = tpu.sem_alloc : memref<!tpu.dma_semaphore, #tpu.memory_space<semaphore_mem>>
      %dma_start3A = arith.constant 0 : i32
      %dma_start3A_45 = tpu.memref_slice %arg21[%add3A_1, %dma_start3A] : memref<10240x64xf32, #tpu.memory_space<vmem_shared>> -> memref<128x64xf32, #tpu.memory_space<vmem_shared>>
      %dma_start3A_46 = arith.constant 0 : i32
      %dma_start3A_47 = tpu.memref_slice %arg21[%add3A_1, %dma_start3A_46] : memref<10240x64xf32, #tpu.memory_space<vmem_shared>> -> memref<128x64xf32, #tpu.memory_space<vmem_shared>>
      tpu.enqueue_dma source(%arg9 : memref<128x64xf32, #tpu.memory_space<vmem>>) target(%dma_start3A_47 : memref<128x64xf32, #tpu.memory_space<vmem_shared>>) target_semaphore(%run_scoped3A : memref<!tpu.dma_semaphore, #tpu.memory_space<semaphore_mem>>)
      %dma_wait3A = arith.constant 0 : i32
      %dma_wait3A_48 = tpu.memref_slice %arg21[%add3A_1, %dma_wait3A] : memref<10240x64xf32, #tpu.memory_space<vmem_shared>> -> memref<128x64xf32, #tpu.memory_space<vmem_shared>>
      %dma_wait3A_49 = arith.constant 0 : i32
      %dma_wait3A_50 = tpu.memref_slice %arg21[%add3A_1, %dma_wait3A_49] : memref<10240x64xf32, #tpu.memory_space<vmem_shared>> -> memref<128x64xf32, #tpu.memory_space<vmem_shared>>
      tpu.wait_dma2 semaphore(%run_scoped3A : memref<!tpu.dma_semaphore, #tpu.memory_space<semaphore_mem>>) src(%arg9 : memref<128x64xf32, #tpu.memory_space<vmem>>) dst(%dma_wait3A_50 : memref<128x64xf32, #tpu.memory_space<vmem_shared>>)
      tpu.yield
    }) : () -> ()
    %mul3A_2 = arith.constant 640 : i32
    %mul3A_3 = arith.muli %arg1, %mul3A_2 : i32
    %add3A_4 = arith.constant 128 : i32
    %add3A_5 = arith.addi %mul3A_3, %add3A_4 : i32
    "tpu.region"() ({
      %run_scoped3A = tpu.sem_alloc : memref<!tpu.dma_semaphore, #tpu.memory_space<semaphore_mem>>
      %dma_start3A = arith.constant 0 : i32
      %dma_start3A_45 = tpu.memref_slice %arg21[%add3A_5, %dma_start3A] : memref<10240x64xf32, #tpu.memory_space<vmem_shared>> -> memref<128x64xf32, #tpu.memory_space<vmem_shared>>
      %dma_start3A_46 = arith.constant 0 : i32
      %dma_start3A_47 = tpu.memref_slice %arg21[%add3A_5, %dma_start3A_46] : memref<10240x64xf32, #tpu.memory_space<vmem_shared>> -> memref<128x64xf32, #tpu.memory_space<vmem_shared>>
      tpu.enqueue_dma source(%arg9 : memref<128x64xf32, #tpu.memory_space<vmem>>) target(%dma_start3A_47 : memref<128x64xf32, #tpu.memory_space<vmem_shared>>) target_semaphore(%run_scoped3A : memref<!tpu.dma_semaphore, #tpu.memory_space<semaphore_mem>>)
      %dma_wait3A = arith.constant 0 : i32
      %dma_wait3A_48 = tpu.memref_slice %arg21[%add3A_5, %dma_wait3A] : memref<10240x64xf32, #tpu.memory_space<vmem_shared>> -> memref<128x64xf32, #tpu.memory_space<vmem_shared>>
      %dma_wait3A_49 = arith.constant 0 : i32
      %dma_wait3A_50 = tpu.memref_slice %arg21[%add3A_5, %dma_wait3A_49] : memref<10240x64xf32, #tpu.memory_space<vmem_shared>> -> memref<128x64xf32, #tpu.memory_space<vmem_shared>>
      tpu.wait_dma2 semaphore(%run_scoped3A : memref<!tpu.dma_semaphore, #tpu.memory_space<semaphore_mem>>) src(%arg9 : memref<128x64xf32, #tpu.memory_space<vmem>>) dst(%dma_wait3A_50 : memref<128x64xf32, #tpu.memory_space<vmem_shared>>)
      tpu.yield
    }) : () -> ()
    %mul3A_6 = arith.constant 640 : i32
    %mul3A_7 = arith.muli %arg1, %mul3A_6 : i32
    %add3A_8 = arith.constant 256 : i32
    %add3A_9 = arith.addi %mul3A_7, %add3A_8 : i32
    "tpu.region"() ({
      %run_scoped3A = tpu.sem_alloc : memref<!tpu.dma_semaphore, #tpu.memory_space<semaphore_mem>>
      %dma_start3A = arith.constant 0 : i32
      %dma_start3A_45 = tpu.memref_slice %arg21[%add3A_9, %dma_start3A] : memref<10240x64xf32, #tpu.memory_space<vmem_shared>> -> memref<128x64xf32, #tpu.memory_space<vmem_shared>>
      %dma_start3A_46 = arith.constant 0 : i32
      %dma_start3A_47 = tpu.memref_slice %arg21[%add3A_9, %dma_start3A_46] : memref<10240x64xf32, #tpu.memory_space<vmem_shared>> -> memref<128x64xf32, #tpu.memory_space<vmem_shared>>
      tpu.enqueue_dma source(%arg9 : memref<128x64xf32, #tpu.memory_space<vmem>>) target(%dma_start3A_47 : memref<128x64xf32, #tpu.memory_space<vmem_shared>>) target_semaphore(%run_scoped3A : memref<!tpu.dma_semaphore, #tpu.memory_space<semaphore_mem>>)
      %dma_wait3A = arith.constant 0 : i32
      %dma_wait3A_48 = tpu.memref_slice %arg21[%add3A_9, %dma_wait3A] : memref<10240x64xf32, #tpu.memory_space<vmem_shared>> -> memref<128x64xf32, #tpu.memory_space<vmem_shared>>
      %dma_wait3A_49 = arith.constant 0 : i32
      %dma_wait3A_50 = tpu.memref_slice %arg21[%add3A_9, %dma_wait3A_49] : memref<10240x64xf32, #tpu.memory_space<vmem_shared>> -> memref<128x64xf32, #tpu.memory_space<vmem_shared>>
      tpu.wait_dma2 semaphore(%run_scoped3A : memref<!tpu.dma_semaphore, #tpu.memory_space<semaphore_mem>>) src(%arg9 : memref<128x64xf32, #tpu.memory_space<vmem>>) dst(%dma_wait3A_50 : memref<128x64xf32, #tpu.memory_space<vmem_shared>>)
      tpu.yield
    }) : () -> ()
    %mul3A_10 = arith.constant 640 : i32
    %mul3A_11 = arith.muli %arg1, %mul3A_10 : i32
    %add3A_12 = arith.constant 384 : i32
    %add3A_13 = arith.addi %mul3A_11, %add3A_12 : i32
    "tpu.region"() ({
      %run_scoped3A = tpu.sem_alloc : memref<!tpu.dma_semaphore, #tpu.memory_space<semaphore_mem>>
      %dma_start3A = arith.constant 0 : i32
      %dma_start3A_45 = tpu.memref_slice %arg21[%add3A_13, %dma_start3A] : memref<10240x64xf32, #tpu.memory_space<vmem_shared>> -> memref<128x64xf32, #tpu.memory_space<vmem_shared>>
      %dma_start3A_46 = arith.constant 0 : i32
      %dma_start3A_47 = tpu.memref_slice %arg21[%add3A_13, %dma_start3A_46] : memref<10240x64xf32, #tpu.memory_space<vmem_shared>> -> memref<128x64xf32, #tpu.memory_space<vmem_shared>>
      tpu.enqueue_dma source(%arg9 : memref<128x64xf32, #tpu.memory_space<vmem>>) target(%dma_start3A_47 : memref<128x64xf32, #tpu.memory_space<vmem_shared>>) target_semaphore(%run_scoped3A : memref<!tpu.dma_semaphore, #tpu.memory_space<semaphore_mem>>)
      %dma_wait3A = arith.constant 0 : i32
      %dma_wait3A_48 = tpu.memref_slice %arg21[%add3A_13, %dma_wait3A] : memref<10240x64xf32, #tpu.memory_space<vmem_shared>> -> memref<128x64xf32, #tpu.memory_space<vmem_shared>>
      %dma_wait3A_49 = arith.constant 0 : i32
      %dma_wait3A_50 = tpu.memref_slice %arg21[%add3A_13, %dma_wait3A_49] : memref<10240x64xf32, #tpu.memory_space<vmem_shared>> -> memref<128x64xf32, #tpu.memory_space<vmem_shared>>
      tpu.wait_dma2 semaphore(%run_scoped3A : memref<!tpu.dma_semaphore, #tpu.memory_space<semaphore_mem>>) src(%arg9 : memref<128x64xf32, #tpu.memory_space<vmem>>) dst(%dma_wait3A_50 : memref<128x64xf32, #tpu.memory_space<vmem_shared>>)
      tpu.yield
    }) : () -> ()
    %mul3A_14 = arith.constant 640 : i32
    %mul3A_15 = arith.muli %arg1, %mul3A_14 : i32
    %add3A_16 = arith.constant 512 : i32
    %add3A_17 = arith.addi %mul3A_15, %add3A_16 : i32
    "tpu.region"() ({
      %run_scoped3A = tpu.sem_alloc : memref<!tpu.dma_semaphore, #tpu.memory_space<semaphore_mem>>
      %dma_start3A = arith.constant 0 : i32
      %dma_start3A_45 = tpu.memref_slice %arg21[%add3A_17, %dma_start3A] : memref<10240x64xf32, #tpu.memory_space<vmem_shared>> -> memref<128x64xf32, #tpu.memory_space<vmem_shared>>
      %dma_start3A_46 = arith.constant 0 : i32
      %dma_start3A_47 = tpu.memref_slice %arg21[%add3A_17, %dma_start3A_46] : memref<10240x64xf32, #tpu.memory_space<vmem_shared>> -> memref<128x64xf32, #tpu.memory_space<vmem_shared>>
      tpu.enqueue_dma source(%arg9 : memref<128x64xf32, #tpu.memory_space<vmem>>) target(%dma_start3A_47 : memref<128x64xf32, #tpu.memory_space<vmem_shared>>) target_semaphore(%run_scoped3A : memref<!tpu.dma_semaphore, #tpu.memory_space<semaphore_mem>>)
      %dma_wait3A = arith.constant 0 : i32
      %dma_wait3A_48 = tpu.memref_slice %arg21[%add3A_17, %dma_wait3A] : memref<10240x64xf32, #tpu.memory_space<vmem_shared>> -> memref<128x64xf32, #tpu.memory_space<vmem_shared>>
      %dma_wait3A_49 = arith.constant 0 : i32
      %dma_wait3A_50 = tpu.memref_slice %arg21[%add3A_17, %dma_wait3A_49] : memref<10240x64xf32, #tpu.memory_space<vmem_shared>> -> memref<128x64xf32, #tpu.memory_space<vmem_shared>>
      tpu.wait_dma2 semaphore(%run_scoped3A : memref<!tpu.dma_semaphore, #tpu.memory_space<semaphore_mem>>) src(%arg9 : memref<128x64xf32, #tpu.memory_space<vmem>>) dst(%dma_wait3A_50 : memref<128x64xf32, #tpu.memory_space<vmem_shared>>)
      tpu.yield
    }) : () -> ()
    %eq3A = arith.constant 0 : i32
    %eq3A_18 = arith.cmpi eq, %arg0, %eq3A : i32
    %convert_element_type3A = arith.extui %eq3A_18 : i1 to i32
    %cond3A = arith.constant 0 : i32
    %cond3A_19 = arith.cmpi ne, %convert_element_type3A, %cond3A : i32
    scf.if %cond3A_19 {
      %mul3A_45 = arith.constant 152 : i32
      %mul3A_46 = arith.muli %arg1, %mul3A_45 : i32
      "tpu.region"() ({
        %run_scoped3A = tpu.sem_alloc : memref<!tpu.dma_semaphore, #tpu.memory_space<semaphore_mem>>
        %dma_start3A = arith.constant 0 : i32
        %dma_start3A_79 = arith.constant 0 : i32
        %dma_start3A_80 = tpu.memref_slice %arg7[%dma_start3A, %dma_start3A_79] : memref<152x128xi32, #tpu.memory_space<vmem>> -> memref<152x128xi32, #tpu.memory_space<vmem>>
        %dma_start3A_81 = arith.constant 0 : i32
        %dma_start3A_82 = tpu.memref_slice %arg3[%mul3A_46, %dma_start3A_81] : memref<2560x128xi32, #tpu.memory_space<hbm>> -> memref<152x128xi32, #tpu.memory_space<hbm>>
        %dma_start3A_83 = arith.constant 0 : i32
        %dma_start3A_84 = arith.constant 0 : i32
        %dma_start3A_85 = tpu.memref_slice %arg7[%dma_start3A_83, %dma_start3A_84] : memref<152x128xi32, #tpu.memory_space<vmem>> -> memref<152x128xi32, #tpu.memory_space<vmem>>
        %dma_start3A_86 = arith.constant 0 : i32
        %dma_start3A_87 = tpu.memref_slice %arg3[%mul3A_46, %dma_start3A_86] : memref<2560x128xi32, #tpu.memory_space<hbm>> -> memref<152x128xi32, #tpu.memory_space<hbm>>
        tpu.enqueue_dma source(%dma_start3A_87 : memref<152x128xi32, #tpu.memory_space<hbm>>) target(%dma_start3A_85 : memref<152x128xi32, #tpu.memory_space<vmem>>) target_semaphore(%run_scoped3A : memref<!tpu.dma_semaphore, #tpu.memory_space<semaphore_mem>>)
        %dma_wait3A_88 = arith.constant 0 : i32
        %dma_wait3A_89 = arith.constant 0 : i32
        %dma_wait3A_90 = tpu.memref_slice %arg7[%dma_wait3A_88, %dma_wait3A_89] : memref<152x128xi32, #tpu.memory_space<vmem>> -> memref<152x128xi32, #tpu.memory_space<vmem>>
        %dma_wait3A_91 = arith.constant 0 : i32
        %dma_wait3A_92 = tpu.memref_slice %arg3[%mul3A_46, %dma_wait3A_91] : memref<2560x128xi32, #tpu.memory_space<hbm>> -> memref<152x128xi32, #tpu.memory_space<hbm>>
        %dma_wait3A_93 = arith.constant 0 : i32
        %dma_wait3A_94 = arith.constant 0 : i32
        %dma_wait3A_95 = tpu.memref_slice %arg7[%dma_wait3A_93, %dma_wait3A_94] : memref<152x128xi32, #tpu.memory_space<vmem>> -> memref<152x128xi32, #tpu.memory_space<vmem>>
        %dma_wait3A_96 = arith.constant 0 : i32
        %dma_wait3A_97 = tpu.memref_slice %arg3[%mul3A_46, %dma_wait3A_96] : memref<2560x128xi32, #tpu.memory_space<hbm>> -> memref<152x128xi32, #tpu.memory_space<hbm>>
        tpu.wait_dma2 semaphore(%run_scoped3A : memref<!tpu.dma_semaphore, #tpu.memory_space<semaphore_mem>>) src(%dma_wait3A_97 : memref<152x128xi32, #tpu.memory_space<hbm>>) dst(%dma_wait3A_95 : memref<152x128xi32, #tpu.memory_space<vmem>>)
        tpu.yield
      }) : () -> ()
      "tpu.region"() ({
        %run_scoped3A = tpu.sem_alloc : memref<!tpu.dma_semaphore, #tpu.memory_space<semaphore_mem>>
        %dma_start3A = arith.constant 0 : i32
        %dma_start3A_79 = arith.constant 0 : i32
        %dma_start3A_80 = tpu.memref_slice %arg8[%dma_start3A, %dma_start3A_79] : memref<152x128xi32, #tpu.memory_space<vmem>> -> memref<152x128xi32, #tpu.memory_space<vmem>>
        %dma_start3A_81 = arith.constant 0 : i32
        %dma_start3A_82 = tpu.memref_slice %arg4[%mul3A_46, %dma_start3A_81] : memref<2560x128xi32, #tpu.memory_space<hbm>> -> memref<152x128xi32, #tpu.memory_space<hbm>>
        %dma_start3A_83 = arith.constant 0 : i32
        %dma_start3A_84 = arith.constant 0 : i32
        %dma_start3A_85 = tpu.memref_slice %arg8[%dma_start3A_83, %dma_start3A_84] : memref<152x128xi32, #tpu.memory_space<vmem>> -> memref<152x128xi32, #tpu.memory_space<vmem>>
        %dma_start3A_86 = arith.constant 0 : i32
        %dma_start3A_87 = tpu.memref_slice %arg4[%mul3A_46, %dma_start3A_86] : memref<2560x128xi32, #tpu.memory_space<hbm>> -> memref<152x128xi32, #tpu.memory_space<hbm>>
        tpu.enqueue_dma source(%dma_start3A_87 : memref<152x128xi32, #tpu.memory_space<hbm>>) target(%dma_start3A_85 : memref<152x128xi32, #tpu.memory_space<vmem>>) target_semaphore(%run_scoped3A : memref<!tpu.dma_semaphore, #tpu.memory_space<semaphore_mem>>)
        %dma_wait3A_88 = arith.constant 0 : i32
        %dma_wait3A_89 = arith.constant 0 : i32
        %dma_wait3A_90 = tpu.memref_slice %arg8[%dma_wait3A_88, %dma_wait3A_89] : memref<152x128xi32, #tpu.memory_space<vmem>> -> memref<152x128xi32, #tpu.memory_space<vmem>>
        %dma_wait3A_91 = arith.constant 0 : i32
        %dma_wait3A_92 = tpu.memref_slice %arg4[%mul3A_46, %dma_wait3A_91] : memref<2560x128xi32, #tpu.memory_space<hbm>> -> memref<152x128xi32, #tpu.memory_space<hbm>>
        %dma_wait3A_93 = arith.constant 0 : i32
        %dma_wait3A_94 = arith.constant 0 : i32
        %dma_wait3A_95 = tpu.memref_slice %arg8[%dma_wait3A_93, %dma_wait3A_94] : memref<152x128xi32, #tpu.memory_space<vmem>> -> memref<152x128xi32, #tpu.memory_space<vmem>>
        %dma_wait3A_96 = arith.constant 0 : i32
        %dma_wait3A_97 = tpu.memref_slice %arg4[%mul3A_46, %dma_wait3A_96] : memref<2560x128xi32, #tpu.memory_space<hbm>> -> memref<152x128xi32, #tpu.memory_space<hbm>>
        tpu.wait_dma2 semaphore(%run_scoped3A : memref<!tpu.dma_semaphore, #tpu.memory_space<semaphore_mem>>) src(%dma_wait3A_97 : memref<152x128xi32, #tpu.memory_space<hbm>>) dst(%dma_wait3A_95 : memref<152x128xi32, #tpu.memory_space<vmem>>)
        tpu.yield
      }) : () -> ()
      %scan3A = arith.constant 0 : i32
      %scan3A_47 = arith.constant 0 : i32
      %scan3A_48 = arith.constant 38 : i32
      %scan3A_49 = arith.addi %scan3A_47, %scan3A_48 : i32
      %scan3A_50 = arith.constant 1 : i32
      scf.for %scan3A_79 = %scan3A_47 to %scan3A_49 step %scan3A_50  : i32 {
        %gt3A = arith.constant 0 : i32
        %gt3A_80 = arith.cmpi sgt, %scan3A_79, %gt3A : i32
        %convert_element_type3A_81 = arith.extui %gt3A_80 : i1 to i32
        %cond3A_82 = arith.constant 0 : i32
        %cond3A_83 = arith.cmpi ne, %convert_element_type3A_81, %cond3A_82 : i32
        scf.if %cond3A_83 {
          %dma_wait3A_202 = arith.constant 0 : i32
          %dma_wait3A_203 = arith.constant 0 : i32
          %dma_wait3A_204 = tpu.memref_slice %arg8[%dma_wait3A_202, %dma_wait3A_203] : memref<152x128xi32, #tpu.memory_space<vmem>> -> memref<1x128xi32, #tpu.memory_space<vmem>>
          %dma_wait3A_205 = tpu.memref_squeeze %dma_wait3A_204 : memref<1x128xi32, #tpu.memory_space<vmem>> -> memref<128xi32, #tpu.memory_space<vmem>>
          %dma_wait3A_206 = arith.constant 0 : i32
          %dma_wait3A_207 = arith.constant 0 : i32
          %dma_wait3A_208 = tpu.memref_slice %arg21[%dma_wait3A_206, %dma_wait3A_207] : memref<10240x64xf32, #tpu.memory_space<vmem_shared>> -> memref<10240x64xf32, #tpu.memory_space<vmem_shared>>
          tpu.wait_indirect_dma semaphore(%arg17 : memref<!tpu.dma_semaphore, #tpu.memory_space<semaphore_mem>>) src(%arg9 : memref<128x64xf32, #tpu.memory_space<vmem>>) dst(%dma_wait3A_208 : memref<10240x64xf32, #tpu.memory_space<vmem_shared>>)
        } else {
        }
        %mul3A_84 = arith.constant 4 : i32
        %mul3A_85 = arith.muli %mul3A_84, %scan3A_79 : i32
        %add3A_86 = arith.constant 0 : i32
        %add3A_87 = arith.addi %mul3A_85, %add3A_86 : i32
        %dma_start3A = arith.constant 0 : i32
        %dma_start3A_88 = tpu.memref_slice %arg7[%add3A_87, %dma_start3A] : memref<152x128xi32, #tpu.memory_space<vmem>> -> memref<1x128xi32, #tpu.memory_space<vmem>>
        %dma_start3A_89 = tpu.memref_squeeze %dma_start3A_88 : memref<1x128xi32, #tpu.memory_space<vmem>> -> memref<128xi32, #tpu.memory_space<vmem>>
        %dma_start3A_90 = arith.constant 0 : i32
        %dma_start3A_91 = arith.constant 0 : i32
        %dma_start3A_92 = tpu.memref_slice %arg2[%dma_start3A_90, %dma_start3A_91] : memref<10240x64xf32, #tpu.memory_space<hbm>> -> memref<10240x64xf32, #tpu.memory_space<hbm>>
        tpu.enqueue_indirect_dma source(%dma_start3A_92 : memref<10240x64xf32, #tpu.memory_space<hbm>>) target(%arg9 : memref<128x64xf32, #tpu.memory_space<vmem>>) offsets(%dma_start3A_89 : memref<128xi32, #tpu.memory_space<vmem>>) semaphore(%arg13 : memref<!tpu.dma_semaphore, #tpu.memory_space<semaphore_mem>>)
        %gt3A_93 = arith.constant 0 : i32
        %gt3A_94 = arith.cmpi sgt, %scan3A_79, %gt3A_93 : i32
        %convert_element_type3A_95 = arith.extui %gt3A_94 : i1 to i32
        %cond3A_96 = arith.constant 0 : i32
        %cond3A_97 = arith.cmpi ne, %convert_element_type3A_95, %cond3A_96 : i32
        scf.if %cond3A_97 {
          %dma_wait3A_202 = arith.constant 0 : i32
          %dma_wait3A_203 = arith.constant 0 : i32
          %dma_wait3A_204 = tpu.memref_slice %arg8[%dma_wait3A_202, %dma_wait3A_203] : memref<152x128xi32, #tpu.memory_space<vmem>> -> memref<1x128xi32, #tpu.memory_space<vmem>>
          %dma_wait3A_205 = tpu.memref_squeeze %dma_wait3A_204 : memref<1x128xi32, #tpu.memory_space<vmem>> -> memref<128xi32, #tpu.memory_space<vmem>>
          %dma_wait3A_206 = arith.constant 0 : i32
          %dma_wait3A_207 = arith.constant 0 : i32
          %dma_wait3A_208 = tpu.memref_slice %arg21[%dma_wait3A_206, %dma_wait3A_207] : memref<10240x64xf32, #tpu.memory_space<vmem_shared>> -> memref<10240x64xf32, #tpu.memory_space<vmem_shared>>
          tpu.wait_indirect_dma semaphore(%arg18 : memref<!tpu.dma_semaphore, #tpu.memory_space<semaphore_mem>>) src(%arg10 : memref<128x64xf32, #tpu.memory_space<vmem>>) dst(%dma_wait3A_208 : memref<10240x64xf32, #tpu.memory_space<vmem_shared>>)
        } else {
        }
        %mul3A_98 = arith.constant 4 : i32
        %mul3A_99 = arith.muli %mul3A_98, %scan3A_79 : i32
        %add3A_100 = arith.constant 1 : i32
        %add3A_101 = arith.addi %mul3A_99, %add3A_100 : i32
        %dma_start3A_102 = arith.constant 0 : i32
        %dma_start3A_103 = tpu.memref_slice %arg7[%add3A_101, %dma_start3A_102] : memref<152x128xi32, #tpu.memory_space<vmem>> -> memref<1x128xi32, #tpu.memory_space<vmem>>
        %dma_start3A_104 = tpu.memref_squeeze %dma_start3A_103 : memref<1x128xi32, #tpu.memory_space<vmem>> -> memref<128xi32, #tpu.memory_space<vmem>>
        %dma_start3A_105 = arith.constant 0 : i32
        %dma_start3A_106 = arith.constant 0 : i32
        %dma_start3A_107 = tpu.memref_slice %arg2[%dma_start3A_105, %dma_start3A_106] : memref<10240x64xf32, #tpu.memory_space<hbm>> -> memref<10240x64xf32, #tpu.memory_space<hbm>>
        tpu.enqueue_indirect_dma source(%dma_start3A_107 : memref<10240x64xf32, #tpu.memory_space<hbm>>) target(%arg10 : memref<128x64xf32, #tpu.memory_space<vmem>>) offsets(%dma_start3A_104 : memref<128xi32, #tpu.memory_space<vmem>>) semaphore(%arg14 : memref<!tpu.dma_semaphore, #tpu.memory_space<semaphore_mem>>)
        %gt3A_108 = arith.constant 0 : i32
        %gt3A_109 = arith.cmpi sgt, %scan3A_79, %gt3A_108 : i32
        %convert_element_type3A_110 = arith.extui %gt3A_109 : i1 to i32
        %cond3A_111 = arith.constant 0 : i32
        %cond3A_112 = arith.cmpi ne, %convert_element_type3A_110, %cond3A_111 : i32
        scf.if %cond3A_112 {
          %dma_wait3A_202 = arith.constant 0 : i32
          %dma_wait3A_203 = arith.constant 0 : i32
          %dma_wait3A_204 = tpu.memref_slice %arg8[%dma_wait3A_202, %dma_wait3A_203] : memref<152x128xi32, #tpu.memory_space<vmem>> -> memref<1x128xi32, #tpu.memory_space<vmem>>
          %dma_wait3A_205 = tpu.memref_squeeze %dma_wait3A_204 : memref<1x128xi32, #tpu.memory_space<vmem>> -> memref<128xi32, #tpu.memory_space<vmem>>
          %dma_wait3A_206 = arith.constant 0 : i32
          %dma_wait3A_207 = arith.constant 0 : i32
          %dma_wait3A_208 = tpu.memref_slice %arg21[%dma_wait3A_206, %dma_wait3A_207] : memref<10240x64xf32, #tpu.memory_space<vmem_shared>> -> memref<10240x64xf32, #tpu.memory_space<vmem_shared>>
          tpu.wait_indirect_dma semaphore(%arg19 : memref<!tpu.dma_semaphore, #tpu.memory_space<semaphore_mem>>) src(%arg11 : memref<128x64xf32, #tpu.memory_space<vmem>>) dst(%dma_wait3A_208 : memref<10240x64xf32, #tpu.memory_space<vmem_shared>>)
        } else {
        }
        %mul3A_113 = arith.constant 4 : i32
        %mul3A_114 = arith.muli %mul3A_113, %scan3A_79 : i32
        %add3A_115 = arith.constant 2 : i32
        %add3A_116 = arith.addi %mul3A_114, %add3A_115 : i32
        %dma_start3A_117 = arith.constant 0 : i32
        %dma_start3A_118 = tpu.memref_slice %arg7[%add3A_116, %dma_start3A_117] : memref<152x128xi32, #tpu.memory_space<vmem>> -> memref<1x128xi32, #tpu.memory_space<vmem>>
        %dma_start3A_119 = tpu.memref_squeeze %dma_start3A_118 : memref<1x128xi32, #tpu.memory_space<vmem>> -> memref<128xi32, #tpu.memory_space<vmem>>
        %dma_start3A_120 = arith.constant 0 : i32
        %dma_start3A_121 = arith.constant 0 : i32
        %dma_start3A_122 = tpu.memref_slice %arg2[%dma_start3A_120, %dma_start3A_121] : memref<10240x64xf32, #tpu.memory_space<hbm>> -> memref<10240x64xf32, #tpu.memory_space<hbm>>
        tpu.enqueue_indirect_dma source(%dma_start3A_122 : memref<10240x64xf32, #tpu.memory_space<hbm>>) target(%arg11 : memref<128x64xf32, #tpu.memory_space<vmem>>) offsets(%dma_start3A_119 : memref<128xi32, #tpu.memory_space<vmem>>) semaphore(%arg15 : memref<!tpu.dma_semaphore, #tpu.memory_space<semaphore_mem>>)
        %gt3A_123 = arith.constant 0 : i32
        %gt3A_124 = arith.cmpi sgt, %scan3A_79, %gt3A_123 : i32
        %convert_element_type3A_125 = arith.extui %gt3A_124 : i1 to i32
        %cond3A_126 = arith.constant 0 : i32
        %cond3A_127 = arith.cmpi ne, %convert_element_type3A_125, %cond3A_126 : i32
        scf.if %cond3A_127 {
          %dma_wait3A_202 = arith.constant 0 : i32
          %dma_wait3A_203 = arith.constant 0 : i32
          %dma_wait3A_204 = tpu.memref_slice %arg8[%dma_wait3A_202, %dma_wait3A_203] : memref<152x128xi32, #tpu.memory_space<vmem>> -> memref<1x128xi32, #tpu.memory_space<vmem>>
          %dma_wait3A_205 = tpu.memref_squeeze %dma_wait3A_204 : memref<1x128xi32, #tpu.memory_space<vmem>> -> memref<128xi32, #tpu.memory_space<vmem>>
          %dma_wait3A_206 = arith.constant 0 : i32
          %dma_wait3A_207 = arith.constant 0 : i32
          %dma_wait3A_208 = tpu.memref_slice %arg21[%dma_wait3A_206, %dma_wait3A_207] : memref<10240x64xf32, #tpu.memory_space<vmem_shared>> -> memref<10240x64xf32, #tpu.memory_space<vmem_shared>>
          tpu.wait_indirect_dma semaphore(%arg20 : memref<!tpu.dma_semaphore, #tpu.memory_space<semaphore_mem>>) src(%arg12 : memref<128x64xf32, #tpu.memory_space<vmem>>) dst(%dma_wait3A_208 : memref<10240x64xf32, #tpu.memory_space<vmem_shared>>)
        } else {
        }
        %mul3A_128 = arith.constant 4 : i32
        %mul3A_129 = arith.muli %mul3A_128, %scan3A_79 : i32
        %add3A_130 = arith.constant 3 : i32
        %add3A_131 = arith.addi %mul3A_129, %add3A_130 : i32
        %dma_start3A_132 = arith.constant 0 : i32
        %dma_start3A_133 = tpu.memref_slice %arg7[%add3A_131, %dma_start3A_132] : memref<152x128xi32, #tpu.memory_space<vmem>> -> memref<1x128xi32, #tpu.memory_space<vmem>>
        %dma_start3A_134 = tpu.memref_squeeze %dma_start3A_133 : memref<1x128xi32, #tpu.memory_space<vmem>> -> memref<128xi32, #tpu.memory_space<vmem>>
        %dma_start3A_135 = arith.constant 0 : i32
        %dma_start3A_136 = arith.constant 0 : i32
        %dma_start3A_137 = tpu.memref_slice %arg2[%dma_start3A_135, %dma_start3A_136] : memref<10240x64xf32, #tpu.memory_space<hbm>> -> memref<10240x64xf32, #tpu.memory_space<hbm>>
        tpu.enqueue_indirect_dma source(%dma_start3A_137 : memref<10240x64xf32, #tpu.memory_space<hbm>>) target(%arg12 : memref<128x64xf32, #tpu.memory_space<vmem>>) offsets(%dma_start3A_134 : memref<128xi32, #tpu.memory_space<vmem>>) semaphore(%arg16 : memref<!tpu.dma_semaphore, #tpu.memory_space<semaphore_mem>>)
        %dma_wait3A_138 = arith.constant 0 : i32
        %dma_wait3A_139 = arith.constant 0 : i32
        %dma_wait3A_140 = tpu.memref_slice %arg2[%dma_wait3A_138, %dma_wait3A_139] : memref<10240x64xf32, #tpu.memory_space<hbm>> -> memref<128x64xf32, #tpu.memory_space<hbm>>
        %dma_wait3A_141 = arith.constant 0 : i32
        %dma_wait3A_142 = arith.constant 0 : i32
        %dma_wait3A_143 = tpu.memref_slice %arg2[%dma_wait3A_141, %dma_wait3A_142] : memref<10240x64xf32, #tpu.memory_space<hbm>> -> memref<128x64xf32, #tpu.memory_space<hbm>>
        tpu.wait_dma2 semaphore(%arg13 : memref<!tpu.dma_semaphore, #tpu.memory_space<semaphore_mem>>) src(%dma_wait3A_143 : memref<128x64xf32, #tpu.memory_space<hbm>>) dst(%arg9 : memref<128x64xf32, #tpu.memory_space<vmem>>)
        %mul3A_144 = arith.constant 4 : i32
        %mul3A_145 = arith.muli %mul3A_144, %scan3A_79 : i32
        %add3A_146 = arith.constant 0 : i32
        %add3A_147 = arith.addi %mul3A_145, %add3A_146 : i32
        %dma_start3A_148 = arith.constant 0 : i32
        %dma_start3A_149 = tpu.memref_slice %arg8[%add3A_147, %dma_start3A_148] : memref<152x128xi32, #tpu.memory_space<vmem>> -> memref<1x128xi32, #tpu.memory_space<vmem>>
        %dma_start3A_150 = tpu.memref_squeeze %dma_start3A_149 : memref<1x128xi32, #tpu.memory_space<vmem>> -> memref<128xi32, #tpu.memory_space<vmem>>
        %dma_start3A_151 = arith.constant 0 : i32
        %dma_start3A_152 = arith.constant 0 : i32
        %dma_start3A_153 = tpu.memref_slice %arg21[%dma_start3A_151, %dma_start3A_152] : memref<10240x64xf32, #tpu.memory_space<vmem_shared>> -> memref<10240x64xf32, #tpu.memory_space<vmem_shared>>
        tpu.enqueue_indirect_dma source(%arg9 : memref<128x64xf32, #tpu.memory_space<vmem>>) target(%dma_start3A_153 : memref<10240x64xf32, #tpu.memory_space<vmem_shared>>) offsets(%dma_start3A_150 : memref<128xi32, #tpu.memory_space<vmem>>) semaphore(%arg17 : memref<!tpu.dma_semaphore, #tpu.memory_space<semaphore_mem>>) {add = true}
        %dma_wait3A_154 = arith.constant 0 : i32
        %dma_wait3A_155 = arith.constant 0 : i32
        %dma_wait3A_156 = tpu.memref_slice %arg2[%dma_wait3A_154, %dma_wait3A_155] : memref<10240x64xf32, #tpu.memory_space<hbm>> -> memref<128x64xf32, #tpu.memory_space<hbm>>
        %dma_wait3A_157 = arith.constant 0 : i32
        %dma_wait3A_158 = arith.constant 0 : i32
        %dma_wait3A_159 = tpu.memref_slice %arg2[%dma_wait3A_157, %dma_wait3A_158] : memref<10240x64xf32, #tpu.memory_space<hbm>> -> memref<128x64xf32, #tpu.memory_space<hbm>>
        tpu.wait_dma2 semaphore(%arg14 : memref<!tpu.dma_semaphore, #tpu.memory_space<semaphore_mem>>) src(%dma_wait3A_159 : memref<128x64xf32, #tpu.memory_space<hbm>>) dst(%arg10 : memref<128x64xf32, #tpu.memory_space<vmem>>)
        %mul3A_160 = arith.constant 4 : i32
        %mul3A_161 = arith.muli %mul3A_160, %scan3A_79 : i32
        %add3A_162 = arith.constant 1 : i32
        %add3A_163 = arith.addi %mul3A_161, %add3A_162 : i32
        %dma_start3A_164 = arith.constant 0 : i32
        %dma_start3A_165 = tpu.memref_slice %arg8[%add3A_163, %dma_start3A_164] : memref<152x128xi32, #tpu.memory_space<vmem>> -> memref<1x128xi32, #tpu.memory_space<vmem>>
        %dma_start3A_166 = tpu.memref_squeeze %dma_start3A_165 : memref<1x128xi32, #tpu.memory_space<vmem>> -> memref<128xi32, #tpu.memory_space<vmem>>
        %dma_start3A_167 = arith.constant 0 : i32
        %dma_start3A_168 = arith.constant 0 : i32
        %dma_start3A_169 = tpu.memref_slice %arg21[%dma_start3A_167, %dma_start3A_168] : memref<10240x64xf32, #tpu.memory_space<vmem_shared>> -> memref<10240x64xf32, #tpu.memory_space<vmem_shared>>
        tpu.enqueue_indirect_dma source(%arg10 : memref<128x64xf32, #tpu.memory_space<vmem>>) target(%dma_start3A_169 : memref<10240x64xf32, #tpu.memory_space<vmem_shared>>) offsets(%dma_start3A_166 : memref<128xi32, #tpu.memory_space<vmem>>) semaphore(%arg18 : memref<!tpu.dma_semaphore, #tpu.memory_space<semaphore_mem>>) {add = true}
        %dma_wait3A_170 = arith.constant 0 : i32
        %dma_wait3A_171 = arith.constant 0 : i32
        %dma_wait3A_172 = tpu.memref_slice %arg2[%dma_wait3A_170, %dma_wait3A_171] : memref<10240x64xf32, #tpu.memory_space<hbm>> -> memref<128x64xf32, #tpu.memory_space<hbm>>
        %dma_wait3A_173 = arith.constant 0 : i32
        %dma_wait3A_174 = arith.constant 0 : i32
        %dma_wait3A_175 = tpu.memref_slice %arg2[%dma_wait3A_173, %dma_wait3A_174] : memref<10240x64xf32, #tpu.memory_space<hbm>> -> memref<128x64xf32, #tpu.memory_space<hbm>>
        tpu.wait_dma2 semaphore(%arg15 : memref<!tpu.dma_semaphore, #tpu.memory_space<semaphore_mem>>) src(%dma_wait3A_175 : memref<128x64xf32, #tpu.memory_space<hbm>>) dst(%arg11 : memref<128x64xf32, #tpu.memory_space<vmem>>)
        %mul3A_176 = arith.constant 4 : i32
        %mul3A_177 = arith.muli %mul3A_176, %scan3A_79 : i32
        %add3A_178 = arith.constant 2 : i32
        %add3A_179 = arith.addi %mul3A_177, %add3A_178 : i32
        %dma_start3A_180 = arith.constant 0 : i32
        %dma_start3A_181 = tpu.memref_slice %arg8[%add3A_179, %dma_start3A_180] : memref<152x128xi32, #tpu.memory_space<vmem>> -> memref<1x128xi32, #tpu.memory_space<vmem>>
        %dma_start3A_182 = tpu.memref_squeeze %dma_start3A_181 : memref<1x128xi32, #tpu.memory_space<vmem>> -> memref<128xi32, #tpu.memory_space<vmem>>
        %dma_start3A_183 = arith.constant 0 : i32
        %dma_start3A_184 = arith.constant 0 : i32
        %dma_start3A_185 = tpu.memref_slice %arg21[%dma_start3A_183, %dma_start3A_184] : memref<10240x64xf32, #tpu.memory_space<vmem_shared>> -> memref<10240x64xf32, #tpu.memory_space<vmem_shared>>
        tpu.enqueue_indirect_dma source(%arg11 : memref<128x64xf32, #tpu.memory_space<vmem>>) target(%dma_start3A_185 : memref<10240x64xf32, #tpu.memory_space<vmem_shared>>) offsets(%dma_start3A_182 : memref<128xi32, #tpu.memory_space<vmem>>) semaphore(%arg19 : memref<!tpu.dma_semaphore, #tpu.memory_space<semaphore_mem>>) {add = true}
        %dma_wait3A_186 = arith.constant 0 : i32
        %dma_wait3A_187 = arith.constant 0 : i32
        %dma_wait3A_188 = tpu.memref_slice %arg2[%dma_wait3A_186, %dma_wait3A_187] : memref<10240x64xf32, #tpu.memory_space<hbm>> -> memref<128x64xf32, #tpu.memory_space<hbm>>
        %dma_wait3A_189 = arith.constant 0 : i32
        %dma_wait3A_190 = arith.constant 0 : i32
        %dma_wait3A_191 = tpu.memref_slice %arg2[%dma_wait3A_189, %dma_wait3A_190] : memref<10240x64xf32, #tpu.memory_space<hbm>> -> memref<128x64xf32, #tpu.memory_space<hbm>>
        tpu.wait_dma2 semaphore(%arg16 : memref<!tpu.dma_semaphore, #tpu.memory_space<semaphore_mem>>) src(%dma_wait3A_191 : memref<128x64xf32, #tpu.memory_space<hbm>>) dst(%arg12 : memref<128x64xf32, #tpu.memory_space<vmem>>)
        %mul3A_192 = arith.constant 4 : i32
        %mul3A_193 = arith.muli %mul3A_192, %scan3A_79 : i32
        %add3A_194 = arith.constant 3 : i32
        %add3A_195 = arith.addi %mul3A_193, %add3A_194 : i32
        %dma_start3A_196 = arith.constant 0 : i32
        %dma_start3A_197 = tpu.memref_slice %arg8[%add3A_195, %dma_start3A_196] : memref<152x128xi32, #tpu.memory_space<vmem>> -> memref<1x128xi32, #tpu.memory_space<vmem>>
        %dma_start3A_198 = tpu.memref_squeeze %dma_start3A_197 : memref<1x128xi32, #tpu.memory_space<vmem>> -> memref<128xi32, #tpu.memory_space<vmem>>
        %dma_start3A_199 = arith.constant 0 : i32
        %dma_start3A_200 = arith.constant 0 : i32
        %dma_start3A_201 = tpu.memref_slice %arg21[%dma_start3A_199, %dma_start3A_200] : memref<10240x64xf32, #tpu.memory_space<vmem_shared>> -> memref<10240x64xf32, #tpu.memory_space<vmem_shared>>
        tpu.enqueue_indirect_dma source(%arg12 : memref<128x64xf32, #tpu.memory_space<vmem>>) target(%dma_start3A_201 : memref<10240x64xf32, #tpu.memory_space<vmem_shared>>) offsets(%dma_start3A_198 : memref<128xi32, #tpu.memory_space<vmem>>) semaphore(%arg20 : memref<!tpu.dma_semaphore, #tpu.memory_space<semaphore_mem>>) {add = true}
      }
      %scan3A_51 = arith.constant 38 : i32
      %dma_wait3A = arith.constant 0 : i32
      %dma_wait3A_52 = arith.constant 0 : i32
      %dma_wait3A_53 = tpu.memref_slice %arg8[%dma_wait3A, %dma_wait3A_52] : memref<152x128xi32, #tpu.memory_space<vmem>> -> memref<1x128xi32, #tpu.memory_space<vmem>>
      %dma_wait3A_54 = tpu.memref_squeeze %dma_wait3A_53 : memref<1x128xi32, #tpu.memory_space<vmem>> -> memref<128xi32, #tpu.memory_space<vmem>>
      %dma_wait3A_55 = arith.constant 0 : i32
      %dma_wait3A_56 = arith.constant 0 : i32
      %dma_wait3A_57 = tpu.memref_slice %arg21[%dma_wait3A_55, %dma_wait3A_56] : memref<10240x64xf32, #tpu.memory_space<vmem_shared>> -> memref<10240x64xf32, #tpu.memory_space<vmem_shared>>
      tpu.wait_indirect_dma semaphore(%arg17 : memref<!tpu.dma_semaphore, #tpu.memory_space<semaphore_mem>>) src(%arg9 : memref<128x64xf32, #tpu.memory_space<vmem>>) dst(%dma_wait3A_57 : memref<10240x64xf32, #tpu.memory_space<vmem_shared>>)
      %dma_wait3A_58 = arith.constant 0 : i32
      %dma_wait3A_59 = arith.constant 0 : i32
      %dma_wait3A_60 = tpu.memref_slice %arg8[%dma_wait3A_58, %dma_wait3A_59] : memref<152x128xi32, #tpu.memory_space<vmem>> -> memref<1x128xi32, #tpu.memory_space<vmem>>
      %dma_wait3A_61 = tpu.memref_squeeze %dma_wait3A_60 : memref<1x128xi32, #tpu.memory_space<vmem>> -> memref<128xi32, #tpu.memory_space<vmem>>
      %dma_wait3A_62 = arith.constant 0 : i32
      %dma_wait3A_63 = arith.constant 0 : i32
      %dma_wait3A_64 = tpu.memref_slice %arg21[%dma_wait3A_62, %dma_wait3A_63] : memref<10240x64xf32, #tpu.memory_space<vmem_shared>> -> memref<10240x64xf32, #tpu.memory_space<vmem_shared>>
      tpu.wait_indirect_dma semaphore(%arg18 : memref<!tpu.dma_semaphore, #tpu.memory_space<semaphore_mem>>) src(%arg10 : memref<128x64xf32, #tpu.memory_space<vmem>>) dst(%dma_wait3A_64 : memref<10240x64xf32, #tpu.memory_space<vmem_shared>>)
      %dma_wait3A_65 = arith.constant 0 : i32
      %dma_wait3A_66 = arith.constant 0 : i32
      %dma_wait3A_67 = tpu.memref_slice %arg8[%dma_wait3A_65, %dma_wait3A_66] : memref<152x128xi32, #tpu.memory_space<vmem>> -> memref<1x128xi32, #tpu.memory_space<vmem>>
      %dma_wait3A_68 = tpu.memref_squeeze %dma_wait3A_67 : memref<1x128xi32, #tpu.memory_space<vmem>> -> memref<128xi32, #tpu.memory_space<vmem>>
      %dma_wait3A_69 = arith.constant 0 : i32
      %dma_wait3A_70 = arith.constant 0 : i32
      %dma_wait3A_71 = tpu.memref_slice %arg21[%dma_wait3A_69, %dma_wait3A_70] : memref<10240x64xf32, #tpu.memory_space<vmem_shared>> -> memref<10240x64xf32, #tpu.memory_space<vmem_shared>>
      tpu.wait_indirect_dma semaphore(%arg19 : memref<!tpu.dma_semaphore, #tpu.memory_space<semaphore_mem>>) src(%arg11 : memref<128x64xf32, #tpu.memory_space<vmem>>) dst(%dma_wait3A_71 : memref<10240x64xf32, #tpu.memory_space<vmem_shared>>)
      %dma_wait3A_72 = arith.constant 0 : i32
      %dma_wait3A_73 = arith.constant 0 : i32
      %dma_wait3A_74 = tpu.memref_slice %arg8[%dma_wait3A_72, %dma_wait3A_73] : memref<152x128xi32, #tpu.memory_space<vmem>> -> memref<1x128xi32, #tpu.memory_space<vmem>>
      %dma_wait3A_75 = tpu.memref_squeeze %dma_wait3A_74 : memref<1x128xi32, #tpu.memory_space<vmem>> -> memref<128xi32, #tpu.memory_space<vmem>>
      %dma_wait3A_76 = arith.constant 0 : i32
      %dma_wait3A_77 = arith.constant 0 : i32
      %dma_wait3A_78 = tpu.memref_slice %arg21[%dma_wait3A_76, %dma_wait3A_77] : memref<10240x64xf32, #tpu.memory_space<vmem_shared>> -> memref<10240x64xf32, #tpu.memory_space<vmem_shared>>
      tpu.wait_indirect_dma semaphore(%arg20 : memref<!tpu.dma_semaphore, #tpu.memory_space<semaphore_mem>>) src(%arg12 : memref<128x64xf32, #tpu.memory_space<vmem>>) dst(%dma_wait3A_78 : memref<10240x64xf32, #tpu.memory_space<vmem_shared>>)
    } else {
    }
    %eq3A_20 = arith.constant 1 : i32
    %eq3A_21 = arith.cmpi eq, %arg0, %eq3A_20 : i32
    %convert_element_type3A_22 = arith.extui %eq3A_21 : i1 to i32
    %cond3A_23 = arith.constant 0 : i32
    %cond3A_24 = arith.cmpi ne, %convert_element_type3A_22, %cond3A_23 : i32
    scf.if %cond3A_24 {
      %mul3A_45 = arith.constant 8 : i32
      %mul3A_46 = arith.muli %arg1, %mul3A_45 : i32
      %add3A_47 = arith.constant 2432 : i32
      %add3A_48 = arith.addi %add3A_47, %mul3A_46 : i32
      "tpu.region"() ({
        %run_scoped3A = tpu.sem_alloc : memref<!tpu.dma_semaphore, #tpu.memory_space<semaphore_mem>>
        %dma_start3A = arith.constant 0 : i32
        %dma_start3A_81 = arith.constant 0 : i32
        %dma_start3A_82 = tpu.memref_slice %arg7[%dma_start3A, %dma_start3A_81] : memref<152x128xi32, #tpu.memory_space<vmem>> -> memref<8x128xi32, #tpu.memory_space<vmem>>
        %dma_start3A_83 = arith.constant 0 : i32
        %dma_start3A_84 = tpu.memref_slice %arg3[%add3A_48, %dma_start3A_83] : memref<2560x128xi32, #tpu.memory_space<hbm>> -> memref<8x128xi32, #tpu.memory_space<hbm>>
        %dma_start3A_85 = arith.constant 0 : i32
        %dma_start3A_86 = arith.constant 0 : i32
        %dma_start3A_87 = tpu.memref_slice %arg7[%dma_start3A_85, %dma_start3A_86] : memref<152x128xi32, #tpu.memory_space<vmem>> -> memref<8x128xi32, #tpu.memory_space<vmem>>
        %dma_start3A_88 = arith.constant 0 : i32
        %dma_start3A_89 = tpu.memref_slice %arg3[%add3A_48, %dma_start3A_88] : memref<2560x128xi32, #tpu.memory_space<hbm>> -> memref<8x128xi32, #tpu.memory_space<hbm>>
        tpu.enqueue_dma source(%dma_start3A_89 : memref<8x128xi32, #tpu.memory_space<hbm>>) target(%dma_start3A_87 : memref<8x128xi32, #tpu.memory_space<vmem>>) target_semaphore(%run_scoped3A : memref<!tpu.dma_semaphore, #tpu.memory_space<semaphore_mem>>)
        %dma_wait3A_90 = arith.constant 0 : i32
        %dma_wait3A_91 = arith.constant 0 : i32
        %dma_wait3A_92 = tpu.memref_slice %arg7[%dma_wait3A_90, %dma_wait3A_91] : memref<152x128xi32, #tpu.memory_space<vmem>> -> memref<8x128xi32, #tpu.memory_space<vmem>>
        %dma_wait3A_93 = arith.constant 0 : i32
        %dma_wait3A_94 = tpu.memref_slice %arg3[%add3A_48, %dma_wait3A_93] : memref<2560x128xi32, #tpu.memory_space<hbm>> -> memref<8x128xi32, #tpu.memory_space<hbm>>
        %dma_wait3A_95 = arith.constant 0 : i32
        %dma_wait3A_96 = arith.constant 0 : i32
        %dma_wait3A_97 = tpu.memref_slice %arg7[%dma_wait3A_95, %dma_wait3A_96] : memref<152x128xi32, #tpu.memory_space<vmem>> -> memref<8x128xi32, #tpu.memory_space<vmem>>
        %dma_wait3A_98 = arith.constant 0 : i32
        %dma_wait3A_99 = tpu.memref_slice %arg3[%add3A_48, %dma_wait3A_98] : memref<2560x128xi32, #tpu.memory_space<hbm>> -> memref<8x128xi32, #tpu.memory_space<hbm>>
        tpu.wait_dma2 semaphore(%run_scoped3A : memref<!tpu.dma_semaphore, #tpu.memory_space<semaphore_mem>>) src(%dma_wait3A_99 : memref<8x128xi32, #tpu.memory_space<hbm>>) dst(%dma_wait3A_97 : memref<8x128xi32, #tpu.memory_space<vmem>>)
        tpu.yield
      }) : () -> ()
      "tpu.region"() ({
        %run_scoped3A = tpu.sem_alloc : memref<!tpu.dma_semaphore, #tpu.memory_space<semaphore_mem>>
        %dma_start3A = arith.constant 0 : i32
        %dma_start3A_81 = arith.constant 0 : i32
        %dma_start3A_82 = tpu.memref_slice %arg8[%dma_start3A, %dma_start3A_81] : memref<152x128xi32, #tpu.memory_space<vmem>> -> memref<8x128xi32, #tpu.memory_space<vmem>>
        %dma_start3A_83 = arith.constant 0 : i32
        %dma_start3A_84 = tpu.memref_slice %arg4[%add3A_48, %dma_start3A_83] : memref<2560x128xi32, #tpu.memory_space<hbm>> -> memref<8x128xi32, #tpu.memory_space<hbm>>
        %dma_start3A_85 = arith.constant 0 : i32
        %dma_start3A_86 = arith.constant 0 : i32
        %dma_start3A_87 = tpu.memref_slice %arg8[%dma_start3A_85, %dma_start3A_86] : memref<152x128xi32, #tpu.memory_space<vmem>> -> memref<8x128xi32, #tpu.memory_space<vmem>>
        %dma_start3A_88 = arith.constant 0 : i32
        %dma_start3A_89 = tpu.memref_slice %arg4[%add3A_48, %dma_start3A_88] : memref<2560x128xi32, #tpu.memory_space<hbm>> -> memref<8x128xi32, #tpu.memory_space<hbm>>
        tpu.enqueue_dma source(%dma_start3A_89 : memref<8x128xi32, #tpu.memory_space<hbm>>) target(%dma_start3A_87 : memref<8x128xi32, #tpu.memory_space<vmem>>) target_semaphore(%run_scoped3A : memref<!tpu.dma_semaphore, #tpu.memory_space<semaphore_mem>>)
        %dma_wait3A_90 = arith.constant 0 : i32
        %dma_wait3A_91 = arith.constant 0 : i32
        %dma_wait3A_92 = tpu.memref_slice %arg8[%dma_wait3A_90, %dma_wait3A_91] : memref<152x128xi32, #tpu.memory_space<vmem>> -> memref<8x128xi32, #tpu.memory_space<vmem>>
        %dma_wait3A_93 = arith.constant 0 : i32
        %dma_wait3A_94 = tpu.memref_slice %arg4[%add3A_48, %dma_wait3A_93] : memref<2560x128xi32, #tpu.memory_space<hbm>> -> memref<8x128xi32, #tpu.memory_space<hbm>>
        %dma_wait3A_95 = arith.constant 0 : i32
        %dma_wait3A_96 = arith.constant 0 : i32
        %dma_wait3A_97 = tpu.memref_slice %arg8[%dma_wait3A_95, %dma_wait3A_96] : memref<152x128xi32, #tpu.memory_space<vmem>> -> memref<8x128xi32, #tpu.memory_space<vmem>>
        %dma_wait3A_98 = arith.constant 0 : i32
        %dma_wait3A_99 = tpu.memref_slice %arg4[%add3A_48, %dma_wait3A_98] : memref<2560x128xi32, #tpu.memory_space<hbm>> -> memref<8x128xi32, #tpu.memory_space<hbm>>
        tpu.wait_dma2 semaphore(%run_scoped3A : memref<!tpu.dma_semaphore, #tpu.memory_space<semaphore_mem>>) src(%dma_wait3A_99 : memref<8x128xi32, #tpu.memory_space<hbm>>) dst(%dma_wait3A_97 : memref<8x128xi32, #tpu.memory_space<vmem>>)
        tpu.yield
      }) : () -> ()
      %scan3A = arith.constant 0 : i32
      %scan3A_49 = arith.constant 0 : i32
      %scan3A_50 = arith.constant 2 : i32
      %scan3A_51 = arith.addi %scan3A_49, %scan3A_50 : i32
      %scan3A_52 = arith.constant 1 : i32
      scf.for %scan3A_81 = %scan3A_49 to %scan3A_51 step %scan3A_52  : i32 {
        %gt3A = arith.constant 0 : i32
        %gt3A_82 = arith.cmpi sgt, %scan3A_81, %gt3A : i32
        %convert_element_type3A_83 = arith.extui %gt3A_82 : i1 to i32
        %cond3A_84 = arith.constant 0 : i32
        %cond3A_85 = arith.cmpi ne, %convert_element_type3A_83, %cond3A_84 : i32
        scf.if %cond3A_85 {
          %dma_wait3A_204 = arith.constant 0 : i32
          %dma_wait3A_205 = arith.constant 0 : i32
          %dma_wait3A_206 = tpu.memref_slice %arg8[%dma_wait3A_204, %dma_wait3A_205] : memref<152x128xi32, #tpu.memory_space<vmem>> -> memref<1x128xi32, #tpu.memory_space<vmem>>
          %dma_wait3A_207 = tpu.memref_squeeze %dma_wait3A_206 : memref<1x128xi32, #tpu.memory_space<vmem>> -> memref<128xi32, #tpu.memory_space<vmem>>
          %dma_wait3A_208 = arith.constant 0 : i32
          %dma_wait3A_209 = arith.constant 0 : i32
          %dma_wait3A_210 = tpu.memref_slice %arg21[%dma_wait3A_208, %dma_wait3A_209] : memref<10240x64xf32, #tpu.memory_space<vmem_shared>> -> memref<10240x64xf32, #tpu.memory_space<vmem_shared>>
          tpu.wait_indirect_dma semaphore(%arg17 : memref<!tpu.dma_semaphore, #tpu.memory_space<semaphore_mem>>) src(%arg9 : memref<128x64xf32, #tpu.memory_space<vmem>>) dst(%dma_wait3A_210 : memref<10240x64xf32, #tpu.memory_space<vmem_shared>>)
        } else {
        }
        %mul3A_86 = arith.constant 4 : i32
        %mul3A_87 = arith.muli %mul3A_86, %scan3A_81 : i32
        %add3A_88 = arith.constant 0 : i32
        %add3A_89 = arith.addi %mul3A_87, %add3A_88 : i32
        %dma_start3A = arith.constant 0 : i32
        %dma_start3A_90 = tpu.memref_slice %arg7[%add3A_89, %dma_start3A] : memref<152x128xi32, #tpu.memory_space<vmem>> -> memref<1x128xi32, #tpu.memory_space<vmem>>
        %dma_start3A_91 = tpu.memref_squeeze %dma_start3A_90 : memref<1x128xi32, #tpu.memory_space<vmem>> -> memref<128xi32, #tpu.memory_space<vmem>>
        %dma_start3A_92 = arith.constant 0 : i32
        %dma_start3A_93 = arith.constant 0 : i32
        %dma_start3A_94 = tpu.memref_slice %arg2[%dma_start3A_92, %dma_start3A_93] : memref<10240x64xf32, #tpu.memory_space<hbm>> -> memref<10240x64xf32, #tpu.memory_space<hbm>>
        tpu.enqueue_indirect_dma source(%dma_start3A_94 : memref<10240x64xf32, #tpu.memory_space<hbm>>) target(%arg9 : memref<128x64xf32, #tpu.memory_space<vmem>>) offsets(%dma_start3A_91 : memref<128xi32, #tpu.memory_space<vmem>>) semaphore(%arg13 : memref<!tpu.dma_semaphore, #tpu.memory_space<semaphore_mem>>)
        %gt3A_95 = arith.constant 0 : i32
        %gt3A_96 = arith.cmpi sgt, %scan3A_81, %gt3A_95 : i32
        %convert_element_type3A_97 = arith.extui %gt3A_96 : i1 to i32
        %cond3A_98 = arith.constant 0 : i32
        %cond3A_99 = arith.cmpi ne, %convert_element_type3A_97, %cond3A_98 : i32
        scf.if %cond3A_99 {
          %dma_wait3A_204 = arith.constant 0 : i32
          %dma_wait3A_205 = arith.constant 0 : i32
          %dma_wait3A_206 = tpu.memref_slice %arg8[%dma_wait3A_204, %dma_wait3A_205] : memref<152x128xi32, #tpu.memory_space<vmem>> -> memref<1x128xi32, #tpu.memory_space<vmem>>
          %dma_wait3A_207 = tpu.memref_squeeze %dma_wait3A_206 : memref<1x128xi32, #tpu.memory_space<vmem>> -> memref<128xi32, #tpu.memory_space<vmem>>
          %dma_wait3A_208 = arith.constant 0 : i32
          %dma_wait3A_209 = arith.constant 0 : i32
          %dma_wait3A_210 = tpu.memref_slice %arg21[%dma_wait3A_208, %dma_wait3A_209] : memref<10240x64xf32, #tpu.memory_space<vmem_shared>> -> memref<10240x64xf32, #tpu.memory_space<vmem_shared>>
          tpu.wait_indirect_dma semaphore(%arg18 : memref<!tpu.dma_semaphore, #tpu.memory_space<semaphore_mem>>) src(%arg10 : memref<128x64xf32, #tpu.memory_space<vmem>>) dst(%dma_wait3A_210 : memref<10240x64xf32, #tpu.memory_space<vmem_shared>>)
        } else {
        }
        %mul3A_100 = arith.constant 4 : i32
        %mul3A_101 = arith.muli %mul3A_100, %scan3A_81 : i32
        %add3A_102 = arith.constant 1 : i32
        %add3A_103 = arith.addi %mul3A_101, %add3A_102 : i32
        %dma_start3A_104 = arith.constant 0 : i32
        %dma_start3A_105 = tpu.memref_slice %arg7[%add3A_103, %dma_start3A_104] : memref<152x128xi32, #tpu.memory_space<vmem>> -> memref<1x128xi32, #tpu.memory_space<vmem>>
        %dma_start3A_106 = tpu.memref_squeeze %dma_start3A_105 : memref<1x128xi32, #tpu.memory_space<vmem>> -> memref<128xi32, #tpu.memory_space<vmem>>
        %dma_start3A_107 = arith.constant 0 : i32
        %dma_start3A_108 = arith.constant 0 : i32
        %dma_start3A_109 = tpu.memref_slice %arg2[%dma_start3A_107, %dma_start3A_108] : memref<10240x64xf32, #tpu.memory_space<hbm>> -> memref<10240x64xf32, #tpu.memory_space<hbm>>
        tpu.enqueue_indirect_dma source(%dma_start3A_109 : memref<10240x64xf32, #tpu.memory_space<hbm>>) target(%arg10 : memref<128x64xf32, #tpu.memory_space<vmem>>) offsets(%dma_start3A_106 : memref<128xi32, #tpu.memory_space<vmem>>) semaphore(%arg14 : memref<!tpu.dma_semaphore, #tpu.memory_space<semaphore_mem>>)
        %gt3A_110 = arith.constant 0 : i32
        %gt3A_111 = arith.cmpi sgt, %scan3A_81, %gt3A_110 : i32
        %convert_element_type3A_112 = arith.extui %gt3A_111 : i1 to i32
        %cond3A_113 = arith.constant 0 : i32
        %cond3A_114 = arith.cmpi ne, %convert_element_type3A_112, %cond3A_113 : i32
        scf.if %cond3A_114 {
          %dma_wait3A_204 = arith.constant 0 : i32
          %dma_wait3A_205 = arith.constant 0 : i32
          %dma_wait3A_206 = tpu.memref_slice %arg8[%dma_wait3A_204, %dma_wait3A_205] : memref<152x128xi32, #tpu.memory_space<vmem>> -> memref<1x128xi32, #tpu.memory_space<vmem>>
          %dma_wait3A_207 = tpu.memref_squeeze %dma_wait3A_206 : memref<1x128xi32, #tpu.memory_space<vmem>> -> memref<128xi32, #tpu.memory_space<vmem>>
          %dma_wait3A_208 = arith.constant 0 : i32
          %dma_wait3A_209 = arith.constant 0 : i32
          %dma_wait3A_210 = tpu.memref_slice %arg21[%dma_wait3A_208, %dma_wait3A_209] : memref<10240x64xf32, #tpu.memory_space<vmem_shared>> -> memref<10240x64xf32, #tpu.memory_space<vmem_shared>>
          tpu.wait_indirect_dma semaphore(%arg19 : memref<!tpu.dma_semaphore, #tpu.memory_space<semaphore_mem>>) src(%arg11 : memref<128x64xf32, #tpu.memory_space<vmem>>) dst(%dma_wait3A_210 : memref<10240x64xf32, #tpu.memory_space<vmem_shared>>)
        } else {
        }
        %mul3A_115 = arith.constant 4 : i32
        %mul3A_116 = arith.muli %mul3A_115, %scan3A_81 : i32
        %add3A_117 = arith.constant 2 : i32
        %add3A_118 = arith.addi %mul3A_116, %add3A_117 : i32
        %dma_start3A_119 = arith.constant 0 : i32
        %dma_start3A_120 = tpu.memref_slice %arg7[%add3A_118, %dma_start3A_119] : memref<152x128xi32, #tpu.memory_space<vmem>> -> memref<1x128xi32, #tpu.memory_space<vmem>>
        %dma_start3A_121 = tpu.memref_squeeze %dma_start3A_120 : memref<1x128xi32, #tpu.memory_space<vmem>> -> memref<128xi32, #tpu.memory_space<vmem>>
        %dma_start3A_122 = arith.constant 0 : i32
        %dma_start3A_123 = arith.constant 0 : i32
        %dma_start3A_124 = tpu.memref_slice %arg2[%dma_start3A_122, %dma_start3A_123] : memref<10240x64xf32, #tpu.memory_space<hbm>> -> memref<10240x64xf32, #tpu.memory_space<hbm>>
        tpu.enqueue_indirect_dma source(%dma_start3A_124 : memref<10240x64xf32, #tpu.memory_space<hbm>>) target(%arg11 : memref<128x64xf32, #tpu.memory_space<vmem>>) offsets(%dma_start3A_121 : memref<128xi32, #tpu.memory_space<vmem>>) semaphore(%arg15 : memref<!tpu.dma_semaphore, #tpu.memory_space<semaphore_mem>>)
        %gt3A_125 = arith.constant 0 : i32
        %gt3A_126 = arith.cmpi sgt, %scan3A_81, %gt3A_125 : i32
        %convert_element_type3A_127 = arith.extui %gt3A_126 : i1 to i32
        %cond3A_128 = arith.constant 0 : i32
        %cond3A_129 = arith.cmpi ne, %convert_element_type3A_127, %cond3A_128 : i32
        scf.if %cond3A_129 {
          %dma_wait3A_204 = arith.constant 0 : i32
          %dma_wait3A_205 = arith.constant 0 : i32
          %dma_wait3A_206 = tpu.memref_slice %arg8[%dma_wait3A_204, %dma_wait3A_205] : memref<152x128xi32, #tpu.memory_space<vmem>> -> memref<1x128xi32, #tpu.memory_space<vmem>>
          %dma_wait3A_207 = tpu.memref_squeeze %dma_wait3A_206 : memref<1x128xi32, #tpu.memory_space<vmem>> -> memref<128xi32, #tpu.memory_space<vmem>>
          %dma_wait3A_208 = arith.constant 0 : i32
          %dma_wait3A_209 = arith.constant 0 : i32
          %dma_wait3A_210 = tpu.memref_slice %arg21[%dma_wait3A_208, %dma_wait3A_209] : memref<10240x64xf32, #tpu.memory_space<vmem_shared>> -> memref<10240x64xf32, #tpu.memory_space<vmem_shared>>
          tpu.wait_indirect_dma semaphore(%arg20 : memref<!tpu.dma_semaphore, #tpu.memory_space<semaphore_mem>>) src(%arg12 : memref<128x64xf32, #tpu.memory_space<vmem>>) dst(%dma_wait3A_210 : memref<10240x64xf32, #tpu.memory_space<vmem_shared>>)
        } else {
        }
        %mul3A_130 = arith.constant 4 : i32
        %mul3A_131 = arith.muli %mul3A_130, %scan3A_81 : i32
        %add3A_132 = arith.constant 3 : i32
        %add3A_133 = arith.addi %mul3A_131, %add3A_132 : i32
        %dma_start3A_134 = arith.constant 0 : i32
        %dma_start3A_135 = tpu.memref_slice %arg7[%add3A_133, %dma_start3A_134] : memref<152x128xi32, #tpu.memory_space<vmem>> -> memref<1x128xi32, #tpu.memory_space<vmem>>
        %dma_start3A_136 = tpu.memref_squeeze %dma_start3A_135 : memref<1x128xi32, #tpu.memory_space<vmem>> -> memref<128xi32, #tpu.memory_space<vmem>>
        %dma_start3A_137 = arith.constant 0 : i32
        %dma_start3A_138 = arith.constant 0 : i32
        %dma_start3A_139 = tpu.memref_slice %arg2[%dma_start3A_137, %dma_start3A_138] : memref<10240x64xf32, #tpu.memory_space<hbm>> -> memref<10240x64xf32, #tpu.memory_space<hbm>>
        tpu.enqueue_indirect_dma source(%dma_start3A_139 : memref<10240x64xf32, #tpu.memory_space<hbm>>) target(%arg12 : memref<128x64xf32, #tpu.memory_space<vmem>>) offsets(%dma_start3A_136 : memref<128xi32, #tpu.memory_space<vmem>>) semaphore(%arg16 : memref<!tpu.dma_semaphore, #tpu.memory_space<semaphore_mem>>)
        %dma_wait3A_140 = arith.constant 0 : i32
        %dma_wait3A_141 = arith.constant 0 : i32
        %dma_wait3A_142 = tpu.memref_slice %arg2[%dma_wait3A_140, %dma_wait3A_141] : memref<10240x64xf32, #tpu.memory_space<hbm>> -> memref<128x64xf32, #tpu.memory_space<hbm>>
        %dma_wait3A_143 = arith.constant 0 : i32
        %dma_wait3A_144 = arith.constant 0 : i32
        %dma_wait3A_145 = tpu.memref_slice %arg2[%dma_wait3A_143, %dma_wait3A_144] : memref<10240x64xf32, #tpu.memory_space<hbm>> -> memref<128x64xf32, #tpu.memory_space<hbm>>
        tpu.wait_dma2 semaphore(%arg13 : memref<!tpu.dma_semaphore, #tpu.memory_space<semaphore_mem>>) src(%dma_wait3A_145 : memref<128x64xf32, #tpu.memory_space<hbm>>) dst(%arg9 : memref<128x64xf32, #tpu.memory_space<vmem>>)
        %mul3A_146 = arith.constant 4 : i32
        %mul3A_147 = arith.muli %mul3A_146, %scan3A_81 : i32
        %add3A_148 = arith.constant 0 : i32
        %add3A_149 = arith.addi %mul3A_147, %add3A_148 : i32
        %dma_start3A_150 = arith.constant 0 : i32
        %dma_start3A_151 = tpu.memref_slice %arg8[%add3A_149, %dma_start3A_150] : memref<152x128xi32, #tpu.memory_space<vmem>> -> memref<1x128xi32, #tpu.memory_space<vmem>>
        %dma_start3A_152 = tpu.memref_squeeze %dma_start3A_151 : memref<1x128xi32, #tpu.memory_space<vmem>> -> memref<128xi32, #tpu.memory_space<vmem>>
        %dma_start3A_153 = arith.constant 0 : i32
        %dma_start3A_154 = arith.constant 0 : i32
        %dma_start3A_155 = tpu.memref_slice %arg21[%dma_start3A_153, %dma_start3A_154] : memref<10240x64xf32, #tpu.memory_space<vmem_shared>> -> memref<10240x64xf32, #tpu.memory_space<vmem_shared>>
        tpu.enqueue_indirect_dma source(%arg9 : memref<128x64xf32, #tpu.memory_space<vmem>>) target(%dma_start3A_155 : memref<10240x64xf32, #tpu.memory_space<vmem_shared>>) offsets(%dma_start3A_152 : memref<128xi32, #tpu.memory_space<vmem>>) semaphore(%arg17 : memref<!tpu.dma_semaphore, #tpu.memory_space<semaphore_mem>>) {add = true}
        %dma_wait3A_156 = arith.constant 0 : i32
        %dma_wait3A_157 = arith.constant 0 : i32
        %dma_wait3A_158 = tpu.memref_slice %arg2[%dma_wait3A_156, %dma_wait3A_157] : memref<10240x64xf32, #tpu.memory_space<hbm>> -> memref<128x64xf32, #tpu.memory_space<hbm>>
        %dma_wait3A_159 = arith.constant 0 : i32
        %dma_wait3A_160 = arith.constant 0 : i32
        %dma_wait3A_161 = tpu.memref_slice %arg2[%dma_wait3A_159, %dma_wait3A_160] : memref<10240x64xf32, #tpu.memory_space<hbm>> -> memref<128x64xf32, #tpu.memory_space<hbm>>
        tpu.wait_dma2 semaphore(%arg14 : memref<!tpu.dma_semaphore, #tpu.memory_space<semaphore_mem>>) src(%dma_wait3A_161 : memref<128x64xf32, #tpu.memory_space<hbm>>) dst(%arg10 : memref<128x64xf32, #tpu.memory_space<vmem>>)
        %mul3A_162 = arith.constant 4 : i32
        %mul3A_163 = arith.muli %mul3A_162, %scan3A_81 : i32
        %add3A_164 = arith.constant 1 : i32
        %add3A_165 = arith.addi %mul3A_163, %add3A_164 : i32
        %dma_start3A_166 = arith.constant 0 : i32
        %dma_start3A_167 = tpu.memref_slice %arg8[%add3A_165, %dma_start3A_166] : memref<152x128xi32, #tpu.memory_space<vmem>> -> memref<1x128xi32, #tpu.memory_space<vmem>>
        %dma_start3A_168 = tpu.memref_squeeze %dma_start3A_167 : memref<1x128xi32, #tpu.memory_space<vmem>> -> memref<128xi32, #tpu.memory_space<vmem>>
        %dma_start3A_169 = arith.constant 0 : i32
        %dma_start3A_170 = arith.constant 0 : i32
        %dma_start3A_171 = tpu.memref_slice %arg21[%dma_start3A_169, %dma_start3A_170] : memref<10240x64xf32, #tpu.memory_space<vmem_shared>> -> memref<10240x64xf32, #tpu.memory_space<vmem_shared>>
        tpu.enqueue_indirect_dma source(%arg10 : memref<128x64xf32, #tpu.memory_space<vmem>>) target(%dma_start3A_171 : memref<10240x64xf32, #tpu.memory_space<vmem_shared>>) offsets(%dma_start3A_168 : memref<128xi32, #tpu.memory_space<vmem>>) semaphore(%arg18 : memref<!tpu.dma_semaphore, #tpu.memory_space<semaphore_mem>>) {add = true}
        %dma_wait3A_172 = arith.constant 0 : i32
        %dma_wait3A_173 = arith.constant 0 : i32
        %dma_wait3A_174 = tpu.memref_slice %arg2[%dma_wait3A_172, %dma_wait3A_173] : memref<10240x64xf32, #tpu.memory_space<hbm>> -> memref<128x64xf32, #tpu.memory_space<hbm>>
        %dma_wait3A_175 = arith.constant 0 : i32
        %dma_wait3A_176 = arith.constant 0 : i32
        %dma_wait3A_177 = tpu.memref_slice %arg2[%dma_wait3A_175, %dma_wait3A_176] : memref<10240x64xf32, #tpu.memory_space<hbm>> -> memref<128x64xf32, #tpu.memory_space<hbm>>
        tpu.wait_dma2 semaphore(%arg15 : memref<!tpu.dma_semaphore, #tpu.memory_space<semaphore_mem>>) src(%dma_wait3A_177 : memref<128x64xf32, #tpu.memory_space<hbm>>) dst(%arg11 : memref<128x64xf32, #tpu.memory_space<vmem>>)
        %mul3A_178 = arith.constant 4 : i32
        %mul3A_179 = arith.muli %mul3A_178, %scan3A_81 : i32
        %add3A_180 = arith.constant 2 : i32
        %add3A_181 = arith.addi %mul3A_179, %add3A_180 : i32
        %dma_start3A_182 = arith.constant 0 : i32
        %dma_start3A_183 = tpu.memref_slice %arg8[%add3A_181, %dma_start3A_182] : memref<152x128xi32, #tpu.memory_space<vmem>> -> memref<1x128xi32, #tpu.memory_space<vmem>>
        %dma_start3A_184 = tpu.memref_squeeze %dma_start3A_183 : memref<1x128xi32, #tpu.memory_space<vmem>> -> memref<128xi32, #tpu.memory_space<vmem>>
        %dma_start3A_185 = arith.constant 0 : i32
        %dma_start3A_186 = arith.constant 0 : i32
        %dma_start3A_187 = tpu.memref_slice %arg21[%dma_start3A_185, %dma_start3A_186] : memref<10240x64xf32, #tpu.memory_space<vmem_shared>> -> memref<10240x64xf32, #tpu.memory_space<vmem_shared>>
        tpu.enqueue_indirect_dma source(%arg11 : memref<128x64xf32, #tpu.memory_space<vmem>>) target(%dma_start3A_187 : memref<10240x64xf32, #tpu.memory_space<vmem_shared>>) offsets(%dma_start3A_184 : memref<128xi32, #tpu.memory_space<vmem>>) semaphore(%arg19 : memref<!tpu.dma_semaphore, #tpu.memory_space<semaphore_mem>>) {add = true}
        %dma_wait3A_188 = arith.constant 0 : i32
        %dma_wait3A_189 = arith.constant 0 : i32
        %dma_wait3A_190 = tpu.memref_slice %arg2[%dma_wait3A_188, %dma_wait3A_189] : memref<10240x64xf32, #tpu.memory_space<hbm>> -> memref<128x64xf32, #tpu.memory_space<hbm>>
        %dma_wait3A_191 = arith.constant 0 : i32
        %dma_wait3A_192 = arith.constant 0 : i32
        %dma_wait3A_193 = tpu.memref_slice %arg2[%dma_wait3A_191, %dma_wait3A_192] : memref<10240x64xf32, #tpu.memory_space<hbm>> -> memref<128x64xf32, #tpu.memory_space<hbm>>
        tpu.wait_dma2 semaphore(%arg16 : memref<!tpu.dma_semaphore, #tpu.memory_space<semaphore_mem>>) src(%dma_wait3A_193 : memref<128x64xf32, #tpu.memory_space<hbm>>) dst(%arg12 : memref<128x64xf32, #tpu.memory_space<vmem>>)
        %mul3A_194 = arith.constant 4 : i32
        %mul3A_195 = arith.muli %mul3A_194, %scan3A_81 : i32
        %add3A_196 = arith.constant 3 : i32
        %add3A_197 = arith.addi %mul3A_195, %add3A_196 : i32
        %dma_start3A_198 = arith.constant 0 : i32
        %dma_start3A_199 = tpu.memref_slice %arg8[%add3A_197, %dma_start3A_198] : memref<152x128xi32, #tpu.memory_space<vmem>> -> memref<1x128xi32, #tpu.memory_space<vmem>>
        %dma_start3A_200 = tpu.memref_squeeze %dma_start3A_199 : memref<1x128xi32, #tpu.memory_space<vmem>> -> memref<128xi32, #tpu.memory_space<vmem>>
        %dma_start3A_201 = arith.constant 0 : i32
        %dma_start3A_202 = arith.constant 0 : i32
        %dma_start3A_203 = tpu.memref_slice %arg21[%dma_start3A_201, %dma_start3A_202] : memref<10240x64xf32, #tpu.memory_space<vmem_shared>> -> memref<10240x64xf32, #tpu.memory_space<vmem_shared>>
        tpu.enqueue_indirect_dma source(%arg12 : memref<128x64xf32, #tpu.memory_space<vmem>>) target(%dma_start3A_203 : memref<10240x64xf32, #tpu.memory_space<vmem_shared>>) offsets(%dma_start3A_200 : memref<128xi32, #tpu.memory_space<vmem>>) semaphore(%arg20 : memref<!tpu.dma_semaphore, #tpu.memory_space<semaphore_mem>>) {add = true}
      }
      %scan3A_53 = arith.constant 2 : i32
      %dma_wait3A = arith.constant 0 : i32
      %dma_wait3A_54 = arith.constant 0 : i32
      %dma_wait3A_55 = tpu.memref_slice %arg8[%dma_wait3A, %dma_wait3A_54] : memref<152x128xi32, #tpu.memory_space<vmem>> -> memref<1x128xi32, #tpu.memory_space<vmem>>
      %dma_wait3A_56 = tpu.memref_squeeze %dma_wait3A_55 : memref<1x128xi32, #tpu.memory_space<vmem>> -> memref<128xi32, #tpu.memory_space<vmem>>
      %dma_wait3A_57 = arith.constant 0 : i32
      %dma_wait3A_58 = arith.constant 0 : i32
      %dma_wait3A_59 = tpu.memref_slice %arg21[%dma_wait3A_57, %dma_wait3A_58] : memref<10240x64xf32, #tpu.memory_space<vmem_shared>> -> memref<10240x64xf32, #tpu.memory_space<vmem_shared>>
      tpu.wait_indirect_dma semaphore(%arg17 : memref<!tpu.dma_semaphore, #tpu.memory_space<semaphore_mem>>) src(%arg9 : memref<128x64xf32, #tpu.memory_space<vmem>>) dst(%dma_wait3A_59 : memref<10240x64xf32, #tpu.memory_space<vmem_shared>>)
      %dma_wait3A_60 = arith.constant 0 : i32
      %dma_wait3A_61 = arith.constant 0 : i32
      %dma_wait3A_62 = tpu.memref_slice %arg8[%dma_wait3A_60, %dma_wait3A_61] : memref<152x128xi32, #tpu.memory_space<vmem>> -> memref<1x128xi32, #tpu.memory_space<vmem>>
      %dma_wait3A_63 = tpu.memref_squeeze %dma_wait3A_62 : memref<1x128xi32, #tpu.memory_space<vmem>> -> memref<128xi32, #tpu.memory_space<vmem>>
      %dma_wait3A_64 = arith.constant 0 : i32
      %dma_wait3A_65 = arith.constant 0 : i32
      %dma_wait3A_66 = tpu.memref_slice %arg21[%dma_wait3A_64, %dma_wait3A_65] : memref<10240x64xf32, #tpu.memory_space<vmem_shared>> -> memref<10240x64xf32, #tpu.memory_space<vmem_shared>>
      tpu.wait_indirect_dma semaphore(%arg18 : memref<!tpu.dma_semaphore, #tpu.memory_space<semaphore_mem>>) src(%arg10 : memref<128x64xf32, #tpu.memory_space<vmem>>) dst(%dma_wait3A_66 : memref<10240x64xf32, #tpu.memory_space<vmem_shared>>)
      %dma_wait3A_67 = arith.constant 0 : i32
      %dma_wait3A_68 = arith.constant 0 : i32
      %dma_wait3A_69 = tpu.memref_slice %arg8[%dma_wait3A_67, %dma_wait3A_68] : memref<152x128xi32, #tpu.memory_space<vmem>> -> memref<1x128xi32, #tpu.memory_space<vmem>>
      %dma_wait3A_70 = tpu.memref_squeeze %dma_wait3A_69 : memref<1x128xi32, #tpu.memory_space<vmem>> -> memref<128xi32, #tpu.memory_space<vmem>>
      %dma_wait3A_71 = arith.constant 0 : i32
      %dma_wait3A_72 = arith.constant 0 : i32
      %dma_wait3A_73 = tpu.memref_slice %arg21[%dma_wait3A_71, %dma_wait3A_72] : memref<10240x64xf32, #tpu.memory_space<vmem_shared>> -> memref<10240x64xf32, #tpu.memory_space<vmem_shared>>
      tpu.wait_indirect_dma semaphore(%arg19 : memref<!tpu.dma_semaphore, #tpu.memory_space<semaphore_mem>>) src(%arg11 : memref<128x64xf32, #tpu.memory_space<vmem>>) dst(%dma_wait3A_73 : memref<10240x64xf32, #tpu.memory_space<vmem_shared>>)
      %dma_wait3A_74 = arith.constant 0 : i32
      %dma_wait3A_75 = arith.constant 0 : i32
      %dma_wait3A_76 = tpu.memref_slice %arg8[%dma_wait3A_74, %dma_wait3A_75] : memref<152x128xi32, #tpu.memory_space<vmem>> -> memref<1x128xi32, #tpu.memory_space<vmem>>
      %dma_wait3A_77 = tpu.memref_squeeze %dma_wait3A_76 : memref<1x128xi32, #tpu.memory_space<vmem>> -> memref<128xi32, #tpu.memory_space<vmem>>
      %dma_wait3A_78 = arith.constant 0 : i32
      %dma_wait3A_79 = arith.constant 0 : i32
      %dma_wait3A_80 = tpu.memref_slice %arg21[%dma_wait3A_78, %dma_wait3A_79] : memref<10240x64xf32, #tpu.memory_space<vmem_shared>> -> memref<10240x64xf32, #tpu.memory_space<vmem_shared>>
      tpu.wait_indirect_dma semaphore(%arg20 : memref<!tpu.dma_semaphore, #tpu.memory_space<semaphore_mem>>) src(%arg12 : memref<128x64xf32, #tpu.memory_space<vmem>>) dst(%dma_wait3A_80 : memref<10240x64xf32, #tpu.memory_space<vmem_shared>>)
    } else {
    }
    %barrier3A = arith.constant 0 : index
    tpu.barrier barrier_id(%barrier3A)
    %mul3A_25 = arith.constant 640 : i32
    %mul3A_26 = arith.muli %arg1, %mul3A_25 : i32
    %add3A_27 = arith.constant 0 : i32
    %add3A_28 = arith.addi %mul3A_26, %add3A_27 : i32
    "tpu.region"() ({
      %run_scoped3A = tpu.sem_alloc : memref<!tpu.dma_semaphore, #tpu.memory_space<semaphore_mem>>
      %dma_start3A = arith.constant 0 : i32
      %dma_start3A_45 = tpu.memref_slice %arg21[%add3A_28, %dma_start3A] : memref<10240x64xf32, #tpu.memory_space<vmem_shared>> -> memref<128x64xf32, #tpu.memory_space<vmem_shared>>
      %dma_start3A_46 = arith.constant 0 : i32
      %dma_start3A_47 = tpu.memref_slice %arg21[%add3A_28, %dma_start3A_46] : memref<10240x64xf32, #tpu.memory_space<vmem_shared>> -> memref<128x64xf32, #tpu.memory_space<vmem_shared>>
      tpu.enqueue_dma source(%dma_start3A_47 : memref<128x64xf32, #tpu.memory_space<vmem_shared>>) target(%arg9 : memref<128x64xf32, #tpu.memory_space<vmem>>) target_semaphore(%run_scoped3A : memref<!tpu.dma_semaphore, #tpu.memory_space<semaphore_mem>>)
      %dma_wait3A = arith.constant 0 : i32
      %dma_wait3A_48 = tpu.memref_slice %arg21[%add3A_28, %dma_wait3A] : memref<10240x64xf32, #tpu.memory_space<vmem_shared>> -> memref<128x64xf32, #tpu.memory_space<vmem_shared>>
      %dma_wait3A_49 = arith.constant 0 : i32
      %dma_wait3A_50 = tpu.memref_slice %arg21[%add3A_28, %dma_wait3A_49] : memref<10240x64xf32, #tpu.memory_space<vmem_shared>> -> memref<128x64xf32, #tpu.memory_space<vmem_shared>>
      tpu.wait_dma2 semaphore(%run_scoped3A : memref<!tpu.dma_semaphore, #tpu.memory_space<semaphore_mem>>) src(%dma_wait3A_50 : memref<128x64xf32, #tpu.memory_space<vmem_shared>>) dst(%arg9 : memref<128x64xf32, #tpu.memory_space<vmem>>)
      tpu.yield
    }) : () -> ()
    "tpu.region"() ({
      %run_scoped3A = tpu.sem_alloc : memref<!tpu.dma_semaphore, #tpu.memory_space<semaphore_mem>>
      %dma_start3A = arith.constant 0 : i32
      %dma_start3A_45 = tpu.memref_slice %arg6[%arg0, %add3A_28, %dma_start3A] : memref<2x10240x64xf32, #tpu.memory_space<hbm>> -> memref<1x128x64xf32, #tpu.memory_space<hbm>>
      %dma_start3A_46 = tpu.memref_squeeze %dma_start3A_45 : memref<1x128x64xf32, #tpu.memory_space<hbm>> -> memref<128x64xf32, #tpu.memory_space<hbm>>
      %dma_start3A_47 = arith.constant 0 : i32
      %dma_start3A_48 = tpu.memref_slice %arg6[%arg0, %add3A_28, %dma_start3A_47] : memref<2x10240x64xf32, #tpu.memory_space<hbm>> -> memref<1x128x64xf32, #tpu.memory_space<hbm>>
      %dma_start3A_49 = tpu.memref_squeeze %dma_start3A_48 : memref<1x128x64xf32, #tpu.memory_space<hbm>> -> memref<128x64xf32, #tpu.memory_space<hbm>>
      tpu.enqueue_dma source(%arg9 : memref<128x64xf32, #tpu.memory_space<vmem>>) target(%dma_start3A_49 : memref<128x64xf32, #tpu.memory_space<hbm>>) target_semaphore(%run_scoped3A : memref<!tpu.dma_semaphore, #tpu.memory_space<semaphore_mem>>)
      %dma_wait3A = arith.constant 0 : i32
      %dma_wait3A_50 = tpu.memref_slice %arg6[%arg0, %add3A_28, %dma_wait3A] : memref<2x10240x64xf32, #tpu.memory_space<hbm>> -> memref<1x128x64xf32, #tpu.memory_space<hbm>>
      %dma_wait3A_51 = tpu.memref_squeeze %dma_wait3A_50 : memref<1x128x64xf32, #tpu.memory_space<hbm>> -> memref<128x64xf32, #tpu.memory_space<hbm>>
      %dma_wait3A_52 = arith.constant 0 : i32
      %dma_wait3A_53 = tpu.memref_slice %arg6[%arg0, %add3A_28, %dma_wait3A_52] : memref<2x10240x64xf32, #tpu.memory_space<hbm>> -> memref<1x128x64xf32, #tpu.memory_space<hbm>>
      %dma_wait3A_54 = tpu.memref_squeeze %dma_wait3A_53 : memref<1x128x64xf32, #tpu.memory_space<hbm>> -> memref<128x64xf32, #tpu.memory_space<hbm>>
      tpu.wait_dma2 semaphore(%run_scoped3A : memref<!tpu.dma_semaphore, #tpu.memory_space<semaphore_mem>>) src(%arg9 : memref<128x64xf32, #tpu.memory_space<vmem>>) dst(%dma_wait3A_54 : memref<128x64xf32, #tpu.memory_space<hbm>>)
      tpu.yield
    }) : () -> ()
    %mul3A_29 = arith.constant 640 : i32
    %mul3A_30 = arith.muli %arg1, %mul3A_29 : i32
    %add3A_31 = arith.constant 128 : i32
    %add3A_32 = arith.addi %mul3A_30, %add3A_31 : i32
    "tpu.region"() ({
      %run_scoped3A = tpu.sem_alloc : memref<!tpu.dma_semaphore, #tpu.memory_space<semaphore_mem>>
      %dma_start3A = arith.constant 0 : i32
      %dma_start3A_45 = tpu.memref_slice %arg21[%add3A_32, %dma_start3A] : memref<10240x64xf32, #tpu.memory_space<vmem_shared>> -> memref<128x64xf32, #tpu.memory_space<vmem_shared>>
      %dma_start3A_46 = arith.constant 0 : i32
      %dma_start3A_47 = tpu.memref_slice %arg21[%add3A_32, %dma_start3A_46] : memref<10240x64xf32, #tpu.memory_space<vmem_shared>> -> memref<128x64xf32, #tpu.memory_space<vmem_shared>>
      tpu.enqueue_dma source(%dma_start3A_47 : memref<128x64xf32, #tpu.memory_space<vmem_shared>>) target(%arg10 : memref<128x64xf32, #tpu.memory_space<vmem>>) target_semaphore(%run_scoped3A : memref<!tpu.dma_semaphore, #tpu.memory_space<semaphore_mem>>)
      %dma_wait3A = arith.constant 0 : i32
      %dma_wait3A_48 = tpu.memref_slice %arg21[%add3A_32, %dma_wait3A] : memref<10240x64xf32, #tpu.memory_space<vmem_shared>> -> memref<128x64xf32, #tpu.memory_space<vmem_shared>>
      %dma_wait3A_49 = arith.constant 0 : i32
      %dma_wait3A_50 = tpu.memref_slice %arg21[%add3A_32, %dma_wait3A_49] : memref<10240x64xf32, #tpu.memory_space<vmem_shared>> -> memref<128x64xf32, #tpu.memory_space<vmem_shared>>
      tpu.wait_dma2 semaphore(%run_scoped3A : memref<!tpu.dma_semaphore, #tpu.memory_space<semaphore_mem>>) src(%dma_wait3A_50 : memref<128x64xf32, #tpu.memory_space<vmem_shared>>) dst(%arg10 : memref<128x64xf32, #tpu.memory_space<vmem>>)
      tpu.yield
    }) : () -> ()
    "tpu.region"() ({
      %run_scoped3A = tpu.sem_alloc : memref<!tpu.dma_semaphore, #tpu.memory_space<semaphore_mem>>
      %dma_start3A = arith.constant 0 : i32
      %dma_start3A_45 = tpu.memref_slice %arg6[%arg0, %add3A_32, %dma_start3A] : memref<2x10240x64xf32, #tpu.memory_space<hbm>> -> memref<1x128x64xf32, #tpu.memory_space<hbm>>
      %dma_start3A_46 = tpu.memref_squeeze %dma_start3A_45 : memref<1x128x64xf32, #tpu.memory_space<hbm>> -> memref<128x64xf32, #tpu.memory_space<hbm>>
      %dma_start3A_47 = arith.constant 0 : i32
      %dma_start3A_48 = tpu.memref_slice %arg6[%arg0, %add3A_32, %dma_start3A_47] : memref<2x10240x64xf32, #tpu.memory_space<hbm>> -> memref<1x128x64xf32, #tpu.memory_space<hbm>>
      %dma_start3A_49 = tpu.memref_squeeze %dma_start3A_48 : memref<1x128x64xf32, #tpu.memory_space<hbm>> -> memref<128x64xf32, #tpu.memory_space<hbm>>
      tpu.enqueue_dma source(%arg10 : memref<128x64xf32, #tpu.memory_space<vmem>>) target(%dma_start3A_49 : memref<128x64xf32, #tpu.memory_space<hbm>>) target_semaphore(%run_scoped3A : memref<!tpu.dma_semaphore, #tpu.memory_space<semaphore_mem>>)
      %dma_wait3A = arith.constant 0 : i32
      %dma_wait3A_50 = tpu.memref_slice %arg6[%arg0, %add3A_32, %dma_wait3A] : memref<2x10240x64xf32, #tpu.memory_space<hbm>> -> memref<1x128x64xf32, #tpu.memory_space<hbm>>
      %dma_wait3A_51 = tpu.memref_squeeze %dma_wait3A_50 : memref<1x128x64xf32, #tpu.memory_space<hbm>> -> memref<128x64xf32, #tpu.memory_space<hbm>>
      %dma_wait3A_52 = arith.constant 0 : i32
      %dma_wait3A_53 = tpu.memref_slice %arg6[%arg0, %add3A_32, %dma_wait3A_52] : memref<2x10240x64xf32, #tpu.memory_space<hbm>> -> memref<1x128x64xf32, #tpu.memory_space<hbm>>
      %dma_wait3A_54 = tpu.memref_squeeze %dma_wait3A_53 : memref<1x128x64xf32, #tpu.memory_space<hbm>> -> memref<128x64xf32, #tpu.memory_space<hbm>>
      tpu.wait_dma2 semaphore(%run_scoped3A : memref<!tpu.dma_semaphore, #tpu.memory_space<semaphore_mem>>) src(%arg10 : memref<128x64xf32, #tpu.memory_space<vmem>>) dst(%dma_wait3A_54 : memref<128x64xf32, #tpu.memory_space<hbm>>)
      tpu.yield
    }) : () -> ()
    %mul3A_33 = arith.constant 640 : i32
    %mul3A_34 = arith.muli %arg1, %mul3A_33 : i32
    %add3A_35 = arith.constant 256 : i32
    %add3A_36 = arith.addi %mul3A_34, %add3A_35 : i32
    "tpu.region"() ({
      %run_scoped3A = tpu.sem_alloc : memref<!tpu.dma_semaphore, #tpu.memory_space<semaphore_mem>>
      %dma_start3A = arith.constant 0 : i32
      %dma_start3A_45 = tpu.memref_slice %arg21[%add3A_36, %dma_start3A] : memref<10240x64xf32, #tpu.memory_space<vmem_shared>> -> memref<128x64xf32, #tpu.memory_space<vmem_shared>>
      %dma_start3A_46 = arith.constant 0 : i32
      %dma_start3A_47 = tpu.memref_slice %arg21[%add3A_36, %dma_start3A_46] : memref<10240x64xf32, #tpu.memory_space<vmem_shared>> -> memref<128x64xf32, #tpu.memory_space<vmem_shared>>
      tpu.enqueue_dma source(%dma_start3A_47 : memref<128x64xf32, #tpu.memory_space<vmem_shared>>) target(%arg11 : memref<128x64xf32, #tpu.memory_space<vmem>>) target_semaphore(%run_scoped3A : memref<!tpu.dma_semaphore, #tpu.memory_space<semaphore_mem>>)
      %dma_wait3A = arith.constant 0 : i32
      %dma_wait3A_48 = tpu.memref_slice %arg21[%add3A_36, %dma_wait3A] : memref<10240x64xf32, #tpu.memory_space<vmem_shared>> -> memref<128x64xf32, #tpu.memory_space<vmem_shared>>
      %dma_wait3A_49 = arith.constant 0 : i32
      %dma_wait3A_50 = tpu.memref_slice %arg21[%add3A_36, %dma_wait3A_49] : memref<10240x64xf32, #tpu.memory_space<vmem_shared>> -> memref<128x64xf32, #tpu.memory_space<vmem_shared>>
      tpu.wait_dma2 semaphore(%run_scoped3A : memref<!tpu.dma_semaphore, #tpu.memory_space<semaphore_mem>>) src(%dma_wait3A_50 : memref<128x64xf32, #tpu.memory_space<vmem_shared>>) dst(%arg11 : memref<128x64xf32, #tpu.memory_space<vmem>>)
      tpu.yield
    }) : () -> ()
    "tpu.region"() ({
      %run_scoped3A = tpu.sem_alloc : memref<!tpu.dma_semaphore, #tpu.memory_space<semaphore_mem>>
      %dma_start3A = arith.constant 0 : i32
      %dma_start3A_45 = tpu.memref_slice %arg6[%arg0, %add3A_36, %dma_start3A] : memref<2x10240x64xf32, #tpu.memory_space<hbm>> -> memref<1x128x64xf32, #tpu.memory_space<hbm>>
      %dma_start3A_46 = tpu.memref_squeeze %dma_start3A_45 : memref<1x128x64xf32, #tpu.memory_space<hbm>> -> memref<128x64xf32, #tpu.memory_space<hbm>>
      %dma_start3A_47 = arith.constant 0 : i32
      %dma_start3A_48 = tpu.memref_slice %arg6[%arg0, %add3A_36, %dma_start3A_47] : memref<2x10240x64xf32, #tpu.memory_space<hbm>> -> memref<1x128x64xf32, #tpu.memory_space<hbm>>
      %dma_start3A_49 = tpu.memref_squeeze %dma_start3A_48 : memref<1x128x64xf32, #tpu.memory_space<hbm>> -> memref<128x64xf32, #tpu.memory_space<hbm>>
      tpu.enqueue_dma source(%arg11 : memref<128x64xf32, #tpu.memory_space<vmem>>) target(%dma_start3A_49 : memref<128x64xf32, #tpu.memory_space<hbm>>) target_semaphore(%run_scoped3A : memref<!tpu.dma_semaphore, #tpu.memory_space<semaphore_mem>>)
      %dma_wait3A = arith.constant 0 : i32
      %dma_wait3A_50 = tpu.memref_slice %arg6[%arg0, %add3A_36, %dma_wait3A] : memref<2x10240x64xf32, #tpu.memory_space<hbm>> -> memref<1x128x64xf32, #tpu.memory_space<hbm>>
      %dma_wait3A_51 = tpu.memref_squeeze %dma_wait3A_50 : memref<1x128x64xf32, #tpu.memory_space<hbm>> -> memref<128x64xf32, #tpu.memory_space<hbm>>
      %dma_wait3A_52 = arith.constant 0 : i32
      %dma_wait3A_53 = tpu.memref_slice %arg6[%arg0, %add3A_36, %dma_wait3A_52] : memref<2x10240x64xf32, #tpu.memory_space<hbm>> -> memref<1x128x64xf32, #tpu.memory_space<hbm>>
      %dma_wait3A_54 = tpu.memref_squeeze %dma_wait3A_53 : memref<1x128x64xf32, #tpu.memory_space<hbm>> -> memref<128x64xf32, #tpu.memory_space<hbm>>
      tpu.wait_dma2 semaphore(%run_scoped3A : memref<!tpu.dma_semaphore, #tpu.memory_space<semaphore_mem>>) src(%arg11 : memref<128x64xf32, #tpu.memory_space<vmem>>) dst(%dma_wait3A_54 : memref<128x64xf32, #tpu.memory_space<hbm>>)
      tpu.yield
    }) : () -> ()
    %mul3A_37 = arith.constant 640 : i32
    %mul3A_38 = arith.muli %arg1, %mul3A_37 : i32
    %add3A_39 = arith.constant 384 : i32
    %add3A_40 = arith.addi %mul3A_38, %add3A_39 : i32
    "tpu.region"() ({
      %run_scoped3A = tpu.sem_alloc : memref<!tpu.dma_semaphore, #tpu.memory_space<semaphore_mem>>
      %dma_start3A = arith.constant 0 : i32
      %dma_start3A_45 = tpu.memref_slice %arg21[%add3A_40, %dma_start3A] : memref<10240x64xf32, #tpu.memory_space<vmem_shared>> -> memref<128x64xf32, #tpu.memory_space<vmem_shared>>
      %dma_start3A_46 = arith.constant 0 : i32
      %dma_start3A_47 = tpu.memref_slice %arg21[%add3A_40, %dma_start3A_46] : memref<10240x64xf32, #tpu.memory_space<vmem_shared>> -> memref<128x64xf32, #tpu.memory_space<vmem_shared>>
      tpu.enqueue_dma source(%dma_start3A_47 : memref<128x64xf32, #tpu.memory_space<vmem_shared>>) target(%arg12 : memref<128x64xf32, #tpu.memory_space<vmem>>) target_semaphore(%run_scoped3A : memref<!tpu.dma_semaphore, #tpu.memory_space<semaphore_mem>>)
      %dma_wait3A = arith.constant 0 : i32
      %dma_wait3A_48 = tpu.memref_slice %arg21[%add3A_40, %dma_wait3A] : memref<10240x64xf32, #tpu.memory_space<vmem_shared>> -> memref<128x64xf32, #tpu.memory_space<vmem_shared>>
      %dma_wait3A_49 = arith.constant 0 : i32
      %dma_wait3A_50 = tpu.memref_slice %arg21[%add3A_40, %dma_wait3A_49] : memref<10240x64xf32, #tpu.memory_space<vmem_shared>> -> memref<128x64xf32, #tpu.memory_space<vmem_shared>>
      tpu.wait_dma2 semaphore(%run_scoped3A : memref<!tpu.dma_semaphore, #tpu.memory_space<semaphore_mem>>) src(%dma_wait3A_50 : memref<128x64xf32, #tpu.memory_space<vmem_shared>>) dst(%arg12 : memref<128x64xf32, #tpu.memory_space<vmem>>)
      tpu.yield
    }) : () -> ()
    "tpu.region"() ({
      %run_scoped3A = tpu.sem_alloc : memref<!tpu.dma_semaphore, #tpu.memory_space<semaphore_mem>>
      %dma_start3A = arith.constant 0 : i32
      %dma_start3A_45 = tpu.memref_slice %arg6[%arg0, %add3A_40, %dma_start3A] : memref<2x10240x64xf32, #tpu.memory_space<hbm>> -> memref<1x128x64xf32, #tpu.memory_space<hbm>>
      %dma_start3A_46 = tpu.memref_squeeze %dma_start3A_45 : memref<1x128x64xf32, #tpu.memory_space<hbm>> -> memref<128x64xf32, #tpu.memory_space<hbm>>
      %dma_start3A_47 = arith.constant 0 : i32
      %dma_start3A_48 = tpu.memref_slice %arg6[%arg0, %add3A_40, %dma_start3A_47] : memref<2x10240x64xf32, #tpu.memory_space<hbm>> -> memref<1x128x64xf32, #tpu.memory_space<hbm>>
      %dma_start3A_49 = tpu.memref_squeeze %dma_start3A_48 : memref<1x128x64xf32, #tpu.memory_space<hbm>> -> memref<128x64xf32, #tpu.memory_space<hbm>>
      tpu.enqueue_dma source(%arg12 : memref<128x64xf32, #tpu.memory_space<vmem>>) target(%dma_start3A_49 : memref<128x64xf32, #tpu.memory_space<hbm>>) target_semaphore(%run_scoped3A : memref<!tpu.dma_semaphore, #tpu.memory_space<semaphore_mem>>)
      %dma_wait3A = arith.constant 0 : i32
      %dma_wait3A_50 = tpu.memref_slice %arg6[%arg0, %add3A_40, %dma_wait3A] : memref<2x10240x64xf32, #tpu.memory_space<hbm>> -> memref<1x128x64xf32, #tpu.memory_space<hbm>>
      %dma_wait3A_51 = tpu.memref_squeeze %dma_wait3A_50 : memref<1x128x64xf32, #tpu.memory_space<hbm>> -> memref<128x64xf32, #tpu.memory_space<hbm>>
      %dma_wait3A_52 = arith.constant 0 : i32
      %dma_wait3A_53 = tpu.memref_slice %arg6[%arg0, %add3A_40, %dma_wait3A_52] : memref<2x10240x64xf32, #tpu.memory_space<hbm>> -> memref<1x128x64xf32, #tpu.memory_space<hbm>>
      %dma_wait3A_54 = tpu.memref_squeeze %dma_wait3A_53 : memref<1x128x64xf32, #tpu.memory_space<hbm>> -> memref<128x64xf32, #tpu.memory_space<hbm>>
      tpu.wait_dma2 semaphore(%run_scoped3A : memref<!tpu.dma_semaphore, #tpu.memory_space<semaphore_mem>>) src(%arg12 : memref<128x64xf32, #tpu.memory_space<vmem>>) dst(%dma_wait3A_54 : memref<128x64xf32, #tpu.memory_space<hbm>>)
      tpu.yield
    }) : () -> ()
    %mul3A_41 = arith.constant 640 : i32
    %mul3A_42 = arith.muli %arg1, %mul3A_41 : i32
    %add3A_43 = arith.constant 512 : i32
    %add3A_44 = arith.addi %mul3A_42, %add3A_43 : i32
    "tpu.region"() ({
      %run_scoped3A = tpu.sem_alloc : memref<!tpu.dma_semaphore, #tpu.memory_space<semaphore_mem>>
      %dma_start3A = arith.constant 0 : i32
      %dma_start3A_45 = tpu.memref_slice %arg21[%add3A_44, %dma_start3A] : memref<10240x64xf32, #tpu.memory_space<vmem_shared>> -> memref<128x64xf32, #tpu.memory_space<vmem_shared>>
      %dma_start3A_46 = arith.constant 0 : i32
      %dma_start3A_47 = tpu.memref_slice %arg21[%add3A_44, %dma_start3A_46] : memref<10240x64xf32, #tpu.memory_space<vmem_shared>> -> memref<128x64xf32, #tpu.memory_space<vmem_shared>>
      tpu.enqueue_dma source(%dma_start3A_47 : memref<128x64xf32, #tpu.memory_space<vmem_shared>>) target(%arg9 : memref<128x64xf32, #tpu.memory_space<vmem>>) target_semaphore(%run_scoped3A : memref<!tpu.dma_semaphore, #tpu.memory_space<semaphore_mem>>)
      %dma_wait3A = arith.constant 0 : i32
      %dma_wait3A_48 = tpu.memref_slice %arg21[%add3A_44, %dma_wait3A] : memref<10240x64xf32, #tpu.memory_space<vmem_shared>> -> memref<128x64xf32, #tpu.memory_space<vmem_shared>>
      %dma_wait3A_49 = arith.constant 0 : i32
      %dma_wait3A_50 = tpu.memref_slice %arg21[%add3A_44, %dma_wait3A_49] : memref<10240x64xf32, #tpu.memory_space<vmem_shared>> -> memref<128x64xf32, #tpu.memory_space<vmem_shared>>
      tpu.wait_dma2 semaphore(%run_scoped3A : memref<!tpu.dma_semaphore, #tpu.memory_space<semaphore_mem>>) src(%dma_wait3A_50 : memref<128x64xf32, #tpu.memory_space<vmem_shared>>) dst(%arg9 : memref<128x64xf32, #tpu.memory_space<vmem>>)
      tpu.yield
    }) : () -> ()
    "tpu.region"() ({
      %run_scoped3A = tpu.sem_alloc : memref<!tpu.dma_semaphore, #tpu.memory_space<semaphore_mem>>
      %dma_start3A = arith.constant 0 : i32
      %dma_start3A_45 = tpu.memref_slice %arg6[%arg0, %add3A_44, %dma_start3A] : memref<2x10240x64xf32, #tpu.memory_space<hbm>> -> memref<1x128x64xf32, #tpu.memory_space<hbm>>
      %dma_start3A_46 = tpu.memref_squeeze %dma_start3A_45 : memref<1x128x64xf32, #tpu.memory_space<hbm>> -> memref<128x64xf32, #tpu.memory_space<hbm>>
      %dma_start3A_47 = arith.constant 0 : i32
      %dma_start3A_48 = tpu.memref_slice %arg6[%arg0, %add3A_44, %dma_start3A_47] : memref<2x10240x64xf32, #tpu.memory_space<hbm>> -> memref<1x128x64xf32, #tpu.memory_space<hbm>>
      %dma_start3A_49 = tpu.memref_squeeze %dma_start3A_48 : memref<1x128x64xf32, #tpu.memory_space<hbm>> -> memref<128x64xf32, #tpu.memory_space<hbm>>
      tpu.enqueue_dma source(%arg9 : memref<128x64xf32, #tpu.memory_space<vmem>>) target(%dma_start3A_49 : memref<128x64xf32, #tpu.memory_space<hbm>>) target_semaphore(%run_scoped3A : memref<!tpu.dma_semaphore, #tpu.memory_space<semaphore_mem>>)
      %dma_wait3A = arith.constant 0 : i32
      %dma_wait3A_50 = tpu.memref_slice %arg6[%arg0, %add3A_44, %dma_wait3A] : memref<2x10240x64xf32, #tpu.memory_space<hbm>> -> memref<1x128x64xf32, #tpu.memory_space<hbm>>
      %dma_wait3A_51 = tpu.memref_squeeze %dma_wait3A_50 : memref<1x128x64xf32, #tpu.memory_space<hbm>> -> memref<128x64xf32, #tpu.memory_space<hbm>>
      %dma_wait3A_52 = arith.constant 0 : i32
      %dma_wait3A_53 = tpu.memref_slice %arg6[%arg0, %add3A_44, %dma_wait3A_52] : memref<2x10240x64xf32, #tpu.memory_space<hbm>> -> memref<1x128x64xf32, #tpu.memory_space<hbm>>
      %dma_wait3A_54 = tpu.memref_squeeze %dma_wait3A_53 : memref<1x128x64xf32, #tpu.memory_space<hbm>> -> memref<128x64xf32, #tpu.memory_space<hbm>>
      tpu.wait_dma2 semaphore(%run_scoped3A : memref<!tpu.dma_semaphore, #tpu.memory_space<semaphore_mem>>) src(%arg9 : memref<128x64xf32, #tpu.memory_space<vmem>>) dst(%dma_wait3A_54 : memref<128x64xf32, #tpu.memory_space<hbm>>)
      tpu.yield
    }) : () -> ()
    return
  }
}

module attributes {stable_mosaic.version = 14 : i64} {
  func.func @body(%arg0: i32, %arg1: memref<256x128xf32, #tpu.memory_space<vmem>>, %arg2: memref<32x256xf32, #tpu.memory_space<vmem>>, %arg3: memref<128x128xf32, #tpu.memory_space<vmem>>, %arg4: memref<256x64xf32, #tpu.memory_space<vmem>>, %arg5: memref<256x64xf32, #tpu.memory_space<vmem>>, %arg6: memref<256x1xf32, #tpu.memory_space<vmem>>) attributes {dimension_semantics = [#tpu.dimension_semantics<arbitrary>], iteration_bounds = array<i64: 40>, scalar_prefetch = 0 : i64, scratch_operands = 0 : i64, tpu.core_type = #tpu.core_type<tc>, window_params = [{transform_indices = @transform_0, window_bounds = array<i64: 256, 128>}, {transform_indices = @transform_1, window_bounds = array<i64: 32, 256>}, {pipeline_mode = #tpu.pipeline_mode<synchronous>, transform_indices = @transform_2, window_bounds = array<i64: 128, 128>}, {transform_indices = @transform_3, window_bounds = array<i64: 256, 64>}, {transform_indices = @transform_4, window_bounds = array<i64: 256, 64>}, {transform_indices = @transform_5, window_bounds = array<i64: 256, 1>}]} {
    %get3A = arith.constant 0 : index
    %get3A_0 = arith.constant 0 : index
    %get3A_1 = vector.load %arg2[%get3A, %get3A_0] : memref<32x256xf32, #tpu.memory_space<vmem>>, vector<32x256xf32>
    %reduce_sum3A = arith.constant dense<0.000000e+00> : vector<256xf32>
    %reduce_sum3A_2 = vector.multi_reduction <add>, %get3A_1, %reduce_sum3A [0] : vector<32x256xf32> to vector<256xf32>
    %reshape3A = vector.shape_cast %reduce_sum3A_2 : vector<256xf32> to vector<256x1xf32>
    %add3A = arith.constant 1.000000e+00 : f32
    %add3A_3 = vector.broadcast %add3A : f32 to vector<256x1xf32>
    %add3A_4 = arith.addf %reshape3A, %add3A_3 : vector<256x1xf32>
    %rsqrt3A = math.rsqrt %add3A_4 : vector<256x1xf32>
    %get3A_5 = arith.constant 0 : index
    %get3A_6 = arith.constant 0 : index
    %get3A_7 = vector.load %arg1[%get3A_5, %get3A_6] : memref<256x128xf32, #tpu.memory_space<vmem>>, vector<256x128xf32>
    %get3A_8 = arith.constant 0 : index
    %get3A_9 = arith.constant 0 : index
    %get3A_10 = vector.load %arg3[%get3A_8, %get3A_9] : memref<128x128xf32, #tpu.memory_space<vmem>>, vector<128x128xf32>
    %dot_general3A = arith.constant dense<0.000000e+00> : vector<256x128xf32>
    %dot_general3A_11 = tpu.matmul %get3A_7, %get3A_10, %dot_general3A {dimension_numbers = #tpu.dot_dimension_numbers<[1], [0], [0], [1], [0, 0, 1, 1], [], []>, transpose_lhs_hint = false} : vector<256x128xf32>, vector<128x128xf32>, vector<256x128xf32> -> vector<256x128xf32>
    %mul3A = vector.broadcast %rsqrt3A : vector<256x1xf32> to vector<256x128xf32>
    %mul3A_12 = arith.mulf %dot_general3A_11, %mul3A : vector<256x128xf32>
    %slice3A = vector.extract_strided_slice %mul3A_12 {offsets = [0, 0], sizes = [256, 64], strides = [1, 1]} : vector<256x128xf32> to vector<256x64xf32>
    %swap3A = arith.constant 0 : index
    %swap3A_13 = arith.constant 0 : index
    %swap3A_14 = vector.load %arg4[%swap3A, %swap3A_13] : memref<256x64xf32, #tpu.memory_space<vmem>>, vector<256x64xf32>
    tpu.vector_store %arg4[%swap3A, %swap3A_13], %slice3A {strides = array<i32>} : memref<256x64xf32, #tpu.memory_space<vmem>>, vector<256x64xf32>,
    %slice3A_15 = vector.extract_strided_slice %mul3A_12 {offsets = [0, 64], sizes = [256, 64], strides = [1, 1]} : vector<256x128xf32> to vector<256x64xf32>
    %swap3A_16 = arith.constant 0 : index
    %swap3A_17 = arith.constant 0 : index
    %swap3A_18 = vector.load %arg5[%swap3A_16, %swap3A_17] : memref<256x64xf32, #tpu.memory_space<vmem>>, vector<256x64xf32>
    tpu.vector_store %arg5[%swap3A_16, %swap3A_17], %slice3A_15 {strides = array<i32>} : memref<256x64xf32, #tpu.memory_space<vmem>>, vector<256x64xf32>,
    %swap3A_19 = arith.constant 0 : index
    %swap3A_20 = arith.constant 0 : index
    %swap3A_21 = vector.load %arg6[%swap3A_19, %swap3A_20] : memref<256x1xf32, #tpu.memory_space<vmem>>, vector<256x1xf32>
    tpu.vector_store %arg6[%swap3A_19, %swap3A_20], %rsqrt3A {strides = array<i32>} : memref<256x1xf32, #tpu.memory_space<vmem>>, vector<256x1xf32>,
    return
  }
  func.func @transform_0(%arg0: i32) -> (i32, i32) {
    %c0_i32 = arith.constant 0 : i32
    %c0_i32_0 = arith.constant 0 : i32
    return %arg0, %c0_i32 : i32, i32
  }
  func.func @transform_1(%arg0: i32) -> (i32, i32) {
    %c0_i32 = arith.constant 0 : i32
    %c0_i32_0 = arith.constant 0 : i32
    return %c0_i32, %arg0 : i32, i32
  }
  func.func @transform_2(%arg0: i32) -> (i32, i32) {
    %c0_i32 = arith.constant 0 : i32
    %c0_i32_0 = arith.constant 0 : i32
    %c0_i32_1 = arith.constant 0 : i32
    return %c0_i32, %c0_i32_0 : i32, i32
  }
  func.func @transform_3(%arg0: i32) -> (i32, i32) {
    %c0_i32 = arith.constant 0 : i32
    %c0_i32_0 = arith.constant 0 : i32
    return %arg0, %c0_i32 : i32, i32
  }
  func.func @transform_4(%arg0: i32) -> (i32, i32) {
    %c0_i32 = arith.constant 0 : i32
    %c0_i32_0 = arith.constant 0 : i32
    return %arg0, %c0_i32 : i32, i32
  }
  func.func @transform_5(%arg0: i32) -> (i32, i32) {
    %c0_i32 = arith.constant 0 : i32
    %c0_i32_0 = arith.constant 0 : i32
    return %arg0, %c0_i32 : i32, i32
  }
}

module attributes {stable_mosaic.version = 14 : i64} {
  func.func @body(%arg0: i32, %arg1: memref<2x256x64xf32, #tpu.memory_space<vmem>>, %arg2: memref<2x256x64xf32, #tpu.memory_space<vmem>>, %arg3: memref<256x64xf32, #tpu.memory_space<vmem>>, %arg4: memref<256x64xf32, #tpu.memory_space<vmem>>, %arg5: memref<256x1xf32, #tpu.memory_space<vmem>>, %arg6: memref<1x128xf32, #tpu.memory_space<vmem>>, %arg7: memref<128x64xf32, #tpu.memory_space<vmem>>, %arg8: memref<256x64xf32, #tpu.memory_space<vmem>>) attributes {dimension_semantics = [#tpu.dimension_semantics<arbitrary>], iteration_bounds = array<i64: 40>, scalar_prefetch = 0 : i64, scratch_operands = 0 : i64, tpu.core_type = #tpu.core_type<tc>, window_params = [{transform_indices = @transform_0, window_bounds = array<i64: 2, 256, 64>}, {transform_indices = @transform_1, window_bounds = array<i64: 2, 256, 64>}, {transform_indices = @transform_2, window_bounds = array<i64: 256, 64>}, {transform_indices = @transform_3, window_bounds = array<i64: 256, 64>}, {transform_indices = @transform_4, window_bounds = array<i64: 256, 1>}, {pipeline_mode = #tpu.pipeline_mode<synchronous>, transform_indices = @transform_5, window_bounds = array<i64: 1, 128>}, {pipeline_mode = #tpu.pipeline_mode<synchronous>, transform_indices = @transform_6, window_bounds = array<i64: 128, 64>}, {transform_indices = @transform_7, window_bounds = array<i64: 256, 64>}]} {
    %get3A = arith.constant 0 : index
    %get3A_0 = arith.constant 0 : index
    %get3A_1 = vector.load %arg5[%get3A, %get3A_0] : memref<256x1xf32, #tpu.memory_space<vmem>>, vector<256x1xf32>
    %get3A_2 = arith.constant 0 : index
    %get3A_3 = arith.constant 0 : index
    %get3A_4 = arith.constant 0 : index
    %get3A_5 = vector.load %arg1[%get3A_2, %get3A_3, %get3A_4] : memref<2x256x64xf32, #tpu.memory_space<vmem>>, vector<1x256x64xf32>
    %get3A_6 = vector.shape_cast %get3A_5 : vector<1x256x64xf32> to vector<256x64xf32>
    %get3A_7 = arith.constant 1 : index
    %get3A_8 = arith.constant 0 : index
    %get3A_9 = arith.constant 0 : index
    %get3A_10 = vector.load %arg1[%get3A_7, %get3A_8, %get3A_9] : memref<2x256x64xf32, #tpu.memory_space<vmem>>, vector<1x256x64xf32>
    %get3A_11 = vector.shape_cast %get3A_10 : vector<1x256x64xf32> to vector<256x64xf32>
    %add3A = arith.addf %get3A_6, %get3A_11 : vector<256x64xf32>
    %get3A_12 = arith.constant 0 : index
    %get3A_13 = arith.constant 0 : index
    %get3A_14 = vector.load %arg3[%get3A_12, %get3A_13] : memref<256x64xf32, #tpu.memory_space<vmem>>, vector<256x64xf32>
    %add3A_15 = arith.addf %add3A, %get3A_14 : vector<256x64xf32>
    %mul3A = vector.broadcast %get3A_1 : vector<256x1xf32> to vector<256x64xf32>
    %mul3A_16 = arith.mulf %mul3A, %add3A_15 : vector<256x64xf32>
    %get3A_17 = arith.constant 0 : index
    %get3A_18 = arith.constant 0 : index
    %get3A_19 = vector.load %arg6[%get3A_17, %get3A_18] : memref<1x128xf32, #tpu.memory_space<vmem>>, vector<1x64xf32>
    %add3A_20 = vector.broadcast %get3A_19 : vector<1x64xf32> to vector<256x64xf32>
    %add3A_21 = arith.addf %mul3A_16, %add3A_20 : vector<256x64xf32>
    %get3A_22 = arith.constant 0 : index
    %get3A_23 = arith.constant 0 : index
    %get3A_24 = arith.constant 0 : index
    %get3A_25 = vector.load %arg2[%get3A_22, %get3A_23, %get3A_24] : memref<2x256x64xf32, #tpu.memory_space<vmem>>, vector<1x256x64xf32>
    %get3A_26 = vector.shape_cast %get3A_25 : vector<1x256x64xf32> to vector<256x64xf32>
    %get3A_27 = arith.constant 1 : index
    %get3A_28 = arith.constant 0 : index
    %get3A_29 = arith.constant 0 : index
    %get3A_30 = vector.load %arg2[%get3A_27, %get3A_28, %get3A_29] : memref<2x256x64xf32, #tpu.memory_space<vmem>>, vector<1x256x64xf32>
    %get3A_31 = vector.shape_cast %get3A_30 : vector<1x256x64xf32> to vector<256x64xf32>
    %add3A_32 = arith.addf %get3A_26, %get3A_31 : vector<256x64xf32>
    %get3A_33 = arith.constant 0 : index
    %get3A_34 = arith.constant 0 : index
    %get3A_35 = vector.load %arg4[%get3A_33, %get3A_34] : memref<256x64xf32, #tpu.memory_space<vmem>>, vector<256x64xf32>
    %add3A_36 = arith.addf %add3A_32, %get3A_35 : vector<256x64xf32>
    %mul3A_37 = vector.broadcast %get3A_1 : vector<256x1xf32> to vector<256x64xf32>
    %mul3A_38 = arith.mulf %mul3A_37, %add3A_36 : vector<256x64xf32>
    %get3A_39 = arith.constant 0 : index
    %get3A_40 = arith.constant 64 : index
    %get3A_41 = vector.load %arg6[%get3A_39, %get3A_40] : memref<1x128xf32, #tpu.memory_space<vmem>>, vector<1x64xf32>
    %add3A_42 = vector.broadcast %get3A_41 : vector<1x64xf32> to vector<256x64xf32>
    %add3A_43 = arith.addf %mul3A_38, %add3A_42 : vector<256x64xf32>
    %concatenate3A = tpu.concatenate %add3A_21, %add3A_43 in 1 : vector<256x64xf32>, vector<256x64xf32> -> vector<256x128xf32>
    %max3A = arith.constant 0.000000e+00 : f32
    %max3A_44 = vector.broadcast %max3A : f32 to vector<256x128xf32>
    %max3A_45 = arith.maximumf %concatenate3A, %max3A_44 : vector<256x128xf32>
    %get3A_46 = arith.constant 0 : index
    %get3A_47 = arith.constant 0 : index
    %get3A_48 = vector.load %arg7[%get3A_46, %get3A_47] : memref<128x64xf32, #tpu.memory_space<vmem>>, vector<128x64xf32>
    %dot_general3A = arith.constant dense<0.000000e+00> : vector<256x64xf32>
    %dot_general3A_49 = tpu.matmul %max3A_45, %get3A_48, %dot_general3A {dimension_numbers = #tpu.dot_dimension_numbers<[1], [0], [0], [1], [0, 0, 1, 1], [], []>, transpose_lhs_hint = false} : vector<256x128xf32>, vector<128x64xf32>, vector<256x64xf32> -> vector<256x64xf32>
    %mul3A_50 = vector.broadcast %get3A_1 : vector<256x1xf32> to vector<256x64xf32>
    %mul3A_51 = arith.mulf %dot_general3A_49, %mul3A_50 : vector<256x64xf32>
    %swap3A = arith.constant 0 : index
    %swap3A_52 = arith.constant 0 : index
    %swap3A_53 = vector.load %arg8[%swap3A, %swap3A_52] : memref<256x64xf32, #tpu.memory_space<vmem>>, vector<256x64xf32>
    tpu.vector_store %arg8[%swap3A, %swap3A_52], %mul3A_51 {strides = array<i32>} : memref<256x64xf32, #tpu.memory_space<vmem>>, vector<256x64xf32>,
    return
  }
  func.func @transform_0(%arg0: i32) -> (i32, i32, i32) {
    %c0_i32 = arith.constant 0 : i32
    %c0_i32_0 = arith.constant 0 : i32
    %c0_i32_1 = arith.constant 0 : i32
    return %c0_i32, %arg0, %c0_i32_0 : i32, i32, i32
  }
  func.func @transform_1(%arg0: i32) -> (i32, i32, i32) {
    %c0_i32 = arith.constant 0 : i32
    %c0_i32_0 = arith.constant 0 : i32
    %c0_i32_1 = arith.constant 0 : i32
    return %c0_i32, %arg0, %c0_i32_0 : i32, i32, i32
  }
  func.func @transform_2(%arg0: i32) -> (i32, i32) {
    %c0_i32 = arith.constant 0 : i32
    %c0_i32_0 = arith.constant 0 : i32
    return %arg0, %c0_i32 : i32, i32
  }
  func.func @transform_3(%arg0: i32) -> (i32, i32) {
    %c0_i32 = arith.constant 0 : i32
    %c0_i32_0 = arith.constant 0 : i32
    return %arg0, %c0_i32 : i32, i32
  }
  func.func @transform_4(%arg0: i32) -> (i32, i32) {
    %c0_i32 = arith.constant 0 : i32
    %c0_i32_0 = arith.constant 0 : i32
    return %arg0, %c0_i32 : i32, i32
  }
  func.func @transform_5(%arg0: i32) -> (i32, i32) {
    %c0_i32 = arith.constant 0 : i32
    %c0_i32_0 = arith.constant 0 : i32
    %c0_i32_1 = arith.constant 0 : i32
    return %c0_i32, %c0_i32_0 : i32, i32
  }
  func.func @transform_6(%arg0: i32) -> (i32, i32) {
    %c0_i32 = arith.constant 0 : i32
    %c0_i32_0 = arith.constant 0 : i32
    %c0_i32_1 = arith.constant 0 : i32
    return %c0_i32, %c0_i32_0 : i32, i32
  }
  func.func @transform_7(%arg0: i32) -> (i32, i32) {
    %c0_i32 = arith.constant 0 : i32
    %c0_i32_0 = arith.constant 0 : i32
    return %arg0, %c0_i32 : i32, i32
  }
}

module attributes {stable_mosaic.version = 14 : i64} {
  func.func @body(%arg0: i32, %arg1: memref<2x256x64xf32, #tpu.memory_space<vmem>>, %arg2: memref<256x64xf32, #tpu.memory_space<vmem>>, %arg3: memref<256x1xf32, #tpu.memory_space<vmem>>, %arg4: memref<1x64xf32, #tpu.memory_space<vmem>>, %arg5: memref<64x64xf32, #tpu.memory_space<vmem>>, %arg6: memref<256x64xf32, #tpu.memory_space<vmem>>) attributes {dimension_semantics = [#tpu.dimension_semantics<arbitrary>], iteration_bounds = array<i64: 40>, scalar_prefetch = 0 : i64, scratch_operands = 0 : i64, tpu.core_type = #tpu.core_type<tc>, window_params = [{transform_indices = @transform_0, window_bounds = array<i64: 2, 256, 64>}, {transform_indices = @transform_1, window_bounds = array<i64: 256, 64>}, {transform_indices = @transform_2, window_bounds = array<i64: 256, 1>}, {pipeline_mode = #tpu.pipeline_mode<synchronous>, transform_indices = @transform_3, window_bounds = array<i64: 1, 64>}, {pipeline_mode = #tpu.pipeline_mode<synchronous>, transform_indices = @transform_4, window_bounds = array<i64: 64, 64>}, {transform_indices = @transform_5, window_bounds = array<i64: 256, 64>}]} {
    %get3A = arith.constant 0 : index
    %get3A_0 = arith.constant 0 : index
    %get3A_1 = vector.load %arg3[%get3A, %get3A_0] : memref<256x1xf32, #tpu.memory_space<vmem>>, vector<256x1xf32>
    %get3A_2 = arith.constant 0 : index
    %get3A_3 = arith.constant 0 : index
    %get3A_4 = arith.constant 0 : index
    %get3A_5 = vector.load %arg1[%get3A_2, %get3A_3, %get3A_4] : memref<2x256x64xf32, #tpu.memory_space<vmem>>, vector<1x256x64xf32>
    %get3A_6 = vector.shape_cast %get3A_5 : vector<1x256x64xf32> to vector<256x64xf32>
    %get3A_7 = arith.constant 1 : index
    %get3A_8 = arith.constant 0 : index
    %get3A_9 = arith.constant 0 : index
    %get3A_10 = vector.load %arg1[%get3A_7, %get3A_8, %get3A_9] : memref<2x256x64xf32, #tpu.memory_space<vmem>>, vector<1x256x64xf32>
    %get3A_11 = vector.shape_cast %get3A_10 : vector<1x256x64xf32> to vector<256x64xf32>
    %add3A = arith.addf %get3A_6, %get3A_11 : vector<256x64xf32>
    %get3A_12 = arith.constant 0 : index
    %get3A_13 = arith.constant 0 : index
    %get3A_14 = vector.load %arg2[%get3A_12, %get3A_13] : memref<256x64xf32, #tpu.memory_space<vmem>>, vector<256x64xf32>
    %add3A_15 = arith.addf %add3A, %get3A_14 : vector<256x64xf32>
    %mul3A = vector.broadcast %get3A_1 : vector<256x1xf32> to vector<256x64xf32>
    %mul3A_16 = arith.mulf %mul3A, %add3A_15 : vector<256x64xf32>
    %get3A_17 = arith.constant 0 : index
    %get3A_18 = arith.constant 0 : index
    %get3A_19 = vector.load %arg4[%get3A_17, %get3A_18] : memref<1x64xf32, #tpu.memory_space<vmem>>, vector<1x64xf32>
    %add3A_20 = vector.broadcast %get3A_19 : vector<1x64xf32> to vector<256x64xf32>
    %add3A_21 = arith.addf %mul3A_16, %add3A_20 : vector<256x64xf32>
    %reduce_max3A = arith.constant dense<0xFF800000> : vector<256xf32>
    %reduce_max3A_22 = vector.multi_reduction <maximumf>, %add3A_21, %reduce_max3A [1] : vector<256x64xf32> to vector<256xf32>
    %broadcast_in_dim3A = vector.shape_cast %reduce_max3A_22 : vector<256xf32> to vector<256x1xf32>
    %sub3A = vector.broadcast %broadcast_in_dim3A : vector<256x1xf32> to vector<256x64xf32>
    %sub3A_23 = arith.subf %add3A_21, %sub3A : vector<256x64xf32>
    %exp3A = math.exp %sub3A_23 : vector<256x64xf32>
    %reduce_sum3A = arith.constant dense<0.000000e+00> : vector<256xf32>
    %reduce_sum3A_24 = vector.multi_reduction <add>, %exp3A, %reduce_sum3A [1] : vector<256x64xf32> to vector<256xf32>
    %broadcast_in_dim3A_25 = vector.shape_cast %reduce_sum3A_24 : vector<256xf32> to vector<256x1xf32>
    %div3A = vector.broadcast %broadcast_in_dim3A_25 : vector<256x1xf32> to vector<256x64xf32>
    %div3A_26 = arith.divf %exp3A, %div3A : vector<256x64xf32>
    %get3A_27 = arith.constant 0 : index
    %get3A_28 = arith.constant 0 : index
    %get3A_29 = vector.load %arg5[%get3A_27, %get3A_28] : memref<64x64xf32, #tpu.memory_space<vmem>>, vector<64x64xf32>
    %dot_general3A = arith.constant dense<0.000000e+00> : vector<256x64xf32>
    %dot_general3A_30 = tpu.matmul %div3A_26, %get3A_29, %dot_general3A {dimension_numbers = #tpu.dot_dimension_numbers<[1], [0], [0], [1], [0, 0, 1, 1], [], []>, transpose_lhs_hint = false} : vector<256x64xf32>, vector<64x64xf32>, vector<256x64xf32> -> vector<256x64xf32>
    %mul3A_31 = vector.broadcast %get3A_1 : vector<256x1xf32> to vector<256x64xf32>
    %mul3A_32 = arith.mulf %dot_general3A_30, %mul3A_31 : vector<256x64xf32>
    %swap3A = arith.constant 0 : index
    %swap3A_33 = arith.constant 0 : index
    %swap3A_34 = vector.load %arg6[%swap3A, %swap3A_33] : memref<256x64xf32, #tpu.memory_space<vmem>>, vector<256x64xf32>
    tpu.vector_store %arg6[%swap3A, %swap3A_33], %mul3A_32 {strides = array<i32>} : memref<256x64xf32, #tpu.memory_space<vmem>>, vector<256x64xf32>,
    return
  }
  func.func @transform_0(%arg0: i32) -> (i32, i32, i32) {
    %c0_i32 = arith.constant 0 : i32
    %c0_i32_0 = arith.constant 0 : i32
    %c0_i32_1 = arith.constant 0 : i32
    return %c0_i32, %arg0, %c0_i32_0 : i32, i32, i32
  }
  func.func @transform_1(%arg0: i32) -> (i32, i32) {
    %c0_i32 = arith.constant 0 : i32
    %c0_i32_0 = arith.constant 0 : i32
    return %arg0, %c0_i32 : i32, i32
  }
  func.func @transform_2(%arg0: i32) -> (i32, i32) {
    %c0_i32 = arith.constant 0 : i32
    %c0_i32_0 = arith.constant 0 : i32
    return %arg0, %c0_i32 : i32, i32
  }
  func.func @transform_3(%arg0: i32) -> (i32, i32) {
    %c0_i32 = arith.constant 0 : i32
    %c0_i32_0 = arith.constant 0 : i32
    %c0_i32_1 = arith.constant 0 : i32
    return %c0_i32, %c0_i32_0 : i32, i32
  }
  func.func @transform_4(%arg0: i32) -> (i32, i32) {
    %c0_i32 = arith.constant 0 : i32
    %c0_i32_0 = arith.constant 0 : i32
    %c0_i32_1 = arith.constant 0 : i32
    return %c0_i32, %c0_i32_0 : i32, i32
  }
  func.func @transform_5(%arg0: i32) -> (i32, i32) {
    %c0_i32 = arith.constant 0 : i32
    %c0_i32_0 = arith.constant 0 : i32
    return %arg0, %c0_i32 : i32, i32
  }
}

module attributes {stable_mosaic.version = 14 : i64} {
  func.func @body(%arg0: i32, %arg1: memref<2x256x64xf32, #tpu.memory_space<vmem>>, %arg2: memref<256x64xf32, #tpu.memory_space<vmem>>, %arg3: memref<256x1xf32, #tpu.memory_space<vmem>>, %arg4: memref<1x64xf32, #tpu.memory_space<vmem>>, %arg5: memref<256x64xf32, #tpu.memory_space<vmem>>) attributes {dimension_semantics = [#tpu.dimension_semantics<arbitrary>], iteration_bounds = array<i64: 40>, scalar_prefetch = 0 : i64, scratch_operands = 0 : i64, tpu.core_type = #tpu.core_type<tc>, window_params = [{transform_indices = @transform_0, window_bounds = array<i64: 2, 256, 64>}, {transform_indices = @transform_1, window_bounds = array<i64: 256, 64>}, {transform_indices = @transform_2, window_bounds = array<i64: 256, 1>}, {pipeline_mode = #tpu.pipeline_mode<synchronous>, transform_indices = @transform_3, window_bounds = array<i64: 1, 64>}, {transform_indices = @transform_4, window_bounds = array<i64: 256, 64>}]} {
    %get3A = arith.constant 0 : index
    %get3A_0 = arith.constant 0 : index
    %get3A_1 = vector.load %arg3[%get3A, %get3A_0] : memref<256x1xf32, #tpu.memory_space<vmem>>, vector<256x1xf32>
    %get3A_2 = arith.constant 0 : index
    %get3A_3 = arith.constant 0 : index
    %get3A_4 = arith.constant 0 : index
    %get3A_5 = vector.load %arg1[%get3A_2, %get3A_3, %get3A_4] : memref<2x256x64xf32, #tpu.memory_space<vmem>>, vector<1x256x64xf32>
    %get3A_6 = vector.shape_cast %get3A_5 : vector<1x256x64xf32> to vector<256x64xf32>
    %get3A_7 = arith.constant 1 : index
    %get3A_8 = arith.constant 0 : index
    %get3A_9 = arith.constant 0 : index
    %get3A_10 = vector.load %arg1[%get3A_7, %get3A_8, %get3A_9] : memref<2x256x64xf32, #tpu.memory_space<vmem>>, vector<1x256x64xf32>
    %get3A_11 = vector.shape_cast %get3A_10 : vector<1x256x64xf32> to vector<256x64xf32>
    %add3A = arith.addf %get3A_6, %get3A_11 : vector<256x64xf32>
    %get3A_12 = arith.constant 0 : index
    %get3A_13 = arith.constant 0 : index
    %get3A_14 = vector.load %arg2[%get3A_12, %get3A_13] : memref<256x64xf32, #tpu.memory_space<vmem>>, vector<256x64xf32>
    %add3A_15 = arith.addf %add3A, %get3A_14 : vector<256x64xf32>
    %mul3A = vector.broadcast %get3A_1 : vector<256x1xf32> to vector<256x64xf32>
    %mul3A_16 = arith.mulf %mul3A, %add3A_15 : vector<256x64xf32>
    %get3A_17 = arith.constant 0 : index
    %get3A_18 = arith.constant 0 : index
    %get3A_19 = vector.load %arg4[%get3A_17, %get3A_18] : memref<1x64xf32, #tpu.memory_space<vmem>>, vector<1x64xf32>
    %add3A_20 = vector.broadcast %get3A_19 : vector<1x64xf32> to vector<256x64xf32>
    %add3A_21 = arith.addf %mul3A_16, %add3A_20 : vector<256x64xf32>
    %swap3A = arith.constant 0 : index
    %swap3A_22 = arith.constant 0 : index
    %swap3A_23 = vector.load %arg5[%swap3A, %swap3A_22] : memref<256x64xf32, #tpu.memory_space<vmem>>, vector<256x64xf32>
    tpu.vector_store %arg5[%swap3A, %swap3A_22], %add3A_21 {strides = array<i32>} : memref<256x64xf32, #tpu.memory_space<vmem>>, vector<256x64xf32>,
    return
  }
  func.func @transform_0(%arg0: i32) -> (i32, i32, i32) {
    %c0_i32 = arith.constant 0 : i32
    %c0_i32_0 = arith.constant 0 : i32
    %c0_i32_1 = arith.constant 0 : i32
    return %c0_i32, %arg0, %c0_i32_0 : i32, i32, i32
  }
  func.func @transform_1(%arg0: i32) -> (i32, i32) {
    %c0_i32 = arith.constant 0 : i32
    %c0_i32_0 = arith.constant 0 : i32
    return %arg0, %c0_i32 : i32, i32
  }
  func.func @transform_2(%arg0: i32) -> (i32, i32) {
    %c0_i32 = arith.constant 0 : i32
    %c0_i32_0 = arith.constant 0 : i32
    return %arg0, %c0_i32 : i32, i32
  }
  func.func @transform_3(%arg0: i32) -> (i32, i32) {
    %c0_i32 = arith.constant 0 : i32
    %c0_i32_0 = arith.constant 0 : i32
    %c0_i32_1 = arith.constant 0 : i32
    return %c0_i32, %c0_i32_0 : i32, i32
  }
  func.func @transform_4(%arg0: i32) -> (i32, i32) {
    %c0_i32 = arith.constant 0 : i32
    %c0_i32_0 = arith.constant 0 : i32
    return %arg0, %c0_i32 : i32, i32
  }
}

</mosaic_0001>

<sc_bundles>
// kernel: kernel.11.cloned.1.call-start
scs
__scs_entry_jumppad:
0x0: {  	(pc) =	sbr.rel $0x88, $3  }
0x1: {  	(tag) =	ssettag $0x0;
	lr =	simm.s32 $0x1  }
0x2: {  	[smem:$0x3F99] =	sst lr;
	_ =	strace $0xD0000000  }
0x3: {  	_ = 	snop  }
0x4: {  	_ = 	snop  }
0x5: {  	_ = 	snop  }
0x6: {  	_ = 	snop  }
0x7: {  	_ = 	snop  }
__scs_overlays_trampoline_lowered:
0x8: {  	[smem:$0x3FA8] =	sst s0  }
0x9: {  	[smem:$0x3FA9] =	sst s1  }
0xa: {  	[smem:$0x3FAA] =	sst s2  }
0xb: {  	[smem:$0x3FAB] =	sst s3  }
0xc: {  	[smem:$0x3FAC] =	sst s4  }
0xd: {  	[smem:$0x3FAD] =	sst s5  }
0xe: {  	[smem:$0x3FAE] =	sst s6  }
0xf: {  	[smem:$0x3FAF] =	sst s7  }
0x10: {  	[smem:$0x3FB0] =	sst s8  }
0x11: {  	[smem:$0x3FB1] =	sst s9;
	s0 =	simm.s32 @!p0 $0x0  }
0x12: {  	s1 =	sld [smem:$0x3F97];
	s0 =	simm.s32 @p0 $0x1  }
0x13: {  	[smem:$0x3FB2] =	sst s0;
	s0 =	simm.s32 @!p1 $0x0  }
0x14: {  	s2 =	sld [smem:$0x3F96];
	s0 =	simm.s32 @p1 $0x1  }
0x15: {  	[smem:$0x3FB3] =	sst s0;
	s0 =	simm.s32 @!p2 $0x0  }
0x16: {  	s3 =	sld [smem:$0x3FDB];
	s0 =	simm.s32 @p2 $0x1  }
0x17: {  	s4 =	simm.s32 $0x1BF5;
	[smem:$0x3FB5] =	sst s0  }
0x18: {  	s0 =	sld [smem:$0x3F98];
	_ =	swait.ge [sflag:s4], $0x0  }
0x19: {  	s7 =	sld [smem:$0x3F99]  }
0x1a: {  	s8 =	sadd.s32 $0xFFFFE003, lr  }
0x1b: {  	s9 =	sadd.s32 $0xFFFFFEF7, lr;
	s5 =	simm.s32 $0xFFFFFFFF;
	p2 =	slt.u32 s8, $0xFFFFF086  }
0x1c: {  	p1 =	slt.u32 s9, $0xF7A;
	s5 =	simm.s32 @!p2 $0x0  }
0x1d: {  	s5 =	simm.s32 @p1 $0x1;
	p0 =	seq.s32 s7, s2  }
0x1e: {  	s7 =	smul.u32 @!p0 $0xF7A, s2;
	p2 =	seq.s32 @!p0 s5, $0x0  }
0x1f: {  	s9 =	smul.u32 $0xF7A, s1;
	s8 =	simm.s32 @!p0 $0x1BF5;
	p2 =	por !p2, p0  }
0x20: {  	[sflag:s8] =	ssyncset.s32 @!p0 $0xFFFFF086;
	s6 =	sadd.s32 @!p0 s3, s7;
	s7 =	simm.s32 @!p0 $0x108  }
0x21: {  	s3 =	sadd.s32 s3, s9;
	s6 =	sadd.s32 @!p0 $0x88, s6;
	s7 =	simm.s32 @p2 $0x1082  }
0x22: {  	[simem:s7], [sflag:s8] =	dma.local @!p0 [hbm:s6], $0xF7A  }
0x23: {  	s9 =	sor.u32 $0xD0000000, s2;
	s6 =	simm.s32 $0x108;
	_ =	swait.ge @!p0 [sflag:s8], $0x0  }
0x24: {  	s3 =	sadd.s32 $0x88, s3;
	s6 =	simm.s32 @!p1 $0x1082;
	[sflag:s4] =	ssyncset.s32 $0xFFFFF086  }
0x25: {  	[simem:s6], [sflag:s4] =	dma.local [hbm:s3], $0xF7A  }
0x26: {  	[smem:$0x3F99] =	sst s1;
	(tag) =	ssettag s2;
	_ =	strace s9  }
0x27: {  	s1 =	sld [smem:$0x3FA9]  }
0x28: {  	s2 =	sld [smem:$0x3FAA]  }
0x29: {  	s4 =	sld [smem:$0x3FAC]  }
0x2a: {  	p0 =	seq.s32 s5, $0x0;
	s5 =	sld [smem:$0x3FAD]  }
0x2b: {  	s6 =	sld [smem:$0x3FAE]  }
0x2c: {  	s7 =	sld [smem:$0x3FAF]  }
0x2d: {  	s3 =	simm.s32 $0x108;
	s8 =	sld [smem:$0x3FB0]  }
0x2e: {  	s3 =	simm.s32 @!p0 $0x1082;
	s9 =	sld [smem:$0x3FB1]  }
0x2f: {  	lr =	sadd.s32 s0, s3;
	s0 =	sld [smem:$0x3FA8]  }
0x30: {  	s3 =	sld [smem:$0x3FAB]  }
0x31: {  	[smem:$0x3FB4] =	sst s10  }
0x32: {  	s10 =	sld [smem:$0x3FB2];
	_ =	sdelay $0x3  }
0x33: {  	p0 =	seq.s32 s10, $0x1;
	s10 =	sld [smem:$0x3FB4];
	_ =	sdelay $0x3  }
0x34: {  	[smem:$0x3FB4] =	sst s10  }
0x35: {  	s10 =	sld [smem:$0x3FB3];
	_ =	sdelay $0x3  }
0x36: {  	p1 =	seq.s32 s10, $0x1;
	s10 =	sld [smem:$0x3FB4];
	_ =	sdelay $0x3  }
0x37: {  	[smem:$0x3FB4] =	sst s10  }
0x38: {  	s10 =	sld [smem:$0x3FB5]  }
0x39: {  	_ = 	snop;
	(pc) =	sbr.ind lr, $3  }
0x3a: {  	_ = 	snop  }
0x3b: {  	_ = 	snop  }
0x3c: {  	p2 =	seq.s32 s10, $0x1;
	s10 =	sld [smem:$0x3FB4]  }
0x3d: {  	_ =	shalt  }
0x3e: {  	_ =	shalt  }
0x3f: {  	_ =	shalt  }
0x40: {  	_ =	shalt  }
0x41: {  	_ =	shalt  }
0x42: {  	_ =	shalt  }
0x43: {  	_ =	shalt  }
0x44: {  	_ =	shalt  }
0x45: {  	_ =	shalt  }
0x46: {  	_ =	shalt  }
0x47: {  	_ =	shalt  }
0x48: {  	_ =	shalt  }
0x49: {  	_ =	shalt  }
0x4a: {  	_ =	shalt  }
0x4b: {  	_ =	shalt  }
0x4c: {  	_ =	shalt  }
0x4d: {  	_ =	shalt  }
0x4e: {  	_ =	shalt  }
0x4f: {  	_ =	shalt  }
0x50: {  	_ =	shalt  }
0x51: {  	_ =	shalt  }
0x52: {  	_ =	shalt  }
0x53: {  	_ =	shalt  }
0x54: {  	_ =	shalt  }
0x55: {  	_ =	shalt  }
0x56: {  	_ =	shalt  }
0x57: {  	_ =	shalt  }
0x58: {  	_ =	shalt  }
0x59: {  	_ =	shalt  }
0x5a: {  	_ =	shalt  }
0x5b: {  	_ =	shalt  }
0x5c: {  	_ =	shalt  }
0x5d: {  	_ =	shalt  }
0x5e: {  	_ =	shalt  }
0x5f: {  	_ =	shalt  }
0x60: {  	_ =	shalt  }
0x61: {  	_ =	shalt  }
0x62: {  	_ =	shalt  }
0x63: {  	_ =	shalt  }
0x64: {  	_ =	shalt  }
0x65: {  	_ =	shalt  }
0x66: {  	_ =	shalt  }
0x67: {  	_ =	shalt  }
0x68: {  	_ =	shalt  }
0x69: {  	_ =	shalt  }
0x6a: {  	_ =	shalt  }
0x6b: {  	_ =	shalt  }
0x6c: {  	_ =	shalt  }
0x6d: {  	_ =	shalt  }
0x6e: {  	_ =	shalt  }
0x6f: {  	_ =	shalt  }
0x70: {  	_ =	shalt  }
0x71: {  	_ =	shalt  }
0x72: {  	_ =	shalt  }
0x73: {  	_ =	shalt  }
0x74: {  	_ =	shalt  }
0x75: {  	_ =	shalt  }
0x76: {  	_ =	shalt  }
0x77: {  	_ =	shalt  }
0x78: {  	_ =	shalt  }
0x79: {  	_ =	shalt  }
0x7a: {  	_ =	shalt  }
0x7b: {  	_ =	shalt  }
0x7c: {  	_ =	shalt  }
0x7d: {  	_ =	shalt  }
0x7e: {  	_ =	shalt  }
0x7f: {  	_ =	shalt  }
0x80: {  	_ =	shalt  }
0x81: {  	_ =	shalt  }
0x82: {  	_ =	shalt  }
0x83: {  	_ =	shalt  }
0x84: {  	_ =	shalt  }
0x85: {  	_ =	shalt  }
0x86: {  	_ =	shalt  }
0x87: {  	_ =	shalt  }
.Lfunc_end0:
.L_simem_size_0:
called_computation_lowered:
.L_overlay_start_0:
0x88: {  	s2 =	sld [smem:$0x3FD9]  }
0x89: {  	s3 =	sld [smem:$0x3FFE];
	_ =	sdelay $0x1  }
0x8a: {  	s1 =	srdreg.scid  }
0x8b: {  	s0 =	sand.u32 $0x1, s1  }
0x8c: {  	s17 =	sshll.u32 s0, $0xA;
	s2 =	sadd.s32 s3, s2  }
0x8d: {  	s2 =	sadd.s32 s2, s17  }
0x8e: {  	[smem:$0x3FC0] =	sst s2  }
0x8f: {  	_ = 	snop  }
0x90: {  	s2 =	sld [smem:$0x3FD0];
	(tm) =	ssettm $0x1  }
0x91: {  	s18 =	sld [smem:$0x3FFB];
	_ =	sdelay $0x3  }
0x92: {  	_ =	strace s18  }
0x93: {  	s3 =	sld [smem:$0x3FFC];
	_ =	sdelay $0x3  }
0x94: {  	_ =	strace s3  }
0x95: {  	s3 =	sld [smem:$0x3FFD];
	_ =	sdelay $0x3  }
0x96: {  	_ =	strace s3  }
0x97: {  	_ =	strace $0x8FFFFFFF  }
0x98: {  	s19 =	sld [smem:$0x3FDB];
	_ =	sdelay $0x1  }
0x99: {  	s4 =	simm.s32 $_scs_section_size  }
0x9a: {  	s5 =	simm.s32 $_size__tile_overlayer_lowered;
	s6 =	simm.s32 $_tile_overlayer_lowered  }
0x9b: {  	s22 =	simm.s32 $0x1BFF;
	s21 =	sshll.u32 s6, $0x1;
	s3 =	sadd.s32 s4, s19  }
0x9c: {  	s7 =	simm.s32 $0x0;
	s20 =	sshll.u32 s5, $0x1;
	s5 =	sadd.s32 s21, s3  }
0x9d: {  	[timem:s7], [sflag:s22] =	dma.local [hbm:s5], s20  }
0x9e: {  	_ =	swait.ge [sflag:s22], s20  }
0x9f: {  	s4 =	ssub.s32 $0x0, s20;
	[sflag:s22] =	ssyncset.done $0x0  }
0xa0: {  	[sflag:s22] =	ssyncadd.s32 s4;
	_ =	sdelay $0x1  }
0xa1: {  	s23 =	simm.s32 $0x1B8B  }
0xa2: {  	_ =	swait.ge [sflag:s23], $0x1  }
0xa3: {  	[sflag:s23] =	ssyncset.done $0x0  }
0xa4: {  	s25 =	simm.s32 $0x1B8E;
	s24 =	sld [smem:$0x3FFE];
	[sflag:s23] =	ssyncadd.s32 $0xFFFFFFFF  }
0xa5: {  	s26 =	simm.s32 $execute0_lowered;
	[smem:$0x3FD2] =	sst s25  }
0xa6: {  	s5 =	sshll.u32 s26, $0x1;
	_ =	strace $0x80000046;
	[dreg:$0x1] =	wrdreg $0xFFFFFFFF  }
0xa7: {  	s28 =	simm.s32 $_size_execute0_lowered;
	s3 =	sadd.s32 s3, s5;
	[dreg:$0x0] =	wrdreg $0x0  }
0xa8: {  	s5 =	sshll.u32 s28, $0x1;
	[dreg:$0x2] =	wrdreg s3  }
0xa9: {  	[dreg:$0x3] =	wrdreg s5  }
0xaa: {  	[dreg:$0x4] =	wrdreg $0xC0  }
0xab: {  	_ =	task [dreg:s7], $0x5FFFF  }
0xac: {  	[dreg:$0x1] =	wrdreg $0xFFFFFFFF  }
0xad: {  	[dreg:$0x0] =	wrdreg $0x60  }
0xae: {  	[dreg:$0x2] =	wrdreg s2  }
0xaf: {  	[dreg:$0x3] =	wrdreg s24  }
0xb0: {  	[dreg:$0x4] =	wrdreg $0x9  }
0xb1: {  	_ =	task.clear_ibuf [dreg:s7], $0x5FFFF;
	_ =	strace $0x90000046  }
0xb2: {  	s29 =	simm.s32 $0x9;
	_ =	strace $0x80000048  }
0xb3: {  	_ =	swait.ge [sflag:s29], $0x1  }
0xb4: {  	[sflag:s29] =	ssyncadd.s32 $0xFFFFFFFF  }
0xb5: {  	_ =	strace $0x90000048  }
0xb6: {  	_ =	sfence  }
0xb7: {  	s30 =	sld [smem:$0x0];
	_ =	sdelay $0x2  }
0xb8: {  	s31 =	sshll.u32 s1, $0xD;
	s1 =	sshrl.u32 s1, $0x2  }
0xb9: {  	s3 =	sand.u32 $0x4000, s31;
	s1 =	sadd.s32 s1, s30  }
0xba: {  	s0 =	sor.u32 s3, s0;
	s1 =	sshll.u32 s1, $0x11  }
0xbb: {  	s0 =	sor.u32 s1, s0  }
0xbc: {  	s0 =	sadd.s32 $0x8F2B, s0  }
0xbd: {  	[sflag:s0] =	ssyncadd.remote.s32 $0x1  }
0xbe: {  	_ =	sfence.sel $0xFFFF  }
0xbf: {  	[dreg:$0x0] =	wrdreg $0xFFFFFFFF;
	(pc) =	sbr.abs _section_cstart, $3  }
0xc0: {  	[dreg:$0x1] =	wrdreg $0xFFFFFFFF  }
0xc1: {  	_ =	task.clear_ibuf [dreg:s7], $0x2FFFF;
	_ =	strace $0x9FFFFFFF  }
0xc2: {  	(tm) =	ssettm $0x7FFFFFFF  }
0xc3: {  	_ =	shalt  }
tec
execute0_lowered:
.L_overlay_start_1:
0x0: {  	(tag) =	ssettag $0x1  }
0x1: {  	s3 =	rddreg [dreg:$0x0];
	s1 =	srdreg.scid  }
0x2: {  	s0 =	stileid.u32;
	s4 =	rddreg [dreg:$0x1]  }
0x3: {  	s8 =	simm.s32 $0x0;
	s5 =	sand.u32 $0x1, s1;
	s2 =	sshll.u32 s0, $0x1  }
0x4: {  	s6 =	sor.u32 s5, s2;
	s2 =	simm.s32 $0x0;
	s5 =	ssub.s32 $0x2, s5  }
0x5: {  	s6 =	smul.u32 $0x500, s6;
	[smem:$0x7FF] =	sst s2;
	s7 =	sshrl.u32 s5, $0x1  }
0x6: {  	s1 =	rddreg [dreg:$0x2];
	_ =	strace $0x80000047;
	s5 =	ssub.s32 s5, s7  }
0x7: {  	s7 =	simm.s32 $0x2800;
	s4 =	sadd.s32 s6, s4;
	s3 =	sadd.s32 s3, s6  }
0x8: {  	v0 =	vimm.f32 $0.0e+00;
	v1 =	vimm.f32 $1.000000000e+00;
	s5 =	smax.u32 s5, $0x1;
	s6 =	simm.s32 $0x1;
	s4 =	sadd.s32 $0x2C00, s4  }
.LBB2_1:
0x9: {  	s9 =	simm.s32 $0x40;
	s10 =	simm.s32 $0x0  }
.LBB2_2:
0xa: {  	p0 =	sne.s32 s9, $0x9FC0;
	[tilespmem:s10+$0x2800] =	vst v0;
	s10 =	smov.u32 s9;
	s9 =	sadd.s32 $0x40, s9  }
.Ltmp0:
0xb: {  	(pc) =	sbr.rel @p0 .LBB2_2-.Ltmp0, $2  }
0xc: {  	_ =	sdelay $0x2  }
0xd: {  	s10 =	sshra.s32 s10, $0x2  }
0xe: {  	[tilespmem:s10+$0x2800] =	vst v0;
	s9 =	simm.s32 $0x0  }
0xf: {  	[tilespmem:s9], [sflag:$0x1] =	stream.linear.gather [hbm4b:s3+s9], $0x2800, $0x38;
	[tilespmem:$0x5000] =	vst v63  }
0x10: {  	_ =	swait.ge [sflag:s6], $0x2800  }
0x11: {  	[sflag:s6] =	ssyncset.done $0x0  }
0x12: {  	s10 =	simm.s32 $0x0;
	s9 =	simm.s32 $0x40;
	[sflag:s6] =	ssyncadd.s32 $0xFFFFD800  }
.LBB2_4:
0x13: {  	p0 =	sne.s32 s9, $0x9FC0;
	v2 =	vld [tilespmem:s10+$0x0];
	_ =	sdelay $0x3  }
.Ltmp1:
0x14: {  	(pc) =	sbr.rel @p0 .LBB2_4-.Ltmp1, $2  }
0x15: {  	_ =	sdelay $0x2  }
0x16: {  	s10 =	sshra.s32 s9, $0x2;
	s9 =	sadd.s32 $0x40, s9;
	[tilespmem:v2+s7+$0x0] =	vst.idx.add.f32.msk $0xffff, v1  }
0x17: {  	v2 =	vld [tilespmem:s10+$0x0];
	_ =	sdelay $0x5  }
0x18: {  	s8 =	sadd.s32 $0x1, s8  }
0x19: {  	p0 =	sne.s32 s8, s5  }
.Ltmp2:
0x1a: {  	[tilespmem:v2+s7+$0x0] =	vst.idx.add.f32.msk $0xffff, v1;
	(pc) =	sbr.rel @p0 .LBB2_1-.Ltmp2, $4  }
0x1b: {  	[hbm4b:s4+s2] =	stream.linear.scatter [tilespmem:s7], [sflag:$0x1], $0x2800, $0x38;
	[tilespmem:$0x5000] =	vst v63  }
0x1c: {  	_ =	swait.ge [sflag:s6], $0x2800  }
0x1d: {  	[sflag:s6] =	ssyncset.done $0x0  }
0x1e: {  	[sflag:s6] =	ssyncadd.s32 $0xFFFFD800  }
0x1f: {  	_ =	sfence.sel $0x180000  }
0x20: {  	[bflag:$0x0] =	sbarrier.arrive $0xFFFF  }
0x21: {  	p0 =	sne.s32 s0, $0x0;
	_ =	strace $0x90000047  }
0x22: {  	s0 =	sadd.s32 @!p0 $0x100000, s1;
	[bflag:$0x2] =	sbarrier.arrive $0xFFFF  }
0x23: {  	[sflag:s0] =	ssyncadd.tile.s32 @!p0 $0x1;
	_ =	shalt  }
.Lfunc_end2:
_tile_overlayer_lowered:
.L_overlay_start_2:
0x24: {  	(tag) =	ssettag $0x2  }
0x25: {  	s0 =	rddreg [dreg:$0x0];
	s2 =	stileid.u32  }
0x26: {  	s1 =	rddreg [dreg:$0x1];
	p0 =	sne.s32 s2, $0x0  }
0x27: {  	s3 =	rddreg [dreg:$0x2];
	[bflag:$0x3] =	sbarrier.arrive $0xFFFF;
	s2 =	simm.s32 @!p0 $0x1C01  }
0x28: {  	[timem:s3], [sflag:s2] =	dma.local @!p0 [hbm:s0], s1  }
0x29: {  	s0 =	simm.s32 @!p0 $0x1  }
0x2a: {  	_ =	swait.ge @!p0 [sflag:s0], s1  }
0x2b: {  	s1 =	ssub.s32 @!p0 $0x0, s1;
	[sflag:s0] =	ssyncset.done @!p0 $0x0  }
0x2c: {  	[sflag:s0] =	ssyncadd.s32 @!p0 s1  }
0x2d: {  	[bflag:$0x3] =	sbarrier.arrive $0xFFFF  }
0x2e: {  	_ =	shalt  }

// kernel: kernel.14.cloned.1.call-start
scs
__scs_entry_jumppad:
0x0: {  	(pc) =	sbr.rel $0x88, $3  }
0x1: {  	(tag) =	ssettag $0x0;
	lr =	simm.s32 $0x1  }
0x2: {  	[smem:$0x3F99] =	sst lr;
	_ =	strace $0xD0000000  }
0x3: {  	_ = 	snop  }
0x4: {  	_ = 	snop  }
0x5: {  	_ = 	snop  }
0x6: {  	_ = 	snop  }
0x7: {  	_ = 	snop  }
__scs_overlays_trampoline_lowered:
0x8: {  	[smem:$0x3FA8] =	sst s0  }
0x9: {  	[smem:$0x3FA9] =	sst s1  }
0xa: {  	[smem:$0x3FAA] =	sst s2  }
0xb: {  	[smem:$0x3FAB] =	sst s3  }
0xc: {  	[smem:$0x3FAC] =	sst s4  }
0xd: {  	[smem:$0x3FAD] =	sst s5  }
0xe: {  	[smem:$0x3FAE] =	sst s6  }
0xf: {  	[smem:$0x3FAF] =	sst s7  }
0x10: {  	[smem:$0x3FB0] =	sst s8  }
0x11: {  	[smem:$0x3FB1] =	sst s9;
	s0 =	simm.s32 @!p0 $0x0  }
0x12: {  	s1 =	sld [smem:$0x3F97];
	s0 =	simm.s32 @p0 $0x1  }
0x13: {  	[smem:$0x3FB2] =	sst s0;
	s0 =	simm.s32 @!p1 $0x0  }
0x14: {  	s2 =	sld [smem:$0x3F96];
	s0 =	simm.s32 @p1 $0x1  }
0x15: {  	[smem:$0x3FB3] =	sst s0;
	s0 =	simm.s32 @!p2 $0x0  }
0x16: {  	s3 =	sld [smem:$0x3FDB];
	s0 =	simm.s32 @p2 $0x1  }
0x17: {  	s4 =	simm.s32 $0x1BF5;
	[smem:$0x3FB5] =	sst s0  }
0x18: {  	s0 =	sld [smem:$0x3F98];
	_ =	swait.ge [sflag:s4], $0x0  }
0x19: {  	s7 =	sld [smem:$0x3F99]  }
0x1a: {  	s8 =	sadd.s32 $0xFFFFE003, lr  }
0x1b: {  	s9 =	sadd.s32 $0xFFFFFEF7, lr;
	s5 =	simm.s32 $0xFFFFFFFF;
	p2 =	slt.u32 s8, $0xFFFFF086  }
0x1c: {  	p1 =	slt.u32 s9, $0xF7A;
	s5 =	simm.s32 @!p2 $0x0  }
0x1d: {  	s5 =	simm.s32 @p1 $0x1;
	p0 =	seq.s32 s7, s2  }
0x1e: {  	s7 =	smul.u32 @!p0 $0xF7A, s2;
	p2 =	seq.s32 @!p0 s5, $0x0  }
0x1f: {  	s9 =	smul.u32 $0xF7A, s1;
	s8 =	simm.s32 @!p0 $0x1BF5;
	p2 =	por !p2, p0  }
0x20: {  	[sflag:s8] =	ssyncset.s32 @!p0 $0xFFFFF086;
	s6 =	sadd.s32 @!p0 s3, s7;
	s7 =	simm.s32 @!p0 $0x108  }
0x21: {  	s3 =	sadd.s32 s3, s9;
	s6 =	sadd.s32 @!p0 $0x88, s6;
	s7 =	simm.s32 @p2 $0x1082  }
0x22: {  	[simem:s7], [sflag:s8] =	dma.local @!p0 [hbm:s6], $0xF7A  }
0x23: {  	s9 =	sor.u32 $0xD0000000, s2;
	s6 =	simm.s32 $0x108;
	_ =	swait.ge @!p0 [sflag:s8], $0x0  }
0x24: {  	s3 =	sadd.s32 $0x88, s3;
	s6 =	simm.s32 @!p1 $0x1082;
	[sflag:s4] =	ssyncset.s32 $0xFFFFF086  }
0x25: {  	[simem:s6], [sflag:s4] =	dma.local [hbm:s3], $0xF7A  }
0x26: {  	[smem:$0x3F99] =	sst s1;
	(tag) =	ssettag s2;
	_ =	strace s9  }
0x27: {  	s1 =	sld [smem:$0x3FA9]  }
0x28: {  	s2 =	sld [smem:$0x3FAA]  }
0x29: {  	s4 =	sld [smem:$0x3FAC]  }
0x2a: {  	p0 =	seq.s32 s5, $0x0;
	s5 =	sld [smem:$0x3FAD]  }
0x2b: {  	s6 =	sld [smem:$0x3FAE]  }
0x2c: {  	s7 =	sld [smem:$0x3FAF]  }
0x2d: {  	s3 =	simm.s32 $0x108;
	s8 =	sld [smem:$0x3FB0]  }
0x2e: {  	s3 =	simm.s32 @!p0 $0x1082;
	s9 =	sld [smem:$0x3FB1]  }
0x2f: {  	lr =	sadd.s32 s0, s3;
	s0 =	sld [smem:$0x3FA8]  }
0x30: {  	s3 =	sld [smem:$0x3FAB]  }
0x31: {  	[smem:$0x3FB4] =	sst s10  }
0x32: {  	s10 =	sld [smem:$0x3FB2];
	_ =	sdelay $0x3  }
0x33: {  	p0 =	seq.s32 s10, $0x1;
	s10 =	sld [smem:$0x3FB4];
	_ =	sdelay $0x3  }
0x34: {  	[smem:$0x3FB4] =	sst s10  }
0x35: {  	s10 =	sld [smem:$0x3FB3];
	_ =	sdelay $0x3  }
0x36: {  	p1 =	seq.s32 s10, $0x1;
	s10 =	sld [smem:$0x3FB4];
	_ =	sdelay $0x3  }
0x37: {  	[smem:$0x3FB4] =	sst s10  }
0x38: {  	s10 =	sld [smem:$0x3FB5]  }
0x39: {  	_ = 	snop;
	(pc) =	sbr.ind lr, $3  }
0x3a: {  	_ = 	snop  }
0x3b: {  	_ = 	snop  }
0x3c: {  	p2 =	seq.s32 s10, $0x1;
	s10 =	sld [smem:$0x3FB4]  }
0x3d: {  	_ =	shalt  }
0x3e: {  	_ =	shalt  }
0x3f: {  	_ =	shalt  }
0x40: {  	_ =	shalt  }
0x41: {  	_ =	shalt  }
0x42: {  	_ =	shalt  }
0x43: {  	_ =	shalt  }
0x44: {  	_ =	shalt  }
0x45: {  	_ =	shalt  }
0x46: {  	_ =	shalt  }
0x47: {  	_ =	shalt  }
0x48: {  	_ =	shalt  }
0x49: {  	_ =	shalt  }
0x4a: {  	_ =	shalt  }
0x4b: {  	_ =	shalt  }
0x4c: {  	_ =	shalt  }
0x4d: {  	_ =	shalt  }
0x4e: {  	_ =	shalt  }
0x4f: {  	_ =	shalt  }
0x50: {  	_ =	shalt  }
0x51: {  	_ =	shalt  }
0x52: {  	_ =	shalt  }
0x53: {  	_ =	shalt  }
0x54: {  	_ =	shalt  }
0x55: {  	_ =	shalt  }
0x56: {  	_ =	shalt  }
0x57: {  	_ =	shalt  }
0x58: {  	_ =	shalt  }
0x59: {  	_ =	shalt  }
0x5a: {  	_ =	shalt  }
0x5b: {  	_ =	shalt  }
0x5c: {  	_ =	shalt  }
0x5d: {  	_ =	shalt  }
0x5e: {  	_ =	shalt  }
0x5f: {  	_ =	shalt  }
0x60: {  	_ =	shalt  }
0x61: {  	_ =	shalt  }
0x62: {  	_ =	shalt  }
0x63: {  	_ =	shalt  }
0x64: {  	_ =	shalt  }
0x65: {  	_ =	shalt  }
0x66: {  	_ =	shalt  }
0x67: {  	_ =	shalt  }
0x68: {  	_ =	shalt  }
0x69: {  	_ =	shalt  }
0x6a: {  	_ =	shalt  }
0x6b: {  	_ =	shalt  }
0x6c: {  	_ =	shalt  }
0x6d: {  	_ =	shalt  }
0x6e: {  	_ =	shalt  }
0x6f: {  	_ =	shalt  }
0x70: {  	_ =	shalt  }
0x71: {  	_ =	shalt  }
0x72: {  	_ =	shalt  }
0x73: {  	_ =	shalt  }
0x74: {  	_ =	shalt  }
0x75: {  	_ =	shalt  }
0x76: {  	_ =	shalt  }
0x77: {  	_ =	shalt  }
0x78: {  	_ =	shalt  }
0x79: {  	_ =	shalt  }
0x7a: {  	_ =	shalt  }
0x7b: {  	_ =	shalt  }
0x7c: {  	_ =	shalt  }
0x7d: {  	_ =	shalt  }
0x7e: {  	_ =	shalt  }
0x7f: {  	_ =	shalt  }
0x80: {  	_ =	shalt  }
0x81: {  	_ =	shalt  }
0x82: {  	_ =	shalt  }
0x83: {  	_ =	shalt  }
0x84: {  	_ =	shalt  }
0x85: {  	_ =	shalt  }
0x86: {  	_ =	shalt  }
0x87: {  	_ =	shalt  }
.Lfunc_end0:
.L_simem_size_0:
called_computation.1_lowered:
.L_overlay_start_0:
0x88: {  	s2 =	sld [smem:$0x3FD9]  }
0x89: {  	s3 =	sld [smem:$0x3FFE];
	_ =	sdelay $0x1  }
0x8a: {  	s1 =	srdreg.scid  }
0x8b: {  	s0 =	sand.u32 $0x1, s1  }
0x8c: {  	s17 =	sshll.u32 s0, $0xA;
	s2 =	sadd.s32 s3, s2  }
0x8d: {  	s2 =	sadd.s32 s2, s17  }
0x8e: {  	[smem:$0x3FC0] =	sst s2  }
0x8f: {  	_ = 	snop  }
0x90: {  	s18 =	sld [smem:$0x3FD0];
	(tm) =	ssettm $0x1  }
0x91: {  	s19 =	sld [smem:$0x3FFB];
	_ =	sdelay $0x3  }
0x92: {  	_ =	strace s19  }
0x93: {  	s2 =	sld [smem:$0x3FFC];
	_ =	sdelay $0x3  }
0x94: {  	_ =	strace s2  }
0x95: {  	s2 =	sld [smem:$0x3FFD];
	_ =	sdelay $0x3  }
0x96: {  	_ =	strace s2  }
0x97: {  	_ =	strace $0x8FFFFFFF  }
0x98: {  	s20 =	sld [smem:$0x3FDB];
	_ =	sdelay $0x1  }
0x99: {  	s4 =	simm.s32 $_scs_section_size  }
0x9a: {  	s5 =	simm.s32 $_size__tile_overlayer_lowered;
	s6 =	simm.s32 $_tile_overlayer_lowered  }
0x9b: {  	s7 =	simm.s32 $0x1BFF;
	s21 =	sshll.u32 s6, $0x1;
	s4 =	sadd.s32 s4, s20  }
0x9c: {  	s22 =	simm.s32 $0x0;
	s5 =	sshll.u32 s5, $0x1;
	s6 =	sadd.s32 s21, s4  }
0x9d: {  	[timem:s22], [sflag:s7] =	dma.local [hbm:s6], s5  }
0x9e: {  	_ =	swait.ge [sflag:s7], s5  }
0x9f: {  	s5 =	ssub.s32 $0x0, s5;
	[sflag:s7] =	ssyncset.done $0x0  }
0xa0: {  	[sflag:s7] =	ssyncadd.s32 s5;
	_ =	sdelay $0x1  }
0xa1: {  	s23 =	simm.s32 $0x1B8B  }
0xa2: {  	_ =	swait.ge [sflag:s23], $0x1  }
0xa3: {  	[sflag:s23] =	ssyncset.done $0x0  }
0xa4: {  	[sflag:s23] =	ssyncadd.s32 $0xFFFFFFFF  }
0xa5: {  	s5 =	sld [smem:$0x0]  }
0xa6: {  	s6 =	sand.u32 $0xFFFFFFFE, s1  }
0xa7: {  	p0 =	sne.s32 s1, s6  }
0xa8: {  	s6 =	sshll.u32 @p0 s6, $0xE  }
0xa9: {  	s6 =	sadd.s32 @p0 $0x11B8D, s6;
	s7 =	sshll.u32 @p0 s5, $0x11  }
0xaa: {  	s6 =	sor.u32 @p0 s7, s6  }
0xab: {  	[sflag:s6] =	ssyncadd.remote.s32 @p0 $0x1;
	_ =	sdelay $0x1  }
0xac: {  	s6 =	simm.s32 @p0 $0x1B8D  }
0xad: {  	_ =	swait.eq @p0 [sflag:s6], $0x1  }
0xae: {  	[sflag:s6] =	ssyncadd.s32 @p0 $0xFFFFFFFF  }
0xaf: {  	s7 =	sshll.u32 @!p0 s1, $0xE  }
0xb0: {  	s7 =	sor.u32 @!p0 $0x4000, s7;
	s6 =	simm.s32 @!p0 $0x1B8D  }
0xb1: {  	s5 =	sshll.u32 @!p0 s5, $0x11;
	s7 =	sadd.s32 @!p0 $0x11B8D, s7;
	_ =	swait.eq @!p0 [sflag:s6], $0x1  }
0xb2: {  	s5 =	sor.u32 @!p0 s5, s7;
	[sflag:s6] =	ssyncadd.s32 @!p0 $0xFFFFFFFF  }
0xb3: {  	s25 =	simm.s32 $0x1B8E;
	s24 =	sld [smem:$0x3FFE];
	[sflag:s5] =	ssyncadd.remote.s32 @!p0 $0x1  }
0xb4: {  	s26 =	simm.s32 $execute0_lowered;
	[smem:$0x3FD2] =	sst s25  }
0xb5: {  	s6 =	sshll.u32 s26, $0x1;
	_ =	strace $0x8000004C;
	[dreg:$0x1] =	wrdreg $0xFFFFFFFF  }
0xb6: {  	s28 =	simm.s32 $_size_execute0_lowered;
	s4 =	sadd.s32 s4, s6;
	[dreg:$0x0] =	wrdreg $0x0  }
0xb7: {  	s6 =	sshll.u32 s28, $0x1;
	[dreg:$0x2] =	wrdreg s4  }
0xb8: {  	[dreg:$0x3] =	wrdreg s6  }
0xb9: {  	[dreg:$0x4] =	wrdreg $0xC0  }
0xba: {  	_ =	task [dreg:s22], $0x5FFFF  }
0xbb: {  	[dreg:$0x1] =	wrdreg $0xFFFFFFFF  }
0xbc: {  	[dreg:$0x0] =	wrdreg $0x60  }
0xbd: {  	[dreg:$0x2] =	wrdreg s24  }
0xbe: {  	[dreg:$0x3] =	wrdreg s18  }
0xbf: {  	[dreg:$0x4] =	wrdreg $0x118000  }
0xc0: {  	[dreg:$0x5] =	wrdreg $0x9  }
0xc1: {  	_ =	task.clear_ibuf [dreg:s22], $0x6FFFF;
	_ =	strace $0x9000004C  }
0xc2: {  	s29 =	simm.s32 $0x9;
	_ =	strace $0x8000004E  }
0xc3: {  	_ =	swait.ge [sflag:s29], $0x1  }
0xc4: {  	[sflag:s29] =	ssyncadd.s32 $0xFFFFFFFF  }
0xc5: {  	_ =	strace $0x9000004E  }
0xc6: {  	_ =	sfence  }
0xc7: {  	s30 =	sld [smem:$0x0];
	_ =	sdelay $0x2  }
0xc8: {  	s31 =	sshll.u32 s1, $0xD;
	s1 =	sshrl.u32 s1, $0x2  }
0xc9: {  	s4 =	sand.u32 $0x4000, s31;
	s1 =	sadd.s32 s1, s30  }
0xca: {  	s0 =	sor.u32 s4, s0;
	s1 =	sshll.u32 s1, $0x11  }
0xcb: {  	s0 =	sor.u32 s1, s0  }
0xcc: {  	s0 =	sadd.s32 $0x8F2B, s0  }
0xcd: {  	[sflag:s0] =	ssyncadd.remote.s32 $0x1  }
0xce: {  	_ =	sfence.sel $0xFFFF  }
0xcf: {  	[dreg:$0x0] =	wrdreg $0xFFFFFFFF;
	(pc) =	sbr.abs _section_cstart, $3  }
0xd0: {  	[dreg:$0x1] =	wrdreg $0xFFFFFFFF  }
0xd1: {  	_ =	task.clear_ibuf [dreg:s22], $0x2FFFF;
	_ =	strace $0x9FFFFFFF  }
0xd2: {  	(tm) =	ssettm $0x7FFFFFFF  }
0xd3: {  	_ =	shalt  }
tec
execute0_lowered:
.L_overlay_start_1:
0x0: {  	(tag) =	ssettag $0x1  }
0x1: {  	s0 =	rddreg [dreg:$0x0]  }
0x2: {  	s3 =	rddreg [dreg:$0x1]  }
0x3: {  	s1 =	rddreg [dreg:$0x2];
	s2 =	simm.s32 $0x0  }
0x4: {  	s4 =	srdreg.scid;
	s19 =	stileid.u32;
	s28 =	simm.s32 $0xD800  }
0x5: {  	s30 =	simm.s32 $0xF800;
	s31 =	simm.s32 $0x1;
	s29 =	simm.s32 $0x6  }
0x6: {  	[smem:$0x7FF] =	sst s2;
	s5 =	sand.u32 $0x1, s4;
	s4 =	sadd.s32 $0x7AC00, s0  }
0x7: {  	s11 =	sadd.s32 $0xCC00, s0;
	s12 =	smul.u32 $0xA000, s19;
	s8 =	sadd.s32 $0x2C00, s0  }
0x8: {  	s0 =	sadd.s32 $0x8EC00, s0;
	s16 =	smul.u32 $0x980, s19;
	s21 =	sshll.u32 s19, $0x7  }
0x9: {  	_ =	strace $0x8000004D;
	s6 =	ssub.s32 $0x2, s5;
	[dreg:$0x4] =	wrdreg s8  }
0xa: {  	p0 =	seq.s32 s5, $0x1;
	s5 =	smul.u32 $0xA0000, s5;
	s7 =	sshrl.u32 s6, $0x1  }
0xb: {  	s14 =	sadd.s32 $0x2000, s12;
	s15 =	sadd.s32 $0x4000, s12;
	s17 =	sadd.s32 $0x6000, s12  }
0xc: {  	s18 =	sadd.s32 $0x8000, s12;
	s20 =	sadd.s32 s11, s16;
	s16 =	sadd.s32 s3, s16  }
0xd: {  	s13 =	ssub.s32 s6, s7;
	s6 =	sadd.s32 s12, s1;
	s7 =	sadd.s32 s14, s1  }
0xe: {  	s8 =	sadd.s32 s15, s1;
	s9 =	sadd.s32 s17, s1;
	[dreg:$0x5] =	wrdreg s20  }
0xf: {  	s10 =	sadd.s32 s18, s1;
	[dreg:$0x6] =	wrdreg s16;
	s16 =	sor.u32 $0x9800, s21  }
0x10: {  	s12 =	sadd.s32 s12, s5;
	s14 =	sadd.s32 s5, s14;
	s25 =	sadd.s32 s5, s15  }
0x11: {  	s26 =	sadd.s32 s5, s17;
	s5 =	sadd.s32 s5, s18;
	s21 =	simm.s32 $0x9800  }
0x12: {  	s11 =	sadd.s32 s11, s16;
	s22 =	sshrl.u32 s12, $0x3;
	s23 =	sshrl.u32 s14, $0x3  }
0x13: {  	s3 =	sadd.s32 s3, s16;
	s5 =	sshrl.u32 s5, $0x3;
	s20 =	smax.u32 s13, $0x1  }
0x14: {  	s13 =	simm.s32 $0x4;
	s12 =	simm.s32 $0x8;
	[dreg:$0x7] =	wrdreg s11  }
0x15: {  	s14 =	simm.s32 $0x0;
	[dreg:$0x8] =	wrdreg s3;
	s16 =	sadd.s32 s0, s22  }
.Ltmp0:
0x16: {  	s24 =	sadd.s32 s0, s23;
	s3 =	sshrl.u32 s25, $0x3;
	(pc) =	sbr.rel .LBB2_1-.Ltmp0, $4  }
0x17: {  	s11 =	sshrl.u32 s26, $0x3;
	s19 =	sadd.s32 s0, s5;
	s22 =	simm.s32 $0x9  }
0x18: {  	s25 =	simm.s32 $0xB800;
	s26 =	simm.s32 $0x5;
	[dreg:$0x9] =	wrdreg s24  }
0x19: {  	s23 =	sadd.s32 s0, s3;
	s18 =	sadd.s32 s0, s11;
	s24 =	simm.s32 $0x80  }
0x1a: {  	s0 =	simm.s32 $0x2;
	s11 =	simm.s32 $0x3;
	s3 =	simm.s32 $0x7  }
.LBB2_5:
0x1b: {  	s5 =	rddreg [dreg:$0x7]  }
0x1c: {  	[tilespmem:s2], [sflag:$0x9] =	stream.linear.gather [hbm4b:s5+s2], $0x400, $0x38;
	[tilespmem:$0x1B800] =	vst v63  }
0x1d: {  	_ =	swait.ge [sflag:s22], $0x400  }
0x1e: {  	[sflag:s22] =	ssyncset.done $0x0  }
0x1f: {  	s17 =	simm.s32 $0x4C00;
	s15 =	rddreg [dreg:$0x8];
	[sflag:s22] =	ssyncadd.s32 $0xFFFFFC00  }
0x20: {  	[tilespmem:s17], [sflag:$0x9] =	stream.linear.gather [hbm4b:s15+s2], $0x400, $0x38;
	[tilespmem:$0x1B800] =	vst v63  }
0x21: {  	_ =	swait.ge [sflag:s22], $0x400  }
0x22: {  	[sflag:s22] =	ssyncset.done $0x0  }
0x23: {  	[sflag:s22] =	ssyncadd.s32 $0xFFFFFC00  }
0x24: {  	[tilespmem:s21], [sflag:$0x1] =	stream.indirect.gather [hbm4b:s4+s24], $0x40, s2, s24, $0xb8;
	[tilespmem:$0x1B800] =	vst v63  }
0x25: {  	_ = 	snop  }
0x26: {  	[tilespmem:s25], [sflag:$0x2] =	stream.indirect.gather [hbm4b:s4+s24], $0x40, s24, s24, $0xb8;
	[tilespmem:$0x1B800] =	vst v63  }
0x27: {  	s15 =	simm.s32 $0x100  }
0x28: {  	[tilespmem:s28], [sflag:$0x3] =	stream.indirect.gather [hbm4b:s4+s24], $0x40, s15, s24, $0xb8;
	[tilespmem:$0x1B800] =	vst v63  }
0x29: {  	s15 =	simm.s32 $0x180  }
0x2a: {  	[tilespmem:s30], [sflag:$0x4] =	stream.indirect.gather [hbm4b:s4+s24], $0x40, s15, s24, $0xb8;
	[tilespmem:$0x1B800] =	vst v63  }
0x2b: {  	_ =	swait.ge [sflag:s31], $0x2000  }
0x2c: {  	[sflag:s31] =	ssyncset.done $0x0  }
0x2d: {  	[sflag:s31] =	ssyncadd.s32 $0xFFFFE000  }
0x2e: {  	[spmem:s1] =	stream.indirect.scatter.add.f32 [tilespmem:s21], [sflag:$0x5], $0x40, s17, s24, $0xb8;
	[tilespmem:$0x1B800] =	vst v63  }
0x2f: {  	_ =	swait.ge [sflag:s0], $0x2000  }
0x30: {  	[sflag:s0] =	ssyncset.done $0x0  }
0x31: {  	s17 =	simm.s32 $0x4C80;
	[sflag:s0] =	ssyncadd.s32 $0xFFFFE000  }
0x32: {  	[spmem:s1] =	stream.indirect.scatter.add.f32 [tilespmem:s25], [sflag:$0x6], $0x40, s17, s24, $0xb8;
	[tilespmem:$0x1B800] =	vst v63  }
0x33: {  	_ =	swait.ge [sflag:s11], $0x2000  }
0x34: {  	[sflag:s11] =	ssyncset.done $0x0  }
0x35: {  	s15 =	simm.s32 $0x4D00;
	[sflag:s11] =	ssyncadd.s32 $0xFFFFE000  }
0x36: {  	[spmem:s1] =	stream.indirect.scatter.add.f32 [tilespmem:s28], [sflag:$0x7], $0x40, s15, s24, $0xb8;
	[tilespmem:$0x1B800] =	vst v63  }
0x37: {  	_ =	swait.ge [sflag:s13], $0x2000  }
0x38: {  	[sflag:s13] =	ssyncset.done $0x0  }
0x39: {  	s17 =	simm.s32 $0x4D80;
	[sflag:s13] =	ssyncadd.s32 $0xFFFFE000  }
0x3a: {  	[spmem:s1] =	stream.indirect.scatter.add.f32 [tilespmem:s30], [sflag:$0x8], $0x40, s17, s24, $0xb8;
	[tilespmem:$0x1B800] =	vst v63  }
0x3b: {  	_ =	swait.ge [sflag:s26], $0x2000  }
0x3c: {  	[sflag:s26] =	ssyncset.done $0x0  }
0x3d: {  	s15 =	simm.s32 $0x200;
	[sflag:s26] =	ssyncadd.s32 $0xFFFFE000  }
0x3e: {  	[tilespmem:s21], [sflag:$0x1] =	stream.indirect.gather [hbm4b:s4+s24], $0x40, s15, s24, $0xb8;
	[tilespmem:$0x1B800] =	vst v63  }
0x3f: {  	_ =	swait.ge [sflag:s29], $0x2000  }
0x40: {  	[sflag:s29] =	ssyncset.done $0x0  }
0x41: {  	s17 =	simm.s32 $0x280;
	[sflag:s29] =	ssyncadd.s32 $0xFFFFE000  }
0x42: {  	[tilespmem:s25], [sflag:$0x2] =	stream.indirect.gather [hbm4b:s4+s24], $0x40, s17, s24, $0xb8;
	[tilespmem:$0x1B800] =	vst v63  }
0x43: {  	_ =	swait.ge [sflag:s3], $0x2000  }
0x44: {  	[sflag:s3] =	ssyncset.done $0x0  }
0x45: {  	s15 =	simm.s32 $0x300;
	[sflag:s3] =	ssyncadd.s32 $0xFFFFE000  }
0x46: {  	[tilespmem:s28], [sflag:$0x3] =	stream.indirect.gather [hbm4b:s4+s24], $0x40, s15, s24, $0xb8;
	[tilespmem:$0x1B800] =	vst v63  }
0x47: {  	_ =	swait.ge [sflag:s12], $0x2000  }
0x48: {  	[sflag:s12] =	ssyncset.done $0x0  }
0x49: {  	s17 =	simm.s32 $0x380;
	[sflag:s12] =	ssyncadd.s32 $0xFFFFE000  }
0x4a: {  	[tilespmem:s30], [sflag:$0x4] =	stream.indirect.gather [hbm4b:s4+s24], $0x40, s17, s24, $0xb8;
	[tilespmem:$0x1B800] =	vst v63  }
0x4b: {  	_ =	swait.ge [sflag:s31], $0x2000  }
0x4c: {  	[sflag:s31] =	ssyncset.done $0x0  }
0x4d: {  	s15 =	simm.s32 $0x4E00;
	[sflag:s31] =	ssyncadd.s32 $0xFFFFE000  }
0x4e: {  	[spmem:s1] =	stream.indirect.scatter.add.f32 [tilespmem:s21], [sflag:$0x5], $0x40, s15, s24, $0xb8;
	[tilespmem:$0x1B800] =	vst v63  }
0x4f: {  	_ =	swait.ge [sflag:s0], $0x2000  }
0x50: {  	[sflag:s0] =	ssyncset.done $0x0  }
0x51: {  	s17 =	simm.s32 $0x4E80;
	[sflag:s0] =	ssyncadd.s32 $0xFFFFE000  }
0x52: {  	[spmem:s1] =	stream.indirect.scatter.add.f32 [tilespmem:s25], [sflag:$0x6], $0x40, s17, s24, $0xb8;
	[tilespmem:$0x1B800] =	vst v63  }
0x53: {  	_ =	swait.ge [sflag:s11], $0x2000  }
0x54: {  	[sflag:s11] =	ssyncset.done $0x0  }
0x55: {  	s15 =	simm.s32 $0x4F00;
	[sflag:s11] =	ssyncadd.s32 $0xFFFFE000  }
0x56: {  	[spmem:s1] =	stream.indirect.scatter.add.f32 [tilespmem:s28], [sflag:$0x7], $0x40, s15, s24, $0xb8;
	[tilespmem:$0x1B800] =	vst v63  }
0x57: {  	_ =	swait.ge [sflag:s13], $0x2000  }
0x58: {  	[sflag:s13] =	ssyncset.done $0x0  }
0x59: {  	s17 =	simm.s32 $0x4F80;
	[sflag:s13] =	ssyncadd.s32 $0xFFFFE000  }
0x5a: {  	[spmem:s1] =	stream.indirect.scatter.add.f32 [tilespmem:s30], [sflag:$0x8], $0x40, s17, s24, $0xb8;
	[tilespmem:$0x1B800] =	vst v63  }
.LBB2_6:
0x5b: {  	_ =	swait.ge [sflag:s26], $0x2000  }
0x5c: {  	[sflag:s26] =	ssyncset.done $0x0  }
0x5d: {  	[sflag:s26] =	ssyncadd.s32 $0xFFFFE000  }
0x5e: {  	_ =	swait.ge [sflag:s29], $0x2000  }
0x5f: {  	[sflag:s29] =	ssyncset.done $0x0  }
0x60: {  	[sflag:s29] =	ssyncadd.s32 $0xFFFFE000  }
0x61: {  	_ =	swait.ge [sflag:s3], $0x2000  }
0x62: {  	[sflag:s3] =	ssyncset.done $0x0  }
0x63: {  	[sflag:s3] =	ssyncadd.s32 $0xFFFFE000  }
0x64: {  	_ =	swait.ge [sflag:s12], $0x2000  }
0x65: {  	[sflag:s12] =	ssyncset.done $0x0  }
0x66: {  	[sflag:s12] =	ssyncadd.s32 $0xFFFFE000  }
0x67: {  	[bflag:$0x0] =	sbarrier.arrive $0xFFFF  }
0x68: {  	[tilespmem:s21], [sflag:$0x9] =	stream.linear.gather [spmem:s6], $0x2000, $0x38;
	[tilespmem:$0x1B800] =	vst v63  }
0x69: {  	_ =	swait.ge [sflag:s22], $0x2000  }
0x6a: {  	[sflag:s22] =	ssyncset.done $0x0  }
0x6b: {  	[sflag:s22] =	ssyncadd.s32 $0xFFFFE000  }
0x6c: {  	[hbm4b:s16+s2] =	stream.linear.scatter [tilespmem:s21], [sflag:$0x9], $0x2000, $0x38;
	[tilespmem:$0x1B800] =	vst v63  }
0x6d: {  	_ =	swait.ge [sflag:s22], $0x2000  }
0x6e: {  	[sflag:s22] =	ssyncset.done $0x0  }
0x6f: {  	[sflag:s22] =	ssyncadd.s32 $0xFFFFE000  }
0x70: {  	[tilespmem:s25], [sflag:$0x9] =	stream.linear.gather [spmem:s7], $0x2000, $0x38;
	[tilespmem:$0x1B800] =	vst v63  }
0x71: {  	_ =	swait.ge [sflag:s22], $0x2000  }
0x72: {  	[sflag:s22] =	ssyncset.done $0x0  }
0x73: {  	s5 =	rddreg [dreg:$0x9];
	[sflag:s22] =	ssyncadd.s32 $0xFFFFE000  }
0x74: {  	[hbm4b:s5+s2] =	stream.linear.scatter [tilespmem:s25], [sflag:$0x9], $0x2000, $0x38;
	[tilespmem:$0x1B800] =	vst v63  }
0x75: {  	_ =	swait.ge [sflag:s22], $0x2000  }
0x76: {  	[sflag:s22] =	ssyncset.done $0x0  }
0x77: {  	[sflag:s22] =	ssyncadd.s32 $0xFFFFE000  }
0x78: {  	[tilespmem:s28], [sflag:$0x9] =	stream.linear.gather [spmem:s8], $0x2000, $0x38;
	[tilespmem:$0x1B800] =	vst v63  }
0x79: {  	_ =	swait.ge [sflag:s22], $0x2000  }
0x7a: {  	[sflag:s22] =	ssyncset.done $0x0  }
0x7b: {  	[sflag:s22] =	ssyncadd.s32 $0xFFFFE000  }
0x7c: {  	[hbm4b:s23+s2] =	stream.linear.scatter [tilespmem:s28], [sflag:$0x9], $0x2000, $0x38;
	[tilespmem:$0x1B800] =	vst v63  }
0x7d: {  	_ =	swait.ge [sflag:s22], $0x2000  }
0x7e: {  	[sflag:s22] =	ssyncset.done $0x0  }
0x7f: {  	[sflag:s22] =	ssyncadd.s32 $0xFFFFE000  }
0x80: {  	[tilespmem:s30], [sflag:$0x9] =	stream.linear.gather [spmem:s9], $0x2000, $0x38;
	[tilespmem:$0x1B800] =	vst v63  }
0x81: {  	_ =	swait.ge [sflag:s22], $0x2000  }
0x82: {  	[sflag:s22] =	ssyncset.done $0x0  }
0x83: {  	[sflag:s22] =	ssyncadd.s32 $0xFFFFE000  }
0x84: {  	[hbm4b:s18+s2] =	stream.linear.scatter [tilespmem:s30], [sflag:$0x9], $0x2000, $0x38;
	[tilespmem:$0x1B800] =	vst v63  }
0x85: {  	_ =	swait.ge [sflag:s22], $0x2000  }
0x86: {  	[sflag:s22] =	ssyncset.done $0x0  }
0x87: {  	[sflag:s22] =	ssyncadd.s32 $0xFFFFE000  }
0x88: {  	[tilespmem:s21], [sflag:$0x9] =	stream.linear.gather [spmem:s10], $0x2000, $0x38;
	[tilespmem:$0x1B800] =	vst v63  }
0x89: {  	s14 =	sadd.s32 $0x1, s14;
	_ =	swait.ge [sflag:s22], $0x2000  }
0x8a: {  	p1 =	sne.s32 s14, s20;
	[sflag:s22] =	ssyncset.done $0x0  }
.Ltmp1:
0x8b: {  	[sflag:s22] =	ssyncadd.s32 $0xFFFFE000;
	(pc) =	sbr.rel @!p1 .LBB2_7-.Ltmp1, $4  }
0x8c: {  	[hbm4b:s19+s2] =	stream.linear.scatter [tilespmem:s21], [sflag:$0x9], $0x2000, $0x38;
	[tilespmem:$0x1B800] =	vst v63  }
0x8d: {  	_ =	swait.ge [sflag:s22], $0x2000  }
0x8e: {  	[sflag:s22] =	ssyncset.done $0x0  }
0x8f: {  	[sflag:s22] =	ssyncadd.s32 $0xFFFFE000  }
.LBB2_1:
0x90: {  	s5 =	rddreg [dreg:$0x4]  }
0x91: {  	[tilespmem:s21], [sflag:$0x9] =	stream.linear.gather [hbm4b:s5+s2], $0x2000, $0x38;
	[tilespmem:$0x1B800] =	vst v63  }
0x92: {  	_ =	swait.ge [sflag:s22], $0x2000  }
0x93: {  	[sflag:s22] =	ssyncset.done $0x0  }
0x94: {  	[sflag:s22] =	ssyncadd.s32 $0xFFFFE000  }
0x95: {  	[spmem:s6] =	stream.linear.scatter [tilespmem:s21], [sflag:$0x9], $0x2000, $0x38;
	[tilespmem:$0x1B800] =	vst v63  }
0x96: {  	_ =	swait.ge [sflag:s22], $0x2000  }
0x97: {  	[sflag:s22] =	ssyncset.done $0x0  }
0x98: {  	[sflag:s22] =	ssyncadd.s32 $0xFFFFE000  }
0x99: {  	[spmem:s7] =	stream.linear.scatter [tilespmem:s21], [sflag:$0x9], $0x2000, $0x38;
	[tilespmem:$0x1B800] =	vst v63  }
0x9a: {  	_ =	swait.ge [sflag:s22], $0x2000  }
0x9b: {  	[sflag:s22] =	ssyncset.done $0x0  }
0x9c: {  	[sflag:s22] =	ssyncadd.s32 $0xFFFFE000  }
0x9d: {  	[spmem:s8] =	stream.linear.scatter [tilespmem:s21], [sflag:$0x9], $0x2000, $0x38;
	[tilespmem:$0x1B800] =	vst v63  }
0x9e: {  	_ =	swait.ge [sflag:s22], $0x2000  }
0x9f: {  	[sflag:s22] =	ssyncset.done $0x0  }
0xa0: {  	[sflag:s22] =	ssyncadd.s32 $0xFFFFE000  }
0xa1: {  	[spmem:s9] =	stream.linear.scatter [tilespmem:s21], [sflag:$0x9], $0x2000, $0x38;
	[tilespmem:$0x1B800] =	vst v63  }
0xa2: {  	_ =	swait.ge [sflag:s22], $0x2000  }
0xa3: {  	[sflag:s22] =	ssyncset.done $0x0  }
.Ltmp2:
0xa4: {  	[sflag:s22] =	ssyncadd.s32 $0xFFFFE000;
	(pc) =	sbr.rel @p0 .LBB2_5-.Ltmp2, $4  }
0xa5: {  	[spmem:s10] =	stream.linear.scatter [tilespmem:s21], [sflag:$0x9], $0x2000, $0x38;
	[tilespmem:$0x1B800] =	vst v63  }
0xa6: {  	_ =	swait.ge [sflag:s22], $0x2000  }
0xa7: {  	[sflag:s22] =	ssyncset.done $0x0  }
0xa8: {  	[sflag:s22] =	ssyncadd.s32 $0xFFFFE000  }
0xa9: {  	s5 =	simm.s32 $0x0;
	s15 =	rddreg [dreg:$0x5]  }
0xaa: {  	[tilespmem:s5], [sflag:$0x9] =	stream.linear.gather [hbm4b:s15+s5], $0x4C00, $0x38;
	[tilespmem:$0x1B800] =	vst v63  }
0xab: {  	_ =	swait.ge [sflag:s22], $0x4C00  }
0xac: {  	s17 =	smov.u32 s16;
	[sflag:s22] =	ssyncset.done $0x0  }
0xad: {  	s16 =	simm.s32 $0x4C00;
	s15 =	rddreg [dreg:$0x6];
	[sflag:s22] =	ssyncadd.s32 $0xFFFFB400  }
0xae: {  	[tilespmem:s16], [sflag:$0x9] =	stream.linear.gather [hbm4b:s15+s5], $0x4C00, $0x38;
	[tilespmem:$0x1B800] =	vst v63  }
0xaf: {  	_ =	swait.ge [sflag:s22], $0x4C00  }
0xb0: {  	[sflag:s22] =	ssyncset.done $0x0  }
0xb1: {  	[sflag:s22] =	ssyncadd.s32 $0xFFFFB400  }
0xb2: {  	[tilespmem:s21], [sflag:$0x1] =	stream.indirect.gather [hbm4b:s4+s24], $0x40, s5, s24, $0xb8;
	[tilespmem:$0x1B800] =	vst v63  }
0xb3: {  	_ = 	snop  }
0xb4: {  	[tilespmem:s25], [sflag:$0x2] =	stream.indirect.gather [hbm4b:s4+s24], $0x40, s24, s24, $0xb8;
	[tilespmem:$0x1B800] =	vst v63  }
0xb5: {  	s15 =	simm.s32 $0x100  }
0xb6: {  	[tilespmem:s28], [sflag:$0x3] =	stream.indirect.gather [hbm4b:s4+s24], $0x40, s15, s24, $0xb8;
	[tilespmem:$0x1B800] =	vst v63  }
0xb7: {  	s15 =	simm.s32 $0x180  }
0xb8: {  	[tilespmem:s30], [sflag:$0x4] =	stream.indirect.gather [hbm4b:s4+s24], $0x40, s15, s24, $0xb8;
	[tilespmem:$0x1B800] =	vst v63  }
0xb9: {  	_ =	swait.ge [sflag:s31], $0x2000  }
0xba: {  	[sflag:s31] =	ssyncset.done $0x0  }
0xbb: {  	[sflag:s31] =	ssyncadd.s32 $0xFFFFE000  }
0xbc: {  	[spmem:s1] =	stream.indirect.scatter.add.f32 [tilespmem:s21], [sflag:$0x5], $0x40, s16, s24, $0xb8;
	[tilespmem:$0x1B800] =	vst v63  }
0xbd: {  	_ =	swait.ge [sflag:s0], $0x2000  }
0xbe: {  	[sflag:s0] =	ssyncset.done $0x0  }
0xbf: {  	s15 =	simm.s32 $0x4C80;
	[sflag:s0] =	ssyncadd.s32 $0xFFFFE000  }
0xc0: {  	[spmem:s1] =	stream.indirect.scatter.add.f32 [tilespmem:s25], [sflag:$0x6], $0x40, s15, s24, $0xb8;
	[tilespmem:$0x1B800] =	vst v63  }
0xc1: {  	_ =	swait.ge [sflag:s11], $0x2000  }
0xc2: {  	[sflag:s11] =	ssyncset.done $0x0  }
0xc3: {  	s16 =	simm.s32 $0x4D00;
	[sflag:s11] =	ssyncadd.s32 $0xFFFFE000  }
0xc4: {  	[spmem:s1] =	stream.indirect.scatter.add.f32 [tilespmem:s28], [sflag:$0x7], $0x40, s16, s24, $0xb8;
	[tilespmem:$0x1B800] =	vst v63  }
0xc5: {  	_ =	swait.ge [sflag:s13], $0x2000  }
0xc6: {  	[sflag:s13] =	ssyncset.done $0x0  }
0xc7: {  	s15 =	simm.s32 $0x4D80;
	[sflag:s13] =	ssyncadd.s32 $0xFFFFE000  }
0xc8: {  	[spmem:s1] =	stream.indirect.scatter.add.f32 [tilespmem:s30], [sflag:$0x8], $0x40, s15, s24, $0xb8;
	[tilespmem:$0x1B800] =	vst v63  }
0xc9: {  	_ =	swait.ge [sflag:s26], $0x2000  }
0xca: {  	[sflag:s26] =	ssyncset.done $0x0  }
0xcb: {  	s16 =	simm.s32 $0x200;
	[sflag:s26] =	ssyncadd.s32 $0xFFFFE000  }
0xcc: {  	[tilespmem:s21], [sflag:$0x1] =	stream.indirect.gather [hbm4b:s4+s24], $0x40, s16, s24, $0xb8;
	[tilespmem:$0x1B800] =	vst v63  }
0xcd: {  	_ =	swait.ge [sflag:s29], $0x2000  }
0xce: {  	[sflag:s29] =	ssyncset.done $0x0  }
0xcf: {  	s15 =	simm.s32 $0x280;
	[sflag:s29] =	ssyncadd.s32 $0xFFFFE000  }
0xd0: {  	[tilespmem:s25], [sflag:$0x2] =	stream.indirect.gather [hbm4b:s4+s24], $0x40, s15, s24, $0xb8;
	[tilespmem:$0x1B800] =	vst v63  }
0xd1: {  	_ =	swait.ge [sflag:s3], $0x2000  }
0xd2: {  	[sflag:s3] =	ssyncset.done $0x0  }
0xd3: {  	s16 =	simm.s32 $0x300;
	[sflag:s3] =	ssyncadd.s32 $0xFFFFE000  }
0xd4: {  	[tilespmem:s28], [sflag:$0x3] =	stream.indirect.gather [hbm4b:s4+s24], $0x40, s16, s24, $0xb8;
	[tilespmem:$0x1B800] =	vst v63  }
0xd5: {  	_ =	swait.ge [sflag:s12], $0x2000  }
0xd6: {  	[sflag:s12] =	ssyncset.done $0x0  }
0xd7: {  	s15 =	simm.s32 $0x380;
	[sflag:s12] =	ssyncadd.s32 $0xFFFFE000  }
0xd8: {  	[tilespmem:s30], [sflag:$0x4] =	stream.indirect.gather [hbm4b:s4+s24], $0x40, s15, s24, $0xb8;
	[tilespmem:$0x1B800] =	vst v63  }
0xd9: {  	_ =	swait.ge [sflag:s31], $0x2000  }
0xda: {  	[sflag:s31] =	ssyncset.done $0x0  }
0xdb: {  	s16 =	simm.s32 $0x4E00;
	[sflag:s31] =	ssyncadd.s32 $0xFFFFE000  }
0xdc: {  	[spmem:s1] =	stream.indirect.scatter.add.f32 [tilespmem:s21], [sflag:$0x5], $0x40, s16, s24, $0xb8;
	[tilespmem:$0x1B800] =	vst v63  }
0xdd: {  	_ =	swait.ge [sflag:s0], $0x2000  }
0xde: {  	[sflag:s0] =	ssyncset.done $0x0  }
0xdf: {  	s15 =	simm.s32 $0x4E80;
	[sflag:s0] =	ssyncadd.s32 $0xFFFFE000  }
0xe0: {  	[spmem:s1] =	stream.indirect.scatter.add.f32 [tilespmem:s25], [sflag:$0x6], $0x40, s15, s24, $0xb8;
	[tilespmem:$0x1B800] =	vst v63  }
0xe1: {  	_ =	swait.ge [sflag:s11], $0x2000  }
0xe2: {  	[sflag:s11] =	ssyncset.done $0x0  }
0xe3: {  	s16 =	simm.s32 $0x4F00;
	[sflag:s11] =	ssyncadd.s32 $0xFFFFE000  }
0xe4: {  	[spmem:s1] =	stream.indirect.scatter.add.f32 [tilespmem:s28], [sflag:$0x7], $0x40, s16, s24, $0xb8;
	[tilespmem:$0x1B800] =	vst v63  }
0xe5: {  	_ =	swait.ge [sflag:s13], $0x2000  }
0xe6: {  	[sflag:s13] =	ssyncset.done $0x0  }
0xe7: {  	s5 =	simm.s32 $0x800;
	s15 =	simm.s32 $0x4F80;
	[sflag:s13] =	ssyncadd.s32 $0xFFFFE000  }
.LBB2_3:
0xe8: {  	[spmem:s1] =	stream.indirect.scatter.add.f32 [tilespmem:s30], [sflag:$0x8], $0x40, s15, s24, $0xb8;
	[tilespmem:$0x1B800] =	vst v63  }
0xe9: {  	s15 =	smov.u32 s5  }
0xea: {  	p1 =	seq.s32 s5, $0x12000;
	s5 =	sadd.s32 $0x800, s5;
	_ =	swait.ge [sflag:s26], $0x2000  }
0xeb: {  	s15 =	sshra.s32 s15, $0x2;
	[sflag:s26] =	ssyncset.done $0x0  }
0xec: {  	s16 =	sadd.s32 $0x200, s15;
	[sflag:s26] =	ssyncadd.s32 $0xFFFFE000  }
0xed: {  	[tilespmem:s21], [sflag:$0x1] =	stream.indirect.gather [hbm4b:s4+s24], $0x40, s16, s24, $0xb8;
	[tilespmem:$0x1B800] =	vst v63  }
0xee: {  	_ =	swait.ge [sflag:s29], $0x2000  }
0xef: {  	[sflag:s29] =	ssyncset.done $0x0  }
0xf0: {  	s16 =	sadd.s32 $0x280, s15;
	[sflag:s29] =	ssyncadd.s32 $0xFFFFE000  }
0xf1: {  	[tilespmem:s25], [sflag:$0x2] =	stream.indirect.gather [hbm4b:s4+s24], $0x40, s16, s24, $0xb8;
	[tilespmem:$0x1B800] =	vst v63  }
0xf2: {  	_ =	swait.ge [sflag:s3], $0x2000  }
0xf3: {  	[sflag:s3] =	ssyncset.done $0x0  }
0xf4: {  	s16 =	sadd.s32 $0x300, s15;
	[sflag:s3] =	ssyncadd.s32 $0xFFFFE000  }
0xf5: {  	[tilespmem:s28], [sflag:$0x3] =	stream.indirect.gather [hbm4b:s4+s24], $0x40, s16, s24, $0xb8;
	[tilespmem:$0x1B800] =	vst v63  }
0xf6: {  	_ =	swait.ge [sflag:s12], $0x2000  }
0xf7: {  	[sflag:s12] =	ssyncset.done $0x0  }
0xf8: {  	s16 =	sadd.s32 $0x380, s15;
	[sflag:s12] =	ssyncadd.s32 $0xFFFFE000  }
0xf9: {  	[tilespmem:s30], [sflag:$0x4] =	stream.indirect.gather [hbm4b:s4+s24], $0x40, s16, s24, $0xb8;
	[tilespmem:$0x1B800] =	vst v63  }
0xfa: {  	_ =	swait.ge [sflag:s31], $0x2000  }
0xfb: {  	[sflag:s31] =	ssyncset.done $0x0  }
0xfc: {  	s16 =	sadd.s32 $0x4E00, s15;
	[sflag:s31] =	ssyncadd.s32 $0xFFFFE000  }
0xfd: {  	[spmem:s1] =	stream.indirect.scatter.add.f32 [tilespmem:s21], [sflag:$0x5], $0x40, s16, s24, $0xb8;
	[tilespmem:$0x1B800] =	vst v63  }
0xfe: {  	_ =	swait.ge [sflag:s0], $0x2000  }
0xff: {  	[sflag:s0] =	ssyncset.done $0x0  }
0x100: {  	s16 =	sadd.s32 $0x4E80, s15;
	[sflag:s0] =	ssyncadd.s32 $0xFFFFE000  }
0x101: {  	[spmem:s1] =	stream.indirect.scatter.add.f32 [tilespmem:s25], [sflag:$0x6], $0x40, s16, s24, $0xb8;
	[tilespmem:$0x1B800] =	vst v63  }
0x102: {  	_ =	swait.ge [sflag:s11], $0x2000  }
0x103: {  	[sflag:s11] =	ssyncset.done $0x0  }
.Ltmp3:
0x104: {  	s16 =	sadd.s32 $0x4F00, s15;
	[sflag:s11] =	ssyncadd.s32 $0xFFFFE000;
	(pc) =	sbr.rel @!p1 .LBB2_3-.Ltmp3, $4  }
0x105: {  	[spmem:s1] =	stream.indirect.scatter.add.f32 [tilespmem:s28], [sflag:$0x7], $0x40, s16, s24, $0xb8;
	[tilespmem:$0x1B800] =	vst v63  }
0x106: {  	_ =	swait.ge [sflag:s13], $0x2000  }
0x107: {  	[sflag:s13] =	ssyncset.done $0x0  }
0x108: {  	s15 =	sadd.s32 $0x4F80, s15;
	[sflag:s13] =	ssyncadd.s32 $0xFFFFE000  }
.Ltmp4:
0x109: {  	(pc) =	sbr.rel .LBB2_6-.Ltmp4, $3  }
0x10a: {  	_ =	sdelay $0x1  }
0x10b: {  	[spmem:s1] =	stream.indirect.scatter.add.f32 [tilespmem:s30], [sflag:$0x8], $0x40, s15, s24, $0xb8;
	[tilespmem:$0x1B800] =	vst v63  }
0x10c: {  	s16 =	smov.u32 s17  }
.LBB2_7:
0x10d: {  	_ =	sfence.sel $0x180000  }
0x10e: {  	[bflag:$0x0] =	sbarrier.arrive $0xFFFF  }
0x10f: {  	_ =	strace $0x9000004D  }
0x110: {  	s0 =	stileid.u32;
	[bflag:$0x2] =	sbarrier.arrive $0xFFFF  }
0x111: {  	p0 =	sne.s32 s0, $0x0;
	s0 =	rddreg [dreg:$0x3]  }
0x112: {  	s0 =	sadd.s32 @!p0 $0x100000, s0  }
0x113: {  	[sflag:s0] =	ssyncadd.tile.s32 @!p0 $0x1;
	_ =	shalt  }
.Lfunc_end2:
_tile_overlayer_lowered:
.L_overlay_start_2:
0x114: {  	(tag) =	ssettag $0x2  }
0x115: {  	s0 =	rddreg [dreg:$0x0];
	s2 =	stileid.u32  }
0x116: {  	s1 =	rddreg [dreg:$0x1];
	p0 =	sne.s32 s2, $0x0  }
0x117: {  	s3 =	rddreg [dreg:$0x2];
	[bflag:$0x3] =	sbarrier.arrive $0xFFFF;
	s2 =	simm.s32 @!p0 $0x1C09  }
0x118: {  	[timem:s3], [sflag:s2] =	dma.local @!p0 [hbm:s0], s1  }
0x119: {  	s0 =	simm.s32 @!p0 $0x9  }
0x11a: {  	_ =	swait.ge @!p0 [sflag:s0], s1  }
0x11b: {  	s1 =	ssub.s32 @!p0 $0x0, s1;
	[sflag:s0] =	ssyncset.done @!p0 $0x0  }
0x11c: {  	[sflag:s0] =	ssyncadd.s32 @!p0 s1  }
0x11d: {  	[bflag:$0x3] =	sbarrier.arrive $0xFFFF  }
0x11e: {  	_ =	shalt  }

// kernel: kernel.17.cloned.1.call-start
scs
__scs_entry_jumppad:
0x0: {  	(pc) =	sbr.rel $0x88, $3  }
0x1: {  	(tag) =	ssettag $0x0;
	lr =	simm.s32 $0x1  }
0x2: {  	[smem:$0x3F99] =	sst lr;
	_ =	strace $0xD0000000  }
0x3: {  	_ = 	snop  }
0x4: {  	_ = 	snop  }
0x5: {  	_ = 	snop  }
0x6: {  	_ = 	snop  }
0x7: {  	_ = 	snop  }
__scs_overlays_trampoline_lowered:
0x8: {  	[smem:$0x3FA8] =	sst s0  }
0x9: {  	[smem:$0x3FA9] =	sst s1  }
0xa: {  	[smem:$0x3FAA] =	sst s2  }
0xb: {  	[smem:$0x3FAB] =	sst s3  }
0xc: {  	[smem:$0x3FAC] =	sst s4  }
0xd: {  	[smem:$0x3FAD] =	sst s5  }
0xe: {  	[smem:$0x3FAE] =	sst s6  }
0xf: {  	[smem:$0x3FAF] =	sst s7  }
0x10: {  	[smem:$0x3FB0] =	sst s8  }
0x11: {  	[smem:$0x3FB1] =	sst s9;
	s0 =	simm.s32 @!p0 $0x0  }
0x12: {  	s1 =	sld [smem:$0x3F97];
	s0 =	simm.s32 @p0 $0x1  }
0x13: {  	[smem:$0x3FB2] =	sst s0;
	s0 =	simm.s32 @!p1 $0x0  }
0x14: {  	s2 =	sld [smem:$0x3F96];
	s0 =	simm.s32 @p1 $0x1  }
0x15: {  	[smem:$0x3FB3] =	sst s0;
	s0 =	simm.s32 @!p2 $0x0  }
0x16: {  	s3 =	sld [smem:$0x3FDB];
	s0 =	simm.s32 @p2 $0x1  }
0x17: {  	s4 =	simm.s32 $0x1BF5;
	[smem:$0x3FB5] =	sst s0  }
0x18: {  	s0 =	sld [smem:$0x3F98];
	_ =	swait.ge [sflag:s4], $0x0  }
0x19: {  	s7 =	sld [smem:$0x3F99]  }
0x1a: {  	s8 =	sadd.s32 $0xFFFFE003, lr  }
0x1b: {  	s9 =	sadd.s32 $0xFFFFFEF7, lr;
	s5 =	simm.s32 $0xFFFFFFFF;
	p2 =	slt.u32 s8, $0xFFFFF086  }
0x1c: {  	p1 =	slt.u32 s9, $0xF7A;
	s5 =	simm.s32 @!p2 $0x0  }
0x1d: {  	s5 =	simm.s32 @p1 $0x1;
	p0 =	seq.s32 s7, s2  }
0x1e: {  	s7 =	smul.u32 @!p0 $0xF7A, s2;
	p2 =	seq.s32 @!p0 s5, $0x0  }
0x1f: {  	s9 =	smul.u32 $0xF7A, s1;
	s8 =	simm.s32 @!p0 $0x1BF5;
	p2 =	por !p2, p0  }
0x20: {  	[sflag:s8] =	ssyncset.s32 @!p0 $0xFFFFF086;
	s6 =	sadd.s32 @!p0 s3, s7;
	s7 =	simm.s32 @!p0 $0x108  }
0x21: {  	s3 =	sadd.s32 s3, s9;
	s6 =	sadd.s32 @!p0 $0x88, s6;
	s7 =	simm.s32 @p2 $0x1082  }
0x22: {  	[simem:s7], [sflag:s8] =	dma.local @!p0 [hbm:s6], $0xF7A  }
0x23: {  	s9 =	sor.u32 $0xD0000000, s2;
	s6 =	simm.s32 $0x108;
	_ =	swait.ge @!p0 [sflag:s8], $0x0  }
0x24: {  	s3 =	sadd.s32 $0x88, s3;
	s6 =	simm.s32 @!p1 $0x1082;
	[sflag:s4] =	ssyncset.s32 $0xFFFFF086  }
0x25: {  	[simem:s6], [sflag:s4] =	dma.local [hbm:s3], $0xF7A  }
0x26: {  	[smem:$0x3F99] =	sst s1;
	(tag) =	ssettag s2;
	_ =	strace s9  }
0x27: {  	s1 =	sld [smem:$0x3FA9]  }
0x28: {  	s2 =	sld [smem:$0x3FAA]  }
0x29: {  	s4 =	sld [smem:$0x3FAC]  }
0x2a: {  	p0 =	seq.s32 s5, $0x0;
	s5 =	sld [smem:$0x3FAD]  }
0x2b: {  	s6 =	sld [smem:$0x3FAE]  }
0x2c: {  	s7 =	sld [smem:$0x3FAF]  }
0x2d: {  	s3 =	simm.s32 $0x108;
	s8 =	sld [smem:$0x3FB0]  }
0x2e: {  	s3 =	simm.s32 @!p0 $0x1082;
	s9 =	sld [smem:$0x3FB1]  }
0x2f: {  	lr =	sadd.s32 s0, s3;
	s0 =	sld [smem:$0x3FA8]  }
0x30: {  	s3 =	sld [smem:$0x3FAB]  }
0x31: {  	[smem:$0x3FB4] =	sst s10  }
0x32: {  	s10 =	sld [smem:$0x3FB2];
	_ =	sdelay $0x3  }
0x33: {  	p0 =	seq.s32 s10, $0x1;
	s10 =	sld [smem:$0x3FB4];
	_ =	sdelay $0x3  }
0x34: {  	[smem:$0x3FB4] =	sst s10  }
0x35: {  	s10 =	sld [smem:$0x3FB3];
	_ =	sdelay $0x3  }
0x36: {  	p1 =	seq.s32 s10, $0x1;
	s10 =	sld [smem:$0x3FB4];
	_ =	sdelay $0x3  }
0x37: {  	[smem:$0x3FB4] =	sst s10  }
0x38: {  	s10 =	sld [smem:$0x3FB5]  }
0x39: {  	_ = 	snop;
	(pc) =	sbr.ind lr, $3  }
0x3a: {  	_ = 	snop  }
0x3b: {  	_ = 	snop  }
0x3c: {  	p2 =	seq.s32 s10, $0x1;
	s10 =	sld [smem:$0x3FB4]  }
0x3d: {  	_ =	shalt  }
0x3e: {  	_ =	shalt  }
0x3f: {  	_ =	shalt  }
0x40: {  	_ =	shalt  }
0x41: {  	_ =	shalt  }
0x42: {  	_ =	shalt  }
0x43: {  	_ =	shalt  }
0x44: {  	_ =	shalt  }
0x45: {  	_ =	shalt  }
0x46: {  	_ =	shalt  }
0x47: {  	_ =	shalt  }
0x48: {  	_ =	shalt  }
0x49: {  	_ =	shalt  }
0x4a: {  	_ =	shalt  }
0x4b: {  	_ =	shalt  }
0x4c: {  	_ =	shalt  }
0x4d: {  	_ =	shalt  }
0x4e: {  	_ =	shalt  }
0x4f: {  	_ =	shalt  }
0x50: {  	_ =	shalt  }
0x51: {  	_ =	shalt  }
0x52: {  	_ =	shalt  }
0x53: {  	_ =	shalt  }
0x54: {  	_ =	shalt  }
0x55: {  	_ =	shalt  }
0x56: {  	_ =	shalt  }
0x57: {  	_ =	shalt  }
0x58: {  	_ =	shalt  }
0x59: {  	_ =	shalt  }
0x5a: {  	_ =	shalt  }
0x5b: {  	_ =	shalt  }
0x5c: {  	_ =	shalt  }
0x5d: {  	_ =	shalt  }
0x5e: {  	_ =	shalt  }
0x5f: {  	_ =	shalt  }
0x60: {  	_ =	shalt  }
0x61: {  	_ =	shalt  }
0x62: {  	_ =	shalt  }
0x63: {  	_ =	shalt  }
0x64: {  	_ =	shalt  }
0x65: {  	_ =	shalt  }
0x66: {  	_ =	shalt  }
0x67: {  	_ =	shalt  }
0x68: {  	_ =	shalt  }
0x69: {  	_ =	shalt  }
0x6a: {  	_ =	shalt  }
0x6b: {  	_ =	shalt  }
0x6c: {  	_ =	shalt  }
0x6d: {  	_ =	shalt  }
0x6e: {  	_ =	shalt  }
0x6f: {  	_ =	shalt  }
0x70: {  	_ =	shalt  }
0x71: {  	_ =	shalt  }
0x72: {  	_ =	shalt  }
0x73: {  	_ =	shalt  }
0x74: {  	_ =	shalt  }
0x75: {  	_ =	shalt  }
0x76: {  	_ =	shalt  }
0x77: {  	_ =	shalt  }
0x78: {  	_ =	shalt  }
0x79: {  	_ =	shalt  }
0x7a: {  	_ =	shalt  }
0x7b: {  	_ =	shalt  }
0x7c: {  	_ =	shalt  }
0x7d: {  	_ =	shalt  }
0x7e: {  	_ =	shalt  }
0x7f: {  	_ =	shalt  }
0x80: {  	_ =	shalt  }
0x81: {  	_ =	shalt  }
0x82: {  	_ =	shalt  }
0x83: {  	_ =	shalt  }
0x84: {  	_ =	shalt  }
0x85: {  	_ =	shalt  }
0x86: {  	_ =	shalt  }
0x87: {  	_ =	shalt  }
.Lfunc_end0:
.L_simem_size_0:
called_computation.2_lowered:
.L_overlay_start_0:
0x88: {  	s2 =	sld [smem:$0x3FD9]  }
0x89: {  	s3 =	sld [smem:$0x3FFE];
	_ =	sdelay $0x1  }
0x8a: {  	s1 =	srdreg.scid  }
0x8b: {  	s0 =	sand.u32 $0x1, s1  }
0x8c: {  	s17 =	sshll.u32 s0, $0xA;
	s2 =	sadd.s32 s3, s2  }
0x8d: {  	s2 =	sadd.s32 s2, s17  }
0x8e: {  	[smem:$0x3FC0] =	sst s2  }
0x8f: {  	_ = 	snop  }
0x90: {  	s2 =	sld [smem:$0x3FD0];
	(tm) =	ssettm $0x1  }
0x91: {  	s18 =	sld [smem:$0x3FFB];
	_ =	sdelay $0x3  }
0x92: {  	_ =	strace s18  }
0x93: {  	s3 =	sld [smem:$0x3FFC];
	_ =	sdelay $0x3  }
0x94: {  	_ =	strace s3  }
0x95: {  	s3 =	sld [smem:$0x3FFD];
	_ =	sdelay $0x3  }
0x96: {  	_ =	strace s3  }
0x97: {  	_ =	strace $0x8FFFFFFF  }
0x98: {  	s19 =	sld [smem:$0x3FDB];
	_ =	sdelay $0x1  }
0x99: {  	s4 =	simm.s32 $_scs_section_size  }
0x9a: {  	s5 =	simm.s32 $_size__tile_overlayer_lowered;
	s6 =	simm.s32 $_tile_overlayer_lowered  }
0x9b: {  	s22 =	simm.s32 $0x1BFF;
	s21 =	sshll.u32 s6, $0x1;
	s3 =	sadd.s32 s4, s19  }
0x9c: {  	s7 =	simm.s32 $0x0;
	s20 =	sshll.u32 s5, $0x1;
	s5 =	sadd.s32 s21, s3  }
0x9d: {  	[timem:s7], [sflag:s22] =	dma.local [hbm:s5], s20  }
0x9e: {  	_ =	swait.ge [sflag:s22], s20  }
0x9f: {  	s4 =	ssub.s32 $0x0, s20;
	[sflag:s22] =	ssyncset.done $0x0  }
0xa0: {  	[sflag:s22] =	ssyncadd.s32 s4;
	_ =	sdelay $0x1  }
0xa1: {  	s23 =	simm.s32 $0x1B8B  }
0xa2: {  	_ =	swait.ge [sflag:s23], $0x1  }
0xa3: {  	[sflag:s23] =	ssyncset.done $0x0  }
0xa4: {  	s25 =	simm.s32 $0x1B8E;
	s24 =	sld [smem:$0x3FFE];
	[sflag:s23] =	ssyncadd.s32 $0xFFFFFFFF  }
0xa5: {  	s26 =	simm.s32 $execute0_lowered;
	[smem:$0x3FD2] =	sst s25  }
0xa6: {  	s5 =	sshll.u32 s26, $0x1;
	_ =	strace $0x80000049;
	[dreg:$0x1] =	wrdreg $0xFFFFFFFF  }
0xa7: {  	s28 =	simm.s32 $_size_execute0_lowered;
	s3 =	sadd.s32 s3, s5;
	[dreg:$0x0] =	wrdreg $0x0  }
0xa8: {  	s5 =	sshll.u32 s28, $0x1;
	[dreg:$0x2] =	wrdreg s3  }
0xa9: {  	[dreg:$0x3] =	wrdreg s5  }
0xaa: {  	[dreg:$0x4] =	wrdreg $0xC0  }
0xab: {  	_ =	task [dreg:s7], $0x5FFFF  }
0xac: {  	[dreg:$0x1] =	wrdreg $0xFFFFFFFF  }
0xad: {  	[dreg:$0x0] =	wrdreg $0x60  }
0xae: {  	[dreg:$0x2] =	wrdreg s24  }
0xaf: {  	[dreg:$0x3] =	wrdreg s2  }
0xb0: {  	[dreg:$0x4] =	wrdreg $0x118000  }
0xb1: {  	[dreg:$0x5] =	wrdreg $0xA  }
0xb2: {  	_ =	task.clear_ibuf [dreg:s7], $0x6FFFF;
	_ =	strace $0x90000049  }
0xb3: {  	s29 =	simm.s32 $0xA;
	_ =	strace $0x8000004B  }
0xb4: {  	_ =	swait.ge [sflag:s29], $0x1  }
0xb5: {  	[sflag:s29] =	ssyncadd.s32 $0xFFFFFFFF  }
0xb6: {  	_ =	strace $0x9000004B  }
0xb7: {  	_ =	sfence  }
0xb8: {  	s30 =	sld [smem:$0x0];
	_ =	sdelay $0x2  }
0xb9: {  	s31 =	sshll.u32 s1, $0xD;
	s1 =	sshrl.u32 s1, $0x2  }
0xba: {  	s3 =	sand.u32 $0x4000, s31;
	s1 =	sadd.s32 s1, s30  }
0xbb: {  	s0 =	sor.u32 s3, s0;
	s1 =	sshll.u32 s1, $0x11  }
0xbc: {  	s0 =	sor.u32 s1, s0  }
0xbd: {  	s0 =	sadd.s32 $0x8F2B, s0  }
0xbe: {  	[sflag:s0] =	ssyncadd.remote.s32 $0x1  }
0xbf: {  	_ =	sfence.sel $0xFFFF  }
0xc0: {  	[dreg:$0x0] =	wrdreg $0xFFFFFFFF;
	(pc) =	sbr.abs _section_cstart, $3  }
0xc1: {  	[dreg:$0x1] =	wrdreg $0xFFFFFFFF  }
0xc2: {  	_ =	task.clear_ibuf [dreg:s7], $0x2FFFF;
	_ =	strace $0x9FFFFFFF  }
0xc3: {  	(tm) =	ssettm $0x7FFFFFFF  }
tec
execute0_lowered:
.L_overlay_start_1:
0x0: {  	(tag) =	ssettag $0x1  }
0x1: {  	s0 =	rddreg [dreg:$0x0]  }
0x2: {  	s3 =	rddreg [dreg:$0x1]  }
0x3: {  	s1 =	rddreg [dreg:$0x2];
	s2 =	simm.s32 $0x0  }
0x4: {  	s4 =	srdreg.scid;
	s19 =	stileid.u32;
	s28 =	simm.s32 $0xD800  }
0x5: {  	s30 =	simm.s32 $0xF800;
	s31 =	simm.s32 $0x1;
	s29 =	simm.s32 $0x6  }
0x6: {  	[smem:$0x7FF] =	sst s2;
	s5 =	sand.u32 $0x1, s4;
	s4 =	sadd.s32 $0x3EC00, s0  }
0x7: {  	s11 =	sadd.s32 $0xCC00, s0;
	s12 =	smul.u32 $0xA000, s19;
	s8 =	sadd.s32 $0x2C00, s0  }
0x8: {  	s0 =	sadd.s32 $0x52C00, s0;
	s16 =	smul.u32 $0x980, s19;
	s21 =	sshll.u32 s19, $0x7  }
0x9: {  	_ =	strace $0x8000004A;
	s6 =	ssub.s32 $0x2, s5;
	[dreg:$0x4] =	wrdreg s8  }
0xa: {  	p0 =	seq.s32 s5, $0x1;
	s5 =	smul.u32 $0xA0000, s5;
	s7 =	sshrl.u32 s6, $0x1  }
0xb: {  	s14 =	sadd.s32 $0x2000, s12;
	s15 =	sadd.s32 $0x4000, s12;
	s17 =	sadd.s32 $0x6000, s12  }
0xc: {  	s18 =	sadd.s32 $0x8000, s12;
	s20 =	sadd.s32 s11, s16;
	s16 =	sadd.s32 s3, s16  }
0xd: {  	s13 =	ssub.s32 s6, s7;
	s6 =	sadd.s32 s12, s1;
	s7 =	sadd.s32 s14, s1  }
0xe: {  	s8 =	sadd.s32 s15, s1;
	s9 =	sadd.s32 s17, s1;
	[dreg:$0x5] =	wrdreg s20  }
0xf: {  	s10 =	sadd.s32 s18, s1;
	[dreg:$0x6] =	wrdreg s16;
	s16 =	sor.u32 $0x9800, s21  }
0x10: {  	s12 =	sadd.s32 s12, s5;
	s14 =	sadd.s32 s5, s14;
	s25 =	sadd.s32 s5, s15  }
0x11: {  	s26 =	sadd.s32 s5, s17;
	s5 =	sadd.s32 s5, s18;
	s21 =	simm.s32 $0x9800  }
0x12: {  	s11 =	sadd.s32 s11, s16;
	s22 =	sshrl.u32 s12, $0x3;
	s23 =	sshrl.u32 s14, $0x3  }
0x13: {  	s3 =	sadd.s32 s3, s16;
	s5 =	sshrl.u32 s5, $0x3;
	s20 =	smax.u32 s13, $0x1  }
0x14: {  	s13 =	simm.s32 $0x4;
	s12 =	simm.s32 $0x8;
	[dreg:$0x7] =	wrdreg s11  }
0x15: {  	s14 =	simm.s32 $0x0;
	[dreg:$0x8] =	wrdreg s3;
	s16 =	sadd.s32 s0, s22  }
.Ltmp0:
0x16: {  	s24 =	sadd.s32 s0, s23;
	s3 =	sshrl.u32 s25, $0x3;
	(pc) =	sbr.rel .LBB2_1-.Ltmp0, $4  }
0x17: {  	s11 =	sshrl.u32 s26, $0x3;
	s19 =	sadd.s32 s0, s5;
	s22 =	simm.s32 $0x9  }
0x18: {  	s25 =	simm.s32 $0xB800;
	s26 =	simm.s32 $0x5;
	[dreg:$0x9] =	wrdreg s24  }
0x19: {  	s23 =	sadd.s32 s0, s3;
	s18 =	sadd.s32 s0, s11;
	s24 =	simm.s32 $0x80  }
0x1a: {  	s0 =	simm.s32 $0x2;
	s11 =	simm.s32 $0x3;
	s3 =	simm.s32 $0x7  }
.LBB2_5:
0x1b: {  	s5 =	rddreg [dreg:$0x7]  }
0x1c: {  	[tilespmem:s2], [sflag:$0x9] =	stream.linear.gather [hbm4b:s5+s2], $0x400, $0x38;
	[tilespmem:$0x1B800] =	vst v63  }
0x1d: {  	_ =	swait.ge [sflag:s22], $0x400  }
0x1e: {  	[sflag:s22] =	ssyncset.done $0x0  }
0x1f: {  	s17 =	simm.s32 $0x4C00;
	s15 =	rddreg [dreg:$0x8];
	[sflag:s22] =	ssyncadd.s32 $0xFFFFFC00  }
0x20: {  	[tilespmem:s17], [sflag:$0x9] =	stream.linear.gather [hbm4b:s15+s2], $0x400, $0x38;
	[tilespmem:$0x1B800] =	vst v63  }
0x21: {  	_ =	swait.ge [sflag:s22], $0x400  }
0x22: {  	[sflag:s22] =	ssyncset.done $0x0  }
0x23: {  	[sflag:s22] =	ssyncadd.s32 $0xFFFFFC00  }
0x24: {  	[tilespmem:s21], [sflag:$0x1] =	stream.indirect.gather [hbm4b:s4+s24], $0x40, s2, s24, $0xb8;
	[tilespmem:$0x1B800] =	vst v63  }
0x25: {  	_ = 	snop  }
0x26: {  	[tilespmem:s25], [sflag:$0x2] =	stream.indirect.gather [hbm4b:s4+s24], $0x40, s24, s24, $0xb8;
	[tilespmem:$0x1B800] =	vst v63  }
0x27: {  	s15 =	simm.s32 $0x100  }
0x28: {  	[tilespmem:s28], [sflag:$0x3] =	stream.indirect.gather [hbm4b:s4+s24], $0x40, s15, s24, $0xb8;
	[tilespmem:$0x1B800] =	vst v63  }
0x29: {  	s15 =	simm.s32 $0x180  }
0x2a: {  	[tilespmem:s30], [sflag:$0x4] =	stream.indirect.gather [hbm4b:s4+s24], $0x40, s15, s24, $0xb8;
	[tilespmem:$0x1B800] =	vst v63  }
0x2b: {  	_ =	swait.ge [sflag:s31], $0x2000  }
0x2c: {  	[sflag:s31] =	ssyncset.done $0x0  }
0x2d: {  	[sflag:s31] =	ssyncadd.s32 $0xFFFFE000  }
0x2e: {  	[spmem:s1] =	stream.indirect.scatter.add.f32 [tilespmem:s21], [sflag:$0x5], $0x40, s17, s24, $0xb8;
	[tilespmem:$0x1B800] =	vst v63  }
0x2f: {  	_ =	swait.ge [sflag:s0], $0x2000  }
0x30: {  	[sflag:s0] =	ssyncset.done $0x0  }
0x31: {  	s17 =	simm.s32 $0x4C80;
	[sflag:s0] =	ssyncadd.s32 $0xFFFFE000  }
0x32: {  	[spmem:s1] =	stream.indirect.scatter.add.f32 [tilespmem:s25], [sflag:$0x6], $0x40, s17, s24, $0xb8;
	[tilespmem:$0x1B800] =	vst v63  }
0x33: {  	_ =	swait.ge [sflag:s11], $0x2000  }
0x34: {  	[sflag:s11] =	ssyncset.done $0x0  }
0x35: {  	s15 =	simm.s32 $0x4D00;
	[sflag:s11] =	ssyncadd.s32 $0xFFFFE000  }
0x36: {  	[spmem:s1] =	stream.indirect.scatter.add.f32 [tilespmem:s28], [sflag:$0x7], $0x40, s15, s24, $0xb8;
	[tilespmem:$0x1B800] =	vst v63  }
0x37: {  	_ =	swait.ge [sflag:s13], $0x2000  }
0x38: {  	[sflag:s13] =	ssyncset.done $0x0  }
0x39: {  	s17 =	simm.s32 $0x4D80;
	[sflag:s13] =	ssyncadd.s32 $0xFFFFE000  }
0x3a: {  	[spmem:s1] =	stream.indirect.scatter.add.f32 [tilespmem:s30], [sflag:$0x8], $0x40, s17, s24, $0xb8;
	[tilespmem:$0x1B800] =	vst v63  }
0x3b: {  	_ =	swait.ge [sflag:s26], $0x2000  }
0x3c: {  	[sflag:s26] =	ssyncset.done $0x0  }
0x3d: {  	s15 =	simm.s32 $0x200;
	[sflag:s26] =	ssyncadd.s32 $0xFFFFE000  }
0x3e: {  	[tilespmem:s21], [sflag:$0x1] =	stream.indirect.gather [hbm4b:s4+s24], $0x40, s15, s24, $0xb8;
	[tilespmem:$0x1B800] =	vst v63  }
0x3f: {  	_ =	swait.ge [sflag:s29], $0x2000  }
0x40: {  	[sflag:s29] =	ssyncset.done $0x0  }
0x41: {  	s17 =	simm.s32 $0x280;
	[sflag:s29] =	ssyncadd.s32 $0xFFFFE000  }
0x42: {  	[tilespmem:s25], [sflag:$0x2] =	stream.indirect.gather [hbm4b:s4+s24], $0x40, s17, s24, $0xb8;
	[tilespmem:$0x1B800] =	vst v63  }
0x43: {  	_ =	swait.ge [sflag:s3], $0x2000  }
0x44: {  	[sflag:s3] =	ssyncset.done $0x0  }
0x45: {  	s15 =	simm.s32 $0x300;
	[sflag:s3] =	ssyncadd.s32 $0xFFFFE000  }
0x46: {  	[tilespmem:s28], [sflag:$0x3] =	stream.indirect.gather [hbm4b:s4+s24], $0x40, s15, s24, $0xb8;
	[tilespmem:$0x1B800] =	vst v63  }
0x47: {  	_ =	swait.ge [sflag:s12], $0x2000  }
0x48: {  	[sflag:s12] =	ssyncset.done $0x0  }
0x49: {  	s17 =	simm.s32 $0x380;
	[sflag:s12] =	ssyncadd.s32 $0xFFFFE000  }
0x4a: {  	[tilespmem:s30], [sflag:$0x4] =	stream.indirect.gather [hbm4b:s4+s24], $0x40, s17, s24, $0xb8;
	[tilespmem:$0x1B800] =	vst v63  }
0x4b: {  	_ =	swait.ge [sflag:s31], $0x2000  }
0x4c: {  	[sflag:s31] =	ssyncset.done $0x0  }
0x4d: {  	s15 =	simm.s32 $0x4E00;
	[sflag:s31] =	ssyncadd.s32 $0xFFFFE000  }
0x4e: {  	[spmem:s1] =	stream.indirect.scatter.add.f32 [tilespmem:s21], [sflag:$0x5], $0x40, s15, s24, $0xb8;
	[tilespmem:$0x1B800] =	vst v63  }
0x4f: {  	_ =	swait.ge [sflag:s0], $0x2000  }
0x50: {  	[sflag:s0] =	ssyncset.done $0x0  }
0x51: {  	s17 =	simm.s32 $0x4E80;
	[sflag:s0] =	ssyncadd.s32 $0xFFFFE000  }
0x52: {  	[spmem:s1] =	stream.indirect.scatter.add.f32 [tilespmem:s25], [sflag:$0x6], $0x40, s17, s24, $0xb8;
	[tilespmem:$0x1B800] =	vst v63  }
0x53: {  	_ =	swait.ge [sflag:s11], $0x2000  }
0x54: {  	[sflag:s11] =	ssyncset.done $0x0  }
0x55: {  	s15 =	simm.s32 $0x4F00;
	[sflag:s11] =	ssyncadd.s32 $0xFFFFE000  }
0x56: {  	[spmem:s1] =	stream.indirect.scatter.add.f32 [tilespmem:s28], [sflag:$0x7], $0x40, s15, s24, $0xb8;
	[tilespmem:$0x1B800] =	vst v63  }
0x57: {  	_ =	swait.ge [sflag:s13], $0x2000  }
0x58: {  	[sflag:s13] =	ssyncset.done $0x0  }
0x59: {  	s17 =	simm.s32 $0x4F80;
	[sflag:s13] =	ssyncadd.s32 $0xFFFFE000  }
0x5a: {  	[spmem:s1] =	stream.indirect.scatter.add.f32 [tilespmem:s30], [sflag:$0x8], $0x40, s17, s24, $0xb8;
	[tilespmem:$0x1B800] =	vst v63  }
.LBB2_6:
0x5b: {  	_ =	swait.ge [sflag:s26], $0x2000  }
0x5c: {  	[sflag:s26] =	ssyncset.done $0x0  }
0x5d: {  	[sflag:s26] =	ssyncadd.s32 $0xFFFFE000  }
0x5e: {  	_ =	swait.ge [sflag:s29], $0x2000  }
0x5f: {  	[sflag:s29] =	ssyncset.done $0x0  }
0x60: {  	[sflag:s29] =	ssyncadd.s32 $0xFFFFE000  }
0x61: {  	_ =	swait.ge [sflag:s3], $0x2000  }
0x62: {  	[sflag:s3] =	ssyncset.done $0x0  }
0x63: {  	[sflag:s3] =	ssyncadd.s32 $0xFFFFE000  }
0x64: {  	_ =	swait.ge [sflag:s12], $0x2000  }
0x65: {  	[sflag:s12] =	ssyncset.done $0x0  }
0x66: {  	[sflag:s12] =	ssyncadd.s32 $0xFFFFE000  }
0x67: {  	[bflag:$0x0] =	sbarrier.arrive $0xFFFF  }
0x68: {  	[tilespmem:s21], [sflag:$0x9] =	stream.linear.gather [spmem:s6], $0x2000, $0x38;
	[tilespmem:$0x1B800] =	vst v63  }
0x69: {  	_ =	swait.ge [sflag:s22], $0x2000  }
0x6a: {  	[sflag:s22] =	ssyncset.done $0x0  }
0x6b: {  	[sflag:s22] =	ssyncadd.s32 $0xFFFFE000  }
0x6c: {  	[hbm4b:s16+s2] =	stream.linear.scatter [tilespmem:s21], [sflag:$0x9], $0x2000, $0x38;
	[tilespmem:$0x1B800] =	vst v63  }
0x6d: {  	_ =	swait.ge [sflag:s22], $0x2000  }
0x6e: {  	[sflag:s22] =	ssyncset.done $0x0  }
0x6f: {  	[sflag:s22] =	ssyncadd.s32 $0xFFFFE000  }
0x70: {  	[tilespmem:s25], [sflag:$0x9] =	stream.linear.gather [spmem:s7], $0x2000, $0x38;
	[tilespmem:$0x1B800] =	vst v63  }
0x71: {  	_ =	swait.ge [sflag:s22], $0x2000  }
0x72: {  	[sflag:s22] =	ssyncset.done $0x0  }
0x73: {  	s5 =	rddreg [dreg:$0x9];
	[sflag:s22] =	ssyncadd.s32 $0xFFFFE000  }
0x74: {  	[hbm4b:s5+s2] =	stream.linear.scatter [tilespmem:s25], [sflag:$0x9], $0x2000, $0x38;
	[tilespmem:$0x1B800] =	vst v63  }
0x75: {  	_ =	swait.ge [sflag:s22], $0x2000  }
0x76: {  	[sflag:s22] =	ssyncset.done $0x0  }
0x77: {  	[sflag:s22] =	ssyncadd.s32 $0xFFFFE000  }
0x78: {  	[tilespmem:s28], [sflag:$0x9] =	stream.linear.gather [spmem:s8], $0x2000, $0x38;
	[tilespmem:$0x1B800] =	vst v63  }
0x79: {  	_ =	swait.ge [sflag:s22], $0x2000  }
0x7a: {  	[sflag:s22] =	ssyncset.done $0x0  }
0x7b: {  	[sflag:s22] =	ssyncadd.s32 $0xFFFFE000  }
0x7c: {  	[hbm4b:s23+s2] =	stream.linear.scatter [tilespmem:s28], [sflag:$0x9], $0x2000, $0x38;
	[tilespmem:$0x1B800] =	vst v63  }
0x7d: {  	_ =	swait.ge [sflag:s22], $0x2000  }
0x7e: {  	[sflag:s22] =	ssyncset.done $0x0  }
0x7f: {  	[sflag:s22] =	ssyncadd.s32 $0xFFFFE000  }
0x80: {  	[tilespmem:s30], [sflag:$0x9] =	stream.linear.gather [spmem:s9], $0x2000, $0x38;
	[tilespmem:$0x1B800] =	vst v63  }
0x81: {  	_ =	swait.ge [sflag:s22], $0x2000  }
0x82: {  	[sflag:s22] =	ssyncset.done $0x0  }
0x83: {  	[sflag:s22] =	ssyncadd.s32 $0xFFFFE000  }
0x84: {  	[hbm4b:s18+s2] =	stream.linear.scatter [tilespmem:s30], [sflag:$0x9], $0x2000, $0x38;
	[tilespmem:$0x1B800] =	vst v63  }
0x85: {  	_ =	swait.ge [sflag:s22], $0x2000  }
0x86: {  	[sflag:s22] =	ssyncset.done $0x0  }
0x87: {  	[sflag:s22] =	ssyncadd.s32 $0xFFFFE000  }
0x88: {  	[tilespmem:s21], [sflag:$0x9] =	stream.linear.gather [spmem:s10], $0x2000, $0x38;
	[tilespmem:$0x1B800] =	vst v63  }
0x89: {  	s14 =	sadd.s32 $0x1, s14;
	_ =	swait.ge [sflag:s22], $0x2000  }
0x8a: {  	p1 =	sne.s32 s14, s20;
	[sflag:s22] =	ssyncset.done $0x0  }
.Ltmp1:
0x8b: {  	[sflag:s22] =	ssyncadd.s32 $0xFFFFE000;
	(pc) =	sbr.rel @!p1 .LBB2_7-.Ltmp1, $4  }
0x8c: {  	[hbm4b:s19+s2] =	stream.linear.scatter [tilespmem:s21], [sflag:$0x9], $0x2000, $0x38;
	[tilespmem:$0x1B800] =	vst v63  }
0x8d: {  	_ =	swait.ge [sflag:s22], $0x2000  }
0x8e: {  	[sflag:s22] =	ssyncset.done $0x0  }
0x8f: {  	[sflag:s22] =	ssyncadd.s32 $0xFFFFE000  }
.LBB2_1:
0x90: {  	s5 =	rddreg [dreg:$0x4]  }
0x91: {  	[tilespmem:s21], [sflag:$0x9] =	stream.linear.gather [hbm4b:s5+s2], $0x2000, $0x38;
	[tilespmem:$0x1B800] =	vst v63  }
0x92: {  	_ =	swait.ge [sflag:s22], $0x2000  }
0x93: {  	[sflag:s22] =	ssyncset.done $0x0  }
0x94: {  	[sflag:s22] =	ssyncadd.s32 $0xFFFFE000  }
0x95: {  	[spmem:s6] =	stream.linear.scatter [tilespmem:s21], [sflag:$0x9], $0x2000, $0x38;
	[tilespmem:$0x1B800] =	vst v63  }
0x96: {  	_ =	swait.ge [sflag:s22], $0x2000  }
0x97: {  	[sflag:s22] =	ssyncset.done $0x0  }
0x98: {  	[sflag:s22] =	ssyncadd.s32 $0xFFFFE000  }
0x99: {  	[spmem:s7] =	stream.linear.scatter [tilespmem:s21], [sflag:$0x9], $0x2000, $0x38;
	[tilespmem:$0x1B800] =	vst v63  }
0x9a: {  	_ =	swait.ge [sflag:s22], $0x2000  }
0x9b: {  	[sflag:s22] =	ssyncset.done $0x0  }
0x9c: {  	[sflag:s22] =	ssyncadd.s32 $0xFFFFE000  }
0x9d: {  	[spmem:s8] =	stream.linear.scatter [tilespmem:s21], [sflag:$0x9], $0x2000, $0x38;
	[tilespmem:$0x1B800] =	vst v63  }
0x9e: {  	_ =	swait.ge [sflag:s22], $0x2000  }
0x9f: {  	[sflag:s22] =	ssyncset.done $0x0  }
0xa0: {  	[sflag:s22] =	ssyncadd.s32 $0xFFFFE000  }
0xa1: {  	[spmem:s9] =	stream.linear.scatter [tilespmem:s21], [sflag:$0x9], $0x2000, $0x38;
	[tilespmem:$0x1B800] =	vst v63  }
0xa2: {  	_ =	swait.ge [sflag:s22], $0x2000  }
0xa3: {  	[sflag:s22] =	ssyncset.done $0x0  }
.Ltmp2:
0xa4: {  	[sflag:s22] =	ssyncadd.s32 $0xFFFFE000;
	(pc) =	sbr.rel @p0 .LBB2_5-.Ltmp2, $4  }
0xa5: {  	[spmem:s10] =	stream.linear.scatter [tilespmem:s21], [sflag:$0x9], $0x2000, $0x38;
	[tilespmem:$0x1B800] =	vst v63  }
0xa6: {  	_ =	swait.ge [sflag:s22], $0x2000  }
0xa7: {  	[sflag:s22] =	ssyncset.done $0x0  }
0xa8: {  	[sflag:s22] =	ssyncadd.s32 $0xFFFFE000  }
0xa9: {  	s5 =	simm.s32 $0x0;
	s15 =	rddreg [dreg:$0x5]  }
0xaa: {  	[tilespmem:s5], [sflag:$0x9] =	stream.linear.gather [hbm4b:s15+s5], $0x4C00, $0x38;
	[tilespmem:$0x1B800] =	vst v63  }
0xab: {  	_ =	swait.ge [sflag:s22], $0x4C00  }
0xac: {  	s17 =	smov.u32 s16;
	[sflag:s22] =	ssyncset.done $0x0  }
0xad: {  	s16 =	simm.s32 $0x4C00;
	s15 =	rddreg [dreg:$0x6];
	[sflag:s22] =	ssyncadd.s32 $0xFFFFB400  }
0xae: {  	[tilespmem:s16], [sflag:$0x9] =	stream.linear.gather [hbm4b:s15+s5], $0x4C00, $0x38;
	[tilespmem:$0x1B800] =	vst v63  }
0xaf: {  	_ =	swait.ge [sflag:s22], $0x4C00  }
0xb0: {  	[sflag:s22] =	ssyncset.done $0x0  }
0xb1: {  	[sflag:s22] =	ssyncadd.s32 $0xFFFFB400  }
0xb2: {  	[tilespmem:s21], [sflag:$0x1] =	stream.indirect.gather [hbm4b:s4+s24], $0x40, s5, s24, $0xb8;
	[tilespmem:$0x1B800] =	vst v63  }
0xb3: {  	_ = 	snop  }
0xb4: {  	[tilespmem:s25], [sflag:$0x2] =	stream.indirect.gather [hbm4b:s4+s24], $0x40, s24, s24, $0xb8;
	[tilespmem:$0x1B800] =	vst v63  }
0xb5: {  	s15 =	simm.s32 $0x100  }
0xb6: {  	[tilespmem:s28], [sflag:$0x3] =	stream.indirect.gather [hbm4b:s4+s24], $0x40, s15, s24, $0xb8;
	[tilespmem:$0x1B800] =	vst v63  }
0xb7: {  	s15 =	simm.s32 $0x180  }
0xb8: {  	[tilespmem:s30], [sflag:$0x4] =	stream.indirect.gather [hbm4b:s4+s24], $0x40, s15, s24, $0xb8;
	[tilespmem:$0x1B800] =	vst v63  }
0xb9: {  	_ =	swait.ge [sflag:s31], $0x2000  }
0xba: {  	[sflag:s31] =	ssyncset.done $0x0  }
0xbb: {  	[sflag:s31] =	ssyncadd.s32 $0xFFFFE000  }
0xbc: {  	[spmem:s1] =	stream.indirect.scatter.add.f32 [tilespmem:s21], [sflag:$0x5], $0x40, s16, s24, $0xb8;
	[tilespmem:$0x1B800] =	vst v63  }
0xbd: {  	_ =	swait.ge [sflag:s0], $0x2000  }
0xbe: {  	[sflag:s0] =	ssyncset.done $0x0  }
0xbf: {  	s15 =	simm.s32 $0x4C80;
	[sflag:s0] =	ssyncadd.s32 $0xFFFFE000  }
0xc0: {  	[spmem:s1] =	stream.indirect.scatter.add.f32 [tilespmem:s25], [sflag:$0x6], $0x40, s15, s24, $0xb8;
	[tilespmem:$0x1B800] =	vst v63  }
0xc1: {  	_ =	swait.ge [sflag:s11], $0x2000  }
0xc2: {  	[sflag:s11] =	ssyncset.done $0x0  }
0xc3: {  	s16 =	simm.s32 $0x4D00;
	[sflag:s11] =	ssyncadd.s32 $0xFFFFE000  }
0xc4: {  	[spmem:s1] =	stream.indirect.scatter.add.f32 [tilespmem:s28], [sflag:$0x7], $0x40, s16, s24, $0xb8;
	[tilespmem:$0x1B800] =	vst v63  }
0xc5: {  	_ =	swait.ge [sflag:s13], $0x2000  }
0xc6: {  	[sflag:s13] =	ssyncset.done $0x0  }
0xc7: {  	s15 =	simm.s32 $0x4D80;
	[sflag:s13] =	ssyncadd.s32 $0xFFFFE000  }
0xc8: {  	[spmem:s1] =	stream.indirect.scatter.add.f32 [tilespmem:s30], [sflag:$0x8], $0x40, s15, s24, $0xb8;
	[tilespmem:$0x1B800] =	vst v63  }
0xc9: {  	_ =	swait.ge [sflag:s26], $0x2000  }
0xca: {  	[sflag:s26] =	ssyncset.done $0x0  }
0xcb: {  	s16 =	simm.s32 $0x200;
	[sflag:s26] =	ssyncadd.s32 $0xFFFFE000  }
0xcc: {  	[tilespmem:s21], [sflag:$0x1] =	stream.indirect.gather [hbm4b:s4+s24], $0x40, s16, s24, $0xb8;
	[tilespmem:$0x1B800] =	vst v63  }
0xcd: {  	_ =	swait.ge [sflag:s29], $0x2000  }
0xce: {  	[sflag:s29] =	ssyncset.done $0x0  }
0xcf: {  	s15 =	simm.s32 $0x280;
	[sflag:s29] =	ssyncadd.s32 $0xFFFFE000  }
0xd0: {  	[tilespmem:s25], [sflag:$0x2] =	stream.indirect.gather [hbm4b:s4+s24], $0x40, s15, s24, $0xb8;
	[tilespmem:$0x1B800] =	vst v63  }
0xd1: {  	_ =	swait.ge [sflag:s3], $0x2000  }
0xd2: {  	[sflag:s3] =	ssyncset.done $0x0  }
0xd3: {  	s16 =	simm.s32 $0x300;
	[sflag:s3] =	ssyncadd.s32 $0xFFFFE000  }
0xd4: {  	[tilespmem:s28], [sflag:$0x3] =	stream.indirect.gather [hbm4b:s4+s24], $0x40, s16, s24, $0xb8;
	[tilespmem:$0x1B800] =	vst v63  }
0xd5: {  	_ =	swait.ge [sflag:s12], $0x2000  }
0xd6: {  	[sflag:s12] =	ssyncset.done $0x0  }
0xd7: {  	s15 =	simm.s32 $0x380;
	[sflag:s12] =	ssyncadd.s32 $0xFFFFE000  }
0xd8: {  	[tilespmem:s30], [sflag:$0x4] =	stream.indirect.gather [hbm4b:s4+s24], $0x40, s15, s24, $0xb8;
	[tilespmem:$0x1B800] =	vst v63  }
0xd9: {  	_ =	swait.ge [sflag:s31], $0x2000  }
0xda: {  	[sflag:s31] =	ssyncset.done $0x0  }
0xdb: {  	s16 =	simm.s32 $0x4E00;
	[sflag:s31] =	ssyncadd.s32 $0xFFFFE000  }
0xdc: {  	[spmem:s1] =	stream.indirect.scatter.add.f32 [tilespmem:s21], [sflag:$0x5], $0x40, s16, s24, $0xb8;
	[tilespmem:$0x1B800] =	vst v63  }
0xdd: {  	_ =	swait.ge [sflag:s0], $0x2000  }
0xde: {  	[sflag:s0] =	ssyncset.done $0x0  }
0xdf: {  	s15 =	simm.s32 $0x4E80;
	[sflag:s0] =	ssyncadd.s32 $0xFFFFE000  }
0xe0: {  	[spmem:s1] =	stream.indirect.scatter.add.f32 [tilespmem:s25], [sflag:$0x6], $0x40, s15, s24, $0xb8;
	[tilespmem:$0x1B800] =	vst v63  }
0xe1: {  	_ =	swait.ge [sflag:s11], $0x2000  }
0xe2: {  	[sflag:s11] =	ssyncset.done $0x0  }
0xe3: {  	s16 =	simm.s32 $0x4F00;
	[sflag:s11] =	ssyncadd.s32 $0xFFFFE000  }
0xe4: {  	[spmem:s1] =	stream.indirect.scatter.add.f32 [tilespmem:s28], [sflag:$0x7], $0x40, s16, s24, $0xb8;
	[tilespmem:$0x1B800] =	vst v63  }
0xe5: {  	_ =	swait.ge [sflag:s13], $0x2000  }
0xe6: {  	[sflag:s13] =	ssyncset.done $0x0  }
0xe7: {  	s5 =	simm.s32 $0x800;
	s15 =	simm.s32 $0x4F80;
	[sflag:s13] =	ssyncadd.s32 $0xFFFFE000  }
.LBB2_3:
0xe8: {  	[spmem:s1] =	stream.indirect.scatter.add.f32 [tilespmem:s30], [sflag:$0x8], $0x40, s15, s24, $0xb8;
	[tilespmem:$0x1B800] =	vst v63  }
0xe9: {  	s15 =	smov.u32 s5  }
0xea: {  	p1 =	seq.s32 s5, $0x12000;
	s5 =	sadd.s32 $0x800, s5;
	_ =	swait.ge [sflag:s26], $0x2000  }
0xeb: {  	s15 =	sshra.s32 s15, $0x2;
	[sflag:s26] =	ssyncset.done $0x0  }
0xec: {  	s16 =	sadd.s32 $0x200, s15;
	[sflag:s26] =	ssyncadd.s32 $0xFFFFE000  }
0xed: {  	[tilespmem:s21], [sflag:$0x1] =	stream.indirect.gather [hbm4b:s4+s24], $0x40, s16, s24, $0xb8;
	[tilespmem:$0x1B800] =	vst v63  }
0xee: {  	_ =	swait.ge [sflag:s29], $0x2000  }
0xef: {  	[sflag:s29] =	ssyncset.done $0x0  }
0xf0: {  	s16 =	sadd.s32 $0x280, s15;
	[sflag:s29] =	ssyncadd.s32 $0xFFFFE000  }
0xf1: {  	[tilespmem:s25], [sflag:$0x2] =	stream.indirect.gather [hbm4b:s4+s24], $0x40, s16, s24, $0xb8;
	[tilespmem:$0x1B800] =	vst v63  }
0xf2: {  	_ =	swait.ge [sflag:s3], $0x2000  }
0xf3: {  	[sflag:s3] =	ssyncset.done $0x0  }
0xf4: {  	s16 =	sadd.s32 $0x300, s15;
	[sflag:s3] =	ssyncadd.s32 $0xFFFFE000  }
0xf5: {  	[tilespmem:s28], [sflag:$0x3] =	stream.indirect.gather [hbm4b:s4+s24], $0x40, s16, s24, $0xb8;
	[tilespmem:$0x1B800] =	vst v63  }
0xf6: {  	_ =	swait.ge [sflag:s12], $0x2000  }
0xf7: {  	[sflag:s12] =	ssyncset.done $0x0  }
0xf8: {  	s16 =	sadd.s32 $0x380, s15;
	[sflag:s12] =	ssyncadd.s32 $0xFFFFE000  }
0xf9: {  	[tilespmem:s30], [sflag:$0x4] =	stream.indirect.gather [hbm4b:s4+s24], $0x40, s16, s24, $0xb8;
	[tilespmem:$0x1B800] =	vst v63  }
0xfa: {  	_ =	swait.ge [sflag:s31], $0x2000  }
0xfb: {  	[sflag:s31] =	ssyncset.done $0x0  }
0xfc: {  	s16 =	sadd.s32 $0x4E00, s15;
	[sflag:s31] =	ssyncadd.s32 $0xFFFFE000  }
0xfd: {  	[spmem:s1] =	stream.indirect.scatter.add.f32 [tilespmem:s21], [sflag:$0x5], $0x40, s16, s24, $0xb8;
	[tilespmem:$0x1B800] =	vst v63  }
0xfe: {  	_ =	swait.ge [sflag:s0], $0x2000  }
0xff: {  	[sflag:s0] =	ssyncset.done $0x0  }
0x100: {  	s16 =	sadd.s32 $0x4E80, s15;
	[sflag:s0] =	ssyncadd.s32 $0xFFFFE000  }
0x101: {  	[spmem:s1] =	stream.indirect.scatter.add.f32 [tilespmem:s25], [sflag:$0x6], $0x40, s16, s24, $0xb8;
	[tilespmem:$0x1B800] =	vst v63  }
0x102: {  	_ =	swait.ge [sflag:s11], $0x2000  }
0x103: {  	[sflag:s11] =	ssyncset.done $0x0  }
.Ltmp3:
0x104: {  	s16 =	sadd.s32 $0x4F00, s15;
	[sflag:s11] =	ssyncadd.s32 $0xFFFFE000;
	(pc) =	sbr.rel @!p1 .LBB2_3-.Ltmp3, $4  }
0x105: {  	[spmem:s1] =	stream.indirect.scatter.add.f32 [tilespmem:s28], [sflag:$0x7], $0x40, s16, s24, $0xb8;
	[tilespmem:$0x1B800] =	vst v63  }
0x106: {  	_ =	swait.ge [sflag:s13], $0x2000  }
0x107: {  	[sflag:s13] =	ssyncset.done $0x0  }
0x108: {  	s15 =	sadd.s32 $0x4F80, s15;
	[sflag:s13] =	ssyncadd.s32 $0xFFFFE000  }
.Ltmp4:
0x109: {  	(pc) =	sbr.rel .LBB2_6-.Ltmp4, $3  }
0x10a: {  	_ =	sdelay $0x1  }
0x10b: {  	[spmem:s1] =	stream.indirect.scatter.add.f32 [tilespmem:s30], [sflag:$0x8], $0x40, s15, s24, $0xb8;
	[tilespmem:$0x1B800] =	vst v63  }
0x10c: {  	s16 =	smov.u32 s17  }
.LBB2_7:
0x10d: {  	_ =	sfence.sel $0x180000  }
0x10e: {  	[bflag:$0x0] =	sbarrier.arrive $0xFFFF  }
0x10f: {  	_ =	strace $0x9000004A  }
0x110: {  	s0 =	stileid.u32;
	[bflag:$0x2] =	sbarrier.arrive $0xFFFF  }
0x111: {  	p0 =	sne.s32 s0, $0x0;
	s0 =	rddreg [dreg:$0x3]  }
0x112: {  	s0 =	sadd.s32 @!p0 $0x100000, s0  }
0x113: {  	[sflag:s0] =	ssyncadd.tile.s32 @!p0 $0x1;
	_ =	shalt  }
.Lfunc_end2:
_tile_overlayer_lowered:
.L_overlay_start_2:
0x114: {  	(tag) =	ssettag $0x2  }
0x115: {  	s0 =	rddreg [dreg:$0x0];
	s2 =	stileid.u32  }
0x116: {  	s1 =	rddreg [dreg:$0x1];
	p0 =	sne.s32 s2, $0x0  }
0x117: {  	s3 =	rddreg [dreg:$0x2];
	[bflag:$0x3] =	sbarrier.arrive $0xFFFF;
	s2 =	simm.s32 @!p0 $0x1C09  }
0x118: {  	[timem:s3], [sflag:s2] =	dma.local @!p0 [hbm:s0], s1  }
0x119: {  	s0 =	simm.s32 @!p0 $0x9  }
0x11a: {  	_ =	swait.ge @!p0 [sflag:s0], s1  }
0x11b: {  	s1 =	ssub.s32 @!p0 $0x0, s1;
	[sflag:s0] =	ssyncset.done @!p0 $0x0  }
0x11c: {  	[sflag:s0] =	ssyncadd.s32 @!p0 s1  }
0x11d: {  	[bflag:$0x3] =	sbarrier.arrive $0xFFFF  }
0x11e: {  	_ =	shalt  }

// kernel: kernel.20.cloned.1.call-start
scs
__scs_entry_jumppad:
0x0: {  	(pc) =	sbr.rel $0x88, $3  }
0x1: {  	(tag) =	ssettag $0x0;
	lr =	simm.s32 $0x1  }
0x2: {  	[smem:$0x3F99] =	sst lr;
	_ =	strace $0xD0000000  }
0x3: {  	_ = 	snop  }
0x4: {  	_ = 	snop  }
0x5: {  	_ = 	snop  }
0x6: {  	_ = 	snop  }
0x7: {  	_ = 	snop  }
__scs_overlays_trampoline_lowered:
0x8: {  	[smem:$0x3FA8] =	sst s0  }
0x9: {  	[smem:$0x3FA9] =	sst s1  }
0xa: {  	[smem:$0x3FAA] =	sst s2  }
0xb: {  	[smem:$0x3FAB] =	sst s3  }
0xc: {  	[smem:$0x3FAC] =	sst s4  }
0xd: {  	[smem:$0x3FAD] =	sst s5  }
0xe: {  	[smem:$0x3FAE] =	sst s6  }
0xf: {  	[smem:$0x3FAF] =	sst s7  }
0x10: {  	[smem:$0x3FB0] =	sst s8  }
0x11: {  	[smem:$0x3FB1] =	sst s9;
	s0 =	simm.s32 @!p0 $0x0  }
0x12: {  	s1 =	sld [smem:$0x3F97];
	s0 =	simm.s32 @p0 $0x1  }
0x13: {  	[smem:$0x3FB2] =	sst s0;
	s0 =	simm.s32 @!p1 $0x0  }
0x14: {  	s2 =	sld [smem:$0x3F96];
	s0 =	simm.s32 @p1 $0x1  }
0x15: {  	[smem:$0x3FB3] =	sst s0;
	s0 =	simm.s32 @!p2 $0x0  }
0x16: {  	s3 =	sld [smem:$0x3FDB];
	s0 =	simm.s32 @p2 $0x1  }
0x17: {  	s4 =	simm.s32 $0x1BF5;
	[smem:$0x3FB5] =	sst s0  }
0x18: {  	s0 =	sld [smem:$0x3F98];
	_ =	swait.ge [sflag:s4], $0x0  }
0x19: {  	s7 =	sld [smem:$0x3F99]  }
0x1a: {  	s8 =	sadd.s32 $0xFFFFE003, lr  }
0x1b: {  	s9 =	sadd.s32 $0xFFFFFEF7, lr;
	s5 =	simm.s32 $0xFFFFFFFF;
	p2 =	slt.u32 s8, $0xFFFFF086  }
0x1c: {  	p1 =	slt.u32 s9, $0xF7A;
	s5 =	simm.s32 @!p2 $0x0  }
0x1d: {  	s5 =	simm.s32 @p1 $0x1;
	p0 =	seq.s32 s7, s2  }
0x1e: {  	s7 =	smul.u32 @!p0 $0xF7A, s2;
	p2 =	seq.s32 @!p0 s5, $0x0  }
0x1f: {  	s9 =	smul.u32 $0xF7A, s1;
	s8 =	simm.s32 @!p0 $0x1BF5;
	p2 =	por !p2, p0  }
0x20: {  	[sflag:s8] =	ssyncset.s32 @!p0 $0xFFFFF086;
	s6 =	sadd.s32 @!p0 s3, s7;
	s7 =	simm.s32 @!p0 $0x108  }
0x21: {  	s3 =	sadd.s32 s3, s9;
	s6 =	sadd.s32 @!p0 $0x88, s6;
	s7 =	simm.s32 @p2 $0x1082  }
0x22: {  	[simem:s7], [sflag:s8] =	dma.local @!p0 [hbm:s6], $0xF7A  }
0x23: {  	s9 =	sor.u32 $0xD0000000, s2;
	s6 =	simm.s32 $0x108;
	_ =	swait.ge @!p0 [sflag:s8], $0x0  }
0x24: {  	s3 =	sadd.s32 $0x88, s3;
	s6 =	simm.s32 @!p1 $0x1082;
	[sflag:s4] =	ssyncset.s32 $0xFFFFF086  }
0x25: {  	[simem:s6], [sflag:s4] =	dma.local [hbm:s3], $0xF7A  }
0x26: {  	[smem:$0x3F99] =	sst s1;
	(tag) =	ssettag s2;
	_ =	strace s9  }
0x27: {  	s1 =	sld [smem:$0x3FA9]  }
0x28: {  	s2 =	sld [smem:$0x3FAA]  }
0x29: {  	s4 =	sld [smem:$0x3FAC]  }
0x2a: {  	p0 =	seq.s32 s5, $0x0;
	s5 =	sld [smem:$0x3FAD]  }
0x2b: {  	s6 =	sld [smem:$0x3FAE]  }
0x2c: {  	s7 =	sld [smem:$0x3FAF]  }
0x2d: {  	s3 =	simm.s32 $0x108;
	s8 =	sld [smem:$0x3FB0]  }
0x2e: {  	s3 =	simm.s32 @!p0 $0x1082;
	s9 =	sld [smem:$0x3FB1]  }
0x2f: {  	lr =	sadd.s32 s0, s3;
	s0 =	sld [smem:$0x3FA8]  }
0x30: {  	s3 =	sld [smem:$0x3FAB]  }
0x31: {  	[smem:$0x3FB4] =	sst s10  }
0x32: {  	s10 =	sld [smem:$0x3FB2];
	_ =	sdelay $0x3  }
0x33: {  	p0 =	seq.s32 s10, $0x1;
	s10 =	sld [smem:$0x3FB4];
	_ =	sdelay $0x3  }
0x34: {  	[smem:$0x3FB4] =	sst s10  }
0x35: {  	s10 =	sld [smem:$0x3FB3];
	_ =	sdelay $0x3  }
0x36: {  	p1 =	seq.s32 s10, $0x1;
	s10 =	sld [smem:$0x3FB4];
	_ =	sdelay $0x3  }
0x37: {  	[smem:$0x3FB4] =	sst s10  }
0x38: {  	s10 =	sld [smem:$0x3FB5]  }
0x39: {  	_ = 	snop;
	(pc) =	sbr.ind lr, $3  }
0x3a: {  	_ = 	snop  }
0x3b: {  	_ = 	snop  }
0x3c: {  	p2 =	seq.s32 s10, $0x1;
	s10 =	sld [smem:$0x3FB4]  }
0x3d: {  	_ =	shalt  }
0x3e: {  	_ =	shalt  }
0x3f: {  	_ =	shalt  }
0x40: {  	_ =	shalt  }
0x41: {  	_ =	shalt  }
0x42: {  	_ =	shalt  }
0x43: {  	_ =	shalt  }
0x44: {  	_ =	shalt  }
0x45: {  	_ =	shalt  }
0x46: {  	_ =	shalt  }
0x47: {  	_ =	shalt  }
0x48: {  	_ =	shalt  }
0x49: {  	_ =	shalt  }
0x4a: {  	_ =	shalt  }
0x4b: {  	_ =	shalt  }
0x4c: {  	_ =	shalt  }
0x4d: {  	_ =	shalt  }
0x4e: {  	_ =	shalt  }
0x4f: {  	_ =	shalt  }
0x50: {  	_ =	shalt  }
0x51: {  	_ =	shalt  }
0x52: {  	_ =	shalt  }
0x53: {  	_ =	shalt  }
0x54: {  	_ =	shalt  }
0x55: {  	_ =	shalt  }
0x56: {  	_ =	shalt  }
0x57: {  	_ =	shalt  }
0x58: {  	_ =	shalt  }
0x59: {  	_ =	shalt  }
0x5a: {  	_ =	shalt  }
0x5b: {  	_ =	shalt  }
0x5c: {  	_ =	shalt  }
0x5d: {  	_ =	shalt  }
0x5e: {  	_ =	shalt  }
0x5f: {  	_ =	shalt  }
0x60: {  	_ =	shalt  }
0x61: {  	_ =	shalt  }
0x62: {  	_ =	shalt  }
0x63: {  	_ =	shalt  }
0x64: {  	_ =	shalt  }
0x65: {  	_ =	shalt  }
0x66: {  	_ =	shalt  }
0x67: {  	_ =	shalt  }
0x68: {  	_ =	shalt  }
0x69: {  	_ =	shalt  }
0x6a: {  	_ =	shalt  }
0x6b: {  	_ =	shalt  }
0x6c: {  	_ =	shalt  }
0x6d: {  	_ =	shalt  }
0x6e: {  	_ =	shalt  }
0x6f: {  	_ =	shalt  }
0x70: {  	_ =	shalt  }
0x71: {  	_ =	shalt  }
0x72: {  	_ =	shalt  }
0x73: {  	_ =	shalt  }
0x74: {  	_ =	shalt  }
0x75: {  	_ =	shalt  }
0x76: {  	_ =	shalt  }
0x77: {  	_ =	shalt  }
0x78: {  	_ =	shalt  }
0x79: {  	_ =	shalt  }
0x7a: {  	_ =	shalt  }
0x7b: {  	_ =	shalt  }
0x7c: {  	_ =	shalt  }
0x7d: {  	_ =	shalt  }
0x7e: {  	_ =	shalt  }
0x7f: {  	_ =	shalt  }
0x80: {  	_ =	shalt  }
0x81: {  	_ =	shalt  }
0x82: {  	_ =	shalt  }
0x83: {  	_ =	shalt  }
0x84: {  	_ =	shalt  }
0x85: {  	_ =	shalt  }
0x86: {  	_ =	shalt  }
0x87: {  	_ =	shalt  }
.Lfunc_end0:
.L_simem_size_0:
called_computation.3_lowered:
.L_overlay_start_0:
0x88: {  	s2 =	sld [smem:$0x3FD9]  }
0x89: {  	s3 =	sld [smem:$0x3FFE];
	_ =	sdelay $0x1  }
0x8a: {  	s1 =	srdreg.scid  }
0x8b: {  	s0 =	sand.u32 $0x1, s1  }
0x8c: {  	s17 =	sshll.u32 s0, $0xA;
	s2 =	sadd.s32 s3, s2  }
0x8d: {  	s2 =	sadd.s32 s2, s17  }
0x8e: {  	[smem:$0x3FC0] =	sst s2  }
0x8f: {  	_ = 	snop  }
0x90: {  	s2 =	sld [smem:$0x3FD0];
	(tm) =	ssettm $0x1  }
0x91: {  	s18 =	sld [smem:$0x3FFB];
	_ =	sdelay $0x3  }
0x92: {  	_ =	strace s18  }
0x93: {  	s3 =	sld [smem:$0x3FFC];
	_ =	sdelay $0x3  }
0x94: {  	_ =	strace s3  }
0x95: {  	s3 =	sld [smem:$0x3FFD];
	_ =	sdelay $0x3  }
0x96: {  	_ =	strace s3  }
0x97: {  	_ =	strace $0x8FFFFFFF  }
0x98: {  	s19 =	sld [smem:$0x3FDB];
	_ =	sdelay $0x1  }
0x99: {  	s4 =	simm.s32 $_scs_section_size  }
0x9a: {  	s5 =	simm.s32 $_size__tile_overlayer_lowered;
	s6 =	simm.s32 $_tile_overlayer_lowered  }
0x9b: {  	s22 =	simm.s32 $0x1BFF;
	s21 =	sshll.u32 s6, $0x1;
	s3 =	sadd.s32 s4, s19  }
0x9c: {  	s7 =	simm.s32 $0x0;
	s20 =	sshll.u32 s5, $0x1;
	s5 =	sadd.s32 s21, s3  }
0x9d: {  	[timem:s7], [sflag:s22] =	dma.local [hbm:s5], s20  }
0x9e: {  	_ =	swait.ge [sflag:s22], s20  }
0x9f: {  	s4 =	ssub.s32 $0x0, s20;
	[sflag:s22] =	ssyncset.done $0x0  }
0xa0: {  	[sflag:s22] =	ssyncadd.s32 s4;
	_ =	sdelay $0x1  }
0xa1: {  	s23 =	simm.s32 $0x1B8B  }
0xa2: {  	_ =	swait.ge [sflag:s23], $0x1  }
0xa3: {  	[sflag:s23] =	ssyncset.done $0x0  }
0xa4: {  	s25 =	simm.s32 $0x1B8E;
	s24 =	sld [smem:$0x3FFE];
	[sflag:s23] =	ssyncadd.s32 $0xFFFFFFFF  }
0xa5: {  	s26 =	simm.s32 $execute0_lowered;
	[smem:$0x3FD2] =	sst s25  }
0xa6: {  	s5 =	sshll.u32 s26, $0x1;
	_ =	strace $0x8000004F;
	[dreg:$0x1] =	wrdreg $0xFFFFFFFF  }
0xa7: {  	s28 =	simm.s32 $_size_execute0_lowered;
	s3 =	sadd.s32 s3, s5;
	[dreg:$0x0] =	wrdreg $0x0  }
0xa8: {  	s5 =	sshll.u32 s28, $0x1;
	[dreg:$0x2] =	wrdreg s3  }
0xa9: {  	[dreg:$0x3] =	wrdreg s5  }
0xaa: {  	[dreg:$0x4] =	wrdreg $0xC0  }
0xab: {  	_ =	task [dreg:s7], $0x5FFFF  }
0xac: {  	[dreg:$0x1] =	wrdreg $0xFFFFFFFF  }
0xad: {  	[dreg:$0x0] =	wrdreg $0x60  }
0xae: {  	[dreg:$0x2] =	wrdreg s24  }
0xaf: {  	[dreg:$0x3] =	wrdreg s2  }
0xb0: {  	[dreg:$0x4] =	wrdreg $0x118000  }
0xb1: {  	[dreg:$0x5] =	wrdreg $0x9  }
0xb2: {  	_ =	task.clear_ibuf [dreg:s7], $0x6FFFF;
	_ =	strace $0x9000004F  }
0xb3: {  	s29 =	simm.s32 $0x9;
	_ =	strace $0x80000051  }
0xb4: {  	_ =	swait.ge [sflag:s29], $0x1  }
0xb5: {  	[sflag:s29] =	ssyncadd.s32 $0xFFFFFFFF  }
0xb6: {  	_ =	strace $0x90000051  }
0xb7: {  	_ =	sfence  }
0xb8: {  	s30 =	sld [smem:$0x0];
	_ =	sdelay $0x2  }
0xb9: {  	s31 =	sshll.u32 s1, $0xD;
	s1 =	sshrl.u32 s1, $0x2  }
0xba: {  	s3 =	sand.u32 $0x4000, s31;
	s1 =	sadd.s32 s1, s30  }
0xbb: {  	s0 =	sor.u32 s3, s0;
	s1 =	sshll.u32 s1, $0x11  }
0xbc: {  	s0 =	sor.u32 s1, s0  }
0xbd: {  	s0 =	sadd.s32 $0x8F2B, s0  }
0xbe: {  	[sflag:s0] =	ssyncadd.remote.s32 $0x1  }
0xbf: {  	_ =	sfence.sel $0xFFFF  }
0xc0: {  	[dreg:$0x0] =	wrdreg $0xFFFFFFFF;
	(pc) =	sbr.abs _section_cstart, $3  }
0xc1: {  	[dreg:$0x1] =	wrdreg $0xFFFFFFFF  }
0xc2: {  	_ =	task.clear_ibuf [dreg:s7], $0x2FFFF;
	_ =	strace $0x9FFFFFFF  }
0xc3: {  	(tm) =	ssettm $0x7FFFFFFF  }
tec
execute0_lowered:
.L_overlay_start_1:
0x0: {  	(tag) =	ssettag $0x1  }
0x1: {  	s0 =	rddreg [dreg:$0x0]  }
0x2: {  	s3 =	rddreg [dreg:$0x1]  }
0x3: {  	s1 =	rddreg [dreg:$0x2];
	s2 =	simm.s32 $0x0  }
0x4: {  	s4 =	srdreg.scid;
	s19 =	stileid.u32;
	s28 =	simm.s32 $0xD800  }
0x5: {  	s30 =	simm.s32 $0xF800;
	s31 =	simm.s32 $0x1;
	s29 =	simm.s32 $0x6  }
0x6: {  	[smem:$0x7FF] =	sst s2;
	s5 =	sand.u32 $0x1, s4;
	s4 =	sadd.s32 $0x16C00, s0  }
0x7: {  	s11 =	sadd.s32 $0xCC00, s0;
	s12 =	smul.u32 $0xA000, s19;
	s8 =	sadd.s32 $0x2C00, s0  }
0x8: {  	s0 =	sadd.s32 $0x2AC00, s0;
	s16 =	smul.u32 $0x980, s19;
	s21 =	sshll.u32 s19, $0x7  }
0x9: {  	_ =	strace $0x80000050;
	s6 =	ssub.s32 $0x2, s5;
	[dreg:$0x4] =	wrdreg s8  }
0xa: {  	p0 =	seq.s32 s5, $0x1;
	s5 =	smul.u32 $0xA0000, s5;
	s7 =	sshrl.u32 s6, $0x1  }
0xb: {  	s14 =	sadd.s32 $0x2000, s12;
	s15 =	sadd.s32 $0x4000, s12;
	s17 =	sadd.s32 $0x6000, s12  }
0xc: {  	s18 =	sadd.s32 $0x8000, s12;
	s20 =	sadd.s32 s11, s16;
	s16 =	sadd.s32 s3, s16  }
0xd: {  	s13 =	ssub.s32 s6, s7;
	s6 =	sadd.s32 s12, s1;
	s7 =	sadd.s32 s14, s1  }
0xe: {  	s8 =	sadd.s32 s15, s1;
	s9 =	sadd.s32 s17, s1;
	[dreg:$0x5] =	wrdreg s20  }
0xf: {  	s10 =	sadd.s32 s18, s1;
	[dreg:$0x6] =	wrdreg s16;
	s16 =	sor.u32 $0x9800, s21  }
0x10: {  	s12 =	sadd.s32 s12, s5;
	s14 =	sadd.s32 s5, s14;
	s25 =	sadd.s32 s5, s15  }
0x11: {  	s26 =	sadd.s32 s5, s17;
	s5 =	sadd.s32 s5, s18;
	s21 =	simm.s32 $0x9800  }
0x12: {  	s11 =	sadd.s32 s11, s16;
	s22 =	sshrl.u32 s12, $0x3;
	s23 =	sshrl.u32 s14, $0x3  }
0x13: {  	s3 =	sadd.s32 s3, s16;
	s5 =	sshrl.u32 s5, $0x3;
	s20 =	smax.u32 s13, $0x1  }
0x14: {  	s13 =	simm.s32 $0x4;
	s12 =	simm.s32 $0x8;
	[dreg:$0x7] =	wrdreg s11  }
0x15: {  	s14 =	simm.s32 $0x0;
	[dreg:$0x8] =	wrdreg s3;
	s16 =	sadd.s32 s0, s22  }
.Ltmp0:
0x16: {  	s24 =	sadd.s32 s0, s23;
	s3 =	sshrl.u32 s25, $0x3;
	(pc) =	sbr.rel .LBB2_1-.Ltmp0, $4  }
0x17: {  	s11 =	sshrl.u32 s26, $0x3;
	s19 =	sadd.s32 s0, s5;
	s22 =	simm.s32 $0x9  }
0x18: {  	s25 =	simm.s32 $0xB800;
	s26 =	simm.s32 $0x5;
	[dreg:$0x9] =	wrdreg s24  }
0x19: {  	s23 =	sadd.s32 s0, s3;
	s18 =	sadd.s32 s0, s11;
	s24 =	simm.s32 $0x80  }
0x1a: {  	s0 =	simm.s32 $0x2;
	s11 =	simm.s32 $0x3;
	s3 =	simm.s32 $0x7  }
.LBB2_5:
0x1b: {  	s5 =	rddreg [dreg:$0x7]  }
0x1c: {  	[tilespmem:s2], [sflag:$0x9] =	stream.linear.gather [hbm4b:s5+s2], $0x400, $0x38;
	[tilespmem:$0x1B800] =	vst v63  }
0x1d: {  	_ =	swait.ge [sflag:s22], $0x400  }
0x1e: {  	[sflag:s22] =	ssyncset.done $0x0  }
0x1f: {  	s17 =	simm.s32 $0x4C00;
	s15 =	rddreg [dreg:$0x8];
	[sflag:s22] =	ssyncadd.s32 $0xFFFFFC00  }
0x20: {  	[tilespmem:s17], [sflag:$0x9] =	stream.linear.gather [hbm4b:s15+s2], $0x400, $0x38;
	[tilespmem:$0x1B800] =	vst v63  }
0x21: {  	_ =	swait.ge [sflag:s22], $0x400  }
0x22: {  	[sflag:s22] =	ssyncset.done $0x0  }
0x23: {  	[sflag:s22] =	ssyncadd.s32 $0xFFFFFC00  }
0x24: {  	[tilespmem:s21], [sflag:$0x1] =	stream.indirect.gather [hbm4b:s4+s24], $0x40, s2, s24, $0xb8;
	[tilespmem:$0x1B800] =	vst v63  }
0x25: {  	_ = 	snop  }
0x26: {  	[tilespmem:s25], [sflag:$0x2] =	stream.indirect.gather [hbm4b:s4+s24], $0x40, s24, s24, $0xb8;
	[tilespmem:$0x1B800] =	vst v63  }
0x27: {  	s15 =	simm.s32 $0x100  }
0x28: {  	[tilespmem:s28], [sflag:$0x3] =	stream.indirect.gather [hbm4b:s4+s24], $0x40, s15, s24, $0xb8;
	[tilespmem:$0x1B800] =	vst v63  }
0x29: {  	s15 =	simm.s32 $0x180  }
0x2a: {  	[tilespmem:s30], [sflag:$0x4] =	stream.indirect.gather [hbm4b:s4+s24], $0x40, s15, s24, $0xb8;
	[tilespmem:$0x1B800] =	vst v63  }
0x2b: {  	_ =	swait.ge [sflag:s31], $0x2000  }
0x2c: {  	[sflag:s31] =	ssyncset.done $0x0  }
0x2d: {  	[sflag:s31] =	ssyncadd.s32 $0xFFFFE000  }
0x2e: {  	[spmem:s1] =	stream.indirect.scatter.add.f32 [tilespmem:s21], [sflag:$0x5], $0x40, s17, s24, $0xb8;
	[tilespmem:$0x1B800] =	vst v63  }
0x2f: {  	_ =	swait.ge [sflag:s0], $0x2000  }
0x30: {  	[sflag:s0] =	ssyncset.done $0x0  }
0x31: {  	s17 =	simm.s32 $0x4C80;
	[sflag:s0] =	ssyncadd.s32 $0xFFFFE000  }
0x32: {  	[spmem:s1] =	stream.indirect.scatter.add.f32 [tilespmem:s25], [sflag:$0x6], $0x40, s17, s24, $0xb8;
	[tilespmem:$0x1B800] =	vst v63  }
0x33: {  	_ =	swait.ge [sflag:s11], $0x2000  }
0x34: {  	[sflag:s11] =	ssyncset.done $0x0  }
0x35: {  	s15 =	simm.s32 $0x4D00;
	[sflag:s11] =	ssyncadd.s32 $0xFFFFE000  }
0x36: {  	[spmem:s1] =	stream.indirect.scatter.add.f32 [tilespmem:s28], [sflag:$0x7], $0x40, s15, s24, $0xb8;
	[tilespmem:$0x1B800] =	vst v63  }
0x37: {  	_ =	swait.ge [sflag:s13], $0x2000  }
0x38: {  	[sflag:s13] =	ssyncset.done $0x0  }
0x39: {  	s17 =	simm.s32 $0x4D80;
	[sflag:s13] =	ssyncadd.s32 $0xFFFFE000  }
0x3a: {  	[spmem:s1] =	stream.indirect.scatter.add.f32 [tilespmem:s30], [sflag:$0x8], $0x40, s17, s24, $0xb8;
	[tilespmem:$0x1B800] =	vst v63  }
0x3b: {  	_ =	swait.ge [sflag:s26], $0x2000  }
0x3c: {  	[sflag:s26] =	ssyncset.done $0x0  }
0x3d: {  	s15 =	simm.s32 $0x200;
	[sflag:s26] =	ssyncadd.s32 $0xFFFFE000  }
0x3e: {  	[tilespmem:s21], [sflag:$0x1] =	stream.indirect.gather [hbm4b:s4+s24], $0x40, s15, s24, $0xb8;
	[tilespmem:$0x1B800] =	vst v63  }
0x3f: {  	_ =	swait.ge [sflag:s29], $0x2000  }
0x40: {  	[sflag:s29] =	ssyncset.done $0x0  }
0x41: {  	s17 =	simm.s32 $0x280;
	[sflag:s29] =	ssyncadd.s32 $0xFFFFE000  }
0x42: {  	[tilespmem:s25], [sflag:$0x2] =	stream.indirect.gather [hbm4b:s4+s24], $0x40, s17, s24, $0xb8;
	[tilespmem:$0x1B800] =	vst v63  }
0x43: {  	_ =	swait.ge [sflag:s3], $0x2000  }
0x44: {  	[sflag:s3] =	ssyncset.done $0x0  }
0x45: {  	s15 =	simm.s32 $0x300;
	[sflag:s3] =	ssyncadd.s32 $0xFFFFE000  }
0x46: {  	[tilespmem:s28], [sflag:$0x3] =	stream.indirect.gather [hbm4b:s4+s24], $0x40, s15, s24, $0xb8;
	[tilespmem:$0x1B800] =	vst v63  }
0x47: {  	_ =	swait.ge [sflag:s12], $0x2000  }
0x48: {  	[sflag:s12] =	ssyncset.done $0x0  }
0x49: {  	s17 =	simm.s32 $0x380;
	[sflag:s12] =	ssyncadd.s32 $0xFFFFE000  }
0x4a: {  	[tilespmem:s30], [sflag:$0x4] =	stream.indirect.gather [hbm4b:s4+s24], $0x40, s17, s24, $0xb8;
	[tilespmem:$0x1B800] =	vst v63  }
0x4b: {  	_ =	swait.ge [sflag:s31], $0x2000  }
0x4c: {  	[sflag:s31] =	ssyncset.done $0x0  }
0x4d: {  	s15 =	simm.s32 $0x4E00;
	[sflag:s31] =	ssyncadd.s32 $0xFFFFE000  }
0x4e: {  	[spmem:s1] =	stream.indirect.scatter.add.f32 [tilespmem:s21], [sflag:$0x5], $0x40, s15, s24, $0xb8;
	[tilespmem:$0x1B800] =	vst v63  }
0x4f: {  	_ =	swait.ge [sflag:s0], $0x2000  }
0x50: {  	[sflag:s0] =	ssyncset.done $0x0  }
0x51: {  	s17 =	simm.s32 $0x4E80;
	[sflag:s0] =	ssyncadd.s32 $0xFFFFE000  }
0x52: {  	[spmem:s1] =	stream.indirect.scatter.add.f32 [tilespmem:s25], [sflag:$0x6], $0x40, s17, s24, $0xb8;
	[tilespmem:$0x1B800] =	vst v63  }
0x53: {  	_ =	swait.ge [sflag:s11], $0x2000  }
0x54: {  	[sflag:s11] =	ssyncset.done $0x0  }
0x55: {  	s15 =	simm.s32 $0x4F00;
	[sflag:s11] =	ssyncadd.s32 $0xFFFFE000  }
0x56: {  	[spmem:s1] =	stream.indirect.scatter.add.f32 [tilespmem:s28], [sflag:$0x7], $0x40, s15, s24, $0xb8;
	[tilespmem:$0x1B800] =	vst v63  }
0x57: {  	_ =	swait.ge [sflag:s13], $0x2000  }
0x58: {  	[sflag:s13] =	ssyncset.done $0x0  }
0x59: {  	s17 =	simm.s32 $0x4F80;
	[sflag:s13] =	ssyncadd.s32 $0xFFFFE000  }
0x5a: {  	[spmem:s1] =	stream.indirect.scatter.add.f32 [tilespmem:s30], [sflag:$0x8], $0x40, s17, s24, $0xb8;
	[tilespmem:$0x1B800] =	vst v63  }
.LBB2_6:
0x5b: {  	_ =	swait.ge [sflag:s26], $0x2000  }
0x5c: {  	[sflag:s26] =	ssyncset.done $0x0  }
0x5d: {  	[sflag:s26] =	ssyncadd.s32 $0xFFFFE000  }
0x5e: {  	_ =	swait.ge [sflag:s29], $0x2000  }
0x5f: {  	[sflag:s29] =	ssyncset.done $0x0  }
0x60: {  	[sflag:s29] =	ssyncadd.s32 $0xFFFFE000  }
0x61: {  	_ =	swait.ge [sflag:s3], $0x2000  }
0x62: {  	[sflag:s3] =	ssyncset.done $0x0  }
0x63: {  	[sflag:s3] =	ssyncadd.s32 $0xFFFFE000  }
0x64: {  	_ =	swait.ge [sflag:s12], $0x2000  }
0x65: {  	[sflag:s12] =	ssyncset.done $0x0  }
0x66: {  	[sflag:s12] =	ssyncadd.s32 $0xFFFFE000  }
0x67: {  	[bflag:$0x0] =	sbarrier.arrive $0xFFFF  }
0x68: {  	[tilespmem:s21], [sflag:$0x9] =	stream.linear.gather [spmem:s6], $0x2000, $0x38;
	[tilespmem:$0x1B800] =	vst v63  }
0x69: {  	_ =	swait.ge [sflag:s22], $0x2000  }
0x6a: {  	[sflag:s22] =	ssyncset.done $0x0  }
0x6b: {  	[sflag:s22] =	ssyncadd.s32 $0xFFFFE000  }
0x6c: {  	[hbm4b:s16+s2] =	stream.linear.scatter [tilespmem:s21], [sflag:$0x9], $0x2000, $0x38;
	[tilespmem:$0x1B800] =	vst v63  }
0x6d: {  	_ =	swait.ge [sflag:s22], $0x2000  }
0x6e: {  	[sflag:s22] =	ssyncset.done $0x0  }
0x6f: {  	[sflag:s22] =	ssyncadd.s32 $0xFFFFE000  }
0x70: {  	[tilespmem:s25], [sflag:$0x9] =	stream.linear.gather [spmem:s7], $0x2000, $0x38;
	[tilespmem:$0x1B800] =	vst v63  }
0x71: {  	_ =	swait.ge [sflag:s22], $0x2000  }
0x72: {  	[sflag:s22] =	ssyncset.done $0x0  }
0x73: {  	s5 =	rddreg [dreg:$0x9];
	[sflag:s22] =	ssyncadd.s32 $0xFFFFE000  }
0x74: {  	[hbm4b:s5+s2] =	stream.linear.scatter [tilespmem:s25], [sflag:$0x9], $0x2000, $0x38;
	[tilespmem:$0x1B800] =	vst v63  }
0x75: {  	_ =	swait.ge [sflag:s22], $0x2000  }
0x76: {  	[sflag:s22] =	ssyncset.done $0x0  }
0x77: {  	[sflag:s22] =	ssyncadd.s32 $0xFFFFE000  }
0x78: {  	[tilespmem:s28], [sflag:$0x9] =	stream.linear.gather [spmem:s8], $0x2000, $0x38;
	[tilespmem:$0x1B800] =	vst v63  }
0x79: {  	_ =	swait.ge [sflag:s22], $0x2000  }
0x7a: {  	[sflag:s22] =	ssyncset.done $0x0  }
0x7b: {  	[sflag:s22] =	ssyncadd.s32 $0xFFFFE000  }
0x7c: {  	[hbm4b:s23+s2] =	stream.linear.scatter [tilespmem:s28], [sflag:$0x9], $0x2000, $0x38;
	[tilespmem:$0x1B800] =	vst v63  }
0x7d: {  	_ =	swait.ge [sflag:s22], $0x2000  }
0x7e: {  	[sflag:s22] =	ssyncset.done $0x0  }
0x7f: {  	[sflag:s22] =	ssyncadd.s32 $0xFFFFE000  }
0x80: {  	[tilespmem:s30], [sflag:$0x9] =	stream.linear.gather [spmem:s9], $0x2000, $0x38;
	[tilespmem:$0x1B800] =	vst v63  }
0x81: {  	_ =	swait.ge [sflag:s22], $0x2000  }
0x82: {  	[sflag:s22] =	ssyncset.done $0x0  }
0x83: {  	[sflag:s22] =	ssyncadd.s32 $0xFFFFE000  }
0x84: {  	[hbm4b:s18+s2] =	stream.linear.scatter [tilespmem:s30], [sflag:$0x9], $0x2000, $0x38;
	[tilespmem:$0x1B800] =	vst v63  }
0x85: {  	_ =	swait.ge [sflag:s22], $0x2000  }
0x86: {  	[sflag:s22] =	ssyncset.done $0x0  }
0x87: {  	[sflag:s22] =	ssyncadd.s32 $0xFFFFE000  }
0x88: {  	[tilespmem:s21], [sflag:$0x9] =	stream.linear.gather [spmem:s10], $0x2000, $0x38;
	[tilespmem:$0x1B800] =	vst v63  }
0x89: {  	s14 =	sadd.s32 $0x1, s14;
	_ =	swait.ge [sflag:s22], $0x2000  }
0x8a: {  	p1 =	sne.s32 s14, s20;
	[sflag:s22] =	ssyncset.done $0x0  }
.Ltmp1:
0x8b: {  	[sflag:s22] =	ssyncadd.s32 $0xFFFFE000;
	(pc) =	sbr.rel @!p1 .LBB2_7-.Ltmp1, $4  }
0x8c: {  	[hbm4b:s19+s2] =	stream.linear.scatter [tilespmem:s21], [sflag:$0x9], $0x2000, $0x38;
	[tilespmem:$0x1B800] =	vst v63  }
0x8d: {  	_ =	swait.ge [sflag:s22], $0x2000  }
0x8e: {  	[sflag:s22] =	ssyncset.done $0x0  }
0x8f: {  	[sflag:s22] =	ssyncadd.s32 $0xFFFFE000  }
.LBB2_1:
0x90: {  	s5 =	rddreg [dreg:$0x4]  }
0x91: {  	[tilespmem:s21], [sflag:$0x9] =	stream.linear.gather [hbm4b:s5+s2], $0x2000, $0x38;
	[tilespmem:$0x1B800] =	vst v63  }
0x92: {  	_ =	swait.ge [sflag:s22], $0x2000  }
0x93: {  	[sflag:s22] =	ssyncset.done $0x0  }
0x94: {  	[sflag:s22] =	ssyncadd.s32 $0xFFFFE000  }
0x95: {  	[spmem:s6] =	stream.linear.scatter [tilespmem:s21], [sflag:$0x9], $0x2000, $0x38;
	[tilespmem:$0x1B800] =	vst v63  }
0x96: {  	_ =	swait.ge [sflag:s22], $0x2000  }
0x97: {  	[sflag:s22] =	ssyncset.done $0x0  }
0x98: {  	[sflag:s22] =	ssyncadd.s32 $0xFFFFE000  }
0x99: {  	[spmem:s7] =	stream.linear.scatter [tilespmem:s21], [sflag:$0x9], $0x2000, $0x38;
	[tilespmem:$0x1B800] =	vst v63  }
0x9a: {  	_ =	swait.ge [sflag:s22], $0x2000  }
0x9b: {  	[sflag:s22] =	ssyncset.done $0x0  }
0x9c: {  	[sflag:s22] =	ssyncadd.s32 $0xFFFFE000  }
0x9d: {  	[spmem:s8] =	stream.linear.scatter [tilespmem:s21], [sflag:$0x9], $0x2000, $0x38;
	[tilespmem:$0x1B800] =	vst v63  }
0x9e: {  	_ =	swait.ge [sflag:s22], $0x2000  }
0x9f: {  	[sflag:s22] =	ssyncset.done $0x0  }
0xa0: {  	[sflag:s22] =	ssyncadd.s32 $0xFFFFE000  }
0xa1: {  	[spmem:s9] =	stream.linear.scatter [tilespmem:s21], [sflag:$0x9], $0x2000, $0x38;
	[tilespmem:$0x1B800] =	vst v63  }
0xa2: {  	_ =	swait.ge [sflag:s22], $0x2000  }
0xa3: {  	[sflag:s22] =	ssyncset.done $0x0  }
.Ltmp2:
0xa4: {  	[sflag:s22] =	ssyncadd.s32 $0xFFFFE000;
	(pc) =	sbr.rel @p0 .LBB2_5-.Ltmp2, $4  }
0xa5: {  	[spmem:s10] =	stream.linear.scatter [tilespmem:s21], [sflag:$0x9], $0x2000, $0x38;
	[tilespmem:$0x1B800] =	vst v63  }
0xa6: {  	_ =	swait.ge [sflag:s22], $0x2000  }
0xa7: {  	[sflag:s22] =	ssyncset.done $0x0  }
0xa8: {  	[sflag:s22] =	ssyncadd.s32 $0xFFFFE000  }
0xa9: {  	s5 =	simm.s32 $0x0;
	s15 =	rddreg [dreg:$0x5]  }
0xaa: {  	[tilespmem:s5], [sflag:$0x9] =	stream.linear.gather [hbm4b:s15+s5], $0x4C00, $0x38;
	[tilespmem:$0x1B800] =	vst v63  }
0xab: {  	_ =	swait.ge [sflag:s22], $0x4C00  }
0xac: {  	s17 =	smov.u32 s16;
	[sflag:s22] =	ssyncset.done $0x0  }
0xad: {  	s16 =	simm.s32 $0x4C00;
	s15 =	rddreg [dreg:$0x6];
	[sflag:s22] =	ssyncadd.s32 $0xFFFFB400  }
0xae: {  	[tilespmem:s16], [sflag:$0x9] =	stream.linear.gather [hbm4b:s15+s5], $0x4C00, $0x38;
	[tilespmem:$0x1B800] =	vst v63  }
0xaf: {  	_ =	swait.ge [sflag:s22], $0x4C00  }
0xb0: {  	[sflag:s22] =	ssyncset.done $0x0  }
0xb1: {  	[sflag:s22] =	ssyncadd.s32 $0xFFFFB400  }
0xb2: {  	[tilespmem:s21], [sflag:$0x1] =	stream.indirect.gather [hbm4b:s4+s24], $0x40, s5, s24, $0xb8;
	[tilespmem:$0x1B800] =	vst v63  }
0xb3: {  	_ = 	snop  }
0xb4: {  	[tilespmem:s25], [sflag:$0x2] =	stream.indirect.gather [hbm4b:s4+s24], $0x40, s24, s24, $0xb8;
	[tilespmem:$0x1B800] =	vst v63  }
0xb5: {  	s15 =	simm.s32 $0x100  }
0xb6: {  	[tilespmem:s28], [sflag:$0x3] =	stream.indirect.gather [hbm4b:s4+s24], $0x40, s15, s24, $0xb8;
	[tilespmem:$0x1B800] =	vst v63  }
0xb7: {  	s15 =	simm.s32 $0x180  }
0xb8: {  	[tilespmem:s30], [sflag:$0x4] =	stream.indirect.gather [hbm4b:s4+s24], $0x40, s15, s24, $0xb8;
	[tilespmem:$0x1B800] =	vst v63  }
0xb9: {  	_ =	swait.ge [sflag:s31], $0x2000  }
0xba: {  	[sflag:s31] =	ssyncset.done $0x0  }
0xbb: {  	[sflag:s31] =	ssyncadd.s32 $0xFFFFE000  }
0xbc: {  	[spmem:s1] =	stream.indirect.scatter.add.f32 [tilespmem:s21], [sflag:$0x5], $0x40, s16, s24, $0xb8;
	[tilespmem:$0x1B800] =	vst v63  }
0xbd: {  	_ =	swait.ge [sflag:s0], $0x2000  }
0xbe: {  	[sflag:s0] =	ssyncset.done $0x0  }
0xbf: {  	s15 =	simm.s32 $0x4C80;
	[sflag:s0] =	ssyncadd.s32 $0xFFFFE000  }
0xc0: {  	[spmem:s1] =	stream.indirect.scatter.add.f32 [tilespmem:s25], [sflag:$0x6], $0x40, s15, s24, $0xb8;
	[tilespmem:$0x1B800] =	vst v63  }
0xc1: {  	_ =	swait.ge [sflag:s11], $0x2000  }
0xc2: {  	[sflag:s11] =	ssyncset.done $0x0  }
0xc3: {  	s16 =	simm.s32 $0x4D00;
	[sflag:s11] =	ssyncadd.s32 $0xFFFFE000  }
0xc4: {  	[spmem:s1] =	stream.indirect.scatter.add.f32 [tilespmem:s28], [sflag:$0x7], $0x40, s16, s24, $0xb8;
	[tilespmem:$0x1B800] =	vst v63  }
0xc5: {  	_ =	swait.ge [sflag:s13], $0x2000  }
0xc6: {  	[sflag:s13] =	ssyncset.done $0x0  }
0xc7: {  	s15 =	simm.s32 $0x4D80;
	[sflag:s13] =	ssyncadd.s32 $0xFFFFE000  }
0xc8: {  	[spmem:s1] =	stream.indirect.scatter.add.f32 [tilespmem:s30], [sflag:$0x8], $0x40, s15, s24, $0xb8;
	[tilespmem:$0x1B800] =	vst v63  }
0xc9: {  	_ =	swait.ge [sflag:s26], $0x2000  }
0xca: {  	[sflag:s26] =	ssyncset.done $0x0  }
0xcb: {  	s16 =	simm.s32 $0x200;
	[sflag:s26] =	ssyncadd.s32 $0xFFFFE000  }
0xcc: {  	[tilespmem:s21], [sflag:$0x1] =	stream.indirect.gather [hbm4b:s4+s24], $0x40, s16, s24, $0xb8;
	[tilespmem:$0x1B800] =	vst v63  }
0xcd: {  	_ =	swait.ge [sflag:s29], $0x2000  }
0xce: {  	[sflag:s29] =	ssyncset.done $0x0  }
0xcf: {  	s15 =	simm.s32 $0x280;
	[sflag:s29] =	ssyncadd.s32 $0xFFFFE000  }
0xd0: {  	[tilespmem:s25], [sflag:$0x2] =	stream.indirect.gather [hbm4b:s4+s24], $0x40, s15, s24, $0xb8;
	[tilespmem:$0x1B800] =	vst v63  }
0xd1: {  	_ =	swait.ge [sflag:s3], $0x2000  }
0xd2: {  	[sflag:s3] =	ssyncset.done $0x0  }
0xd3: {  	s16 =	simm.s32 $0x300;
	[sflag:s3] =	ssyncadd.s32 $0xFFFFE000  }
0xd4: {  	[tilespmem:s28], [sflag:$0x3] =	stream.indirect.gather [hbm4b:s4+s24], $0x40, s16, s24, $0xb8;
	[tilespmem:$0x1B800] =	vst v63  }
0xd5: {  	_ =	swait.ge [sflag:s12], $0x2000  }
0xd6: {  	[sflag:s12] =	ssyncset.done $0x0  }
0xd7: {  	s15 =	simm.s32 $0x380;
	[sflag:s12] =	ssyncadd.s32 $0xFFFFE000  }
0xd8: {  	[tilespmem:s30], [sflag:$0x4] =	stream.indirect.gather [hbm4b:s4+s24], $0x40, s15, s24, $0xb8;
	[tilespmem:$0x1B800] =	vst v63  }
0xd9: {  	_ =	swait.ge [sflag:s31], $0x2000  }
0xda: {  	[sflag:s31] =	ssyncset.done $0x0  }
0xdb: {  	s16 =	simm.s32 $0x4E00;
	[sflag:s31] =	ssyncadd.s32 $0xFFFFE000  }
0xdc: {  	[spmem:s1] =	stream.indirect.scatter.add.f32 [tilespmem:s21], [sflag:$0x5], $0x40, s16, s24, $0xb8;
	[tilespmem:$0x1B800] =	vst v63  }
0xdd: {  	_ =	swait.ge [sflag:s0], $0x2000  }
0xde: {  	[sflag:s0] =	ssyncset.done $0x0  }
0xdf: {  	s15 =	simm.s32 $0x4E80;
	[sflag:s0] =	ssyncadd.s32 $0xFFFFE000  }
0xe0: {  	[spmem:s1] =	stream.indirect.scatter.add.f32 [tilespmem:s25], [sflag:$0x6], $0x40, s15, s24, $0xb8;
	[tilespmem:$0x1B800] =	vst v63  }
0xe1: {  	_ =	swait.ge [sflag:s11], $0x2000  }
0xe2: {  	[sflag:s11] =	ssyncset.done $0x0  }
0xe3: {  	s16 =	simm.s32 $0x4F00;
	[sflag:s11] =	ssyncadd.s32 $0xFFFFE000  }
0xe4: {  	[spmem:s1] =	stream.indirect.scatter.add.f32 [tilespmem:s28], [sflag:$0x7], $0x40, s16, s24, $0xb8;
	[tilespmem:$0x1B800] =	vst v63  }
0xe5: {  	_ =	swait.ge [sflag:s13], $0x2000  }
0xe6: {  	[sflag:s13] =	ssyncset.done $0x0  }
0xe7: {  	s5 =	simm.s32 $0x800;
	s15 =	simm.s32 $0x4F80;
	[sflag:s13] =	ssyncadd.s32 $0xFFFFE000  }
.LBB2_3:
0xe8: {  	[spmem:s1] =	stream.indirect.scatter.add.f32 [tilespmem:s30], [sflag:$0x8], $0x40, s15, s24, $0xb8;
	[tilespmem:$0x1B800] =	vst v63  }
0xe9: {  	s15 =	smov.u32 s5  }
0xea: {  	p1 =	seq.s32 s5, $0x12000;
	s5 =	sadd.s32 $0x800, s5;
	_ =	swait.ge [sflag:s26], $0x2000  }
0xeb: {  	s15 =	sshra.s32 s15, $0x2;
	[sflag:s26] =	ssyncset.done $0x0  }
0xec: {  	s16 =	sadd.s32 $0x200, s15;
	[sflag:s26] =	ssyncadd.s32 $0xFFFFE000  }
0xed: {  	[tilespmem:s21], [sflag:$0x1] =	stream.indirect.gather [hbm4b:s4+s24], $0x40, s16, s24, $0xb8;
	[tilespmem:$0x1B800] =	vst v63  }
0xee: {  	_ =	swait.ge [sflag:s29], $0x2000  }
0xef: {  	[sflag:s29] =	ssyncset.done $0x0  }
0xf0: {  	s16 =	sadd.s32 $0x280, s15;
	[sflag:s29] =	ssyncadd.s32 $0xFFFFE000  }
0xf1: {  	[tilespmem:s25], [sflag:$0x2] =	stream.indirect.gather [hbm4b:s4+s24], $0x40, s16, s24, $0xb8;
	[tilespmem:$0x1B800] =	vst v63  }
0xf2: {  	_ =	swait.ge [sflag:s3], $0x2000  }
0xf3: {  	[sflag:s3] =	ssyncset.done $0x0  }
0xf4: {  	s16 =	sadd.s32 $0x300, s15;
	[sflag:s3] =	ssyncadd.s32 $0xFFFFE000  }
0xf5: {  	[tilespmem:s28], [sflag:$0x3] =	stream.indirect.gather [hbm4b:s4+s24], $0x40, s16, s24, $0xb8;
	[tilespmem:$0x1B800] =	vst v63  }
0xf6: {  	_ =	swait.ge [sflag:s12], $0x2000  }
0xf7: {  	[sflag:s12] =	ssyncset.done $0x0  }
0xf8: {  	s16 =	sadd.s32 $0x380, s15;
	[sflag:s12] =	ssyncadd.s32 $0xFFFFE000  }
0xf9: {  	[tilespmem:s30], [sflag:$0x4] =	stream.indirect.gather [hbm4b:s4+s24], $0x40, s16, s24, $0xb8;
	[tilespmem:$0x1B800] =	vst v63  }
0xfa: {  	_ =	swait.ge [sflag:s31], $0x2000  }
0xfb: {  	[sflag:s31] =	ssyncset.done $0x0  }
0xfc: {  	s16 =	sadd.s32 $0x4E00, s15;
	[sflag:s31] =	ssyncadd.s32 $0xFFFFE000  }
0xfd: {  	[spmem:s1] =	stream.indirect.scatter.add.f32 [tilespmem:s21], [sflag:$0x5], $0x40, s16, s24, $0xb8;
	[tilespmem:$0x1B800] =	vst v63  }
0xfe: {  	_ =	swait.ge [sflag:s0], $0x2000  }
0xff: {  	[sflag:s0] =	ssyncset.done $0x0  }
0x100: {  	s16 =	sadd.s32 $0x4E80, s15;
	[sflag:s0] =	ssyncadd.s32 $0xFFFFE000  }
0x101: {  	[spmem:s1] =	stream.indirect.scatter.add.f32 [tilespmem:s25], [sflag:$0x6], $0x40, s16, s24, $0xb8;
	[tilespmem:$0x1B800] =	vst v63  }
0x102: {  	_ =	swait.ge [sflag:s11], $0x2000  }
0x103: {  	[sflag:s11] =	ssyncset.done $0x0  }
.Ltmp3:
0x104: {  	s16 =	sadd.s32 $0x4F00, s15;
	[sflag:s11] =	ssyncadd.s32 $0xFFFFE000;
	(pc) =	sbr.rel @!p1 .LBB2_3-.Ltmp3, $4  }
0x105: {  	[spmem:s1] =	stream.indirect.scatter.add.f32 [tilespmem:s28], [sflag:$0x7], $0x40, s16, s24, $0xb8;
	[tilespmem:$0x1B800] =	vst v63  }
0x106: {  	_ =	swait.ge [sflag:s13], $0x2000  }
0x107: {  	[sflag:s13] =	ssyncset.done $0x0  }
0x108: {  	s15 =	sadd.s32 $0x4F80, s15;
	[sflag:s13] =	ssyncadd.s32 $0xFFFFE000  }
.Ltmp4:
0x109: {  	(pc) =	sbr.rel .LBB2_6-.Ltmp4, $3  }
0x10a: {  	_ =	sdelay $0x1  }
0x10b: {  	[spmem:s1] =	stream.indirect.scatter.add.f32 [tilespmem:s30], [sflag:$0x8], $0x40, s15, s24, $0xb8;
	[tilespmem:$0x1B800] =	vst v63  }
0x10c: {  	s16 =	smov.u32 s17  }
.LBB2_7:
0x10d: {  	_ =	sfence.sel $0x180000  }
0x10e: {  	[bflag:$0x0] =	sbarrier.arrive $0xFFFF  }
0x10f: {  	_ =	strace $0x90000050  }
0x110: {  	s0 =	stileid.u32;
	[bflag:$0x2] =	sbarrier.arrive $0xFFFF  }
0x111: {  	p0 =	sne.s32 s0, $0x0;
	s0 =	rddreg [dreg:$0x3]  }
0x112: {  	s0 =	sadd.s32 @!p0 $0x100000, s0  }
0x113: {  	[sflag:s0] =	ssyncadd.tile.s32 @!p0 $0x1;
	_ =	shalt  }
.Lfunc_end2:
_tile_overlayer_lowered:
.L_overlay_start_2:
0x114: {  	(tag) =	ssettag $0x2  }
0x115: {  	s0 =	rddreg [dreg:$0x0];
	s2 =	stileid.u32  }
0x116: {  	s1 =	rddreg [dreg:$0x1];
	p0 =	sne.s32 s2, $0x0  }
0x117: {  	s3 =	rddreg [dreg:$0x2];
	[bflag:$0x3] =	sbarrier.arrive $0xFFFF;
	s2 =	simm.s32 @!p0 $0x1C09  }
0x118: {  	[timem:s3], [sflag:s2] =	dma.local @!p0 [hbm:s0], s1  }
0x119: {  	s0 =	simm.s32 @!p0 $0x9  }
0x11a: {  	_ =	swait.ge @!p0 [sflag:s0], s1  }
0x11b: {  	s1 =	ssub.s32 @!p0 $0x0, s1;
	[sflag:s0] =	ssyncset.done @!p0 $0x0  }
0x11c: {  	[sflag:s0] =	ssyncadd.s32 @!p0 s1  }
0x11d: {  	[bflag:$0x3] =	sbarrier.arrive $0xFFFF  }
0x11e: {  	_ =	shalt  }

// kernel: kernel.23.cloned.1.call-start
scs
__scs_entry_jumppad:
0x0: {  	(pc) =	sbr.rel $0x88, $3  }
0x1: {  	(tag) =	ssettag $0x0;
	lr =	simm.s32 $0x1  }
0x2: {  	[smem:$0x3F99] =	sst lr;
	_ =	strace $0xD0000000  }
0x3: {  	_ = 	snop  }
0x4: {  	_ = 	snop  }
0x5: {  	_ = 	snop  }
0x6: {  	_ = 	snop  }
0x7: {  	_ = 	snop  }
__scs_overlays_trampoline_lowered:
0x8: {  	[smem:$0x3FA8] =	sst s0  }
0x9: {  	[smem:$0x3FA9] =	sst s1  }
0xa: {  	[smem:$0x3FAA] =	sst s2  }
0xb: {  	[smem:$0x3FAB] =	sst s3  }
0xc: {  	[smem:$0x3FAC] =	sst s4  }
0xd: {  	[smem:$0x3FAD] =	sst s5  }
0xe: {  	[smem:$0x3FAE] =	sst s6  }
0xf: {  	[smem:$0x3FAF] =	sst s7  }
0x10: {  	[smem:$0x3FB0] =	sst s8  }
0x11: {  	[smem:$0x3FB1] =	sst s9;
	s0 =	simm.s32 @!p0 $0x0  }
0x12: {  	s1 =	sld [smem:$0x3F97];
	s0 =	simm.s32 @p0 $0x1  }
0x13: {  	[smem:$0x3FB2] =	sst s0;
	s0 =	simm.s32 @!p1 $0x0  }
0x14: {  	s2 =	sld [smem:$0x3F96];
	s0 =	simm.s32 @p1 $0x1  }
0x15: {  	[smem:$0x3FB3] =	sst s0;
	s0 =	simm.s32 @!p2 $0x0  }
0x16: {  	s3 =	sld [smem:$0x3FDB];
	s0 =	simm.s32 @p2 $0x1  }
0x17: {  	s4 =	simm.s32 $0x1BF5;
	[smem:$0x3FB5] =	sst s0  }
0x18: {  	s0 =	sld [smem:$0x3F98];
	_ =	swait.ge [sflag:s4], $0x0  }
0x19: {  	s7 =	sld [smem:$0x3F99]  }
0x1a: {  	s8 =	sadd.s32 $0xFFFFE003, lr  }
0x1b: {  	s9 =	sadd.s32 $0xFFFFFEF7, lr;
	s5 =	simm.s32 $0xFFFFFFFF;
	p2 =	slt.u32 s8, $0xFFFFF086  }
0x1c: {  	p1 =	slt.u32 s9, $0xF7A;
	s5 =	simm.s32 @!p2 $0x0  }
0x1d: {  	s5 =	simm.s32 @p1 $0x1;
	p0 =	seq.s32 s7, s2  }
0x1e: {  	s7 =	smul.u32 @!p0 $0xF7A, s2;
	p2 =	seq.s32 @!p0 s5, $0x0  }
0x1f: {  	s9 =	smul.u32 $0xF7A, s1;
	s8 =	simm.s32 @!p0 $0x1BF5;
	p2 =	por !p2, p0  }
0x20: {  	[sflag:s8] =	ssyncset.s32 @!p0 $0xFFFFF086;
	s6 =	sadd.s32 @!p0 s3, s7;
	s7 =	simm.s32 @!p0 $0x108  }
0x21: {  	s3 =	sadd.s32 s3, s9;
	s6 =	sadd.s32 @!p0 $0x88, s6;
	s7 =	simm.s32 @p2 $0x1082  }
0x22: {  	[simem:s7], [sflag:s8] =	dma.local @!p0 [hbm:s6], $0xF7A  }
0x23: {  	s9 =	sor.u32 $0xD0000000, s2;
	s6 =	simm.s32 $0x108;
	_ =	swait.ge @!p0 [sflag:s8], $0x0  }
0x24: {  	s3 =	sadd.s32 $0x88, s3;
	s6 =	simm.s32 @!p1 $0x1082;
	[sflag:s4] =	ssyncset.s32 $0xFFFFF086  }
0x25: {  	[simem:s6], [sflag:s4] =	dma.local [hbm:s3], $0xF7A  }
0x26: {  	[smem:$0x3F99] =	sst s1;
	(tag) =	ssettag s2;
	_ =	strace s9  }
0x27: {  	s1 =	sld [smem:$0x3FA9]  }
0x28: {  	s2 =	sld [smem:$0x3FAA]  }
0x29: {  	s4 =	sld [smem:$0x3FAC]  }
0x2a: {  	p0 =	seq.s32 s5, $0x0;
	s5 =	sld [smem:$0x3FAD]  }
0x2b: {  	s6 =	sld [smem:$0x3FAE]  }
0x2c: {  	s7 =	sld [smem:$0x3FAF]  }
0x2d: {  	s3 =	simm.s32 $0x108;
	s8 =	sld [smem:$0x3FB0]  }
0x2e: {  	s3 =	simm.s32 @!p0 $0x1082;
	s9 =	sld [smem:$0x3FB1]  }
0x2f: {  	lr =	sadd.s32 s0, s3;
	s0 =	sld [smem:$0x3FA8]  }
0x30: {  	s3 =	sld [smem:$0x3FAB]  }
0x31: {  	[smem:$0x3FB4] =	sst s10  }
0x32: {  	s10 =	sld [smem:$0x3FB2];
	_ =	sdelay $0x3  }
0x33: {  	p0 =	seq.s32 s10, $0x1;
	s10 =	sld [smem:$0x3FB4];
	_ =	sdelay $0x3  }
0x34: {  	[smem:$0x3FB4] =	sst s10  }
0x35: {  	s10 =	sld [smem:$0x3FB3];
	_ =	sdelay $0x3  }
0x36: {  	p1 =	seq.s32 s10, $0x1;
	s10 =	sld [smem:$0x3FB4];
	_ =	sdelay $0x3  }
0x37: {  	[smem:$0x3FB4] =	sst s10  }
0x38: {  	s10 =	sld [smem:$0x3FB5]  }
0x39: {  	_ = 	snop;
	(pc) =	sbr.ind lr, $3  }
0x3a: {  	_ = 	snop  }
0x3b: {  	_ = 	snop  }
0x3c: {  	p2 =	seq.s32 s10, $0x1;
	s10 =	sld [smem:$0x3FB4]  }
0x3d: {  	_ =	shalt  }
0x3e: {  	_ =	shalt  }
0x3f: {  	_ =	shalt  }
0x40: {  	_ =	shalt  }
0x41: {  	_ =	shalt  }
0x42: {  	_ =	shalt  }
0x43: {  	_ =	shalt  }
0x44: {  	_ =	shalt  }
0x45: {  	_ =	shalt  }
0x46: {  	_ =	shalt  }
0x47: {  	_ =	shalt  }
0x48: {  	_ =	shalt  }
0x49: {  	_ =	shalt  }
0x4a: {  	_ =	shalt  }
0x4b: {  	_ =	shalt  }
0x4c: {  	_ =	shalt  }
0x4d: {  	_ =	shalt  }
0x4e: {  	_ =	shalt  }
0x4f: {  	_ =	shalt  }
0x50: {  	_ =	shalt  }
0x51: {  	_ =	shalt  }
0x52: {  	_ =	shalt  }
0x53: {  	_ =	shalt  }
0x54: {  	_ =	shalt  }
0x55: {  	_ =	shalt  }
0x56: {  	_ =	shalt  }
0x57: {  	_ =	shalt  }
0x58: {  	_ =	shalt  }
0x59: {  	_ =	shalt  }
0x5a: {  	_ =	shalt  }
0x5b: {  	_ =	shalt  }
0x5c: {  	_ =	shalt  }
0x5d: {  	_ =	shalt  }
0x5e: {  	_ =	shalt  }
0x5f: {  	_ =	shalt  }
0x60: {  	_ =	shalt  }
0x61: {  	_ =	shalt  }
0x62: {  	_ =	shalt  }
0x63: {  	_ =	shalt  }
0x64: {  	_ =	shalt  }
0x65: {  	_ =	shalt  }
0x66: {  	_ =	shalt  }
0x67: {  	_ =	shalt  }
0x68: {  	_ =	shalt  }
0x69: {  	_ =	shalt  }
0x6a: {  	_ =	shalt  }
0x6b: {  	_ =	shalt  }
0x6c: {  	_ =	shalt  }
0x6d: {  	_ =	shalt  }
0x6e: {  	_ =	shalt  }
0x6f: {  	_ =	shalt  }
0x70: {  	_ =	shalt  }
0x71: {  	_ =	shalt  }
0x72: {  	_ =	shalt  }
0x73: {  	_ =	shalt  }
0x74: {  	_ =	shalt  }
0x75: {  	_ =	shalt  }
0x76: {  	_ =	shalt  }
0x77: {  	_ =	shalt  }
0x78: {  	_ =	shalt  }
0x79: {  	_ =	shalt  }
0x7a: {  	_ =	shalt  }
0x7b: {  	_ =	shalt  }
0x7c: {  	_ =	shalt  }
0x7d: {  	_ =	shalt  }
0x7e: {  	_ =	shalt  }
0x7f: {  	_ =	shalt  }
0x80: {  	_ =	shalt  }
0x81: {  	_ =	shalt  }
0x82: {  	_ =	shalt  }
0x83: {  	_ =	shalt  }
0x84: {  	_ =	shalt  }
0x85: {  	_ =	shalt  }
0x86: {  	_ =	shalt  }
0x87: {  	_ =	shalt  }
.Lfunc_end0:
.L_simem_size_0:
called_computation.4_lowered:
.L_overlay_start_0:
0x88: {  	s2 =	sld [smem:$0x3FD9]  }
0x89: {  	s3 =	sld [smem:$0x3FFE];
	_ =	sdelay $0x1  }
0x8a: {  	s1 =	srdreg.scid  }
0x8b: {  	s0 =	sand.u32 $0x1, s1  }
0x8c: {  	s17 =	sshll.u32 s0, $0xA;
	s2 =	sadd.s32 s3, s2  }
0x8d: {  	s2 =	sadd.s32 s2, s17  }
0x8e: {  	[smem:$0x3FC0] =	sst s2  }
0x8f: {  	_ = 	snop  }
0x90: {  	s2 =	sld [smem:$0x3FD0];
	(tm) =	ssettm $0x1  }
0x91: {  	s18 =	sld [smem:$0x3FFB];
	_ =	sdelay $0x3  }
0x92: {  	_ =	strace s18  }
0x93: {  	s3 =	sld [smem:$0x3FFC];
	_ =	sdelay $0x3  }
0x94: {  	_ =	strace s3  }
0x95: {  	s3 =	sld [smem:$0x3FFD];
	_ =	sdelay $0x3  }
0x96: {  	_ =	strace s3  }
0x97: {  	_ =	strace $0x8FFFFFFF  }
0x98: {  	s19 =	sld [smem:$0x3FDB];
	_ =	sdelay $0x1  }
0x99: {  	s4 =	simm.s32 $_scs_section_size  }
0x9a: {  	s5 =	simm.s32 $_size__tile_overlayer_lowered;
	s6 =	simm.s32 $_tile_overlayer_lowered  }
0x9b: {  	s22 =	simm.s32 $0x1BFF;
	s21 =	sshll.u32 s6, $0x1;
	s3 =	sadd.s32 s4, s19  }
0x9c: {  	s7 =	simm.s32 $0x0;
	s20 =	sshll.u32 s5, $0x1;
	s5 =	sadd.s32 s21, s3  }
0x9d: {  	[timem:s7], [sflag:s22] =	dma.local [hbm:s5], s20  }
0x9e: {  	_ =	swait.ge [sflag:s22], s20  }
0x9f: {  	s4 =	ssub.s32 $0x0, s20;
	[sflag:s22] =	ssyncset.done $0x0  }
0xa0: {  	[sflag:s22] =	ssyncadd.s32 s4;
	_ =	sdelay $0x1  }
0xa1: {  	s23 =	simm.s32 $0x1B8B  }
0xa2: {  	_ =	swait.ge [sflag:s23], $0x1  }
0xa3: {  	[sflag:s23] =	ssyncset.done $0x0  }
0xa4: {  	s25 =	simm.s32 $0x1B8E;
	s24 =	sld [smem:$0x3FFE];
	[sflag:s23] =	ssyncadd.s32 $0xFFFFFFFF  }
0xa5: {  	s26 =	simm.s32 $execute0_lowered;
	[smem:$0x3FD2] =	sst s25  }
0xa6: {  	s5 =	sshll.u32 s26, $0x1;
	_ =	strace $0x80000052;
	[dreg:$0x1] =	wrdreg $0xFFFFFFFF  }
0xa7: {  	s28 =	simm.s32 $_size_execute0_lowered;
	s3 =	sadd.s32 s3, s5;
	[dreg:$0x0] =	wrdreg $0x0  }
0xa8: {  	s5 =	sshll.u32 s28, $0x1;
	[dreg:$0x2] =	wrdreg s3  }
0xa9: {  	[dreg:$0x3] =	wrdreg s5  }
0xaa: {  	[dreg:$0x4] =	wrdreg $0xC0  }
0xab: {  	_ =	task [dreg:s7], $0x5FFFF  }
0xac: {  	[dreg:$0x1] =	wrdreg $0xFFFFFFFF  }
0xad: {  	[dreg:$0x0] =	wrdreg $0x60  }
0xae: {  	[dreg:$0x2] =	wrdreg s24  }
0xaf: {  	[dreg:$0x3] =	wrdreg s2  }
0xb0: {  	[dreg:$0x4] =	wrdreg $0x118000  }
0xb1: {  	[dreg:$0x5] =	wrdreg $0x9  }
0xb2: {  	_ =	task.clear_ibuf [dreg:s7], $0x6FFFF;
	_ =	strace $0x90000052  }
0xb3: {  	s29 =	simm.s32 $0x9;
	_ =	strace $0x80000054  }
0xb4: {  	_ =	swait.ge [sflag:s29], $0x1  }
0xb5: {  	[sflag:s29] =	ssyncadd.s32 $0xFFFFFFFF  }
0xb6: {  	_ =	strace $0x90000054  }
0xb7: {  	_ =	sfence  }
0xb8: {  	s30 =	sld [smem:$0x0];
	_ =	sdelay $0x2  }
0xb9: {  	s31 =	sshll.u32 s1, $0xD;
	s1 =	sshrl.u32 s1, $0x2  }
0xba: {  	s3 =	sand.u32 $0x4000, s31;
	s1 =	sadd.s32 s1, s30  }
0xbb: {  	s0 =	sor.u32 s3, s0;
	s1 =	sshll.u32 s1, $0x11  }
0xbc: {  	s0 =	sor.u32 s1, s0  }
0xbd: {  	s0 =	sadd.s32 $0x8F2B, s0  }
0xbe: {  	[sflag:s0] =	ssyncadd.remote.s32 $0x1  }
0xbf: {  	_ =	sfence.sel $0xFFFF  }
0xc0: {  	[dreg:$0x0] =	wrdreg $0xFFFFFFFF;
	(pc) =	sbr.abs _section_cstart, $3  }
0xc1: {  	[dreg:$0x1] =	wrdreg $0xFFFFFFFF  }
0xc2: {  	_ =	task.clear_ibuf [dreg:s7], $0x2FFFF;
	_ =	strace $0x9FFFFFFF  }
0xc3: {  	(tm) =	ssettm $0x7FFFFFFF  }
tec
execute0_lowered:
.L_overlay_start_1:
0x0: {  	(tag) =	ssettag $0x1  }
0x1: {  	s0 =	rddreg [dreg:$0x0]  }
0x2: {  	s3 =	rddreg [dreg:$0x1]  }
0x3: {  	s1 =	rddreg [dreg:$0x2];
	s2 =	simm.s32 $0x0  }
0x4: {  	s4 =	srdreg.scid;
	s19 =	stileid.u32;
	s28 =	simm.s32 $0xD800  }
0x5: {  	s30 =	simm.s32 $0xF800;
	s31 =	simm.s32 $0x1;
	s29 =	simm.s32 $0x6  }
0x6: {  	[smem:$0x7FF] =	sst s2;
	s5 =	sand.u32 $0x1, s4;
	s4 =	sadd.s32 $0x16C00, s0  }
0x7: {  	s11 =	sadd.s32 $0xCC00, s0;
	s12 =	smul.u32 $0xA000, s19;
	s8 =	sadd.s32 $0x2C00, s0  }
0x8: {  	s0 =	sadd.s32 $0x2AC00, s0;
	s16 =	smul.u32 $0x980, s19;
	s21 =	sshll.u32 s19, $0x7  }
0x9: {  	_ =	strace $0x80000053;
	s6 =	ssub.s32 $0x2, s5;
	[dreg:$0x4] =	wrdreg s8  }
0xa: {  	p0 =	seq.s32 s5, $0x1;
	s5 =	smul.u32 $0xA0000, s5;
	s7 =	sshrl.u32 s6, $0x1  }
0xb: {  	s14 =	sadd.s32 $0x2000, s12;
	s15 =	sadd.s32 $0x4000, s12;
	s17 =	sadd.s32 $0x6000, s12  }
0xc: {  	s18 =	sadd.s32 $0x8000, s12;
	s20 =	sadd.s32 s11, s16;
	s16 =	sadd.s32 s3, s16  }
0xd: {  	s13 =	ssub.s32 s6, s7;
	s6 =	sadd.s32 s12, s1;
	s7 =	sadd.s32 s14, s1  }
0xe: {  	s8 =	sadd.s32 s15, s1;
	s9 =	sadd.s32 s17, s1;
	[dreg:$0x5] =	wrdreg s20  }
0xf: {  	s10 =	sadd.s32 s18, s1;
	[dreg:$0x6] =	wrdreg s16;
	s16 =	sor.u32 $0x9800, s21  }
0x10: {  	s12 =	sadd.s32 s12, s5;
	s14 =	sadd.s32 s5, s14;
	s25 =	sadd.s32 s5, s15  }
0x11: {  	s26 =	sadd.s32 s5, s17;
	s5 =	sadd.s32 s5, s18;
	s21 =	simm.s32 $0x9800  }
0x12: {  	s11 =	sadd.s32 s11, s16;
	s22 =	sshrl.u32 s12, $0x3;
	s23 =	sshrl.u32 s14, $0x3  }
0x13: {  	s3 =	sadd.s32 s3, s16;
	s5 =	sshrl.u32 s5, $0x3;
	s20 =	smax.u32 s13, $0x1  }
0x14: {  	s13 =	simm.s32 $0x4;
	s12 =	simm.s32 $0x8;
	[dreg:$0x7] =	wrdreg s11  }
0x15: {  	s14 =	simm.s32 $0x0;
	[dreg:$0x8] =	wrdreg s3;
	s16 =	sadd.s32 s0, s22  }
.Ltmp0:
0x16: {  	s24 =	sadd.s32 s0, s23;
	s3 =	sshrl.u32 s25, $0x3;
	(pc) =	sbr.rel .LBB2_1-.Ltmp0, $4  }
0x17: {  	s11 =	sshrl.u32 s26, $0x3;
	s19 =	sadd.s32 s0, s5;
	s22 =	simm.s32 $0x9  }
0x18: {  	s25 =	simm.s32 $0xB800;
	s26 =	simm.s32 $0x5;
	[dreg:$0x9] =	wrdreg s24  }
0x19: {  	s23 =	sadd.s32 s0, s3;
	s18 =	sadd.s32 s0, s11;
	s24 =	simm.s32 $0x80  }
0x1a: {  	s0 =	simm.s32 $0x2;
	s11 =	simm.s32 $0x3;
	s3 =	simm.s32 $0x7  }
.LBB2_5:
0x1b: {  	s5 =	rddreg [dreg:$0x7]  }
0x1c: {  	[tilespmem:s2], [sflag:$0x9] =	stream.linear.gather [hbm4b:s5+s2], $0x400, $0x38;
	[tilespmem:$0x1B800] =	vst v63  }
0x1d: {  	_ =	swait.ge [sflag:s22], $0x400  }
0x1e: {  	[sflag:s22] =	ssyncset.done $0x0  }
0x1f: {  	s17 =	simm.s32 $0x4C00;
	s15 =	rddreg [dreg:$0x8];
	[sflag:s22] =	ssyncadd.s32 $0xFFFFFC00  }
0x20: {  	[tilespmem:s17], [sflag:$0x9] =	stream.linear.gather [hbm4b:s15+s2], $0x400, $0x38;
	[tilespmem:$0x1B800] =	vst v63  }
0x21: {  	_ =	swait.ge [sflag:s22], $0x400  }
0x22: {  	[sflag:s22] =	ssyncset.done $0x0  }
0x23: {  	[sflag:s22] =	ssyncadd.s32 $0xFFFFFC00  }
0x24: {  	[tilespmem:s21], [sflag:$0x1] =	stream.indirect.gather [hbm4b:s4+s24], $0x40, s2, s24, $0xb8;
	[tilespmem:$0x1B800] =	vst v63  }
0x25: {  	_ = 	snop  }
0x26: {  	[tilespmem:s25], [sflag:$0x2] =	stream.indirect.gather [hbm4b:s4+s24], $0x40, s24, s24, $0xb8;
	[tilespmem:$0x1B800] =	vst v63  }
0x27: {  	s15 =	simm.s32 $0x100  }
0x28: {  	[tilespmem:s28], [sflag:$0x3] =	stream.indirect.gather [hbm4b:s4+s24], $0x40, s15, s24, $0xb8;
	[tilespmem:$0x1B800] =	vst v63  }
0x29: {  	s15 =	simm.s32 $0x180  }
0x2a: {  	[tilespmem:s30], [sflag:$0x4] =	stream.indirect.gather [hbm4b:s4+s24], $0x40, s15, s24, $0xb8;
	[tilespmem:$0x1B800] =	vst v63  }
0x2b: {  	_ =	swait.ge [sflag:s31], $0x2000  }
0x2c: {  	[sflag:s31] =	ssyncset.done $0x0  }
0x2d: {  	[sflag:s31] =	ssyncadd.s32 $0xFFFFE000  }
0x2e: {  	[spmem:s1] =	stream.indirect.scatter.add.f32 [tilespmem:s21], [sflag:$0x5], $0x40, s17, s24, $0xb8;
	[tilespmem:$0x1B800] =	vst v63  }
0x2f: {  	_ =	swait.ge [sflag:s0], $0x2000  }
0x30: {  	[sflag:s0] =	ssyncset.done $0x0  }
0x31: {  	s17 =	simm.s32 $0x4C80;
	[sflag:s0] =	ssyncadd.s32 $0xFFFFE000  }
0x32: {  	[spmem:s1] =	stream.indirect.scatter.add.f32 [tilespmem:s25], [sflag:$0x6], $0x40, s17, s24, $0xb8;
	[tilespmem:$0x1B800] =	vst v63  }
0x33: {  	_ =	swait.ge [sflag:s11], $0x2000  }
0x34: {  	[sflag:s11] =	ssyncset.done $0x0  }
0x35: {  	s15 =	simm.s32 $0x4D00;
	[sflag:s11] =	ssyncadd.s32 $0xFFFFE000  }
0x36: {  	[spmem:s1] =	stream.indirect.scatter.add.f32 [tilespmem:s28], [sflag:$0x7], $0x40, s15, s24, $0xb8;
	[tilespmem:$0x1B800] =	vst v63  }
0x37: {  	_ =	swait.ge [sflag:s13], $0x2000  }
0x38: {  	[sflag:s13] =	ssyncset.done $0x0  }
0x39: {  	s17 =	simm.s32 $0x4D80;
	[sflag:s13] =	ssyncadd.s32 $0xFFFFE000  }
0x3a: {  	[spmem:s1] =	stream.indirect.scatter.add.f32 [tilespmem:s30], [sflag:$0x8], $0x40, s17, s24, $0xb8;
	[tilespmem:$0x1B800] =	vst v63  }
0x3b: {  	_ =	swait.ge [sflag:s26], $0x2000  }
0x3c: {  	[sflag:s26] =	ssyncset.done $0x0  }
0x3d: {  	s15 =	simm.s32 $0x200;
	[sflag:s26] =	ssyncadd.s32 $0xFFFFE000  }
0x3e: {  	[tilespmem:s21], [sflag:$0x1] =	stream.indirect.gather [hbm4b:s4+s24], $0x40, s15, s24, $0xb8;
	[tilespmem:$0x1B800] =	vst v63  }
0x3f: {  	_ =	swait.ge [sflag:s29], $0x2000  }
0x40: {  	[sflag:s29] =	ssyncset.done $0x0  }
0x41: {  	s17 =	simm.s32 $0x280;
	[sflag:s29] =	ssyncadd.s32 $0xFFFFE000  }
0x42: {  	[tilespmem:s25], [sflag:$0x2] =	stream.indirect.gather [hbm4b:s4+s24], $0x40, s17, s24, $0xb8;
	[tilespmem:$0x1B800] =	vst v63  }
0x43: {  	_ =	swait.ge [sflag:s3], $0x2000  }
0x44: {  	[sflag:s3] =	ssyncset.done $0x0  }
0x45: {  	s15 =	simm.s32 $0x300;
	[sflag:s3] =	ssyncadd.s32 $0xFFFFE000  }
0x46: {  	[tilespmem:s28], [sflag:$0x3] =	stream.indirect.gather [hbm4b:s4+s24], $0x40, s15, s24, $0xb8;
	[tilespmem:$0x1B800] =	vst v63  }
0x47: {  	_ =	swait.ge [sflag:s12], $0x2000  }
0x48: {  	[sflag:s12] =	ssyncset.done $0x0  }
0x49: {  	s17 =	simm.s32 $0x380;
	[sflag:s12] =	ssyncadd.s32 $0xFFFFE000  }
0x4a: {  	[tilespmem:s30], [sflag:$0x4] =	stream.indirect.gather [hbm4b:s4+s24], $0x40, s17, s24, $0xb8;
	[tilespmem:$0x1B800] =	vst v63  }
0x4b: {  	_ =	swait.ge [sflag:s31], $0x2000  }
0x4c: {  	[sflag:s31] =	ssyncset.done $0x0  }
0x4d: {  	s15 =	simm.s32 $0x4E00;
	[sflag:s31] =	ssyncadd.s32 $0xFFFFE000  }
0x4e: {  	[spmem:s1] =	stream.indirect.scatter.add.f32 [tilespmem:s21], [sflag:$0x5], $0x40, s15, s24, $0xb8;
	[tilespmem:$0x1B800] =	vst v63  }
0x4f: {  	_ =	swait.ge [sflag:s0], $0x2000  }
0x50: {  	[sflag:s0] =	ssyncset.done $0x0  }
0x51: {  	s17 =	simm.s32 $0x4E80;
	[sflag:s0] =	ssyncadd.s32 $0xFFFFE000  }
0x52: {  	[spmem:s1] =	stream.indirect.scatter.add.f32 [tilespmem:s25], [sflag:$0x6], $0x40, s17, s24, $0xb8;
	[tilespmem:$0x1B800] =	vst v63  }
0x53: {  	_ =	swait.ge [sflag:s11], $0x2000  }
0x54: {  	[sflag:s11] =	ssyncset.done $0x0  }
0x55: {  	s15 =	simm.s32 $0x4F00;
	[sflag:s11] =	ssyncadd.s32 $0xFFFFE000  }
0x56: {  	[spmem:s1] =	stream.indirect.scatter.add.f32 [tilespmem:s28], [sflag:$0x7], $0x40, s15, s24, $0xb8;
	[tilespmem:$0x1B800] =	vst v63  }
0x57: {  	_ =	swait.ge [sflag:s13], $0x2000  }
0x58: {  	[sflag:s13] =	ssyncset.done $0x0  }
0x59: {  	s17 =	simm.s32 $0x4F80;
	[sflag:s13] =	ssyncadd.s32 $0xFFFFE000  }
0x5a: {  	[spmem:s1] =	stream.indirect.scatter.add.f32 [tilespmem:s30], [sflag:$0x8], $0x40, s17, s24, $0xb8;
	[tilespmem:$0x1B800] =	vst v63  }
.LBB2_6:
0x5b: {  	_ =	swait.ge [sflag:s26], $0x2000  }
0x5c: {  	[sflag:s26] =	ssyncset.done $0x0  }
0x5d: {  	[sflag:s26] =	ssyncadd.s32 $0xFFFFE000  }
0x5e: {  	_ =	swait.ge [sflag:s29], $0x2000  }
0x5f: {  	[sflag:s29] =	ssyncset.done $0x0  }
0x60: {  	[sflag:s29] =	ssyncadd.s32 $0xFFFFE000  }
0x61: {  	_ =	swait.ge [sflag:s3], $0x2000  }
0x62: {  	[sflag:s3] =	ssyncset.done $0x0  }
0x63: {  	[sflag:s3] =	ssyncadd.s32 $0xFFFFE000  }
0x64: {  	_ =	swait.ge [sflag:s12], $0x2000  }
0x65: {  	[sflag:s12] =	ssyncset.done $0x0  }
0x66: {  	[sflag:s12] =	ssyncadd.s32 $0xFFFFE000  }
0x67: {  	[bflag:$0x0] =	sbarrier.arrive $0xFFFF  }
0x68: {  	[tilespmem:s21], [sflag:$0x9] =	stream.linear.gather [spmem:s6], $0x2000, $0x38;
	[tilespmem:$0x1B800] =	vst v63  }
0x69: {  	_ =	swait.ge [sflag:s22], $0x2000  }
0x6a: {  	[sflag:s22] =	ssyncset.done $0x0  }
0x6b: {  	[sflag:s22] =	ssyncadd.s32 $0xFFFFE000  }
0x6c: {  	[hbm4b:s16+s2] =	stream.linear.scatter [tilespmem:s21], [sflag:$0x9], $0x2000, $0x38;
	[tilespmem:$0x1B800] =	vst v63  }
0x6d: {  	_ =	swait.ge [sflag:s22], $0x2000  }
0x6e: {  	[sflag:s22] =	ssyncset.done $0x0  }
0x6f: {  	[sflag:s22] =	ssyncadd.s32 $0xFFFFE000  }
0x70: {  	[tilespmem:s25], [sflag:$0x9] =	stream.linear.gather [spmem:s7], $0x2000, $0x38;
	[tilespmem:$0x1B800] =	vst v63  }
0x71: {  	_ =	swait.ge [sflag:s22], $0x2000  }
0x72: {  	[sflag:s22] =	ssyncset.done $0x0  }
0x73: {  	s5 =	rddreg [dreg:$0x9];
	[sflag:s22] =	ssyncadd.s32 $0xFFFFE000  }
0x74: {  	[hbm4b:s5+s2] =	stream.linear.scatter [tilespmem:s25], [sflag:$0x9], $0x2000, $0x38;
	[tilespmem:$0x1B800] =	vst v63  }
0x75: {  	_ =	swait.ge [sflag:s22], $0x2000  }
0x76: {  	[sflag:s22] =	ssyncset.done $0x0  }
0x77: {  	[sflag:s22] =	ssyncadd.s32 $0xFFFFE000  }
0x78: {  	[tilespmem:s28], [sflag:$0x9] =	stream.linear.gather [spmem:s8], $0x2000, $0x38;
	[tilespmem:$0x1B800] =	vst v63  }
0x79: {  	_ =	swait.ge [sflag:s22], $0x2000  }
0x7a: {  	[sflag:s22] =	ssyncset.done $0x0  }
0x7b: {  	[sflag:s22] =	ssyncadd.s32 $0xFFFFE000  }
0x7c: {  	[hbm4b:s23+s2] =	stream.linear.scatter [tilespmem:s28], [sflag:$0x9], $0x2000, $0x38;
	[tilespmem:$0x1B800] =	vst v63  }
0x7d: {  	_ =	swait.ge [sflag:s22], $0x2000  }
0x7e: {  	[sflag:s22] =	ssyncset.done $0x0  }
0x7f: {  	[sflag:s22] =	ssyncadd.s32 $0xFFFFE000  }
0x80: {  	[tilespmem:s30], [sflag:$0x9] =	stream.linear.gather [spmem:s9], $0x2000, $0x38;
	[tilespmem:$0x1B800] =	vst v63  }
0x81: {  	_ =	swait.ge [sflag:s22], $0x2000  }
0x82: {  	[sflag:s22] =	ssyncset.done $0x0  }
0x83: {  	[sflag:s22] =	ssyncadd.s32 $0xFFFFE000  }
0x84: {  	[hbm4b:s18+s2] =	stream.linear.scatter [tilespmem:s30], [sflag:$0x9], $0x2000, $0x38;
	[tilespmem:$0x1B800] =	vst v63  }
0x85: {  	_ =	swait.ge [sflag:s22], $0x2000  }
0x86: {  	[sflag:s22] =	ssyncset.done $0x0  }
0x87: {  	[sflag:s22] =	ssyncadd.s32 $0xFFFFE000  }
0x88: {  	[tilespmem:s21], [sflag:$0x9] =	stream.linear.gather [spmem:s10], $0x2000, $0x38;
	[tilespmem:$0x1B800] =	vst v63  }
0x89: {  	s14 =	sadd.s32 $0x1, s14;
	_ =	swait.ge [sflag:s22], $0x2000  }
0x8a: {  	p1 =	sne.s32 s14, s20;
	[sflag:s22] =	ssyncset.done $0x0  }
.Ltmp1:
0x8b: {  	[sflag:s22] =	ssyncadd.s32 $0xFFFFE000;
	(pc) =	sbr.rel @!p1 .LBB2_7-.Ltmp1, $4  }
0x8c: {  	[hbm4b:s19+s2] =	stream.linear.scatter [tilespmem:s21], [sflag:$0x9], $0x2000, $0x38;
	[tilespmem:$0x1B800] =	vst v63  }
0x8d: {  	_ =	swait.ge [sflag:s22], $0x2000  }
0x8e: {  	[sflag:s22] =	ssyncset.done $0x0  }
0x8f: {  	[sflag:s22] =	ssyncadd.s32 $0xFFFFE000  }
.LBB2_1:
0x90: {  	s5 =	rddreg [dreg:$0x4]  }
0x91: {  	[tilespmem:s21], [sflag:$0x9] =	stream.linear.gather [hbm4b:s5+s2], $0x2000, $0x38;
	[tilespmem:$0x1B800] =	vst v63  }
0x92: {  	_ =	swait.ge [sflag:s22], $0x2000  }
0x93: {  	[sflag:s22] =	ssyncset.done $0x0  }
0x94: {  	[sflag:s22] =	ssyncadd.s32 $0xFFFFE000  }
0x95: {  	[spmem:s6] =	stream.linear.scatter [tilespmem:s21], [sflag:$0x9], $0x2000, $0x38;
	[tilespmem:$0x1B800] =	vst v63  }
0x96: {  	_ =	swait.ge [sflag:s22], $0x2000  }
0x97: {  	[sflag:s22] =	ssyncset.done $0x0  }
0x98: {  	[sflag:s22] =	ssyncadd.s32 $0xFFFFE000  }
0x99: {  	[spmem:s7] =	stream.linear.scatter [tilespmem:s21], [sflag:$0x9], $0x2000, $0x38;
	[tilespmem:$0x1B800] =	vst v63  }
0x9a: {  	_ =	swait.ge [sflag:s22], $0x2000  }
0x9b: {  	[sflag:s22] =	ssyncset.done $0x0  }
0x9c: {  	[sflag:s22] =	ssyncadd.s32 $0xFFFFE000  }
0x9d: {  	[spmem:s8] =	stream.linear.scatter [tilespmem:s21], [sflag:$0x9], $0x2000, $0x38;
	[tilespmem:$0x1B800] =	vst v63  }
0x9e: {  	_ =	swait.ge [sflag:s22], $0x2000  }
0x9f: {  	[sflag:s22] =	ssyncset.done $0x0  }
0xa0: {  	[sflag:s22] =	ssyncadd.s32 $0xFFFFE000  }
0xa1: {  	[spmem:s9] =	stream.linear.scatter [tilespmem:s21], [sflag:$0x9], $0x2000, $0x38;
	[tilespmem:$0x1B800] =	vst v63  }
0xa2: {  	_ =	swait.ge [sflag:s22], $0x2000  }
0xa3: {  	[sflag:s22] =	ssyncset.done $0x0  }
.Ltmp2:
0xa4: {  	[sflag:s22] =	ssyncadd.s32 $0xFFFFE000;
	(pc) =	sbr.rel @p0 .LBB2_5-.Ltmp2, $4  }
0xa5: {  	[spmem:s10] =	stream.linear.scatter [tilespmem:s21], [sflag:$0x9], $0x2000, $0x38;
	[tilespmem:$0x1B800] =	vst v63  }
0xa6: {  	_ =	swait.ge [sflag:s22], $0x2000  }
0xa7: {  	[sflag:s22] =	ssyncset.done $0x0  }
0xa8: {  	[sflag:s22] =	ssyncadd.s32 $0xFFFFE000  }
0xa9: {  	s5 =	simm.s32 $0x0;
	s15 =	rddreg [dreg:$0x5]  }
0xaa: {  	[tilespmem:s5], [sflag:$0x9] =	stream.linear.gather [hbm4b:s15+s5], $0x4C00, $0x38;
	[tilespmem:$0x1B800] =	vst v63  }
0xab: {  	_ =	swait.ge [sflag:s22], $0x4C00  }
0xac: {  	s17 =	smov.u32 s16;
	[sflag:s22] =	ssyncset.done $0x0  }
0xad: {  	s16 =	simm.s32 $0x4C00;
	s15 =	rddreg [dreg:$0x6];
	[sflag:s22] =	ssyncadd.s32 $0xFFFFB400  }
0xae: {  	[tilespmem:s16], [sflag:$0x9] =	stream.linear.gather [hbm4b:s15+s5], $0x4C00, $0x38;
	[tilespmem:$0x1B800] =	vst v63  }
0xaf: {  	_ =	swait.ge [sflag:s22], $0x4C00  }
0xb0: {  	[sflag:s22] =	ssyncset.done $0x0  }
0xb1: {  	[sflag:s22] =	ssyncadd.s32 $0xFFFFB400  }
0xb2: {  	[tilespmem:s21], [sflag:$0x1] =	stream.indirect.gather [hbm4b:s4+s24], $0x40, s5, s24, $0xb8;
	[tilespmem:$0x1B800] =	vst v63  }
0xb3: {  	_ = 	snop  }
0xb4: {  	[tilespmem:s25], [sflag:$0x2] =	stream.indirect.gather [hbm4b:s4+s24], $0x40, s24, s24, $0xb8;
	[tilespmem:$0x1B800] =	vst v63  }
0xb5: {  	s15 =	simm.s32 $0x100  }
0xb6: {  	[tilespmem:s28], [sflag:$0x3] =	stream.indirect.gather [hbm4b:s4+s24], $0x40, s15, s24, $0xb8;
	[tilespmem:$0x1B800] =	vst v63  }
0xb7: {  	s15 =	simm.s32 $0x180  }
0xb8: {  	[tilespmem:s30], [sflag:$0x4] =	stream.indirect.gather [hbm4b:s4+s24], $0x40, s15, s24, $0xb8;
	[tilespmem:$0x1B800] =	vst v63  }
0xb9: {  	_ =	swait.ge [sflag:s31], $0x2000  }
0xba: {  	[sflag:s31] =	ssyncset.done $0x0  }
0xbb: {  	[sflag:s31] =	ssyncadd.s32 $0xFFFFE000  }
0xbc: {  	[spmem:s1] =	stream.indirect.scatter.add.f32 [tilespmem:s21], [sflag:$0x5], $0x40, s16, s24, $0xb8;
	[tilespmem:$0x1B800] =	vst v63  }
0xbd: {  	_ =	swait.ge [sflag:s0], $0x2000  }
0xbe: {  	[sflag:s0] =	ssyncset.done $0x0  }
0xbf: {  	s15 =	simm.s32 $0x4C80;
	[sflag:s0] =	ssyncadd.s32 $0xFFFFE000  }
0xc0: {  	[spmem:s1] =	stream.indirect.scatter.add.f32 [tilespmem:s25], [sflag:$0x6], $0x40, s15, s24, $0xb8;
	[tilespmem:$0x1B800] =	vst v63  }
0xc1: {  	_ =	swait.ge [sflag:s11], $0x2000  }
0xc2: {  	[sflag:s11] =	ssyncset.done $0x0  }
0xc3: {  	s16 =	simm.s32 $0x4D00;
	[sflag:s11] =	ssyncadd.s32 $0xFFFFE000  }
0xc4: {  	[spmem:s1] =	stream.indirect.scatter.add.f32 [tilespmem:s28], [sflag:$0x7], $0x40, s16, s24, $0xb8;
	[tilespmem:$0x1B800] =	vst v63  }
0xc5: {  	_ =	swait.ge [sflag:s13], $0x2000  }
0xc6: {  	[sflag:s13] =	ssyncset.done $0x0  }
0xc7: {  	s15 =	simm.s32 $0x4D80;
	[sflag:s13] =	ssyncadd.s32 $0xFFFFE000  }
0xc8: {  	[spmem:s1] =	stream.indirect.scatter.add.f32 [tilespmem:s30], [sflag:$0x8], $0x40, s15, s24, $0xb8;
	[tilespmem:$0x1B800] =	vst v63  }
0xc9: {  	_ =	swait.ge [sflag:s26], $0x2000  }
0xca: {  	[sflag:s26] =	ssyncset.done $0x0  }
0xcb: {  	s16 =	simm.s32 $0x200;
	[sflag:s26] =	ssyncadd.s32 $0xFFFFE000  }
0xcc: {  	[tilespmem:s21], [sflag:$0x1] =	stream.indirect.gather [hbm4b:s4+s24], $0x40, s16, s24, $0xb8;
	[tilespmem:$0x1B800] =	vst v63  }
0xcd: {  	_ =	swait.ge [sflag:s29], $0x2000  }
0xce: {  	[sflag:s29] =	ssyncset.done $0x0  }
0xcf: {  	s15 =	simm.s32 $0x280;
	[sflag:s29] =	ssyncadd.s32 $0xFFFFE000  }
0xd0: {  	[tilespmem:s25], [sflag:$0x2] =	stream.indirect.gather [hbm4b:s4+s24], $0x40, s15, s24, $0xb8;
	[tilespmem:$0x1B800] =	vst v63  }
0xd1: {  	_ =	swait.ge [sflag:s3], $0x2000  }
0xd2: {  	[sflag:s3] =	ssyncset.done $0x0  }
0xd3: {  	s16 =	simm.s32 $0x300;
	[sflag:s3] =	ssyncadd.s32 $0xFFFFE000  }
0xd4: {  	[tilespmem:s28], [sflag:$0x3] =	stream.indirect.gather [hbm4b:s4+s24], $0x40, s16, s24, $0xb8;
	[tilespmem:$0x1B800] =	vst v63  }
0xd5: {  	_ =	swait.ge [sflag:s12], $0x2000  }
0xd6: {  	[sflag:s12] =	ssyncset.done $0x0  }
0xd7: {  	s15 =	simm.s32 $0x380;
	[sflag:s12] =	ssyncadd.s32 $0xFFFFE000  }
0xd8: {  	[tilespmem:s30], [sflag:$0x4] =	stream.indirect.gather [hbm4b:s4+s24], $0x40, s15, s24, $0xb8;
	[tilespmem:$0x1B800] =	vst v63  }
0xd9: {  	_ =	swait.ge [sflag:s31], $0x2000  }
0xda: {  	[sflag:s31] =	ssyncset.done $0x0  }
0xdb: {  	s16 =	simm.s32 $0x4E00;
	[sflag:s31] =	ssyncadd.s32 $0xFFFFE000  }
0xdc: {  	[spmem:s1] =	stream.indirect.scatter.add.f32 [tilespmem:s21], [sflag:$0x5], $0x40, s16, s24, $0xb8;
	[tilespmem:$0x1B800] =	vst v63  }
0xdd: {  	_ =	swait.ge [sflag:s0], $0x2000  }
0xde: {  	[sflag:s0] =	ssyncset.done $0x0  }
0xdf: {  	s15 =	simm.s32 $0x4E80;
	[sflag:s0] =	ssyncadd.s32 $0xFFFFE000  }
0xe0: {  	[spmem:s1] =	stream.indirect.scatter.add.f32 [tilespmem:s25], [sflag:$0x6], $0x40, s15, s24, $0xb8;
	[tilespmem:$0x1B800] =	vst v63  }
0xe1: {  	_ =	swait.ge [sflag:s11], $0x2000  }
0xe2: {  	[sflag:s11] =	ssyncset.done $0x0  }
0xe3: {  	s16 =	simm.s32 $0x4F00;
	[sflag:s11] =	ssyncadd.s32 $0xFFFFE000  }
0xe4: {  	[spmem:s1] =	stream.indirect.scatter.add.f32 [tilespmem:s28], [sflag:$0x7], $0x40, s16, s24, $0xb8;
	[tilespmem:$0x1B800] =	vst v63  }
0xe5: {  	_ =	swait.ge [sflag:s13], $0x2000  }
0xe6: {  	[sflag:s13] =	ssyncset.done $0x0  }
0xe7: {  	s5 =	simm.s32 $0x800;
	s15 =	simm.s32 $0x4F80;
	[sflag:s13] =	ssyncadd.s32 $0xFFFFE000  }
.LBB2_3:
0xe8: {  	[spmem:s1] =	stream.indirect.scatter.add.f32 [tilespmem:s30], [sflag:$0x8], $0x40, s15, s24, $0xb8;
	[tilespmem:$0x1B800] =	vst v63  }
0xe9: {  	s15 =	smov.u32 s5  }
0xea: {  	p1 =	seq.s32 s5, $0x12000;
	s5 =	sadd.s32 $0x800, s5;
	_ =	swait.ge [sflag:s26], $0x2000  }
0xeb: {  	s15 =	sshra.s32 s15, $0x2;
	[sflag:s26] =	ssyncset.done $0x0  }
0xec: {  	s16 =	sadd.s32 $0x200, s15;
	[sflag:s26] =	ssyncadd.s32 $0xFFFFE000  }
0xed: {  	[tilespmem:s21], [sflag:$0x1] =	stream.indirect.gather [hbm4b:s4+s24], $0x40, s16, s24, $0xb8;
	[tilespmem:$0x1B800] =	vst v63  }
0xee: {  	_ =	swait.ge [sflag:s29], $0x2000  }
0xef: {  	[sflag:s29] =	ssyncset.done $0x0  }
0xf0: {  	s16 =	sadd.s32 $0x280, s15;
	[sflag:s29] =	ssyncadd.s32 $0xFFFFE000  }
0xf1: {  	[tilespmem:s25], [sflag:$0x2] =	stream.indirect.gather [hbm4b:s4+s24], $0x40, s16, s24, $0xb8;
	[tilespmem:$0x1B800] =	vst v63  }
0xf2: {  	_ =	swait.ge [sflag:s3], $0x2000  }
0xf3: {  	[sflag:s3] =	ssyncset.done $0x0  }
0xf4: {  	s16 =	sadd.s32 $0x300, s15;
	[sflag:s3] =	ssyncadd.s32 $0xFFFFE000  }
0xf5: {  	[tilespmem:s28], [sflag:$0x3] =	stream.indirect.gather [hbm4b:s4+s24], $0x40, s16, s24, $0xb8;
	[tilespmem:$0x1B800] =	vst v63  }
0xf6: {  	_ =	swait.ge [sflag:s12], $0x2000  }
0xf7: {  	[sflag:s12] =	ssyncset.done $0x0  }
0xf8: {  	s16 =	sadd.s32 $0x380, s15;
	[sflag:s12] =	ssyncadd.s32 $0xFFFFE000  }
0xf9: {  	[tilespmem:s30], [sflag:$0x4] =	stream.indirect.gather [hbm4b:s4+s24], $0x40, s16, s24, $0xb8;
	[tilespmem:$0x1B800] =	vst v63  }
0xfa: {  	_ =	swait.ge [sflag:s31], $0x2000  }
0xfb: {  	[sflag:s31] =	ssyncset.done $0x0  }
0xfc: {  	s16 =	sadd.s32 $0x4E00, s15;
	[sflag:s31] =	ssyncadd.s32 $0xFFFFE000  }
0xfd: {  	[spmem:s1] =	stream.indirect.scatter.add.f32 [tilespmem:s21], [sflag:$0x5], $0x40, s16, s24, $0xb8;
	[tilespmem:$0x1B800] =	vst v63  }
0xfe: {  	_ =	swait.ge [sflag:s0], $0x2000  }
0xff: {  	[sflag:s0] =	ssyncset.done $0x0  }
0x100: {  	s16 =	sadd.s32 $0x4E80, s15;
	[sflag:s0] =	ssyncadd.s32 $0xFFFFE000  }
0x101: {  	[spmem:s1] =	stream.indirect.scatter.add.f32 [tilespmem:s25], [sflag:$0x6], $0x40, s16, s24, $0xb8;
	[tilespmem:$0x1B800] =	vst v63  }
0x102: {  	_ =	swait.ge [sflag:s11], $0x2000  }
0x103: {  	[sflag:s11] =	ssyncset.done $0x0  }
.Ltmp3:
0x104: {  	s16 =	sadd.s32 $0x4F00, s15;
	[sflag:s11] =	ssyncadd.s32 $0xFFFFE000;
	(pc) =	sbr.rel @!p1 .LBB2_3-.Ltmp3, $4  }
0x105: {  	[spmem:s1] =	stream.indirect.scatter.add.f32 [tilespmem:s28], [sflag:$0x7], $0x40, s16, s24, $0xb8;
	[tilespmem:$0x1B800] =	vst v63  }
0x106: {  	_ =	swait.ge [sflag:s13], $0x2000  }
0x107: {  	[sflag:s13] =	ssyncset.done $0x0  }
0x108: {  	s15 =	sadd.s32 $0x4F80, s15;
	[sflag:s13] =	ssyncadd.s32 $0xFFFFE000  }
.Ltmp4:
0x109: {  	(pc) =	sbr.rel .LBB2_6-.Ltmp4, $3  }
0x10a: {  	_ =	sdelay $0x1  }
0x10b: {  	[spmem:s1] =	stream.indirect.scatter.add.f32 [tilespmem:s30], [sflag:$0x8], $0x40, s15, s24, $0xb8;
	[tilespmem:$0x1B800] =	vst v63  }
0x10c: {  	s16 =	smov.u32 s17  }
.LBB2_7:
0x10d: {  	_ =	sfence.sel $0x180000  }
0x10e: {  	[bflag:$0x0] =	sbarrier.arrive $0xFFFF  }
0x10f: {  	_ =	strace $0x90000053  }
0x110: {  	s0 =	stileid.u32;
	[bflag:$0x2] =	sbarrier.arrive $0xFFFF  }
0x111: {  	p0 =	sne.s32 s0, $0x0;
	s0 =	rddreg [dreg:$0x3]  }
0x112: {  	s0 =	sadd.s32 @!p0 $0x100000, s0  }
0x113: {  	[sflag:s0] =	ssyncadd.tile.s32 @!p0 $0x1;
	_ =	shalt  }
.Lfunc_end2:
_tile_overlayer_lowered:
.L_overlay_start_2:
0x114: {  	(tag) =	ssettag $0x2  }
0x115: {  	s0 =	rddreg [dreg:$0x0];
	s2 =	stileid.u32  }
0x116: {  	s1 =	rddreg [dreg:$0x1];
	p0 =	sne.s32 s2, $0x0  }
0x117: {  	s3 =	rddreg [dreg:$0x2];
	[bflag:$0x3] =	sbarrier.arrive $0xFFFF;
	s2 =	simm.s32 @!p0 $0x1C09  }
0x118: {  	[timem:s3], [sflag:s2] =	dma.local @!p0 [hbm:s0], s1  }
0x119: {  	s0 =	simm.s32 @!p0 $0x9  }
0x11a: {  	_ =	swait.ge @!p0 [sflag:s0], s1  }
0x11b: {  	s1 =	ssub.s32 @!p0 $0x0, s1;
	[sflag:s0] =	ssyncset.done @!p0 $0x0  }
0x11c: {  	[sflag:s0] =	ssyncadd.s32 @!p0 s1  }
0x11d: {  	[bflag:$0x3] =	sbarrier.arrive $0xFFFF  }
0x11e: {  	_ =	shalt  }

</sc_bundles>
